<compile_context>
chip_gen: v7x
topology: tpu7x:2x2x1
jax: 0.10.2.dev20260603
libtpu: 0.0.44.dev20260713+nightly
codegen_flags: <defaults>
</compile_context>

<pallas_src>
import functools

import jax
import jax.numpy as jnp
from jax import lax
from jax.experimental import pallas as pl
from jax.experimental.pallas import tpu as pltpu
from jax.experimental.pallas import tpu_sc as plsc

N = 10000
D = 128
E = 320000
BN_EPS = 1e-5

NC = 2
NS = 16
NT = NC * NS
K = 128
CHUNKS = 80
GB = 16
NG = CHUNKS // GB
EPT = K * CHUNKS
EPAD = EPT * NT
NPAD = 10112
ROWS_PER_SUB = NPAD // NS
DEGPAD = 10240
DEG_PER_SUB = DEGPAD // NS

_mesh = lambda: plsc.VectorSubcoreMesh(core_axis_name="c", subcore_axis_name="s")



@functools.partial(
    pl.kernel,
    mesh=_mesh(),
    out_type=jax.ShapeDtypeStruct((NC, DEGPAD), jnp.float32),
    scratch_types=[
        pltpu.VMEM((CHUNKS, K), jnp.int32),
        pltpu.VMEM((K,), jnp.float32),
        pltpu.VMEM((DEG_PER_SUB,), jnp.float32),
        pltpu.VMEM_SHARED((DEGPAD,), jnp.float32),
        pltpu.SemaphoreType.DMA,
    ],
)
def _deg_kernel(dst_hbm, out_hbm, didx, ones_v, zeros_v, dacc, sem):
    c = lax.axis_index("c")
    s = lax.axis_index("s")
    w = s * NC + c
    pltpu.sync_copy(dst_hbm.at[w], didx)
    for i in range(K // 16):
        ones_v[pl.ds(i * 16, 16)] = jnp.ones((16,), jnp.float32)
    for i in range(DEG_PER_SUB // 16):
        zeros_v[pl.ds(i * 16, 16)] = jnp.zeros((16,), jnp.float32)
    pltpu.sync_copy(zeros_v, dacc.at[pl.ds(s * DEG_PER_SUB, DEG_PER_SUB)])
    plsc.subcore_barrier()

    def body(j, carry):
        pltpu.async_copy(ones_v, dacc.at[didx.at[j]], sem, add=True)
        return carry

    lax.fori_loop(0, CHUNKS, body, 0)

    def drain(j, carry):
        pltpu.make_async_copy(ones_v, dacc.at[didx.at[j]], sem).wait()
        return carry

    lax.fori_loop(0, CHUNKS, drain, 0)
    plsc.subcore_barrier()
    pltpu.sync_copy(dacc.at[pl.ds(s * DEG_PER_SUB, DEG_PER_SUB)],
                    out_hbm.at[c, pl.ds(s * DEG_PER_SUB, DEG_PER_SUB)])


@functools.partial(
    pl.kernel,
    mesh=_mesh(),
    out_type=jax.ShapeDtypeStruct((NC, NPAD, D), jnp.float32),
    scratch_types=[
        pltpu.VMEM((2, GB, K), jnp.int32),
        pltpu.VMEM((2, GB, K), jnp.int32),
        pltpu.VMEM((2, K, D), jnp.float32),
        pltpu.VMEM_SHARED((NPAD, D), jnp.float32),
        pltpu.SemaphoreType.DMA((2,)),
        pltpu.SemaphoreType.DMA((2,)),
        pltpu.SemaphoreType.DMA((2,)),
    ],
)
def _agg_kernel(hs_hbm, src_hbm, dst_hbm, zeros_hbm, out_hbm,
                sidx, didx, rows, acc, semg, semi, sems):
    c = lax.axis_index("c")
    s = lax.axis_index("s")
    w = s * NC + c
    pltpu.sync_copy(zeros_hbm, acc.at[pl.ds(s * ROWS_PER_SUB, ROWS_PER_SUB)])
    plsc.subcore_barrier()

    pltpu.sync_copy(src_hbm.at[w, pl.ds(0, GB)], sidx.at[0])
    pltpu.sync_copy(dst_hbm.at[w, pl.ds(0, GB)], didx.at[0])
    pltpu.async_copy(hs_hbm.at[sidx.at[0, 0]], rows.at[0], semg.at[0])

    def group(g, carry):
        gb = lax.rem(g, 2)
        ngb = lax.rem(g + 1, 2)

        @pl.when(g + 1 < NG)
        def _():
            pltpu.async_copy(src_hbm.at[w, pl.ds((g + 1) * GB, GB)],
                             sidx.at[ngb], semi.at[0])
            pltpu.async_copy(dst_hbm.at[w, pl.ds((g + 1) * GB, GB)],
                             didx.at[ngb], semi.at[1])

        handles = [None] * GB
        for jj in range(GB):
            b = jj % 2
            nb = (jj + 1) % 2
            if jj >= 1:
                handles[jj - 1].wait()
            if jj < GB - 1:
                pltpu.async_copy(hs_hbm.at[sidx.at[gb, jj + 1]],
                                 rows.at[nb], semg.at[nb])
            else:
                @pl.when(g + 1 < NG)
                def _():
                    pltpu.make_async_copy(
                        src_hbm.at[w, pl.ds((g + 1) * GB, GB)],
                        sidx.at[ngb], semi.at[0]).wait()
                    pltpu.make_async_copy(
                        dst_hbm.at[w, pl.ds((g + 1) * GB, GB)],
                        didx.at[ngb], semi.at[1]).wait()
                    pltpu.async_copy(hs_hbm.at[sidx.at[ngb, 0]],
                                     rows.at[nb], semg.at[nb])
            pltpu.make_async_copy(hs_hbm.at[sidx.at[gb, jj]],
                                  rows.at[b], semg.at[b]).wait()
            handles[jj] = pltpu.async_copy(rows.at[b], acc.at[didx.at[gb, jj]],
                                           sems.at[b], add=True)
        handles[GB - 1].wait()
        return carry

    lax.fori_loop(0, NG, group, 0)
    plsc.subcore_barrier()
    pltpu.sync_copy(acc.at[pl.ds(s * ROWS_PER_SUB, ROWS_PER_SUB)],
                    out_hbm.at[c, pl.ds(s * ROWS_PER_SUB, ROWS_PER_SUB)])



def _tc1a_body(x_ref, w1_ref, h1_ref):
    h1_ref[...] = jnp.dot(x_ref[...], w1_ref[...],
                          preferred_element_type=jnp.float32)


def _tc1b_body(degp_ref, h1_ref, hs1_ref, dinv_ref):
    deg = degp_ref[0, :N, :] + degp_ref[1, :N, :] + 1.0
    dinv = lax.rsqrt(deg)
    hs1_ref[...] = h1_ref[...] * dinv
    dinv_ref[...] = dinv


def _tc2_body(p_ref, hs1_ref, dinv_ref, g_ref, bt_ref, b1_ref, w2_ref, hs2_ref):
    agg = (p_ref[0, :N, :] + p_ref[1, :N, :] + hs1_ref[...]) * dinv_ref[...]
    t = agg + b1_ref[...]
    t = g_ref[...] * t * (1.0 / (1.0 + BN_EPS) ** 0.5) + bt_ref[...]
    scale = 1.0507009873554804934193349852946
    alpha = 1.6732632423543772848170429916717
    t = scale * jnp.where(t > 0, t, alpha * (jnp.exp(t) - 1.0))
    h2 = jnp.dot(t, w2_ref[...], preferred_element_type=jnp.float32)
    hs2_ref[...] = h2 * dinv_ref[...]


def _tc3_body(p_ref, hs2_ref, dinv_ref, b2_ref, out_ref):
    out_ref[...] = ((p_ref[0, :N, :] + p_ref[1, :N, :] + hs2_ref[...])
                    * dinv_ref[...] + b2_ref[...])


_tc1a = pl.pallas_call(
    _tc1a_body,
    out_shape=jax.ShapeDtypeStruct((N, D), jnp.float32),
)

_tc1b = pl.pallas_call(
    _tc1b_body,
    out_shape=[jax.ShapeDtypeStruct((N, D), jnp.float32),
               jax.ShapeDtypeStruct((N, 1), jnp.float32)],
)

_tc2 = pl.pallas_call(
    _tc2_body,
    out_shape=jax.ShapeDtypeStruct((N, D), jnp.float32),
)

_tc3 = pl.pallas_call(
    _tc3_body,
    out_shape=jax.ShapeDtypeStruct((N, D), jnp.float32),
)


def kernel(x, edge_index, W1, b1, gamma1, beta1, W2, b2):
    pad = EPAD - E
    pad_dst = N + (jnp.arange(pad, dtype=jnp.int32) % (NPAD - N))
    pad_src = jnp.arange(pad, dtype=jnp.int32) % N
    src = jnp.concatenate([edge_index[0], pad_src])
    dst = jnp.concatenate([edge_index[1], pad_dst])
    srcp = src.reshape(NT, CHUNKS, K)
    dstp = dst.reshape(NT, CHUNKS, K)
    zeros_rows = jnp.zeros((ROWS_PER_SUB, D), jnp.float32)

    degp = _deg_kernel(dstp)
    degp3 = degp.reshape(NC, DEGPAD, 1)

    h1 = _tc1a(x, W1)
    hs1, dinv = _tc1b(degp3, h1)
    p1 = _agg_kernel(hs1, srcp, dstp, zeros_rows)
    hs2 = _tc2(p1, hs1, dinv, gamma1.reshape(1, D), beta1.reshape(1, D),
               b1.reshape(1, D), W2)
    p2 = _agg_kernel(hs2, srcp, dstp, zeros_rows)
    out = _tc3(p2, hs2, dinv, b2.reshape(1, D))
    return out

# --- scband reference (transcript-rebuilt; emitter-appended) ---
"""Pipeline reference for scband-gcnmodel-56367150792813 (READ-ONLY COPY).

The authoritative reference and input builder live on the scoring server;
editing this copy changes nothing except your own understanding.
"""

import jax, jax.numpy as jnp
import numpy as np

N = 10000
E = 320000
D_IN = 128
D_HID = 128
D_OUT = 128
BN_EPS = 1e-5


def setup_inputs(seed: int = 0) -> dict:
    key = jax.random.key(seed)
    ks = jax.random.split(key, 8)
    x = jax.random.normal(ks[0], (N, D_IN), dtype=jnp.float32)
    edge_index = jax.random.randint(ks[1], (2, E), 0, N, dtype=jnp.int32)
    W1 = jax.random.normal(ks[2], (D_IN, D_HID), dtype=jnp.float32) * (1.0 / np.sqrt(D_IN))
    b1 = jnp.zeros((D_HID,), dtype=jnp.float32)
    gamma1 = jnp.ones((D_HID,), dtype=jnp.float32)
    beta1 = jnp.zeros((D_HID,), dtype=jnp.float32)
    W2 = jax.random.normal(ks[3], (D_HID, D_OUT), dtype=jnp.float32) * (1.0 / np.sqrt(D_HID))
    b2 = jnp.zeros((D_OUT,), dtype=jnp.float32)
    return {"x": x, "edge_index": edge_index, "W1": W1, "b1": b1,
            "gamma1": gamma1, "beta1": beta1, "W2": W2, "b2": b2}


def _gcn_conv(x, W, b, src, dst):
    # GCNConv: x @ W, symmetric deg^-1/2 normalization (self-loops already appended), scatter-add, + bias
    h = x @ W
    deg = jnp.zeros((N,), dtype=jnp.float32).at[dst].add(1.0)
    dinv = jnp.where(deg > 0, jax.lax.rsqrt(jnp.maximum(deg, 1e-12)), 0.0)
    norm = dinv[src] * dinv[dst]
    msg = h[src] * norm[:, None]
    agg = jnp.zeros((N, h.shape[1]), dtype=jnp.float32).at[dst].add(msg)
    return agg + b


def reference(x, edge_index, W1, b1, gamma1, beta1, W2, b2):
    loops = jnp.arange(N, dtype=edge_index.dtype)
    src = jnp.concatenate([edge_index[0], loops])
    dst = jnp.concatenate([edge_index[1], loops])
    # layer 1: conv -> batchnorm (eval mode, running stats mean=0 var=1) -> selu -> dropout (eval: identity)
    h = _gcn_conv(x, W1, b1, src, dst)
    h = gamma1 * h / jnp.sqrt(1.0 + BN_EPS) + beta1
    h = jax.nn.selu(h)
    # layer 2 (output layer: no norm/act)
    out = _gcn_conv(h, W2, b2, src, dst)
    return out

if __name__ == "__main__":
    import jax
    _d = setup_inputs()
    print(jax.jit(kernel)(*tuple(_d.values())))

</pallas_src>

<mosaic_0001>
#map = affine_map<(d0, d1) -> (0, 0)>
#map1 = affine_map<(d0, d1) -> (0, 0, 0)>
module attributes {stable_mosaic.version = 14 : i64} {
  func.func @_agg_kernel(%arg0: i32, %arg1: i32, %arg2: memref<10000x128xf32, #tpu.memory_space<hbm>>, %arg3: memref<32x80x128xi32, #tpu.memory_space<hbm>>, %arg4: memref<32x80x128xi32, #tpu.memory_space<hbm>>, %arg5: memref<632x128xf32, #tpu.memory_space<hbm>>, %arg6: memref<2x10112x128xf32, #tpu.memory_space<hbm>>, %arg7: memref<2x16x128xi32, #tpu.memory_space<vmem>>, %arg8: memref<2x16x128xi32, #tpu.memory_space<vmem>>, %arg9: memref<2x128x128xf32, #tpu.memory_space<vmem>>, %arg10: memref<10112x128xf32, #tpu.memory_space<vmem_shared>>, %arg11: memref<2x!tpu.dma_semaphore, #tpu.memory_space<semaphore_mem>>, %arg12: memref<2x!tpu.dma_semaphore, #tpu.memory_space<semaphore_mem>>, %arg13: memref<2x!tpu.dma_semaphore, #tpu.memory_space<semaphore_mem>>) attributes {dimension_semantics = [#tpu.dimension_semantics<core_parallel>, #tpu.dimension_semantics<subcore_parallel>], iteration_bounds = array<i64: 2, 16>, scalar_prefetch = 0 : i64, scratch_operands = 7 : i64, tpu.core_type = #tpu.core_type<sc_vector_subcore>, window_params = [{transform_indices = #map}, {transform_indices = #map1}, {transform_indices = #map1}, {transform_indices = #map}, {transform_indices = #map1}]} {
    %mul3A = arith.constant 2 : i32
    %mul3A_0 = arith.muli %arg1, %mul3A : i32
    %add3A = arith.addi %mul3A_0, %arg0 : i32
    %mul3A_1 = arith.constant 632 : i32
    %mul3A_2 = arith.muli %arg1, %mul3A_1 : i32
    "tpu.region"() ({
      %run_scoped3A_29 = tpu.sem_alloc : memref<!tpu.dma_semaphore, #tpu.memory_space<semaphore_mem>>
      %dma_start3A_30 = arith.constant 0 : i32
      %dma_start3A_31 = tpu.memref_slice %arg10[%mul3A_2, %dma_start3A_30] : memref<10112x128xf32, #tpu.memory_space<vmem_shared>> -> memref<632x128xf32, #tpu.memory_space<vmem_shared>>
      tpu.enqueue_dma source(%arg5 : memref<632x128xf32, #tpu.memory_space<hbm>>) target(%dma_start3A_31 : memref<632x128xf32, #tpu.memory_space<vmem_shared>>) target_semaphore(%run_scoped3A_29 : memref<!tpu.dma_semaphore, #tpu.memory_space<semaphore_mem>>)
      %dma_wait3A = arith.constant 0 : i32
      %dma_wait3A_32 = tpu.memref_slice %arg10[%mul3A_2, %dma_wait3A] : memref<10112x128xf32, #tpu.memory_space<vmem_shared>> -> memref<632x128xf32, #tpu.memory_space<vmem_shared>>
      tpu.wait_dma2 semaphore(%run_scoped3A_29 : memref<!tpu.dma_semaphore, #tpu.memory_space<semaphore_mem>>) src(%arg5 : memref<632x128xf32, #tpu.memory_space<hbm>>) dst(%dma_wait3A_32 : memref<632x128xf32, #tpu.memory_space<vmem_shared>>)
      tpu.yield
    }) : () -> ()
    %barrier3A = arith.constant 0 : index
    tpu.barrier barrier_id(%barrier3A)
    %run_scoped3A = arith.constant 0 : i32
    "tpu.region"() ({
      %run_scoped3A_29 = tpu.sem_alloc : memref<!tpu.dma_semaphore, #tpu.memory_space<semaphore_mem>>
      %dma_start3A_30 = arith.constant 0 : i32
      %dma_start3A_31 = arith.constant 0 : i32
      %dma_start3A_32 = tpu.memref_slice %arg7[%run_scoped3A, %dma_start3A_30, %dma_start3A_31] : memref<2x16x128xi32, #tpu.memory_space<vmem>> -> memref<1x16x128xi32, #tpu.memory_space<vmem>>
      %dma_start3A_33 = tpu.memref_squeeze %dma_start3A_32 : memref<1x16x128xi32, #tpu.memory_space<vmem>> -> memref<16x128xi32, #tpu.memory_space<vmem>>
      %dma_start3A_34 = arith.constant 0 : i32
      %dma_start3A_35 = arith.constant 0 : i32
      %dma_start3A_36 = tpu.memref_slice %arg3[%add3A, %dma_start3A_34, %dma_start3A_35] : memref<32x80x128xi32, #tpu.memory_space<hbm>> -> memref<1x16x128xi32, #tpu.memory_space<hbm>>
      %dma_start3A_37 = tpu.memref_squeeze %dma_start3A_36 : memref<1x16x128xi32, #tpu.memory_space<hbm>> -> memref<16x128xi32, #tpu.memory_space<hbm>>
      %dma_start3A_38 = arith.constant 0 : i32
      %dma_start3A_39 = arith.constant 0 : i32
      %dma_start3A_40 = tpu.memref_slice %arg7[%run_scoped3A, %dma_start3A_38, %dma_start3A_39] : memref<2x16x128xi32, #tpu.memory_space<vmem>> -> memref<1x16x128xi32, #tpu.memory_space<vmem>>
      %dma_start3A_41 = tpu.memref_squeeze %dma_start3A_40 : memref<1x16x128xi32, #tpu.memory_space<vmem>> -> memref<16x128xi32, #tpu.memory_space<vmem>>
      %dma_start3A_42 = arith.constant 0 : i32
      %dma_start3A_43 = arith.constant 0 : i32
      %dma_start3A_44 = tpu.memref_slice %arg3[%add3A, %dma_start3A_42, %dma_start3A_43] : memref<32x80x128xi32, #tpu.memory_space<hbm>> -> memref<1x16x128xi32, #tpu.memory_space<hbm>>
      %dma_start3A_45 = tpu.memref_squeeze %dma_start3A_44 : memref<1x16x128xi32, #tpu.memory_space<hbm>> -> memref<16x128xi32, #tpu.memory_space<hbm>>
      tpu.enqueue_dma source(%dma_start3A_45 : memref<16x128xi32, #tpu.memory_space<hbm>>) target(%dma_start3A_41 : memref<16x128xi32, #tpu.memory_space<vmem>>) target_semaphore(%run_scoped3A_29 : memref<!tpu.dma_semaphore, #tpu.memory_space<semaphore_mem>>)
      %dma_wait3A = arith.constant 0 : i32
      %dma_wait3A_46 = arith.constant 0 : i32
      %dma_wait3A_47 = tpu.memref_slice %arg7[%run_scoped3A, %dma_wait3A, %dma_wait3A_46] : memref<2x16x128xi32, #tpu.memory_space<vmem>> -> memref<1x16x128xi32, #tpu.memory_space<vmem>>
      %dma_wait3A_48 = tpu.memref_squeeze %dma_wait3A_47 : memref<1x16x128xi32, #tpu.memory_space<vmem>> -> memref<16x128xi32, #tpu.memory_space<vmem>>
      %dma_wait3A_49 = arith.constant 0 : i32
      %dma_wait3A_50 = arith.constant 0 : i32
      %dma_wait3A_51 = tpu.memref_slice %arg3[%add3A, %dma_wait3A_49, %dma_wait3A_50] : memref<32x80x128xi32, #tpu.memory_space<hbm>> -> memref<1x16x128xi32, #tpu.memory_space<hbm>>
      %dma_wait3A_52 = tpu.memref_squeeze %dma_wait3A_51 : memref<1x16x128xi32, #tpu.memory_space<hbm>> -> memref<16x128xi32, #tpu.memory_space<hbm>>
      %dma_wait3A_53 = arith.constant 0 : i32
      %dma_wait3A_54 = arith.constant 0 : i32
      %dma_wait3A_55 = tpu.memref_slice %arg7[%run_scoped3A, %dma_wait3A_53, %dma_wait3A_54] : memref<2x16x128xi32, #tpu.memory_space<vmem>> -> memref<1x16x128xi32, #tpu.memory_space<vmem>>
      %dma_wait3A_56 = tpu.memref_squeeze %dma_wait3A_55 : memref<1x16x128xi32, #tpu.memory_space<vmem>> -> memref<16x128xi32, #tpu.memory_space<vmem>>
      %dma_wait3A_57 = arith.constant 0 : i32
      %dma_wait3A_58 = arith.constant 0 : i32
      %dma_wait3A_59 = tpu.memref_slice %arg3[%add3A, %dma_wait3A_57, %dma_wait3A_58] : memref<32x80x128xi32, #tpu.memory_space<hbm>> -> memref<1x16x128xi32, #tpu.memory_space<hbm>>
      %dma_wait3A_60 = tpu.memref_squeeze %dma_wait3A_59 : memref<1x16x128xi32, #tpu.memory_space<hbm>> -> memref<16x128xi32, #tpu.memory_space<hbm>>
      tpu.wait_dma2 semaphore(%run_scoped3A_29 : memref<!tpu.dma_semaphore, #tpu.memory_space<semaphore_mem>>) src(%dma_wait3A_60 : memref<16x128xi32, #tpu.memory_space<hbm>>) dst(%dma_wait3A_56 : memref<16x128xi32, #tpu.memory_space<vmem>>)
      tpu.yield
    }) : () -> ()
    %run_scoped3A_3 = arith.constant 0 : i32
    "tpu.region"() ({
      %run_scoped3A_29 = tpu.sem_alloc : memref<!tpu.dma_semaphore, #tpu.memory_space<semaphore_mem>>
      %dma_start3A_30 = arith.constant 0 : i32
      %dma_start3A_31 = arith.constant 0 : i32
      %dma_start3A_32 = tpu.memref_slice %arg8[%run_scoped3A_3, %dma_start3A_30, %dma_start3A_31] : memref<2x16x128xi32, #tpu.memory_space<vmem>> -> memref<1x16x128xi32, #tpu.memory_space<vmem>>
      %dma_start3A_33 = tpu.memref_squeeze %dma_start3A_32 : memref<1x16x128xi32, #tpu.memory_space<vmem>> -> memref<16x128xi32, #tpu.memory_space<vmem>>
      %dma_start3A_34 = arith.constant 0 : i32
      %dma_start3A_35 = arith.constant 0 : i32
      %dma_start3A_36 = tpu.memref_slice %arg4[%add3A, %dma_start3A_34, %dma_start3A_35] : memref<32x80x128xi32, #tpu.memory_space<hbm>> -> memref<1x16x128xi32, #tpu.memory_space<hbm>>
      %dma_start3A_37 = tpu.memref_squeeze %dma_start3A_36 : memref<1x16x128xi32, #tpu.memory_space<hbm>> -> memref<16x128xi32, #tpu.memory_space<hbm>>
      %dma_start3A_38 = arith.constant 0 : i32
      %dma_start3A_39 = arith.constant 0 : i32
      %dma_start3A_40 = tpu.memref_slice %arg8[%run_scoped3A_3, %dma_start3A_38, %dma_start3A_39] : memref<2x16x128xi32, #tpu.memory_space<vmem>> -> memref<1x16x128xi32, #tpu.memory_space<vmem>>
      %dma_start3A_41 = tpu.memref_squeeze %dma_start3A_40 : memref<1x16x128xi32, #tpu.memory_space<vmem>> -> memref<16x128xi32, #tpu.memory_space<vmem>>
      %dma_start3A_42 = arith.constant 0 : i32
      %dma_start3A_43 = arith.constant 0 : i32
      %dma_start3A_44 = tpu.memref_slice %arg4[%add3A, %dma_start3A_42, %dma_start3A_43] : memref<32x80x128xi32, #tpu.memory_space<hbm>> -> memref<1x16x128xi32, #tpu.memory_space<hbm>>
      %dma_start3A_45 = tpu.memref_squeeze %dma_start3A_44 : memref<1x16x128xi32, #tpu.memory_space<hbm>> -> memref<16x128xi32, #tpu.memory_space<hbm>>
      tpu.enqueue_dma source(%dma_start3A_45 : memref<16x128xi32, #tpu.memory_space<hbm>>) target(%dma_start3A_41 : memref<16x128xi32, #tpu.memory_space<vmem>>) target_semaphore(%run_scoped3A_29 : memref<!tpu.dma_semaphore, #tpu.memory_space<semaphore_mem>>)
      %dma_wait3A = arith.constant 0 : i32
      %dma_wait3A_46 = arith.constant 0 : i32
      %dma_wait3A_47 = tpu.memref_slice %arg8[%run_scoped3A_3, %dma_wait3A, %dma_wait3A_46] : memref<2x16x128xi32, #tpu.memory_space<vmem>> -> memref<1x16x128xi32, #tpu.memory_space<vmem>>
      %dma_wait3A_48 = tpu.memref_squeeze %dma_wait3A_47 : memref<1x16x128xi32, #tpu.memory_space<vmem>> -> memref<16x128xi32, #tpu.memory_space<vmem>>
      %dma_wait3A_49 = arith.constant 0 : i32
      %dma_wait3A_50 = arith.constant 0 : i32
      %dma_wait3A_51 = tpu.memref_slice %arg4[%add3A, %dma_wait3A_49, %dma_wait3A_50] : memref<32x80x128xi32, #tpu.memory_space<hbm>> -> memref<1x16x128xi32, #tpu.memory_space<hbm>>
      %dma_wait3A_52 = tpu.memref_squeeze %dma_wait3A_51 : memref<1x16x128xi32, #tpu.memory_space<hbm>> -> memref<16x128xi32, #tpu.memory_space<hbm>>
      %dma_wait3A_53 = arith.constant 0 : i32
      %dma_wait3A_54 = arith.constant 0 : i32
      %dma_wait3A_55 = tpu.memref_slice %arg8[%run_scoped3A_3, %dma_wait3A_53, %dma_wait3A_54] : memref<2x16x128xi32, #tpu.memory_space<vmem>> -> memref<1x16x128xi32, #tpu.memory_space<vmem>>
      %dma_wait3A_56 = tpu.memref_squeeze %dma_wait3A_55 : memref<1x16x128xi32, #tpu.memory_space<vmem>> -> memref<16x128xi32, #tpu.memory_space<vmem>>
      %dma_wait3A_57 = arith.constant 0 : i32
      %dma_wait3A_58 = arith.constant 0 : i32
      %dma_wait3A_59 = tpu.memref_slice %arg4[%add3A, %dma_wait3A_57, %dma_wait3A_58] : memref<32x80x128xi32, #tpu.memory_space<hbm>> -> memref<1x16x128xi32, #tpu.memory_space<hbm>>
      %dma_wait3A_60 = tpu.memref_squeeze %dma_wait3A_59 : memref<1x16x128xi32, #tpu.memory_space<hbm>> -> memref<16x128xi32, #tpu.memory_space<hbm>>
      tpu.wait_dma2 semaphore(%run_scoped3A_29 : memref<!tpu.dma_semaphore, #tpu.memory_space<semaphore_mem>>) src(%dma_wait3A_60 : memref<16x128xi32, #tpu.memory_space<hbm>>) dst(%dma_wait3A_56 : memref<16x128xi32, #tpu.memory_space<vmem>>)
      tpu.yield
    }) : () -> ()
    %dma_start3A = arith.constant 0 : i32
    %dma_start3A_4 = arith.constant 0 : i32
    %dma_start3A_5 = arith.constant 0 : i32
    %dma_start3A_6 = arith.constant 0 : i32
    %dma_start3A_7 = arith.constant 0 : i32
    %dma_start3A_8 = arith.constant 0 : i32
    %dma_start3A_9 = tpu.memref_slice %arg9[%dma_start3A_5, %dma_start3A_7, %dma_start3A_8] : memref<2x128x128xf32, #tpu.memory_space<vmem>> -> memref<1x128x128xf32, #tpu.memory_space<vmem>>
    %dma_start3A_10 = tpu.memref_squeeze %dma_start3A_9 : memref<1x128x128xf32, #tpu.memory_space<vmem>> -> memref<128x128xf32, #tpu.memory_space<vmem>>
    %dma_start3A_11 = arith.constant 0 : i32
    %dma_start3A_12 = tpu.memref_slice %arg7[%dma_start3A, %dma_start3A_4, %dma_start3A_11] : memref<2x16x128xi32, #tpu.memory_space<vmem>> -> memref<1x1x128xi32, #tpu.memory_space<vmem>>
    %dma_start3A_13 = tpu.memref_squeeze %dma_start3A_12 : memref<1x1x128xi32, #tpu.memory_space<vmem>> -> memref<128xi32, #tpu.memory_space<vmem>>
    %dma_start3A_14 = arith.constant 0 : i32
    %dma_start3A_15 = arith.constant 0 : i32
    %dma_start3A_16 = tpu.memref_slice %arg2[%dma_start3A_14, %dma_start3A_15] : memref<10000x128xf32, #tpu.memory_space<hbm>> -> memref<10000x128xf32, #tpu.memory_space<hbm>>
    %dma_start3A_17 = tpu.memref_slice %arg11[%dma_start3A_6] : memref<2x!tpu.dma_semaphore, #tpu.memory_space<semaphore_mem>> -> memref<1x!tpu.dma_semaphore, #tpu.memory_space<semaphore_mem>>
    %dma_start3A_18 = tpu.memref_squeeze %dma_start3A_17 : memref<1x!tpu.dma_semaphore, #tpu.memory_space<semaphore_mem>> -> memref<!tpu.dma_semaphore, #tpu.memory_space<semaphore_mem>>
    tpu.enqueue_indirect_dma source(%dma_start3A_16 : memref<10000x128xf32, #tpu.memory_space<hbm>>) target(%dma_start3A_10 : memref<128x128xf32, #tpu.memory_space<vmem>>) offsets(%dma_start3A_13 : memref<128xi32, #tpu.memory_space<vmem>>) semaphore(%dma_start3A_18 : memref<!tpu.dma_semaphore, #tpu.memory_space<semaphore_mem>>)
    %scan3A = arith.constant 0 : i32
    %scan3A_19 = arith.constant 0 : i32
    %scan3A_20 = arith.constant 5 : i32
    %scan3A_21 = arith.addi %scan3A_19, %scan3A_20 : i32
    %scan3A_22 = arith.constant 1 : i32
    scf.for %scan3A_29 = %scan3A_19 to %scan3A_21 step %scan3A_22  : i32 {
      %rem3A = arith.constant 2 : i32
      %rem3A_30 = arith.remsi %scan3A_29, %rem3A : i32
      %add3A_31 = arith.constant 1 : i32
      %add3A_32 = arith.addi %scan3A_29, %add3A_31 : i32
      %rem3A_33 = arith.constant 2 : i32
      %rem3A_34 = arith.remsi %add3A_32, %rem3A_33 : i32
      %add3A_35 = arith.constant 1 : i32
      %add3A_36 = arith.addi %scan3A_29, %add3A_35 : i32
      %lt3A = arith.constant 5 : i32
      %lt3A_37 = arith.cmpi slt, %add3A_36, %lt3A : i32
      %convert_element_type3A = arith.extui %lt3A_37 : i1 to i32
      %cond3A = arith.constant 0 : i32
      %cond3A_38 = arith.cmpi ne, %convert_element_type3A, %cond3A : i32
      scf.if %cond3A_38 {
        %add3A_990 = arith.constant 1 : i32
        %add3A_991 = arith.addi %scan3A_29, %add3A_990 : i32
        %mul3A_992 = arith.constant 16 : i32
        %mul3A_993 = arith.muli %add3A_991, %mul3A_992 : i32
        %dma_start3A_994 = arith.constant 0 : i32
        %dma_start3A_995 = arith.constant 0 : i32
        %dma_start3A_996 = arith.constant 0 : i32
        %dma_start3A_997 = tpu.memref_slice %arg7[%rem3A_34, %dma_start3A_995, %dma_start3A_996] : memref<2x16x128xi32, #tpu.memory_space<vmem>> -> memref<1x16x128xi32, #tpu.memory_space<vmem>>
        %dma_start3A_998 = tpu.memref_squeeze %dma_start3A_997 : memref<1x16x128xi32, #tpu.memory_space<vmem>> -> memref<16x128xi32, #tpu.memory_space<vmem>>
        %dma_start3A_999 = arith.constant 0 : i32
        %dma_start3A_1000 = tpu.memref_slice %arg3[%add3A, %mul3A_993, %dma_start3A_999] : memref<32x80x128xi32, #tpu.memory_space<hbm>> -> memref<1x16x128xi32, #tpu.memory_space<hbm>>
        %dma_start3A_1001 = tpu.memref_squeeze %dma_start3A_1000 : memref<1x16x128xi32, #tpu.memory_space<hbm>> -> memref<16x128xi32, #tpu.memory_space<hbm>>
        %dma_start3A_1002 = tpu.memref_slice %arg12[%dma_start3A_994] : memref<2x!tpu.dma_semaphore, #tpu.memory_space<semaphore_mem>> -> memref<1x!tpu.dma_semaphore, #tpu.memory_space<semaphore_mem>>
        %dma_start3A_1003 = tpu.memref_squeeze %dma_start3A_1002 : memref<1x!tpu.dma_semaphore, #tpu.memory_space<semaphore_mem>> -> memref<!tpu.dma_semaphore, #tpu.memory_space<semaphore_mem>>
        %dma_start3A_1004 = arith.constant 0 : i32
        %dma_start3A_1005 = arith.constant 0 : i32
        %dma_start3A_1006 = tpu.memref_slice %arg7[%rem3A_34, %dma_start3A_1004, %dma_start3A_1005] : memref<2x16x128xi32, #tpu.memory_space<vmem>> -> memref<1x16x128xi32, #tpu.memory_space<vmem>>
        %dma_start3A_1007 = tpu.memref_squeeze %dma_start3A_1006 : memref<1x16x128xi32, #tpu.memory_space<vmem>> -> memref<16x128xi32, #tpu.memory_space<vmem>>
        %dma_start3A_1008 = arith.constant 0 : i32
        %dma_start3A_1009 = tpu.memref_slice %arg3[%add3A, %mul3A_993, %dma_start3A_1008] : memref<32x80x128xi32, #tpu.memory_space<hbm>> -> memref<1x16x128xi32, #tpu.memory_space<hbm>>
        %dma_start3A_1010 = tpu.memref_squeeze %dma_start3A_1009 : memref<1x16x128xi32, #tpu.memory_space<hbm>> -> memref<16x128xi32, #tpu.memory_space<hbm>>
        tpu.enqueue_dma source(%dma_start3A_1010 : memref<16x128xi32, #tpu.memory_space<hbm>>) target(%dma_start3A_1007 : memref<16x128xi32, #tpu.memory_space<vmem>>) target_semaphore(%dma_start3A_1003 : memref<!tpu.dma_semaphore, #tpu.memory_space<semaphore_mem>>)
        %add3A_1011 = arith.constant 1 : i32
        %add3A_1012 = arith.addi %scan3A_29, %add3A_1011 : i32
        %mul3A_1013 = arith.constant 16 : i32
        %mul3A_1014 = arith.muli %add3A_1012, %mul3A_1013 : i32
        %dma_start3A_1015 = arith.constant 1 : i32
        %dma_start3A_1016 = arith.constant 0 : i32
        %dma_start3A_1017 = arith.constant 0 : i32
        %dma_start3A_1018 = tpu.memref_slice %arg8[%rem3A_34, %dma_start3A_1016, %dma_start3A_1017] : memref<2x16x128xi32, #tpu.memory_space<vmem>> -> memref<1x16x128xi32, #tpu.memory_space<vmem>>
        %dma_start3A_1019 = tpu.memref_squeeze %dma_start3A_1018 : memref<1x16x128xi32, #tpu.memory_space<vmem>> -> memref<16x128xi32, #tpu.memory_space<vmem>>
        %dma_start3A_1020 = arith.constant 0 : i32
        %dma_start3A_1021 = tpu.memref_slice %arg4[%add3A, %mul3A_1014, %dma_start3A_1020] : memref<32x80x128xi32, #tpu.memory_space<hbm>> -> memref<1x16x128xi32, #tpu.memory_space<hbm>>
        %dma_start3A_1022 = tpu.memref_squeeze %dma_start3A_1021 : memref<1x16x128xi32, #tpu.memory_space<hbm>> -> memref<16x128xi32, #tpu.memory_space<hbm>>
        %dma_start3A_1023 = tpu.memref_slice %arg12[%dma_start3A_1015] : memref<2x!tpu.dma_semaphore, #tpu.memory_space<semaphore_mem>> -> memref<1x!tpu.dma_semaphore, #tpu.memory_space<semaphore_mem>>
        %dma_start3A_1024 = tpu.memref_squeeze %dma_start3A_1023 : memref<1x!tpu.dma_semaphore, #tpu.memory_space<semaphore_mem>> -> memref<!tpu.dma_semaphore, #tpu.memory_space<semaphore_mem>>
        %dma_start3A_1025 = arith.constant 0 : i32
        %dma_start3A_1026 = arith.constant 0 : i32
        %dma_start3A_1027 = tpu.memref_slice %arg8[%rem3A_34, %dma_start3A_1025, %dma_start3A_1026] : memref<2x16x128xi32, #tpu.memory_space<vmem>> -> memref<1x16x128xi32, #tpu.memory_space<vmem>>
        %dma_start3A_1028 = tpu.memref_squeeze %dma_start3A_1027 : memref<1x16x128xi32, #tpu.memory_space<vmem>> -> memref<16x128xi32, #tpu.memory_space<vmem>>
        %dma_start3A_1029 = arith.constant 0 : i32
        %dma_start3A_1030 = tpu.memref_slice %arg4[%add3A, %mul3A_1014, %dma_start3A_1029] : memref<32x80x128xi32, #tpu.memory_space<hbm>> -> memref<1x16x128xi32, #tpu.memory_space<hbm>>
        %dma_start3A_1031 = tpu.memref_squeeze %dma_start3A_1030 : memref<1x16x128xi32, #tpu.memory_space<hbm>> -> memref<16x128xi32, #tpu.memory_space<hbm>>
        tpu.enqueue_dma source(%dma_start3A_1031 : memref<16x128xi32, #tpu.memory_space<hbm>>) target(%dma_start3A_1028 : memref<16x128xi32, #tpu.memory_space<vmem>>) target_semaphore(%dma_start3A_1024 : memref<!tpu.dma_semaphore, #tpu.memory_space<semaphore_mem>>)
      } else {
      }
      %dma_start3A_39 = arith.constant 1 : i32
      %dma_start3A_40 = arith.constant 1 : i32
      %dma_start3A_41 = arith.constant 1 : i32
      %dma_start3A_42 = arith.constant 0 : i32
      %dma_start3A_43 = arith.constant 0 : i32
      %dma_start3A_44 = tpu.memref_slice %arg9[%dma_start3A_40, %dma_start3A_42, %dma_start3A_43] : memref<2x128x128xf32, #tpu.memory_space<vmem>> -> memref<1x128x128xf32, #tpu.memory_space<vmem>>
      %dma_start3A_45 = tpu.memref_squeeze %dma_start3A_44 : memref<1x128x128xf32, #tpu.memory_space<vmem>> -> memref<128x128xf32, #tpu.memory_space<vmem>>
      %dma_start3A_46 = arith.constant 0 : i32
      %dma_start3A_47 = tpu.memref_slice %arg7[%rem3A_30, %dma_start3A_39, %dma_start3A_46] : memref<2x16x128xi32, #tpu.memory_space<vmem>> -> memref<1x1x128xi32, #tpu.memory_space<vmem>>
      %dma_start3A_48 = tpu.memref_squeeze %dma_start3A_47 : memref<1x1x128xi32, #tpu.memory_space<vmem>> -> memref<128xi32, #tpu.memory_space<vmem>>
      %dma_start3A_49 = arith.constant 0 : i32
      %dma_start3A_50 = arith.constant 0 : i32
      %dma_start3A_51 = tpu.memref_slice %arg2[%dma_start3A_49, %dma_start3A_50] : memref<10000x128xf32, #tpu.memory_space<hbm>> -> memref<10000x128xf32, #tpu.memory_space<hbm>>
      %dma_start3A_52 = tpu.memref_slice %arg11[%dma_start3A_41] : memref<2x!tpu.dma_semaphore, #tpu.memory_space<semaphore_mem>> -> memref<1x!tpu.dma_semaphore, #tpu.memory_space<semaphore_mem>>
      %dma_start3A_53 = tpu.memref_squeeze %dma_start3A_52 : memref<1x!tpu.dma_semaphore, #tpu.memory_space<semaphore_mem>> -> memref<!tpu.dma_semaphore, #tpu.memory_space<semaphore_mem>>
      tpu.enqueue_indirect_dma source(%dma_start3A_51 : memref<10000x128xf32, #tpu.memory_space<hbm>>) target(%dma_start3A_45 : memref<128x128xf32, #tpu.memory_space<vmem>>) offsets(%dma_start3A_48 : memref<128xi32, #tpu.memory_space<vmem>>) semaphore(%dma_start3A_53 : memref<!tpu.dma_semaphore, #tpu.memory_space<semaphore_mem>>)
      %dma_wait3A = arith.constant 0 : i32
      %dma_wait3A_54 = arith.constant 0 : i32
      %dma_wait3A_55 = arith.constant 0 : i32
      %dma_wait3A_56 = arith.constant 0 : i32
      %dma_wait3A_57 = arith.constant 0 : i32
      %dma_wait3A_58 = tpu.memref_slice %arg9[%dma_wait3A_54, %dma_wait3A_56, %dma_wait3A_57] : memref<2x128x128xf32, #tpu.memory_space<vmem>> -> memref<1x128x128xf32, #tpu.memory_space<vmem>>
      %dma_wait3A_59 = tpu.memref_squeeze %dma_wait3A_58 : memref<1x128x128xf32, #tpu.memory_space<vmem>> -> memref<128x128xf32, #tpu.memory_space<vmem>>
      %dma_wait3A_60 = arith.constant 0 : i32
      %dma_wait3A_61 = tpu.memref_slice %arg7[%rem3A_30, %dma_wait3A, %dma_wait3A_60] : memref<2x16x128xi32, #tpu.memory_space<vmem>> -> memref<1x1x128xi32, #tpu.memory_space<vmem>>
      %dma_wait3A_62 = tpu.memref_squeeze %dma_wait3A_61 : memref<1x1x128xi32, #tpu.memory_space<vmem>> -> memref<128xi32, #tpu.memory_space<vmem>>
      %dma_wait3A_63 = arith.constant 0 : i32
      %dma_wait3A_64 = arith.constant 0 : i32
      %dma_wait3A_65 = tpu.memref_slice %arg2[%dma_wait3A_63, %dma_wait3A_64] : memref<10000x128xf32, #tpu.memory_space<hbm>> -> memref<10000x128xf32, #tpu.memory_space<hbm>>
      %dma_wait3A_66 = tpu.memref_slice %arg11[%dma_wait3A_55] : memref<2x!tpu.dma_semaphore, #tpu.memory_space<semaphore_mem>> -> memref<1x!tpu.dma_semaphore, #tpu.memory_space<semaphore_mem>>
      %dma_wait3A_67 = tpu.memref_squeeze %dma_wait3A_66 : memref<1x!tpu.dma_semaphore, #tpu.memory_space<semaphore_mem>> -> memref<!tpu.dma_semaphore, #tpu.memory_space<semaphore_mem>>
      tpu.wait_indirect_dma semaphore(%dma_wait3A_67 : memref<!tpu.dma_semaphore, #tpu.memory_space<semaphore_mem>>) src(%dma_wait3A_65 : memref<10000x128xf32, #tpu.memory_space<hbm>>) dst(%dma_wait3A_59 : memref<128x128xf32, #tpu.memory_space<vmem>>)
      %dma_start3A_68 = arith.constant 0 : i32
      %dma_start3A_69 = arith.constant 0 : i32
      %dma_start3A_70 = arith.constant 0 : i32
      %dma_start3A_71 = arith.constant 0 : i32
      %dma_start3A_72 = arith.constant 0 : i32
      %dma_start3A_73 = tpu.memref_slice %arg9[%dma_start3A_68, %dma_start3A_71, %dma_start3A_72] : memref<2x128x128xf32, #tpu.memory_space<vmem>> -> memref<1x128x128xf32, #tpu.memory_space<vmem>>
      %dma_start3A_74 = tpu.memref_squeeze %dma_start3A_73 : memref<1x128x128xf32, #tpu.memory_space<vmem>> -> memref<128x128xf32, #tpu.memory_space<vmem>>
      %dma_start3A_75 = arith.constant 0 : i32
      %dma_start3A_76 = tpu.memref_slice %arg8[%rem3A_30, %dma_start3A_69, %dma_start3A_75] : memref<2x16x128xi32, #tpu.memory_space<vmem>> -> memref<1x1x128xi32, #tpu.memory_space<vmem>>
      %dma_start3A_77 = tpu.memref_squeeze %dma_start3A_76 : memref<1x1x128xi32, #tpu.memory_space<vmem>> -> memref<128xi32, #tpu.memory_space<vmem>>
      %dma_start3A_78 = arith.constant 0 : i32
      %dma_start3A_79 = arith.constant 0 : i32
      %dma_start3A_80 = tpu.memref_slice %arg10[%dma_start3A_78, %dma_start3A_79] : memref<10112x128xf32, #tpu.memory_space<vmem_shared>> -> memref<10112x128xf32, #tpu.memory_space<vmem_shared>>
      %dma_start3A_81 = tpu.memref_slice %arg13[%dma_start3A_70] : memref<2x!tpu.dma_semaphore, #tpu.memory_space<semaphore_mem>> -> memref<1x!tpu.dma_semaphore, #tpu.memory_space<semaphore_mem>>
      %dma_start3A_82 = tpu.memref_squeeze %dma_start3A_81 : memref<1x!tpu.dma_semaphore, #tpu.memory_space<semaphore_mem>> -> memref<!tpu.dma_semaphore, #tpu.memory_space<semaphore_mem>>
      tpu.enqueue_indirect_dma source(%dma_start3A_74 : memref<128x128xf32, #tpu.memory_space<vmem>>) target(%dma_start3A_80 : memref<10112x128xf32, #tpu.memory_space<vmem_shared>>) offsets(%dma_start3A_77 : memref<128xi32, #tpu.memory_space<vmem>>) semaphore(%dma_start3A_82 : memref<!tpu.dma_semaphore, #tpu.memory_space<semaphore_mem>>) {add = true}
      %dma_wait3A_83 = arith.constant 0 : i32
      %dma_wait3A_84 = arith.constant 0 : i32
      %dma_wait3A_85 = arith.constant 0 : i32
      %dma_wait3A_86 = arith.constant 0 : i32
      %dma_wait3A_87 = arith.constant 0 : i32
      %dma_wait3A_88 = tpu.memref_slice %arg9[%dma_wait3A_83, %dma_wait3A_86, %dma_wait3A_87] : memref<2x128x128xf32, #tpu.memory_space<vmem>> -> memref<1x128x128xf32, #tpu.memory_space<vmem>>
      %dma_wait3A_89 = tpu.memref_squeeze %dma_wait3A_88 : memref<1x128x128xf32, #tpu.memory_space<vmem>> -> memref<128x128xf32, #tpu.memory_space<vmem>>
      %dma_wait3A_90 = arith.constant 0 : i32
      %dma_wait3A_91 = tpu.memref_slice %arg8[%rem3A_30, %dma_wait3A_84, %dma_wait3A_90] : memref<2x16x128xi32, #tpu.memory_space<vmem>> -> memref<1x1x128xi32, #tpu.memory_space<vmem>>
      %dma_wait3A_92 = tpu.memref_squeeze %dma_wait3A_91 : memref<1x1x128xi32, #tpu.memory_space<vmem>> -> memref<128xi32, #tpu.memory_space<vmem>>
      %dma_wait3A_93 = arith.constant 0 : i32
      %dma_wait3A_94 = arith.constant 0 : i32
      %dma_wait3A_95 = tpu.memref_slice %arg10[%dma_wait3A_93, %dma_wait3A_94] : memref<10112x128xf32, #tpu.memory_space<vmem_shared>> -> memref<10112x128xf32, #tpu.memory_space<vmem_shared>>
      %dma_wait3A_96 = tpu.memref_slice %arg13[%dma_wait3A_85] : memref<2x!tpu.dma_semaphore, #tpu.memory_space<semaphore_mem>> -> memref<1x!tpu.dma_semaphore, #tpu.memory_space<semaphore_mem>>
      %dma_wait3A_97 = tpu.memref_squeeze %dma_wait3A_96 : memref<1x!tpu.dma_semaphore, #tpu.memory_space<semaphore_mem>> -> memref<!tpu.dma_semaphore, #tpu.memory_space<semaphore_mem>>
      tpu.wait_indirect_dma semaphore(%dma_wait3A_97 : memref<!tpu.dma_semaphore, #tpu.memory_space<semaphore_mem>>) src(%dma_wait3A_89 : memref<128x128xf32, #tpu.memory_space<vmem>>) dst(%dma_wait3A_95 : memref<10112x128xf32, #tpu.memory_space<vmem_shared>>)
      %dma_start3A_98 = arith.constant 2 : i32
      %dma_start3A_99 = arith.constant 0 : i32
      %dma_start3A_100 = arith.constant 0 : i32
      %dma_start3A_101 = arith.constant 0 : i32
      %dma_start3A_102 = arith.constant 0 : i32
      %dma_start3A_103 = tpu.memref_slice %arg9[%dma_start3A_99, %dma_start3A_101, %dma_start3A_102] : memref<2x128x128xf32, #tpu.memory_space<vmem>> -> memref<1x128x128xf32, #tpu.memory_space<vmem>>
      %dma_start3A_104 = tpu.memref_squeeze %dma_start3A_103 : memref<1x128x128xf32, #tpu.memory_space<vmem>> -> memref<128x128xf32, #tpu.memory_space<vmem>>
      %dma_start3A_105 = arith.constant 0 : i32
      %dma_start3A_106 = tpu.memref_slice %arg7[%rem3A_30, %dma_start3A_98, %dma_start3A_105] : memref<2x16x128xi32, #tpu.memory_space<vmem>> -> memref<1x1x128xi32, #tpu.memory_space<vmem>>
      %dma_start3A_107 = tpu.memref_squeeze %dma_start3A_106 : memref<1x1x128xi32, #tpu.memory_space<vmem>> -> memref<128xi32, #tpu.memory_space<vmem>>
      %dma_start3A_108 = arith.constant 0 : i32
      %dma_start3A_109 = arith.constant 0 : i32
      %dma_start3A_110 = tpu.memref_slice %arg2[%dma_start3A_108, %dma_start3A_109] : memref<10000x128xf32, #tpu.memory_space<hbm>> -> memref<10000x128xf32, #tpu.memory_space<hbm>>
      %dma_start3A_111 = tpu.memref_slice %arg11[%dma_start3A_100] : memref<2x!tpu.dma_semaphore, #tpu.memory_space<semaphore_mem>> -> memref<1x!tpu.dma_semaphore, #tpu.memory_space<semaphore_mem>>
      %dma_start3A_112 = tpu.memref_squeeze %dma_start3A_111 : memref<1x!tpu.dma_semaphore, #tpu.memory_space<semaphore_mem>> -> memref<!tpu.dma_semaphore, #tpu.memory_space<semaphore_mem>>
      tpu.enqueue_indirect_dma source(%dma_start3A_110 : memref<10000x128xf32, #tpu.memory_space<hbm>>) target(%dma_start3A_104 : memref<128x128xf32, #tpu.memory_space<vmem>>) offsets(%dma_start3A_107 : memref<128xi32, #tpu.memory_space<vmem>>) semaphore(%dma_start3A_112 : memref<!tpu.dma_semaphore, #tpu.memory_space<semaphore_mem>>)
      %dma_wait3A_113 = arith.constant 1 : i32
      %dma_wait3A_114 = arith.constant 1 : i32
      %dma_wait3A_115 = arith.constant 1 : i32
      %dma_wait3A_116 = arith.constant 0 : i32
      %dma_wait3A_117 = arith.constant 0 : i32
      %dma_wait3A_118 = tpu.memref_slice %arg9[%dma_wait3A_114, %dma_wait3A_116, %dma_wait3A_117] : memref<2x128x128xf32, #tpu.memory_space<vmem>> -> memref<1x128x128xf32, #tpu.memory_space<vmem>>
      %dma_wait3A_119 = tpu.memref_squeeze %dma_wait3A_118 : memref<1x128x128xf32, #tpu.memory_space<vmem>> -> memref<128x128xf32, #tpu.memory_space<vmem>>
      %dma_wait3A_120 = arith.constant 0 : i32
      %dma_wait3A_121 = tpu.memref_slice %arg7[%rem3A_30, %dma_wait3A_113, %dma_wait3A_120] : memref<2x16x128xi32, #tpu.memory_space<vmem>> -> memref<1x1x128xi32, #tpu.memory_space<vmem>>
      %dma_wait3A_122 = tpu.memref_squeeze %dma_wait3A_121 : memref<1x1x128xi32, #tpu.memory_space<vmem>> -> memref<128xi32, #tpu.memory_space<vmem>>
      %dma_wait3A_123 = arith.constant 0 : i32
      %dma_wait3A_124 = arith.constant 0 : i32
      %dma_wait3A_125 = tpu.memref_slice %arg2[%dma_wait3A_123, %dma_wait3A_124] : memref<10000x128xf32, #tpu.memory_space<hbm>> -> memref<10000x128xf32, #tpu.memory_space<hbm>>
      %dma_wait3A_126 = tpu.memref_slice %arg11[%dma_wait3A_115] : memref<2x!tpu.dma_semaphore, #tpu.memory_space<semaphore_mem>> -> memref<1x!tpu.dma_semaphore, #tpu.memory_space<semaphore_mem>>
      %dma_wait3A_127 = tpu.memref_squeeze %dma_wait3A_126 : memref<1x!tpu.dma_semaphore, #tpu.memory_space<semaphore_mem>> -> memref<!tpu.dma_semaphore, #tpu.memory_space<semaphore_mem>>
      tpu.wait_indirect_dma semaphore(%dma_wait3A_127 : memref<!tpu.dma_semaphore, #tpu.memory_space<semaphore_mem>>) src(%dma_wait3A_125 : memref<10000x128xf32, #tpu.memory_space<hbm>>) dst(%dma_wait3A_119 : memref<128x128xf32, #tpu.memory_space<vmem>>)
      %dma_start3A_128 = arith.constant 1 : i32
      %dma_start3A_129 = arith.constant 1 : i32
      %dma_start3A_130 = arith.constant 1 : i32
      %dma_start3A_131 = arith.constant 0 : i32
      %dma_start3A_132 = arith.constant 0 : i32
      %dma_start3A_133 = tpu.memref_slice %arg9[%dma_start3A_128, %dma_start3A_131, %dma_start3A_132] : memref<2x128x128xf32, #tpu.memory_space<vmem>> -> memref<1x128x128xf32, #tpu.memory_space<vmem>>
      %dma_start3A_134 = tpu.memref_squeeze %dma_start3A_133 : memref<1x128x128xf32, #tpu.memory_space<vmem>> -> memref<128x128xf32, #tpu.memory_space<vmem>>
      %dma_start3A_135 = arith.constant 0 : i32
      %dma_start3A_136 = tpu.memref_slice %arg8[%rem3A_30, %dma_start3A_129, %dma_start3A_135] : memref<2x16x128xi32, #tpu.memory_space<vmem>> -> memref<1x1x128xi32, #tpu.memory_space<vmem>>
      %dma_start3A_137 = tpu.memref_squeeze %dma_start3A_136 : memref<1x1x128xi32, #tpu.memory_space<vmem>> -> memref<128xi32, #tpu.memory_space<vmem>>
      %dma_start3A_138 = arith.constant 0 : i32
      %dma_start3A_139 = arith.constant 0 : i32
      %dma_start3A_140 = tpu.memref_slice %arg10[%dma_start3A_138, %dma_start3A_139] : memref<10112x128xf32, #tpu.memory_space<vmem_shared>> -> memref<10112x128xf32, #tpu.memory_space<vmem_shared>>
      %dma_start3A_141 = tpu.memref_slice %arg13[%dma_start3A_130] : memref<2x!tpu.dma_semaphore, #tpu.memory_space<semaphore_mem>> -> memref<1x!tpu.dma_semaphore, #tpu.memory_space<semaphore_mem>>
      %dma_start3A_142 = tpu.memref_squeeze %dma_start3A_141 : memref<1x!tpu.dma_semaphore, #tpu.memory_space<semaphore_mem>> -> memref<!tpu.dma_semaphore, #tpu.memory_space<semaphore_mem>>
      tpu.enqueue_indirect_dma source(%dma_start3A_134 : memref<128x128xf32, #tpu.memory_space<vmem>>) target(%dma_start3A_140 : memref<10112x128xf32, #tpu.memory_space<vmem_shared>>) offsets(%dma_start3A_137 : memref<128xi32, #tpu.memory_space<vmem>>) semaphore(%dma_start3A_142 : memref<!tpu.dma_semaphore, #tpu.memory_space<semaphore_mem>>) {add = true}
      %dma_wait3A_143 = arith.constant 1 : i32
      %dma_wait3A_144 = arith.constant 1 : i32
      %dma_wait3A_145 = arith.constant 1 : i32
      %dma_wait3A_146 = arith.constant 0 : i32
      %dma_wait3A_147 = arith.constant 0 : i32
      %dma_wait3A_148 = tpu.memref_slice %arg9[%dma_wait3A_143, %dma_wait3A_146, %dma_wait3A_147] : memref<2x128x128xf32, #tpu.memory_space<vmem>> -> memref<1x128x128xf32, #tpu.memory_space<vmem>>
      %dma_wait3A_149 = tpu.memref_squeeze %dma_wait3A_148 : memref<1x128x128xf32, #tpu.memory_space<vmem>> -> memref<128x128xf32, #tpu.memory_space<vmem>>
      %dma_wait3A_150 = arith.constant 0 : i32
      %dma_wait3A_151 = tpu.memref_slice %arg8[%rem3A_30, %dma_wait3A_144, %dma_wait3A_150] : memref<2x16x128xi32, #tpu.memory_space<vmem>> -> memref<1x1x128xi32, #tpu.memory_space<vmem>>
      %dma_wait3A_152 = tpu.memref_squeeze %dma_wait3A_151 : memref<1x1x128xi32, #tpu.memory_space<vmem>> -> memref<128xi32, #tpu.memory_space<vmem>>
      %dma_wait3A_153 = arith.constant 0 : i32
      %dma_wait3A_154 = arith.constant 0 : i32
      %dma_wait3A_155 = tpu.memref_slice %arg10[%dma_wait3A_153, %dma_wait3A_154] : memref<10112x128xf32, #tpu.memory_space<vmem_shared>> -> memref<10112x128xf32, #tpu.memory_space<vmem_shared>>
      %dma_wait3A_156 = tpu.memref_slice %arg13[%dma_wait3A_145] : memref<2x!tpu.dma_semaphore, #tpu.memory_space<semaphore_mem>> -> memref<1x!tpu.dma_semaphore, #tpu.memory_space<semaphore_mem>>
      %dma_wait3A_157 = tpu.memref_squeeze %dma_wait3A_156 : memref<1x!tpu.dma_semaphore, #tpu.memory_space<semaphore_mem>> -> memref<!tpu.dma_semaphore, #tpu.memory_space<semaphore_mem>>
      tpu.wait_indirect_dma semaphore(%dma_wait3A_157 : memref<!tpu.dma_semaphore, #tpu.memory_space<semaphore_mem>>) src(%dma_wait3A_149 : memref<128x128xf32, #tpu.memory_space<vmem>>) dst(%dma_wait3A_155 : memref<10112x128xf32, #tpu.memory_space<vmem_shared>>)
      %dma_start3A_158 = arith.constant 3 : i32
      %dma_start3A_159 = arith.constant 1 : i32
      %dma_start3A_160 = arith.constant 1 : i32
      %dma_start3A_161 = arith.constant 0 : i32
      %dma_start3A_162 = arith.constant 0 : i32
      %dma_start3A_163 = tpu.memref_slice %arg9[%dma_start3A_159, %dma_start3A_161, %dma_start3A_162] : memref<2x128x128xf32, #tpu.memory_space<vmem>> -> memref<1x128x128xf32, #tpu.memory_space<vmem>>
      %dma_start3A_164 = tpu.memref_squeeze %dma_start3A_163 : memref<1x128x128xf32, #tpu.memory_space<vmem>> -> memref<128x128xf32, #tpu.memory_space<vmem>>
      %dma_start3A_165 = arith.constant 0 : i32
      %dma_start3A_166 = tpu.memref_slice %arg7[%rem3A_30, %dma_start3A_158, %dma_start3A_165] : memref<2x16x128xi32, #tpu.memory_space<vmem>> -> memref<1x1x128xi32, #tpu.memory_space<vmem>>
      %dma_start3A_167 = tpu.memref_squeeze %dma_start3A_166 : memref<1x1x128xi32, #tpu.memory_space<vmem>> -> memref<128xi32, #tpu.memory_space<vmem>>
      %dma_start3A_168 = arith.constant 0 : i32
      %dma_start3A_169 = arith.constant 0 : i32
      %dma_start3A_170 = tpu.memref_slice %arg2[%dma_start3A_168, %dma_start3A_169] : memref<10000x128xf32, #tpu.memory_space<hbm>> -> memref<10000x128xf32, #tpu.memory_space<hbm>>
      %dma_start3A_171 = tpu.memref_slice %arg11[%dma_start3A_160] : memref<2x!tpu.dma_semaphore, #tpu.memory_space<semaphore_mem>> -> memref<1x!tpu.dma_semaphore, #tpu.memory_space<semaphore_mem>>
      %dma_start3A_172 = tpu.memref_squeeze %dma_start3A_171 : memref<1x!tpu.dma_semaphore, #tpu.memory_space<semaphore_mem>> -> memref<!tpu.dma_semaphore, #tpu.memory_space<semaphore_mem>>
      tpu.enqueue_indirect_dma source(%dma_start3A_170 : memref<10000x128xf32, #tpu.memory_space<hbm>>) target(%dma_start3A_164 : memref<128x128xf32, #tpu.memory_space<vmem>>) offsets(%dma_start3A_167 : memref<128xi32, #tpu.memory_space<vmem>>) semaphore(%dma_start3A_172 : memref<!tpu.dma_semaphore, #tpu.memory_space<semaphore_mem>>)
      %dma_wait3A_173 = arith.constant 2 : i32
      %dma_wait3A_174 = arith.constant 0 : i32
      %dma_wait3A_175 = arith.constant 0 : i32
      %dma_wait3A_176 = arith.constant 0 : i32
      %dma_wait3A_177 = arith.constant 0 : i32
      %dma_wait3A_178 = tpu.memref_slice %arg9[%dma_wait3A_174, %dma_wait3A_176, %dma_wait3A_177] : memref<2x128x128xf32, #tpu.memory_space<vmem>> -> memref<1x128x128xf32, #tpu.memory_space<vmem>>
      %dma_wait3A_179 = tpu.memref_squeeze %dma_wait3A_178 : memref<1x128x128xf32, #tpu.memory_space<vmem>> -> memref<128x128xf32, #tpu.memory_space<vmem>>
      %dma_wait3A_180 = arith.constant 0 : i32
      %dma_wait3A_181 = tpu.memref_slice %arg7[%rem3A_30, %dma_wait3A_173, %dma_wait3A_180] : memref<2x16x128xi32, #tpu.memory_space<vmem>> -> memref<1x1x128xi32, #tpu.memory_space<vmem>>
      %dma_wait3A_182 = tpu.memref_squeeze %dma_wait3A_181 : memref<1x1x128xi32, #tpu.memory_space<vmem>> -> memref<128xi32, #tpu.memory_space<vmem>>
      %dma_wait3A_183 = arith.constant 0 : i32
      %dma_wait3A_184 = arith.constant 0 : i32
      %dma_wait3A_185 = tpu.memref_slice %arg2[%dma_wait3A_183, %dma_wait3A_184] : memref<10000x128xf32, #tpu.memory_space<hbm>> -> memref<10000x128xf32, #tpu.memory_space<hbm>>
      %dma_wait3A_186 = tpu.memref_slice %arg11[%dma_wait3A_175] : memref<2x!tpu.dma_semaphore, #tpu.memory_space<semaphore_mem>> -> memref<1x!tpu.dma_semaphore, #tpu.memory_space<semaphore_mem>>
      %dma_wait3A_187 = tpu.memref_squeeze %dma_wait3A_186 : memref<1x!tpu.dma_semaphore, #tpu.memory_space<semaphore_mem>> -> memref<!tpu.dma_semaphore, #tpu.memory_space<semaphore_mem>>
      tpu.wait_indirect_dma semaphore(%dma_wait3A_187 : memref<!tpu.dma_semaphore, #tpu.memory_space<semaphore_mem>>) src(%dma_wait3A_185 : memref<10000x128xf32, #tpu.memory_space<hbm>>) dst(%dma_wait3A_179 : memref<128x128xf32, #tpu.memory_space<vmem>>)
      %dma_start3A_188 = arith.constant 0 : i32
      %dma_start3A_189 = arith.constant 2 : i32
      %dma_start3A_190 = arith.constant 0 : i32
      %dma_start3A_191 = arith.constant 0 : i32
      %dma_start3A_192 = arith.constant 0 : i32
      %dma_start3A_193 = tpu.memref_slice %arg9[%dma_start3A_188, %dma_start3A_191, %dma_start3A_192] : memref<2x128x128xf32, #tpu.memory_space<vmem>> -> memref<1x128x128xf32, #tpu.memory_space<vmem>>
      %dma_start3A_194 = tpu.memref_squeeze %dma_start3A_193 : memref<1x128x128xf32, #tpu.memory_space<vmem>> -> memref<128x128xf32, #tpu.memory_space<vmem>>
      %dma_start3A_195 = arith.constant 0 : i32
      %dma_start3A_196 = tpu.memref_slice %arg8[%rem3A_30, %dma_start3A_189, %dma_start3A_195] : memref<2x16x128xi32, #tpu.memory_space<vmem>> -> memref<1x1x128xi32, #tpu.memory_space<vmem>>
      %dma_start3A_197 = tpu.memref_squeeze %dma_start3A_196 : memref<1x1x128xi32, #tpu.memory_space<vmem>> -> memref<128xi32, #tpu.memory_space<vmem>>
      %dma_start3A_198 = arith.constant 0 : i32
      %dma_start3A_199 = arith.constant 0 : i32
      %dma_start3A_200 = tpu.memref_slice %arg10[%dma_start3A_198, %dma_start3A_199] : memref<10112x128xf32, #tpu.memory_space<vmem_shared>> -> memref<10112x128xf32, #tpu.memory_space<vmem_shared>>
      %dma_start3A_201 = tpu.memref_slice %arg13[%dma_start3A_190] : memref<2x!tpu.dma_semaphore, #tpu.memory_space<semaphore_mem>> -> memref<1x!tpu.dma_semaphore, #tpu.memory_space<semaphore_mem>>
      %dma_start3A_202 = tpu.memref_squeeze %dma_start3A_201 : memref<1x!tpu.dma_semaphore, #tpu.memory_space<semaphore_mem>> -> memref<!tpu.dma_semaphore, #tpu.memory_space<semaphore_mem>>
      tpu.enqueue_indirect_dma source(%dma_start3A_194 : memref<128x128xf32, #tpu.memory_space<vmem>>) target(%dma_start3A_200 : memref<10112x128xf32, #tpu.memory_space<vmem_shared>>) offsets(%dma_start3A_197 : memref<128xi32, #tpu.memory_space<vmem>>) semaphore(%dma_start3A_202 : memref<!tpu.dma_semaphore, #tpu.memory_space<semaphore_mem>>) {add = true}
      %dma_wait3A_203 = arith.constant 0 : i32
      %dma_wait3A_204 = arith.constant 2 : i32
      %dma_wait3A_205 = arith.constant 0 : i32
      %dma_wait3A_206 = arith.constant 0 : i32
      %dma_wait3A_207 = arith.constant 0 : i32
      %dma_wait3A_208 = tpu.memref_slice %arg9[%dma_wait3A_203, %dma_wait3A_206, %dma_wait3A_207] : memref<2x128x128xf32, #tpu.memory_space<vmem>> -> memref<1x128x128xf32, #tpu.memory_space<vmem>>
      %dma_wait3A_209 = tpu.memref_squeeze %dma_wait3A_208 : memref<1x128x128xf32, #tpu.memory_space<vmem>> -> memref<128x128xf32, #tpu.memory_space<vmem>>
      %dma_wait3A_210 = arith.constant 0 : i32
      %dma_wait3A_211 = tpu.memref_slice %arg8[%rem3A_30, %dma_wait3A_204, %dma_wait3A_210] : memref<2x16x128xi32, #tpu.memory_space<vmem>> -> memref<1x1x128xi32, #tpu.memory_space<vmem>>
      %dma_wait3A_212 = tpu.memref_squeeze %dma_wait3A_211 : memref<1x1x128xi32, #tpu.memory_space<vmem>> -> memref<128xi32, #tpu.memory_space<vmem>>
      %dma_wait3A_213 = arith.constant 0 : i32
      %dma_wait3A_214 = arith.constant 0 : i32
      %dma_wait3A_215 = tpu.memref_slice %arg10[%dma_wait3A_213, %dma_wait3A_214] : memref<10112x128xf32, #tpu.memory_space<vmem_shared>> -> memref<10112x128xf32, #tpu.memory_space<vmem_shared>>
      %dma_wait3A_216 = tpu.memref_slice %arg13[%dma_wait3A_205] : memref<2x!tpu.dma_semaphore, #tpu.memory_space<semaphore_mem>> -> memref<1x!tpu.dma_semaphore, #tpu.memory_space<semaphore_mem>>
      %dma_wait3A_217 = tpu.memref_squeeze %dma_wait3A_216 : memref<1x!tpu.dma_semaphore, #tpu.memory_space<semaphore_mem>> -> memref<!tpu.dma_semaphore, #tpu.memory_space<semaphore_mem>>
      tpu.wait_indirect_dma semaphore(%dma_wait3A_217 : memref<!tpu.dma_semaphore, #tpu.memory_space<semaphore_mem>>) src(%dma_wait3A_209 : memref<128x128xf32, #tpu.memory_space<vmem>>) dst(%dma_wait3A_215 : memref<10112x128xf32, #tpu.memory_space<vmem_shared>>)
      %dma_start3A_218 = arith.constant 4 : i32
      %dma_start3A_219 = arith.constant 0 : i32
      %dma_start3A_220 = arith.constant 0 : i32
      %dma_start3A_221 = arith.constant 0 : i32
      %dma_start3A_222 = arith.constant 0 : i32
      %dma_start3A_223 = tpu.memref_slice %arg9[%dma_start3A_219, %dma_start3A_221, %dma_start3A_222] : memref<2x128x128xf32, #tpu.memory_space<vmem>> -> memref<1x128x128xf32, #tpu.memory_space<vmem>>
      %dma_start3A_224 = tpu.memref_squeeze %dma_start3A_223 : memref<1x128x128xf32, #tpu.memory_space<vmem>> -> memref<128x128xf32, #tpu.memory_space<vmem>>
      %dma_start3A_225 = arith.constant 0 : i32
      %dma_start3A_226 = tpu.memref_slice %arg7[%rem3A_30, %dma_start3A_218, %dma_start3A_225] : memref<2x16x128xi32, #tpu.memory_space<vmem>> -> memref<1x1x128xi32, #tpu.memory_space<vmem>>
      %dma_start3A_227 = tpu.memref_squeeze %dma_start3A_226 : memref<1x1x128xi32, #tpu.memory_space<vmem>> -> memref<128xi32, #tpu.memory_space<vmem>>
      %dma_start3A_228 = arith.constant 0 : i32
      %dma_start3A_229 = arith.constant 0 : i32
      %dma_start3A_230 = tpu.memref_slice %arg2[%dma_start3A_228, %dma_start3A_229] : memref<10000x128xf32, #tpu.memory_space<hbm>> -> memref<10000x128xf32, #tpu.memory_space<hbm>>
      %dma_start3A_231 = tpu.memref_slice %arg11[%dma_start3A_220] : memref<2x!tpu.dma_semaphore, #tpu.memory_space<semaphore_mem>> -> memref<1x!tpu.dma_semaphore, #tpu.memory_space<semaphore_mem>>
      %dma_start3A_232 = tpu.memref_squeeze %dma_start3A_231 : memref<1x!tpu.dma_semaphore, #tpu.memory_space<semaphore_mem>> -> memref<!tpu.dma_semaphore, #tpu.memory_space<semaphore_mem>>
      tpu.enqueue_indirect_dma source(%dma_start3A_230 : memref<10000x128xf32, #tpu.memory_space<hbm>>) target(%dma_start3A_224 : memref<128x128xf32, #tpu.memory_space<vmem>>) offsets(%dma_start3A_227 : memref<128xi32, #tpu.memory_space<vmem>>) semaphore(%dma_start3A_232 : memref<!tpu.dma_semaphore, #tpu.memory_space<semaphore_mem>>)
      %dma_wait3A_233 = arith.constant 3 : i32
      %dma_wait3A_234 = arith.constant 1 : i32
      %dma_wait3A_235 = arith.constant 1 : i32
      %dma_wait3A_236 = arith.constant 0 : i32
      %dma_wait3A_237 = arith.constant 0 : i32
      %dma_wait3A_238 = tpu.memref_slice %arg9[%dma_wait3A_234, %dma_wait3A_236, %dma_wait3A_237] : memref<2x128x128xf32, #tpu.memory_space<vmem>> -> memref<1x128x128xf32, #tpu.memory_space<vmem>>
      %dma_wait3A_239 = tpu.memref_squeeze %dma_wait3A_238 : memref<1x128x128xf32, #tpu.memory_space<vmem>> -> memref<128x128xf32, #tpu.memory_space<vmem>>
      %dma_wait3A_240 = arith.constant 0 : i32
      %dma_wait3A_241 = tpu.memref_slice %arg7[%rem3A_30, %dma_wait3A_233, %dma_wait3A_240] : memref<2x16x128xi32, #tpu.memory_space<vmem>> -> memref<1x1x128xi32, #tpu.memory_space<vmem>>
      %dma_wait3A_242 = tpu.memref_squeeze %dma_wait3A_241 : memref<1x1x128xi32, #tpu.memory_space<vmem>> -> memref<128xi32, #tpu.memory_space<vmem>>
      %dma_wait3A_243 = arith.constant 0 : i32
      %dma_wait3A_244 = arith.constant 0 : i32
      %dma_wait3A_245 = tpu.memref_slice %arg2[%dma_wait3A_243, %dma_wait3A_244] : memref<10000x128xf32, #tpu.memory_space<hbm>> -> memref<10000x128xf32, #tpu.memory_space<hbm>>
      %dma_wait3A_246 = tpu.memref_slice %arg11[%dma_wait3A_235] : memref<2x!tpu.dma_semaphore, #tpu.memory_space<semaphore_mem>> -> memref<1x!tpu.dma_semaphore, #tpu.memory_space<semaphore_mem>>
      %dma_wait3A_247 = tpu.memref_squeeze %dma_wait3A_246 : memref<1x!tpu.dma_semaphore, #tpu.memory_space<semaphore_mem>> -> memref<!tpu.dma_semaphore, #tpu.memory_space<semaphore_mem>>
      tpu.wait_indirect_dma semaphore(%dma_wait3A_247 : memref<!tpu.dma_semaphore, #tpu.memory_space<semaphore_mem>>) src(%dma_wait3A_245 : memref<10000x128xf32, #tpu.memory_space<hbm>>) dst(%dma_wait3A_239 : memref<128x128xf32, #tpu.memory_space<vmem>>)
      %dma_start3A_248 = arith.constant 1 : i32
      %dma_start3A_249 = arith.constant 3 : i32
      %dma_start3A_250 = arith.constant 1 : i32
      %dma_start3A_251 = arith.constant 0 : i32
      %dma_start3A_252 = arith.constant 0 : i32
      %dma_start3A_253 = tpu.memref_slice %arg9[%dma_start3A_248, %dma_start3A_251, %dma_start3A_252] : memref<2x128x128xf32, #tpu.memory_space<vmem>> -> memref<1x128x128xf32, #tpu.memory_space<vmem>>
      %dma_start3A_254 = tpu.memref_squeeze %dma_start3A_253 : memref<1x128x128xf32, #tpu.memory_space<vmem>> -> memref<128x128xf32, #tpu.memory_space<vmem>>
      %dma_start3A_255 = arith.constant 0 : i32
      %dma_start3A_256 = tpu.memref_slice %arg8[%rem3A_30, %dma_start3A_249, %dma_start3A_255] : memref<2x16x128xi32, #tpu.memory_space<vmem>> -> memref<1x1x128xi32, #tpu.memory_space<vmem>>
      %dma_start3A_257 = tpu.memref_squeeze %dma_start3A_256 : memref<1x1x128xi32, #tpu.memory_space<vmem>> -> memref<128xi32, #tpu.memory_space<vmem>>
      %dma_start3A_258 = arith.constant 0 : i32
      %dma_start3A_259 = arith.constant 0 : i32
      %dma_start3A_260 = tpu.memref_slice %arg10[%dma_start3A_258, %dma_start3A_259] : memref<10112x128xf32, #tpu.memory_space<vmem_shared>> -> memref<10112x128xf32, #tpu.memory_space<vmem_shared>>
      %dma_start3A_261 = tpu.memref_slice %arg13[%dma_start3A_250] : memref<2x!tpu.dma_semaphore, #tpu.memory_space<semaphore_mem>> -> memref<1x!tpu.dma_semaphore, #tpu.memory_space<semaphore_mem>>
      %dma_start3A_262 = tpu.memref_squeeze %dma_start3A_261 : memref<1x!tpu.dma_semaphore, #tpu.memory_space<semaphore_mem>> -> memref<!tpu.dma_semaphore, #tpu.memory_space<semaphore_mem>>
      tpu.enqueue_indirect_dma source(%dma_start3A_254 : memref<128x128xf32, #tpu.memory_space<vmem>>) target(%dma_start3A_260 : memref<10112x128xf32, #tpu.memory_space<vmem_shared>>) offsets(%dma_start3A_257 : memref<128xi32, #tpu.memory_space<vmem>>) semaphore(%dma_start3A_262 : memref<!tpu.dma_semaphore, #tpu.memory_space<semaphore_mem>>) {add = true}
      %dma_wait3A_263 = arith.constant 1 : i32
      %dma_wait3A_264 = arith.constant 3 : i32
      %dma_wait3A_265 = arith.constant 1 : i32
      %dma_wait3A_266 = arith.constant 0 : i32
      %dma_wait3A_267 = arith.constant 0 : i32
      %dma_wait3A_268 = tpu.memref_slice %arg9[%dma_wait3A_263, %dma_wait3A_266, %dma_wait3A_267] : memref<2x128x128xf32, #tpu.memory_space<vmem>> -> memref<1x128x128xf32, #tpu.memory_space<vmem>>
      %dma_wait3A_269 = tpu.memref_squeeze %dma_wait3A_268 : memref<1x128x128xf32, #tpu.memory_space<vmem>> -> memref<128x128xf32, #tpu.memory_space<vmem>>
      %dma_wait3A_270 = arith.constant 0 : i32
      %dma_wait3A_271 = tpu.memref_slice %arg8[%rem3A_30, %dma_wait3A_264, %dma_wait3A_270] : memref<2x16x128xi32, #tpu.memory_space<vmem>> -> memref<1x1x128xi32, #tpu.memory_space<vmem>>
      %dma_wait3A_272 = tpu.memref_squeeze %dma_wait3A_271 : memref<1x1x128xi32, #tpu.memory_space<vmem>> -> memref<128xi32, #tpu.memory_space<vmem>>
      %dma_wait3A_273 = arith.constant 0 : i32
      %dma_wait3A_274 = arith.constant 0 : i32
      %dma_wait3A_275 = tpu.memref_slice %arg10[%dma_wait3A_273, %dma_wait3A_274] : memref<10112x128xf32, #tpu.memory_space<vmem_shared>> -> memref<10112x128xf32, #tpu.memory_space<vmem_shared>>
      %dma_wait3A_276 = tpu.memref_slice %arg13[%dma_wait3A_265] : memref<2x!tpu.dma_semaphore, #tpu.memory_space<semaphore_mem>> -> memref<1x!tpu.dma_semaphore, #tpu.memory_space<semaphore_mem>>
      %dma_wait3A_277 = tpu.memref_squeeze %dma_wait3A_276 : memref<1x!tpu.dma_semaphore, #tpu.memory_space<semaphore_mem>> -> memref<!tpu.dma_semaphore, #tpu.memory_space<semaphore_mem>>
      tpu.wait_indirect_dma semaphore(%dma_wait3A_277 : memref<!tpu.dma_semaphore, #tpu.memory_space<semaphore_mem>>) src(%dma_wait3A_269 : memref<128x128xf32, #tpu.memory_space<vmem>>) dst(%dma_wait3A_275 : memref<10112x128xf32, #tpu.memory_space<vmem_shared>>)
      %dma_start3A_278 = arith.constant 5 : i32
      %dma_start3A_279 = arith.constant 1 : i32
      %dma_start3A_280 = arith.constant 1 : i32
      %dma_start3A_281 = arith.constant 0 : i32
      %dma_start3A_282 = arith.constant 0 : i32
      %dma_start3A_283 = tpu.memref_slice %arg9[%dma_start3A_279, %dma_start3A_281, %dma_start3A_282] : memref<2x128x128xf32, #tpu.memory_space<vmem>> -> memref<1x128x128xf32, #tpu.memory_space<vmem>>
      %dma_start3A_284 = tpu.memref_squeeze %dma_start3A_283 : memref<1x128x128xf32, #tpu.memory_space<vmem>> -> memref<128x128xf32, #tpu.memory_space<vmem>>
      %dma_start3A_285 = arith.constant 0 : i32
      %dma_start3A_286 = tpu.memref_slice %arg7[%rem3A_30, %dma_start3A_278, %dma_start3A_285] : memref<2x16x128xi32, #tpu.memory_space<vmem>> -> memref<1x1x128xi32, #tpu.memory_space<vmem>>
      %dma_start3A_287 = tpu.memref_squeeze %dma_start3A_286 : memref<1x1x128xi32, #tpu.memory_space<vmem>> -> memref<128xi32, #tpu.memory_space<vmem>>
      %dma_start3A_288 = arith.constant 0 : i32
      %dma_start3A_289 = arith.constant 0 : i32
      %dma_start3A_290 = tpu.memref_slice %arg2[%dma_start3A_288, %dma_start3A_289] : memref<10000x128xf32, #tpu.memory_space<hbm>> -> memref<10000x128xf32, #tpu.memory_space<hbm>>
      %dma_start3A_291 = tpu.memref_slice %arg11[%dma_start3A_280] : memref<2x!tpu.dma_semaphore, #tpu.memory_space<semaphore_mem>> -> memref<1x!tpu.dma_semaphore, #tpu.memory_space<semaphore_mem>>
      %dma_start3A_292 = tpu.memref_squeeze %dma_start3A_291 : memref<1x!tpu.dma_semaphore, #tpu.memory_space<semaphore_mem>> -> memref<!tpu.dma_semaphore, #tpu.memory_space<semaphore_mem>>
      tpu.enqueue_indirect_dma source(%dma_start3A_290 : memref<10000x128xf32, #tpu.memory_space<hbm>>) target(%dma_start3A_284 : memref<128x128xf32, #tpu.memory_space<vmem>>) offsets(%dma_start3A_287 : memref<128xi32, #tpu.memory_space<vmem>>) semaphore(%dma_start3A_292 : memref<!tpu.dma_semaphore, #tpu.memory_space<semaphore_mem>>)
      %dma_wait3A_293 = arith.constant 4 : i32
      %dma_wait3A_294 = arith.constant 0 : i32
      %dma_wait3A_295 = arith.constant 0 : i32
      %dma_wait3A_296 = arith.constant 0 : i32
      %dma_wait3A_297 = arith.constant 0 : i32
      %dma_wait3A_298 = tpu.memref_slice %arg9[%dma_wait3A_294, %dma_wait3A_296, %dma_wait3A_297] : memref<2x128x128xf32, #tpu.memory_space<vmem>> -> memref<1x128x128xf32, #tpu.memory_space<vmem>>
      %dma_wait3A_299 = tpu.memref_squeeze %dma_wait3A_298 : memref<1x128x128xf32, #tpu.memory_space<vmem>> -> memref<128x128xf32, #tpu.memory_space<vmem>>
      %dma_wait3A_300 = arith.constant 0 : i32
      %dma_wait3A_301 = tpu.memref_slice %arg7[%rem3A_30, %dma_wait3A_293, %dma_wait3A_300] : memref<2x16x128xi32, #tpu.memory_space<vmem>> -> memref<1x1x128xi32, #tpu.memory_space<vmem>>
      %dma_wait3A_302 = tpu.memref_squeeze %dma_wait3A_301 : memref<1x1x128xi32, #tpu.memory_space<vmem>> -> memref<128xi32, #tpu.memory_space<vmem>>
      %dma_wait3A_303 = arith.constant 0 : i32
      %dma_wait3A_304 = arith.constant 0 : i32
      %dma_wait3A_305 = tpu.memref_slice %arg2[%dma_wait3A_303, %dma_wait3A_304] : memref<10000x128xf32, #tpu.memory_space<hbm>> -> memref<10000x128xf32, #tpu.memory_space<hbm>>
      %dma_wait3A_306 = tpu.memref_slice %arg11[%dma_wait3A_295] : memref<2x!tpu.dma_semaphore, #tpu.memory_space<semaphore_mem>> -> memref<1x!tpu.dma_semaphore, #tpu.memory_space<semaphore_mem>>
      %dma_wait3A_307 = tpu.memref_squeeze %dma_wait3A_306 : memref<1x!tpu.dma_semaphore, #tpu.memory_space<semaphore_mem>> -> memref<!tpu.dma_semaphore, #tpu.memory_space<semaphore_mem>>
      tpu.wait_indirect_dma semaphore(%dma_wait3A_307 : memref<!tpu.dma_semaphore, #tpu.memory_space<semaphore_mem>>) src(%dma_wait3A_305 : memref<10000x128xf32, #tpu.memory_space<hbm>>) dst(%dma_wait3A_299 : memref<128x128xf32, #tpu.memory_space<vmem>>)
      %dma_start3A_308 = arith.constant 0 : i32
      %dma_start3A_309 = arith.constant 4 : i32
      %dma_start3A_310 = arith.constant 0 : i32
      %dma_start3A_311 = arith.constant 0 : i32
      %dma_start3A_312 = arith.constant 0 : i32
      %dma_start3A_313 = tpu.memref_slice %arg9[%dma_start3A_308, %dma_start3A_311, %dma_start3A_312] : memref<2x128x128xf32, #tpu.memory_space<vmem>> -> memref<1x128x128xf32, #tpu.memory_space<vmem>>
      %dma_start3A_314 = tpu.memref_squeeze %dma_start3A_313 : memref<1x128x128xf32, #tpu.memory_space<vmem>> -> memref<128x128xf32, #tpu.memory_space<vmem>>
      %dma_start3A_315 = arith.constant 0 : i32
      %dma_start3A_316 = tpu.memref_slice %arg8[%rem3A_30, %dma_start3A_309, %dma_start3A_315] : memref<2x16x128xi32, #tpu.memory_space<vmem>> -> memref<1x1x128xi32, #tpu.memory_space<vmem>>
      %dma_start3A_317 = tpu.memref_squeeze %dma_start3A_316 : memref<1x1x128xi32, #tpu.memory_space<vmem>> -> memref<128xi32, #tpu.memory_space<vmem>>
      %dma_start3A_318 = arith.constant 0 : i32
      %dma_start3A_319 = arith.constant 0 : i32
      %dma_start3A_320 = tpu.memref_slice %arg10[%dma_start3A_318, %dma_start3A_319] : memref<10112x128xf32, #tpu.memory_space<vmem_shared>> -> memref<10112x128xf32, #tpu.memory_space<vmem_shared>>
      %dma_start3A_321 = tpu.memref_slice %arg13[%dma_start3A_310] : memref<2x!tpu.dma_semaphore, #tpu.memory_space<semaphore_mem>> -> memref<1x!tpu.dma_semaphore, #tpu.memory_space<semaphore_mem>>
      %dma_start3A_322 = tpu.memref_squeeze %dma_start3A_321 : memref<1x!tpu.dma_semaphore, #tpu.memory_space<semaphore_mem>> -> memref<!tpu.dma_semaphore, #tpu.memory_space<semaphore_mem>>
      tpu.enqueue_indirect_dma source(%dma_start3A_314 : memref<128x128xf32, #tpu.memory_space<vmem>>) target(%dma_start3A_320 : memref<10112x128xf32, #tpu.memory_space<vmem_shared>>) offsets(%dma_start3A_317 : memref<128xi32, #tpu.memory_space<vmem>>) semaphore(%dma_start3A_322 : memref<!tpu.dma_semaphore, #tpu.memory_space<semaphore_mem>>) {add = true}
      %dma_wait3A_323 = arith.constant 0 : i32
      %dma_wait3A_324 = arith.constant 4 : i32
      %dma_wait3A_325 = arith.constant 0 : i32
      %dma_wait3A_326 = arith.constant 0 : i32
      %dma_wait3A_327 = arith.constant 0 : i32
      %dma_wait3A_328 = tpu.memref_slice %arg9[%dma_wait3A_323, %dma_wait3A_326, %dma_wait3A_327] : memref<2x128x128xf32, #tpu.memory_space<vmem>> -> memref<1x128x128xf32, #tpu.memory_space<vmem>>
      %dma_wait3A_329 = tpu.memref_squeeze %dma_wait3A_328 : memref<1x128x128xf32, #tpu.memory_space<vmem>> -> memref<128x128xf32, #tpu.memory_space<vmem>>
      %dma_wait3A_330 = arith.constant 0 : i32
      %dma_wait3A_331 = tpu.memref_slice %arg8[%rem3A_30, %dma_wait3A_324, %dma_wait3A_330] : memref<2x16x128xi32, #tpu.memory_space<vmem>> -> memref<1x1x128xi32, #tpu.memory_space<vmem>>
      %dma_wait3A_332 = tpu.memref_squeeze %dma_wait3A_331 : memref<1x1x128xi32, #tpu.memory_space<vmem>> -> memref<128xi32, #tpu.memory_space<vmem>>
      %dma_wait3A_333 = arith.constant 0 : i32
      %dma_wait3A_334 = arith.constant 0 : i32
      %dma_wait3A_335 = tpu.memref_slice %arg10[%dma_wait3A_333, %dma_wait3A_334] : memref<10112x128xf32, #tpu.memory_space<vmem_shared>> -> memref<10112x128xf32, #tpu.memory_space<vmem_shared>>
      %dma_wait3A_336 = tpu.memref_slice %arg13[%dma_wait3A_325] : memref<2x!tpu.dma_semaphore, #tpu.memory_space<semaphore_mem>> -> memref<1x!tpu.dma_semaphore, #tpu.memory_space<semaphore_mem>>
      %dma_wait3A_337 = tpu.memref_squeeze %dma_wait3A_336 : memref<1x!tpu.dma_semaphore, #tpu.memory_space<semaphore_mem>> -> memref<!tpu.dma_semaphore, #tpu.memory_space<semaphore_mem>>
      tpu.wait_indirect_dma semaphore(%dma_wait3A_337 : memref<!tpu.dma_semaphore, #tpu.memory_space<semaphore_mem>>) src(%dma_wait3A_329 : memref<128x128xf32, #tpu.memory_space<vmem>>) dst(%dma_wait3A_335 : memref<10112x128xf32, #tpu.memory_space<vmem_shared>>)
      %dma_start3A_338 = arith.constant 6 : i32
      %dma_start3A_339 = arith.constant 0 : i32
      %dma_start3A_340 = arith.constant 0 : i32
      %dma_start3A_341 = arith.constant 0 : i32
      %dma_start3A_342 = arith.constant 0 : i32
      %dma_start3A_343 = tpu.memref_slice %arg9[%dma_start3A_339, %dma_start3A_341, %dma_start3A_342] : memref<2x128x128xf32, #tpu.memory_space<vmem>> -> memref<1x128x128xf32, #tpu.memory_space<vmem>>
      %dma_start3A_344 = tpu.memref_squeeze %dma_start3A_343 : memref<1x128x128xf32, #tpu.memory_space<vmem>> -> memref<128x128xf32, #tpu.memory_space<vmem>>
      %dma_start3A_345 = arith.constant 0 : i32
      %dma_start3A_346 = tpu.memref_slice %arg7[%rem3A_30, %dma_start3A_338, %dma_start3A_345] : memref<2x16x128xi32, #tpu.memory_space<vmem>> -> memref<1x1x128xi32, #tpu.memory_space<vmem>>
      %dma_start3A_347 = tpu.memref_squeeze %dma_start3A_346 : memref<1x1x128xi32, #tpu.memory_space<vmem>> -> memref<128xi32, #tpu.memory_space<vmem>>
      %dma_start3A_348 = arith.constant 0 : i32
      %dma_start3A_349 = arith.constant 0 : i32
      %dma_start3A_350 = tpu.memref_slice %arg2[%dma_start3A_348, %dma_start3A_349] : memref<10000x128xf32, #tpu.memory_space<hbm>> -> memref<10000x128xf32, #tpu.memory_space<hbm>>
      %dma_start3A_351 = tpu.memref_slice %arg11[%dma_start3A_340] : memref<2x!tpu.dma_semaphore, #tpu.memory_space<semaphore_mem>> -> memref<1x!tpu.dma_semaphore, #tpu.memory_space<semaphore_mem>>
      %dma_start3A_352 = tpu.memref_squeeze %dma_start3A_351 : memref<1x!tpu.dma_semaphore, #tpu.memory_space<semaphore_mem>> -> memref<!tpu.dma_semaphore, #tpu.memory_space<semaphore_mem>>
      tpu.enqueue_indirect_dma source(%dma_start3A_350 : memref<10000x128xf32, #tpu.memory_space<hbm>>) target(%dma_start3A_344 : memref<128x128xf32, #tpu.memory_space<vmem>>) offsets(%dma_start3A_347 : memref<128xi32, #tpu.memory_space<vmem>>) semaphore(%dma_start3A_352 : memref<!tpu.dma_semaphore, #tpu.memory_space<semaphore_mem>>)
      %dma_wait3A_353 = arith.constant 5 : i32
      %dma_wait3A_354 = arith.constant 1 : i32
      %dma_wait3A_355 = arith.constant 1 : i32
      %dma_wait3A_356 = arith.constant 0 : i32
      %dma_wait3A_357 = arith.constant 0 : i32
      %dma_wait3A_358 = tpu.memref_slice %arg9[%dma_wait3A_354, %dma_wait3A_356, %dma_wait3A_357] : memref<2x128x128xf32, #tpu.memory_space<vmem>> -> memref<1x128x128xf32, #tpu.memory_space<vmem>>
      %dma_wait3A_359 = tpu.memref_squeeze %dma_wait3A_358 : memref<1x128x128xf32, #tpu.memory_space<vmem>> -> memref<128x128xf32, #tpu.memory_space<vmem>>
      %dma_wait3A_360 = arith.constant 0 : i32
      %dma_wait3A_361 = tpu.memref_slice %arg7[%rem3A_30, %dma_wait3A_353, %dma_wait3A_360] : memref<2x16x128xi32, #tpu.memory_space<vmem>> -> memref<1x1x128xi32, #tpu.memory_space<vmem>>
      %dma_wait3A_362 = tpu.memref_squeeze %dma_wait3A_361 : memref<1x1x128xi32, #tpu.memory_space<vmem>> -> memref<128xi32, #tpu.memory_space<vmem>>
      %dma_wait3A_363 = arith.constant 0 : i32
      %dma_wait3A_364 = arith.constant 0 : i32
      %dma_wait3A_365 = tpu.memref_slice %arg2[%dma_wait3A_363, %dma_wait3A_364] : memref<10000x128xf32, #tpu.memory_space<hbm>> -> memref<10000x128xf32, #tpu.memory_space<hbm>>
      %dma_wait3A_366 = tpu.memref_slice %arg11[%dma_wait3A_355] : memref<2x!tpu.dma_semaphore, #tpu.memory_space<semaphore_mem>> -> memref<1x!tpu.dma_semaphore, #tpu.memory_space<semaphore_mem>>
      %dma_wait3A_367 = tpu.memref_squeeze %dma_wait3A_366 : memref<1x!tpu.dma_semaphore, #tpu.memory_space<semaphore_mem>> -> memref<!tpu.dma_semaphore, #tpu.memory_space<semaphore_mem>>
      tpu.wait_indirect_dma semaphore(%dma_wait3A_367 : memref<!tpu.dma_semaphore, #tpu.memory_space<semaphore_mem>>) src(%dma_wait3A_365 : memref<10000x128xf32, #tpu.memory_space<hbm>>) dst(%dma_wait3A_359 : memref<128x128xf32, #tpu.memory_space<vmem>>)
      %dma_start3A_368 = arith.constant 1 : i32
      %dma_start3A_369 = arith.constant 5 : i32
      %dma_start3A_370 = arith.constant 1 : i32
      %dma_start3A_371 = arith.constant 0 : i32
      %dma_start3A_372 = arith.constant 0 : i32
      %dma_start3A_373 = tpu.memref_slice %arg9[%dma_start3A_368, %dma_start3A_371, %dma_start3A_372] : memref<2x128x128xf32, #tpu.memory_space<vmem>> -> memref<1x128x128xf32, #tpu.memory_space<vmem>>
      %dma_start3A_374 = tpu.memref_squeeze %dma_start3A_373 : memref<1x128x128xf32, #tpu.memory_space<vmem>> -> memref<128x128xf32, #tpu.memory_space<vmem>>
      %dma_start3A_375 = arith.constant 0 : i32
      %dma_start3A_376 = tpu.memref_slice %arg8[%rem3A_30, %dma_start3A_369, %dma_start3A_375] : memref<2x16x128xi32, #tpu.memory_space<vmem>> -> memref<1x1x128xi32, #tpu.memory_space<vmem>>
      %dma_start3A_377 = tpu.memref_squeeze %dma_start3A_376 : memref<1x1x128xi32, #tpu.memory_space<vmem>> -> memref<128xi32, #tpu.memory_space<vmem>>
      %dma_start3A_378 = arith.constant 0 : i32
      %dma_start3A_379 = arith.constant 0 : i32
      %dma_start3A_380 = tpu.memref_slice %arg10[%dma_start3A_378, %dma_start3A_379] : memref<10112x128xf32, #tpu.memory_space<vmem_shared>> -> memref<10112x128xf32, #tpu.memory_space<vmem_shared>>
      %dma_start3A_381 = tpu.memref_slice %arg13[%dma_start3A_370] : memref<2x!tpu.dma_semaphore, #tpu.memory_space<semaphore_mem>> -> memref<1x!tpu.dma_semaphore, #tpu.memory_space<semaphore_mem>>
      %dma_start3A_382 = tpu.memref_squeeze %dma_start3A_381 : memref<1x!tpu.dma_semaphore, #tpu.memory_space<semaphore_mem>> -> memref<!tpu.dma_semaphore, #tpu.memory_space<semaphore_mem>>
      tpu.enqueue_indirect_dma source(%dma_start3A_374 : memref<128x128xf32, #tpu.memory_space<vmem>>) target(%dma_start3A_380 : memref<10112x128xf32, #tpu.memory_space<vmem_shared>>) offsets(%dma_start3A_377 : memref<128xi32, #tpu.memory_space<vmem>>) semaphore(%dma_start3A_382 : memref<!tpu.dma_semaphore, #tpu.memory_space<semaphore_mem>>) {add = true}
      %dma_wait3A_383 = arith.constant 1 : i32
      %dma_wait3A_384 = arith.constant 5 : i32
      %dma_wait3A_385 = arith.constant 1 : i32
      %dma_wait3A_386 = arith.constant 0 : i32
      %dma_wait3A_387 = arith.constant 0 : i32
      %dma_wait3A_388 = tpu.memref_slice %arg9[%dma_wait3A_383, %dma_wait3A_386, %dma_wait3A_387] : memref<2x128x128xf32, #tpu.memory_space<vmem>> -> memref<1x128x128xf32, #tpu.memory_space<vmem>>
      %dma_wait3A_389 = tpu.memref_squeeze %dma_wait3A_388 : memref<1x128x128xf32, #tpu.memory_space<vmem>> -> memref<128x128xf32, #tpu.memory_space<vmem>>
      %dma_wait3A_390 = arith.constant 0 : i32
      %dma_wait3A_391 = tpu.memref_slice %arg8[%rem3A_30, %dma_wait3A_384, %dma_wait3A_390] : memref<2x16x128xi32, #tpu.memory_space<vmem>> -> memref<1x1x128xi32, #tpu.memory_space<vmem>>
      %dma_wait3A_392 = tpu.memref_squeeze %dma_wait3A_391 : memref<1x1x128xi32, #tpu.memory_space<vmem>> -> memref<128xi32, #tpu.memory_space<vmem>>
      %dma_wait3A_393 = arith.constant 0 : i32
      %dma_wait3A_394 = arith.constant 0 : i32
      %dma_wait3A_395 = tpu.memref_slice %arg10[%dma_wait3A_393, %dma_wait3A_394] : memref<10112x128xf32, #tpu.memory_space<vmem_shared>> -> memref<10112x128xf32, #tpu.memory_space<vmem_shared>>
      %dma_wait3A_396 = tpu.memref_slice %arg13[%dma_wait3A_385] : memref<2x!tpu.dma_semaphore, #tpu.memory_space<semaphore_mem>> -> memref<1x!tpu.dma_semaphore, #tpu.memory_space<semaphore_mem>>
      %dma_wait3A_397 = tpu.memref_squeeze %dma_wait3A_396 : memref<1x!tpu.dma_semaphore, #tpu.memory_space<semaphore_mem>> -> memref<!tpu.dma_semaphore, #tpu.memory_space<semaphore_mem>>
      tpu.wait_indirect_dma semaphore(%dma_wait3A_397 : memref<!tpu.dma_semaphore, #tpu.memory_space<semaphore_mem>>) src(%dma_wait3A_389 : memref<128x128xf32, #tpu.memory_space<vmem>>) dst(%dma_wait3A_395 : memref<10112x128xf32, #tpu.memory_space<vmem_shared>>)
      %dma_start3A_398 = arith.constant 7 : i32
      %dma_start3A_399 = arith.constant 1 : i32
      %dma_start3A_400 = arith.constant 1 : i32
      %dma_start3A_401 = arith.constant 0 : i32
      %dma_start3A_402 = arith.constant 0 : i32
      %dma_start3A_403 = tpu.memref_slice %arg9[%dma_start3A_399, %dma_start3A_401, %dma_start3A_402] : memref<2x128x128xf32, #tpu.memory_space<vmem>> -> memref<1x128x128xf32, #tpu.memory_space<vmem>>
      %dma_start3A_404 = tpu.memref_squeeze %dma_start3A_403 : memref<1x128x128xf32, #tpu.memory_space<vmem>> -> memref<128x128xf32, #tpu.memory_space<vmem>>
      %dma_start3A_405 = arith.constant 0 : i32
      %dma_start3A_406 = tpu.memref_slice %arg7[%rem3A_30, %dma_start3A_398, %dma_start3A_405] : memref<2x16x128xi32, #tpu.memory_space<vmem>> -> memref<1x1x128xi32, #tpu.memory_space<vmem>>
      %dma_start3A_407 = tpu.memref_squeeze %dma_start3A_406 : memref<1x1x128xi32, #tpu.memory_space<vmem>> -> memref<128xi32, #tpu.memory_space<vmem>>
      %dma_start3A_408 = arith.constant 0 : i32
      %dma_start3A_409 = arith.constant 0 : i32
      %dma_start3A_410 = tpu.memref_slice %arg2[%dma_start3A_408, %dma_start3A_409] : memref<10000x128xf32, #tpu.memory_space<hbm>> -> memref<10000x128xf32, #tpu.memory_space<hbm>>
      %dma_start3A_411 = tpu.memref_slice %arg11[%dma_start3A_400] : memref<2x!tpu.dma_semaphore, #tpu.memory_space<semaphore_mem>> -> memref<1x!tpu.dma_semaphore, #tpu.memory_space<semaphore_mem>>
      %dma_start3A_412 = tpu.memref_squeeze %dma_start3A_411 : memref<1x!tpu.dma_semaphore, #tpu.memory_space<semaphore_mem>> -> memref<!tpu.dma_semaphore, #tpu.memory_space<semaphore_mem>>
      tpu.enqueue_indirect_dma source(%dma_start3A_410 : memref<10000x128xf32, #tpu.memory_space<hbm>>) target(%dma_start3A_404 : memref<128x128xf32, #tpu.memory_space<vmem>>) offsets(%dma_start3A_407 : memref<128xi32, #tpu.memory_space<vmem>>) semaphore(%dma_start3A_412 : memref<!tpu.dma_semaphore, #tpu.memory_space<semaphore_mem>>)
      %dma_wait3A_413 = arith.constant 6 : i32
      %dma_wait3A_414 = arith.constant 0 : i32
      %dma_wait3A_415 = arith.constant 0 : i32
      %dma_wait3A_416 = arith.constant 0 : i32
      %dma_wait3A_417 = arith.constant 0 : i32
      %dma_wait3A_418 = tpu.memref_slice %arg9[%dma_wait3A_414, %dma_wait3A_416, %dma_wait3A_417] : memref<2x128x128xf32, #tpu.memory_space<vmem>> -> memref<1x128x128xf32, #tpu.memory_space<vmem>>
      %dma_wait3A_419 = tpu.memref_squeeze %dma_wait3A_418 : memref<1x128x128xf32, #tpu.memory_space<vmem>> -> memref<128x128xf32, #tpu.memory_space<vmem>>
      %dma_wait3A_420 = arith.constant 0 : i32
      %dma_wait3A_421 = tpu.memref_slice %arg7[%rem3A_30, %dma_wait3A_413, %dma_wait3A_420] : memref<2x16x128xi32, #tpu.memory_space<vmem>> -> memref<1x1x128xi32, #tpu.memory_space<vmem>>
      %dma_wait3A_422 = tpu.memref_squeeze %dma_wait3A_421 : memref<1x1x128xi32, #tpu.memory_space<vmem>> -> memref<128xi32, #tpu.memory_space<vmem>>
      %dma_wait3A_423 = arith.constant 0 : i32
      %dma_wait3A_424 = arith.constant 0 : i32
      %dma_wait3A_425 = tpu.memref_slice %arg2[%dma_wait3A_423, %dma_wait3A_424] : memref<10000x128xf32, #tpu.memory_space<hbm>> -> memref<10000x128xf32, #tpu.memory_space<hbm>>
      %dma_wait3A_426 = tpu.memref_slice %arg11[%dma_wait3A_415] : memref<2x!tpu.dma_semaphore, #tpu.memory_space<semaphore_mem>> -> memref<1x!tpu.dma_semaphore, #tpu.memory_space<semaphore_mem>>
      %dma_wait3A_427 = tpu.memref_squeeze %dma_wait3A_426 : memref<1x!tpu.dma_semaphore, #tpu.memory_space<semaphore_mem>> -> memref<!tpu.dma_semaphore, #tpu.memory_space<semaphore_mem>>
      tpu.wait_indirect_dma semaphore(%dma_wait3A_427 : memref<!tpu.dma_semaphore, #tpu.memory_space<semaphore_mem>>) src(%dma_wait3A_425 : memref<10000x128xf32, #tpu.memory_space<hbm>>) dst(%dma_wait3A_419 : memref<128x128xf32, #tpu.memory_space<vmem>>)
      %dma_start3A_428 = arith.constant 0 : i32
      %dma_start3A_429 = arith.constant 6 : i32
      %dma_start3A_430 = arith.constant 0 : i32
      %dma_start3A_431 = arith.constant 0 : i32
      %dma_start3A_432 = arith.constant 0 : i32
      %dma_start3A_433 = tpu.memref_slice %arg9[%dma_start3A_428, %dma_start3A_431, %dma_start3A_432] : memref<2x128x128xf32, #tpu.memory_space<vmem>> -> memref<1x128x128xf32, #tpu.memory_space<vmem>>
      %dma_start3A_434 = tpu.memref_squeeze %dma_start3A_433 : memref<1x128x128xf32, #tpu.memory_space<vmem>> -> memref<128x128xf32, #tpu.memory_space<vmem>>
      %dma_start3A_435 = arith.constant 0 : i32
      %dma_start3A_436 = tpu.memref_slice %arg8[%rem3A_30, %dma_start3A_429, %dma_start3A_435] : memref<2x16x128xi32, #tpu.memory_space<vmem>> -> memref<1x1x128xi32, #tpu.memory_space<vmem>>
      %dma_start3A_437 = tpu.memref_squeeze %dma_start3A_436 : memref<1x1x128xi32, #tpu.memory_space<vmem>> -> memref<128xi32, #tpu.memory_space<vmem>>
      %dma_start3A_438 = arith.constant 0 : i32
      %dma_start3A_439 = arith.constant 0 : i32
      %dma_start3A_440 = tpu.memref_slice %arg10[%dma_start3A_438, %dma_start3A_439] : memref<10112x128xf32, #tpu.memory_space<vmem_shared>> -> memref<10112x128xf32, #tpu.memory_space<vmem_shared>>
      %dma_start3A_441 = tpu.memref_slice %arg13[%dma_start3A_430] : memref<2x!tpu.dma_semaphore, #tpu.memory_space<semaphore_mem>> -> memref<1x!tpu.dma_semaphore, #tpu.memory_space<semaphore_mem>>
      %dma_start3A_442 = tpu.memref_squeeze %dma_start3A_441 : memref<1x!tpu.dma_semaphore, #tpu.memory_space<semaphore_mem>> -> memref<!tpu.dma_semaphore, #tpu.memory_space<semaphore_mem>>
      tpu.enqueue_indirect_dma source(%dma_start3A_434 : memref<128x128xf32, #tpu.memory_space<vmem>>) target(%dma_start3A_440 : memref<10112x128xf32, #tpu.memory_space<vmem_shared>>) offsets(%dma_start3A_437 : memref<128xi32, #tpu.memory_space<vmem>>) semaphore(%dma_start3A_442 : memref<!tpu.dma_semaphore, #tpu.memory_space<semaphore_mem>>) {add = true}
      %dma_wait3A_443 = arith.constant 0 : i32
      %dma_wait3A_444 = arith.constant 6 : i32
      %dma_wait3A_445 = arith.constant 0 : i32
      %dma_wait3A_446 = arith.constant 0 : i32
      %dma_wait3A_447 = arith.constant 0 : i32
      %dma_wait3A_448 = tpu.memref_slice %arg9[%dma_wait3A_443, %dma_wait3A_446, %dma_wait3A_447] : memref<2x128x128xf32, #tpu.memory_space<vmem>> -> memref<1x128x128xf32, #tpu.memory_space<vmem>>
      %dma_wait3A_449 = tpu.memref_squeeze %dma_wait3A_448 : memref<1x128x128xf32, #tpu.memory_space<vmem>> -> memref<128x128xf32, #tpu.memory_space<vmem>>
      %dma_wait3A_450 = arith.constant 0 : i32
      %dma_wait3A_451 = tpu.memref_slice %arg8[%rem3A_30, %dma_wait3A_444, %dma_wait3A_450] : memref<2x16x128xi32, #tpu.memory_space<vmem>> -> memref<1x1x128xi32, #tpu.memory_space<vmem>>
      %dma_wait3A_452 = tpu.memref_squeeze %dma_wait3A_451 : memref<1x1x128xi32, #tpu.memory_space<vmem>> -> memref<128xi32, #tpu.memory_space<vmem>>
      %dma_wait3A_453 = arith.constant 0 : i32
      %dma_wait3A_454 = arith.constant 0 : i32
      %dma_wait3A_455 = tpu.memref_slice %arg10[%dma_wait3A_453, %dma_wait3A_454] : memref<10112x128xf32, #tpu.memory_space<vmem_shared>> -> memref<10112x128xf32, #tpu.memory_space<vmem_shared>>
      %dma_wait3A_456 = tpu.memref_slice %arg13[%dma_wait3A_445] : memref<2x!tpu.dma_semaphore, #tpu.memory_space<semaphore_mem>> -> memref<1x!tpu.dma_semaphore, #tpu.memory_space<semaphore_mem>>
      %dma_wait3A_457 = tpu.memref_squeeze %dma_wait3A_456 : memref<1x!tpu.dma_semaphore, #tpu.memory_space<semaphore_mem>> -> memref<!tpu.dma_semaphore, #tpu.memory_space<semaphore_mem>>
      tpu.wait_indirect_dma semaphore(%dma_wait3A_457 : memref<!tpu.dma_semaphore, #tpu.memory_space<semaphore_mem>>) src(%dma_wait3A_449 : memref<128x128xf32, #tpu.memory_space<vmem>>) dst(%dma_wait3A_455 : memref<10112x128xf32, #tpu.memory_space<vmem_shared>>)
      %dma_start3A_458 = arith.constant 8 : i32
      %dma_start3A_459 = arith.constant 0 : i32
      %dma_start3A_460 = arith.constant 0 : i32
      %dma_start3A_461 = arith.constant 0 : i32
      %dma_start3A_462 = arith.constant 0 : i32
      %dma_start3A_463 = tpu.memref_slice %arg9[%dma_start3A_459, %dma_start3A_461, %dma_start3A_462] : memref<2x128x128xf32, #tpu.memory_space<vmem>> -> memref<1x128x128xf32, #tpu.memory_space<vmem>>
      %dma_start3A_464 = tpu.memref_squeeze %dma_start3A_463 : memref<1x128x128xf32, #tpu.memory_space<vmem>> -> memref<128x128xf32, #tpu.memory_space<vmem>>
      %dma_start3A_465 = arith.constant 0 : i32
      %dma_start3A_466 = tpu.memref_slice %arg7[%rem3A_30, %dma_start3A_458, %dma_start3A_465] : memref<2x16x128xi32, #tpu.memory_space<vmem>> -> memref<1x1x128xi32, #tpu.memory_space<vmem>>
      %dma_start3A_467 = tpu.memref_squeeze %dma_start3A_466 : memref<1x1x128xi32, #tpu.memory_space<vmem>> -> memref<128xi32, #tpu.memory_space<vmem>>
      %dma_start3A_468 = arith.constant 0 : i32
      %dma_start3A_469 = arith.constant 0 : i32
      %dma_start3A_470 = tpu.memref_slice %arg2[%dma_start3A_468, %dma_start3A_469] : memref<10000x128xf32, #tpu.memory_space<hbm>> -> memref<10000x128xf32, #tpu.memory_space<hbm>>
      %dma_start3A_471 = tpu.memref_slice %arg11[%dma_start3A_460] : memref<2x!tpu.dma_semaphore, #tpu.memory_space<semaphore_mem>> -> memref<1x!tpu.dma_semaphore, #tpu.memory_space<semaphore_mem>>
      %dma_start3A_472 = tpu.memref_squeeze %dma_start3A_471 : memref<1x!tpu.dma_semaphore, #tpu.memory_space<semaphore_mem>> -> memref<!tpu.dma_semaphore, #tpu.memory_space<semaphore_mem>>
      tpu.enqueue_indirect_dma source(%dma_start3A_470 : memref<10000x128xf32, #tpu.memory_space<hbm>>) target(%dma_start3A_464 : memref<128x128xf32, #tpu.memory_space<vmem>>) offsets(%dma_start3A_467 : memref<128xi32, #tpu.memory_space<vmem>>) semaphore(%dma_start3A_472 : memref<!tpu.dma_semaphore, #tpu.memory_space<semaphore_mem>>)
      %dma_wait3A_473 = arith.constant 7 : i32
      %dma_wait3A_474 = arith.constant 1 : i32
      %dma_wait3A_475 = arith.constant 1 : i32
      %dma_wait3A_476 = arith.constant 0 : i32
      %dma_wait3A_477 = arith.constant 0 : i32
      %dma_wait3A_478 = tpu.memref_slice %arg9[%dma_wait3A_474, %dma_wait3A_476, %dma_wait3A_477] : memref<2x128x128xf32, #tpu.memory_space<vmem>> -> memref<1x128x128xf32, #tpu.memory_space<vmem>>
      %dma_wait3A_479 = tpu.memref_squeeze %dma_wait3A_478 : memref<1x128x128xf32, #tpu.memory_space<vmem>> -> memref<128x128xf32, #tpu.memory_space<vmem>>
      %dma_wait3A_480 = arith.constant 0 : i32
      %dma_wait3A_481 = tpu.memref_slice %arg7[%rem3A_30, %dma_wait3A_473, %dma_wait3A_480] : memref<2x16x128xi32, #tpu.memory_space<vmem>> -> memref<1x1x128xi32, #tpu.memory_space<vmem>>
      %dma_wait3A_482 = tpu.memref_squeeze %dma_wait3A_481 : memref<1x1x128xi32, #tpu.memory_space<vmem>> -> memref<128xi32, #tpu.memory_space<vmem>>
      %dma_wait3A_483 = arith.constant 0 : i32
      %dma_wait3A_484 = arith.constant 0 : i32
      %dma_wait3A_485 = tpu.memref_slice %arg2[%dma_wait3A_483, %dma_wait3A_484] : memref<10000x128xf32, #tpu.memory_space<hbm>> -> memref<10000x128xf32, #tpu.memory_space<hbm>>
      %dma_wait3A_486 = tpu.memref_slice %arg11[%dma_wait3A_475] : memref<2x!tpu.dma_semaphore, #tpu.memory_space<semaphore_mem>> -> memref<1x!tpu.dma_semaphore, #tpu.memory_space<semaphore_mem>>
      %dma_wait3A_487 = tpu.memref_squeeze %dma_wait3A_486 : memref<1x!tpu.dma_semaphore, #tpu.memory_space<semaphore_mem>> -> memref<!tpu.dma_semaphore, #tpu.memory_space<semaphore_mem>>
      tpu.wait_indirect_dma semaphore(%dma_wait3A_487 : memref<!tpu.dma_semaphore, #tpu.memory_space<semaphore_mem>>) src(%dma_wait3A_485 : memref<10000x128xf32, #tpu.memory_space<hbm>>) dst(%dma_wait3A_479 : memref<128x128xf32, #tpu.memory_space<vmem>>)
      %dma_start3A_488 = arith.constant 1 : i32
      %dma_start3A_489 = arith.constant 7 : i32
      %dma_start3A_490 = arith.constant 1 : i32
      %dma_start3A_491 = arith.constant 0 : i32
      %dma_start3A_492 = arith.constant 0 : i32
      %dma_start3A_493 = tpu.memref_slice %arg9[%dma_start3A_488, %dma_start3A_491, %dma_start3A_492] : memref<2x128x128xf32, #tpu.memory_space<vmem>> -> memref<1x128x128xf32, #tpu.memory_space<vmem>>
      %dma_start3A_494 = tpu.memref_squeeze %dma_start3A_493 : memref<1x128x128xf32, #tpu.memory_space<vmem>> -> memref<128x128xf32, #tpu.memory_space<vmem>>
      %dma_start3A_495 = arith.constant 0 : i32
      %dma_start3A_496 = tpu.memref_slice %arg8[%rem3A_30, %dma_start3A_489, %dma_start3A_495] : memref<2x16x128xi32, #tpu.memory_space<vmem>> -> memref<1x1x128xi32, #tpu.memory_space<vmem>>
      %dma_start3A_497 = tpu.memref_squeeze %dma_start3A_496 : memref<1x1x128xi32, #tpu.memory_space<vmem>> -> memref<128xi32, #tpu.memory_space<vmem>>
      %dma_start3A_498 = arith.constant 0 : i32
      %dma_start3A_499 = arith.constant 0 : i32
      %dma_start3A_500 = tpu.memref_slice %arg10[%dma_start3A_498, %dma_start3A_499] : memref<10112x128xf32, #tpu.memory_space<vmem_shared>> -> memref<10112x128xf32, #tpu.memory_space<vmem_shared>>
      %dma_start3A_501 = tpu.memref_slice %arg13[%dma_start3A_490] : memref<2x!tpu.dma_semaphore, #tpu.memory_space<semaphore_mem>> -> memref<1x!tpu.dma_semaphore, #tpu.memory_space<semaphore_mem>>
      %dma_start3A_502 = tpu.memref_squeeze %dma_start3A_501 : memref<1x!tpu.dma_semaphore, #tpu.memory_space<semaphore_mem>> -> memref<!tpu.dma_semaphore, #tpu.memory_space<semaphore_mem>>
      tpu.enqueue_indirect_dma source(%dma_start3A_494 : memref<128x128xf32, #tpu.memory_space<vmem>>) target(%dma_start3A_500 : memref<10112x128xf32, #tpu.memory_space<vmem_shared>>) offsets(%dma_start3A_497 : memref<128xi32, #tpu.memory_space<vmem>>) semaphore(%dma_start3A_502 : memref<!tpu.dma_semaphore, #tpu.memory_space<semaphore_mem>>) {add = true}
      %dma_wait3A_503 = arith.constant 1 : i32
      %dma_wait3A_504 = arith.constant 7 : i32
      %dma_wait3A_505 = arith.constant 1 : i32
      %dma_wait3A_506 = arith.constant 0 : i32
      %dma_wait3A_507 = arith.constant 0 : i32
      %dma_wait3A_508 = tpu.memref_slice %arg9[%dma_wait3A_503, %dma_wait3A_506, %dma_wait3A_507] : memref<2x128x128xf32, #tpu.memory_space<vmem>> -> memref<1x128x128xf32, #tpu.memory_space<vmem>>
      %dma_wait3A_509 = tpu.memref_squeeze %dma_wait3A_508 : memref<1x128x128xf32, #tpu.memory_space<vmem>> -> memref<128x128xf32, #tpu.memory_space<vmem>>
      %dma_wait3A_510 = arith.constant 0 : i32
      %dma_wait3A_511 = tpu.memref_slice %arg8[%rem3A_30, %dma_wait3A_504, %dma_wait3A_510] : memref<2x16x128xi32, #tpu.memory_space<vmem>> -> memref<1x1x128xi32, #tpu.memory_space<vmem>>
      %dma_wait3A_512 = tpu.memref_squeeze %dma_wait3A_511 : memref<1x1x128xi32, #tpu.memory_space<vmem>> -> memref<128xi32, #tpu.memory_space<vmem>>
      %dma_wait3A_513 = arith.constant 0 : i32
      %dma_wait3A_514 = arith.constant 0 : i32
      %dma_wait3A_515 = tpu.memref_slice %arg10[%dma_wait3A_513, %dma_wait3A_514] : memref<10112x128xf32, #tpu.memory_space<vmem_shared>> -> memref<10112x128xf32, #tpu.memory_space<vmem_shared>>
      %dma_wait3A_516 = tpu.memref_slice %arg13[%dma_wait3A_505] : memref<2x!tpu.dma_semaphore, #tpu.memory_space<semaphore_mem>> -> memref<1x!tpu.dma_semaphore, #tpu.memory_space<semaphore_mem>>
      %dma_wait3A_517 = tpu.memref_squeeze %dma_wait3A_516 : memref<1x!tpu.dma_semaphore, #tpu.memory_space<semaphore_mem>> -> memref<!tpu.dma_semaphore, #tpu.memory_space<semaphore_mem>>
      tpu.wait_indirect_dma semaphore(%dma_wait3A_517 : memref<!tpu.dma_semaphore, #tpu.memory_space<semaphore_mem>>) src(%dma_wait3A_509 : memref<128x128xf32, #tpu.memory_space<vmem>>) dst(%dma_wait3A_515 : memref<10112x128xf32, #tpu.memory_space<vmem_shared>>)
      %dma_start3A_518 = arith.constant 9 : i32
      %dma_start3A_519 = arith.constant 1 : i32
      %dma_start3A_520 = arith.constant 1 : i32
      %dma_start3A_521 = arith.constant 0 : i32
      %dma_start3A_522 = arith.constant 0 : i32
      %dma_start3A_523 = tpu.memref_slice %arg9[%dma_start3A_519, %dma_start3A_521, %dma_start3A_522] : memref<2x128x128xf32, #tpu.memory_space<vmem>> -> memref<1x128x128xf32, #tpu.memory_space<vmem>>
      %dma_start3A_524 = tpu.memref_squeeze %dma_start3A_523 : memref<1x128x128xf32, #tpu.memory_space<vmem>> -> memref<128x128xf32, #tpu.memory_space<vmem>>
      %dma_start3A_525 = arith.constant 0 : i32
      %dma_start3A_526 = tpu.memref_slice %arg7[%rem3A_30, %dma_start3A_518, %dma_start3A_525] : memref<2x16x128xi32, #tpu.memory_space<vmem>> -> memref<1x1x128xi32, #tpu.memory_space<vmem>>
      %dma_start3A_527 = tpu.memref_squeeze %dma_start3A_526 : memref<1x1x128xi32, #tpu.memory_space<vmem>> -> memref<128xi32, #tpu.memory_space<vmem>>
      %dma_start3A_528 = arith.constant 0 : i32
      %dma_start3A_529 = arith.constant 0 : i32
      %dma_start3A_530 = tpu.memref_slice %arg2[%dma_start3A_528, %dma_start3A_529] : memref<10000x128xf32, #tpu.memory_space<hbm>> -> memref<10000x128xf32, #tpu.memory_space<hbm>>
      %dma_start3A_531 = tpu.memref_slice %arg11[%dma_start3A_520] : memref<2x!tpu.dma_semaphore, #tpu.memory_space<semaphore_mem>> -> memref<1x!tpu.dma_semaphore, #tpu.memory_space<semaphore_mem>>
      %dma_start3A_532 = tpu.memref_squeeze %dma_start3A_531 : memref<1x!tpu.dma_semaphore, #tpu.memory_space<semaphore_mem>> -> memref<!tpu.dma_semaphore, #tpu.memory_space<semaphore_mem>>
      tpu.enqueue_indirect_dma source(%dma_start3A_530 : memref<10000x128xf32, #tpu.memory_space<hbm>>) target(%dma_start3A_524 : memref<128x128xf32, #tpu.memory_space<vmem>>) offsets(%dma_start3A_527 : memref<128xi32, #tpu.memory_space<vmem>>) semaphore(%dma_start3A_532 : memref<!tpu.dma_semaphore, #tpu.memory_space<semaphore_mem>>)
      %dma_wait3A_533 = arith.constant 8 : i32
      %dma_wait3A_534 = arith.constant 0 : i32
      %dma_wait3A_535 = arith.constant 0 : i32
      %dma_wait3A_536 = arith.constant 0 : i32
      %dma_wait3A_537 = arith.constant 0 : i32
      %dma_wait3A_538 = tpu.memref_slice %arg9[%dma_wait3A_534, %dma_wait3A_536, %dma_wait3A_537] : memref<2x128x128xf32, #tpu.memory_space<vmem>> -> memref<1x128x128xf32, #tpu.memory_space<vmem>>
      %dma_wait3A_539 = tpu.memref_squeeze %dma_wait3A_538 : memref<1x128x128xf32, #tpu.memory_space<vmem>> -> memref<128x128xf32, #tpu.memory_space<vmem>>
      %dma_wait3A_540 = arith.constant 0 : i32
      %dma_wait3A_541 = tpu.memref_slice %arg7[%rem3A_30, %dma_wait3A_533, %dma_wait3A_540] : memref<2x16x128xi32, #tpu.memory_space<vmem>> -> memref<1x1x128xi32, #tpu.memory_space<vmem>>
      %dma_wait3A_542 = tpu.memref_squeeze %dma_wait3A_541 : memref<1x1x128xi32, #tpu.memory_space<vmem>> -> memref<128xi32, #tpu.memory_space<vmem>>
      %dma_wait3A_543 = arith.constant 0 : i32
      %dma_wait3A_544 = arith.constant 0 : i32
      %dma_wait3A_545 = tpu.memref_slice %arg2[%dma_wait3A_543, %dma_wait3A_544] : memref<10000x128xf32, #tpu.memory_space<hbm>> -> memref<10000x128xf32, #tpu.memory_space<hbm>>
      %dma_wait3A_546 = tpu.memref_slice %arg11[%dma_wait3A_535] : memref<2x!tpu.dma_semaphore, #tpu.memory_space<semaphore_mem>> -> memref<1x!tpu.dma_semaphore, #tpu.memory_space<semaphore_mem>>
      %dma_wait3A_547 = tpu.memref_squeeze %dma_wait3A_546 : memref<1x!tpu.dma_semaphore, #tpu.memory_space<semaphore_mem>> -> memref<!tpu.dma_semaphore, #tpu.memory_space<semaphore_mem>>
      tpu.wait_indirect_dma semaphore(%dma_wait3A_547 : memref<!tpu.dma_semaphore, #tpu.memory_space<semaphore_mem>>) src(%dma_wait3A_545 : memref<10000x128xf32, #tpu.memory_space<hbm>>) dst(%dma_wait3A_539 : memref<128x128xf32, #tpu.memory_space<vmem>>)
      %dma_start3A_548 = arith.constant 0 : i32
      %dma_start3A_549 = arith.constant 8 : i32
      %dma_start3A_550 = arith.constant 0 : i32
      %dma_start3A_551 = arith.constant 0 : i32
      %dma_start3A_552 = arith.constant 0 : i32
      %dma_start3A_553 = tpu.memref_slice %arg9[%dma_start3A_548, %dma_start3A_551, %dma_start3A_552] : memref<2x128x128xf32, #tpu.memory_space<vmem>> -> memref<1x128x128xf32, #tpu.memory_space<vmem>>
      %dma_start3A_554 = tpu.memref_squeeze %dma_start3A_553 : memref<1x128x128xf32, #tpu.memory_space<vmem>> -> memref<128x128xf32, #tpu.memory_space<vmem>>
      %dma_start3A_555 = arith.constant 0 : i32
      %dma_start3A_556 = tpu.memref_slice %arg8[%rem3A_30, %dma_start3A_549, %dma_start3A_555] : memref<2x16x128xi32, #tpu.memory_space<vmem>> -> memref<1x1x128xi32, #tpu.memory_space<vmem>>
      %dma_start3A_557 = tpu.memref_squeeze %dma_start3A_556 : memref<1x1x128xi32, #tpu.memory_space<vmem>> -> memref<128xi32, #tpu.memory_space<vmem>>
      %dma_start3A_558 = arith.constant 0 : i32
      %dma_start3A_559 = arith.constant 0 : i32
      %dma_start3A_560 = tpu.memref_slice %arg10[%dma_start3A_558, %dma_start3A_559] : memref<10112x128xf32, #tpu.memory_space<vmem_shared>> -> memref<10112x128xf32, #tpu.memory_space<vmem_shared>>
      %dma_start3A_561 = tpu.memref_slice %arg13[%dma_start3A_550] : memref<2x!tpu.dma_semaphore, #tpu.memory_space<semaphore_mem>> -> memref<1x!tpu.dma_semaphore, #tpu.memory_space<semaphore_mem>>
      %dma_start3A_562 = tpu.memref_squeeze %dma_start3A_561 : memref<1x!tpu.dma_semaphore, #tpu.memory_space<semaphore_mem>> -> memref<!tpu.dma_semaphore, #tpu.memory_space<semaphore_mem>>
      tpu.enqueue_indirect_dma source(%dma_start3A_554 : memref<128x128xf32, #tpu.memory_space<vmem>>) target(%dma_start3A_560 : memref<10112x128xf32, #tpu.memory_space<vmem_shared>>) offsets(%dma_start3A_557 : memref<128xi32, #tpu.memory_space<vmem>>) semaphore(%dma_start3A_562 : memref<!tpu.dma_semaphore, #tpu.memory_space<semaphore_mem>>) {add = true}
      %dma_wait3A_563 = arith.constant 0 : i32
      %dma_wait3A_564 = arith.constant 8 : i32
      %dma_wait3A_565 = arith.constant 0 : i32
      %dma_wait3A_566 = arith.constant 0 : i32
      %dma_wait3A_567 = arith.constant 0 : i32
      %dma_wait3A_568 = tpu.memref_slice %arg9[%dma_wait3A_563, %dma_wait3A_566, %dma_wait3A_567] : memref<2x128x128xf32, #tpu.memory_space<vmem>> -> memref<1x128x128xf32, #tpu.memory_space<vmem>>
      %dma_wait3A_569 = tpu.memref_squeeze %dma_wait3A_568 : memref<1x128x128xf32, #tpu.memory_space<vmem>> -> memref<128x128xf32, #tpu.memory_space<vmem>>
      %dma_wait3A_570 = arith.constant 0 : i32
      %dma_wait3A_571 = tpu.memref_slice %arg8[%rem3A_30, %dma_wait3A_564, %dma_wait3A_570] : memref<2x16x128xi32, #tpu.memory_space<vmem>> -> memref<1x1x128xi32, #tpu.memory_space<vmem>>
      %dma_wait3A_572 = tpu.memref_squeeze %dma_wait3A_571 : memref<1x1x128xi32, #tpu.memory_space<vmem>> -> memref<128xi32, #tpu.memory_space<vmem>>
      %dma_wait3A_573 = arith.constant 0 : i32
      %dma_wait3A_574 = arith.constant 0 : i32
      %dma_wait3A_575 = tpu.memref_slice %arg10[%dma_wait3A_573, %dma_wait3A_574] : memref<10112x128xf32, #tpu.memory_space<vmem_shared>> -> memref<10112x128xf32, #tpu.memory_space<vmem_shared>>
      %dma_wait3A_576 = tpu.memref_slice %arg13[%dma_wait3A_565] : memref<2x!tpu.dma_semaphore, #tpu.memory_space<semaphore_mem>> -> memref<1x!tpu.dma_semaphore, #tpu.memory_space<semaphore_mem>>
      %dma_wait3A_577 = tpu.memref_squeeze %dma_wait3A_576 : memref<1x!tpu.dma_semaphore, #tpu.memory_space<semaphore_mem>> -> memref<!tpu.dma_semaphore, #tpu.memory_space<semaphore_mem>>
      tpu.wait_indirect_dma semaphore(%dma_wait3A_577 : memref<!tpu.dma_semaphore, #tpu.memory_space<semaphore_mem>>) src(%dma_wait3A_569 : memref<128x128xf32, #tpu.memory_space<vmem>>) dst(%dma_wait3A_575 : memref<10112x128xf32, #tpu.memory_space<vmem_shared>>)
      %dma_start3A_578 = arith.constant 10 : i32
      %dma_start3A_579 = arith.constant 0 : i32
      %dma_start3A_580 = arith.constant 0 : i32
      %dma_start3A_581 = arith.constant 0 : i32
      %dma_start3A_582 = arith.constant 0 : i32
      %dma_start3A_583 = tpu.memref_slice %arg9[%dma_start3A_579, %dma_start3A_581, %dma_start3A_582] : memref<2x128x128xf32, #tpu.memory_space<vmem>> -> memref<1x128x128xf32, #tpu.memory_space<vmem>>
      %dma_start3A_584 = tpu.memref_squeeze %dma_start3A_583 : memref<1x128x128xf32, #tpu.memory_space<vmem>> -> memref<128x128xf32, #tpu.memory_space<vmem>>
      %dma_start3A_585 = arith.constant 0 : i32
      %dma_start3A_586 = tpu.memref_slice %arg7[%rem3A_30, %dma_start3A_578, %dma_start3A_585] : memref<2x16x128xi32, #tpu.memory_space<vmem>> -> memref<1x1x128xi32, #tpu.memory_space<vmem>>
      %dma_start3A_587 = tpu.memref_squeeze %dma_start3A_586 : memref<1x1x128xi32, #tpu.memory_space<vmem>> -> memref<128xi32, #tpu.memory_space<vmem>>
      %dma_start3A_588 = arith.constant 0 : i32
      %dma_start3A_589 = arith.constant 0 : i32
      %dma_start3A_590 = tpu.memref_slice %arg2[%dma_start3A_588, %dma_start3A_589] : memref<10000x128xf32, #tpu.memory_space<hbm>> -> memref<10000x128xf32, #tpu.memory_space<hbm>>
      %dma_start3A_591 = tpu.memref_slice %arg11[%dma_start3A_580] : memref<2x!tpu.dma_semaphore, #tpu.memory_space<semaphore_mem>> -> memref<1x!tpu.dma_semaphore, #tpu.memory_space<semaphore_mem>>
      %dma_start3A_592 = tpu.memref_squeeze %dma_start3A_591 : memref<1x!tpu.dma_semaphore, #tpu.memory_space<semaphore_mem>> -> memref<!tpu.dma_semaphore, #tpu.memory_space<semaphore_mem>>
      tpu.enqueue_indirect_dma source(%dma_start3A_590 : memref<10000x128xf32, #tpu.memory_space<hbm>>) target(%dma_start3A_584 : memref<128x128xf32, #tpu.memory_space<vmem>>) offsets(%dma_start3A_587 : memref<128xi32, #tpu.memory_space<vmem>>) semaphore(%dma_start3A_592 : memref<!tpu.dma_semaphore, #tpu.memory_space<semaphore_mem>>)
      %dma_wait3A_593 = arith.constant 9 : i32
      %dma_wait3A_594 = arith.constant 1 : i32
      %dma_wait3A_595 = arith.constant 1 : i32
      %dma_wait3A_596 = arith.constant 0 : i32
      %dma_wait3A_597 = arith.constant 0 : i32
      %dma_wait3A_598 = tpu.memref_slice %arg9[%dma_wait3A_594, %dma_wait3A_596, %dma_wait3A_597] : memref<2x128x128xf32, #tpu.memory_space<vmem>> -> memref<1x128x128xf32, #tpu.memory_space<vmem>>
      %dma_wait3A_599 = tpu.memref_squeeze %dma_wait3A_598 : memref<1x128x128xf32, #tpu.memory_space<vmem>> -> memref<128x128xf32, #tpu.memory_space<vmem>>
      %dma_wait3A_600 = arith.constant 0 : i32
      %dma_wait3A_601 = tpu.memref_slice %arg7[%rem3A_30, %dma_wait3A_593, %dma_wait3A_600] : memref<2x16x128xi32, #tpu.memory_space<vmem>> -> memref<1x1x128xi32, #tpu.memory_space<vmem>>
      %dma_wait3A_602 = tpu.memref_squeeze %dma_wait3A_601 : memref<1x1x128xi32, #tpu.memory_space<vmem>> -> memref<128xi32, #tpu.memory_space<vmem>>
      %dma_wait3A_603 = arith.constant 0 : i32
      %dma_wait3A_604 = arith.constant 0 : i32
      %dma_wait3A_605 = tpu.memref_slice %arg2[%dma_wait3A_603, %dma_wait3A_604] : memref<10000x128xf32, #tpu.memory_space<hbm>> -> memref<10000x128xf32, #tpu.memory_space<hbm>>
      %dma_wait3A_606 = tpu.memref_slice %arg11[%dma_wait3A_595] : memref<2x!tpu.dma_semaphore, #tpu.memory_space<semaphore_mem>> -> memref<1x!tpu.dma_semaphore, #tpu.memory_space<semaphore_mem>>
      %dma_wait3A_607 = tpu.memref_squeeze %dma_wait3A_606 : memref<1x!tpu.dma_semaphore, #tpu.memory_space<semaphore_mem>> -> memref<!tpu.dma_semaphore, #tpu.memory_space<semaphore_mem>>
      tpu.wait_indirect_dma semaphore(%dma_wait3A_607 : memref<!tpu.dma_semaphore, #tpu.memory_space<semaphore_mem>>) src(%dma_wait3A_605 : memref<10000x128xf32, #tpu.memory_space<hbm>>) dst(%dma_wait3A_599 : memref<128x128xf32, #tpu.memory_space<vmem>>)
      %dma_start3A_608 = arith.constant 1 : i32
      %dma_start3A_609 = arith.constant 9 : i32
      %dma_start3A_610 = arith.constant 1 : i32
      %dma_start3A_611 = arith.constant 0 : i32
      %dma_start3A_612 = arith.constant 0 : i32
      %dma_start3A_613 = tpu.memref_slice %arg9[%dma_start3A_608, %dma_start3A_611, %dma_start3A_612] : memref<2x128x128xf32, #tpu.memory_space<vmem>> -> memref<1x128x128xf32, #tpu.memory_space<vmem>>
      %dma_start3A_614 = tpu.memref_squeeze %dma_start3A_613 : memref<1x128x128xf32, #tpu.memory_space<vmem>> -> memref<128x128xf32, #tpu.memory_space<vmem>>
      %dma_start3A_615 = arith.constant 0 : i32
      %dma_start3A_616 = tpu.memref_slice %arg8[%rem3A_30, %dma_start3A_609, %dma_start3A_615] : memref<2x16x128xi32, #tpu.memory_space<vmem>> -> memref<1x1x128xi32, #tpu.memory_space<vmem>>
      %dma_start3A_617 = tpu.memref_squeeze %dma_start3A_616 : memref<1x1x128xi32, #tpu.memory_space<vmem>> -> memref<128xi32, #tpu.memory_space<vmem>>
      %dma_start3A_618 = arith.constant 0 : i32
      %dma_start3A_619 = arith.constant 0 : i32
      %dma_start3A_620 = tpu.memref_slice %arg10[%dma_start3A_618, %dma_start3A_619] : memref<10112x128xf32, #tpu.memory_space<vmem_shared>> -> memref<10112x128xf32, #tpu.memory_space<vmem_shared>>
      %dma_start3A_621 = tpu.memref_slice %arg13[%dma_start3A_610] : memref<2x!tpu.dma_semaphore, #tpu.memory_space<semaphore_mem>> -> memref<1x!tpu.dma_semaphore, #tpu.memory_space<semaphore_mem>>
      %dma_start3A_622 = tpu.memref_squeeze %dma_start3A_621 : memref<1x!tpu.dma_semaphore, #tpu.memory_space<semaphore_mem>> -> memref<!tpu.dma_semaphore, #tpu.memory_space<semaphore_mem>>
      tpu.enqueue_indirect_dma source(%dma_start3A_614 : memref<128x128xf32, #tpu.memory_space<vmem>>) target(%dma_start3A_620 : memref<10112x128xf32, #tpu.memory_space<vmem_shared>>) offsets(%dma_start3A_617 : memref<128xi32, #tpu.memory_space<vmem>>) semaphore(%dma_start3A_622 : memref<!tpu.dma_semaphore, #tpu.memory_space<semaphore_mem>>) {add = true}
      %dma_wait3A_623 = arith.constant 1 : i32
      %dma_wait3A_624 = arith.constant 9 : i32
      %dma_wait3A_625 = arith.constant 1 : i32
      %dma_wait3A_626 = arith.constant 0 : i32
      %dma_wait3A_627 = arith.constant 0 : i32
      %dma_wait3A_628 = tpu.memref_slice %arg9[%dma_wait3A_623, %dma_wait3A_626, %dma_wait3A_627] : memref<2x128x128xf32, #tpu.memory_space<vmem>> -> memref<1x128x128xf32, #tpu.memory_space<vmem>>
      %dma_wait3A_629 = tpu.memref_squeeze %dma_wait3A_628 : memref<1x128x128xf32, #tpu.memory_space<vmem>> -> memref<128x128xf32, #tpu.memory_space<vmem>>
      %dma_wait3A_630 = arith.constant 0 : i32
      %dma_wait3A_631 = tpu.memref_slice %arg8[%rem3A_30, %dma_wait3A_624, %dma_wait3A_630] : memref<2x16x128xi32, #tpu.memory_space<vmem>> -> memref<1x1x128xi32, #tpu.memory_space<vmem>>
      %dma_wait3A_632 = tpu.memref_squeeze %dma_wait3A_631 : memref<1x1x128xi32, #tpu.memory_space<vmem>> -> memref<128xi32, #tpu.memory_space<vmem>>
      %dma_wait3A_633 = arith.constant 0 : i32
      %dma_wait3A_634 = arith.constant 0 : i32
      %dma_wait3A_635 = tpu.memref_slice %arg10[%dma_wait3A_633, %dma_wait3A_634] : memref<10112x128xf32, #tpu.memory_space<vmem_shared>> -> memref<10112x128xf32, #tpu.memory_space<vmem_shared>>
      %dma_wait3A_636 = tpu.memref_slice %arg13[%dma_wait3A_625] : memref<2x!tpu.dma_semaphore, #tpu.memory_space<semaphore_mem>> -> memref<1x!tpu.dma_semaphore, #tpu.memory_space<semaphore_mem>>
      %dma_wait3A_637 = tpu.memref_squeeze %dma_wait3A_636 : memref<1x!tpu.dma_semaphore, #tpu.memory_space<semaphore_mem>> -> memref<!tpu.dma_semaphore, #tpu.memory_space<semaphore_mem>>
      tpu.wait_indirect_dma semaphore(%dma_wait3A_637 : memref<!tpu.dma_semaphore, #tpu.memory_space<semaphore_mem>>) src(%dma_wait3A_629 : memref<128x128xf32, #tpu.memory_space<vmem>>) dst(%dma_wait3A_635 : memref<10112x128xf32, #tpu.memory_space<vmem_shared>>)
      %dma_start3A_638 = arith.constant 11 : i32
      %dma_start3A_639 = arith.constant 1 : i32
      %dma_start3A_640 = arith.constant 1 : i32
      %dma_start3A_641 = arith.constant 0 : i32
      %dma_start3A_642 = arith.constant 0 : i32
      %dma_start3A_643 = tpu.memref_slice %arg9[%dma_start3A_639, %dma_start3A_641, %dma_start3A_642] : memref<2x128x128xf32, #tpu.memory_space<vmem>> -> memref<1x128x128xf32, #tpu.memory_space<vmem>>
      %dma_start3A_644 = tpu.memref_squeeze %dma_start3A_643 : memref<1x128x128xf32, #tpu.memory_space<vmem>> -> memref<128x128xf32, #tpu.memory_space<vmem>>
      %dma_start3A_645 = arith.constant 0 : i32
      %dma_start3A_646 = tpu.memref_slice %arg7[%rem3A_30, %dma_start3A_638, %dma_start3A_645] : memref<2x16x128xi32, #tpu.memory_space<vmem>> -> memref<1x1x128xi32, #tpu.memory_space<vmem>>
      %dma_start3A_647 = tpu.memref_squeeze %dma_start3A_646 : memref<1x1x128xi32, #tpu.memory_space<vmem>> -> memref<128xi32, #tpu.memory_space<vmem>>
      %dma_start3A_648 = arith.constant 0 : i32
      %dma_start3A_649 = arith.constant 0 : i32
      %dma_start3A_650 = tpu.memref_slice %arg2[%dma_start3A_648, %dma_start3A_649] : memref<10000x128xf32, #tpu.memory_space<hbm>> -> memref<10000x128xf32, #tpu.memory_space<hbm>>
      %dma_start3A_651 = tpu.memref_slice %arg11[%dma_start3A_640] : memref<2x!tpu.dma_semaphore, #tpu.memory_space<semaphore_mem>> -> memref<1x!tpu.dma_semaphore, #tpu.memory_space<semaphore_mem>>
      %dma_start3A_652 = tpu.memref_squeeze %dma_start3A_651 : memref<1x!tpu.dma_semaphore, #tpu.memory_space<semaphore_mem>> -> memref<!tpu.dma_semaphore, #tpu.memory_space<semaphore_mem>>
      tpu.enqueue_indirect_dma source(%dma_start3A_650 : memref<10000x128xf32, #tpu.memory_space<hbm>>) target(%dma_start3A_644 : memref<128x128xf32, #tpu.memory_space<vmem>>) offsets(%dma_start3A_647 : memref<128xi32, #tpu.memory_space<vmem>>) semaphore(%dma_start3A_652 : memref<!tpu.dma_semaphore, #tpu.memory_space<semaphore_mem>>)
      %dma_wait3A_653 = arith.constant 10 : i32
      %dma_wait3A_654 = arith.constant 0 : i32
      %dma_wait3A_655 = arith.constant 0 : i32
      %dma_wait3A_656 = arith.constant 0 : i32
      %dma_wait3A_657 = arith.constant 0 : i32
      %dma_wait3A_658 = tpu.memref_slice %arg9[%dma_wait3A_654, %dma_wait3A_656, %dma_wait3A_657] : memref<2x128x128xf32, #tpu.memory_space<vmem>> -> memref<1x128x128xf32, #tpu.memory_space<vmem>>
      %dma_wait3A_659 = tpu.memref_squeeze %dma_wait3A_658 : memref<1x128x128xf32, #tpu.memory_space<vmem>> -> memref<128x128xf32, #tpu.memory_space<vmem>>
      %dma_wait3A_660 = arith.constant 0 : i32
      %dma_wait3A_661 = tpu.memref_slice %arg7[%rem3A_30, %dma_wait3A_653, %dma_wait3A_660] : memref<2x16x128xi32, #tpu.memory_space<vmem>> -> memref<1x1x128xi32, #tpu.memory_space<vmem>>
      %dma_wait3A_662 = tpu.memref_squeeze %dma_wait3A_661 : memref<1x1x128xi32, #tpu.memory_space<vmem>> -> memref<128xi32, #tpu.memory_space<vmem>>
      %dma_wait3A_663 = arith.constant 0 : i32
      %dma_wait3A_664 = arith.constant 0 : i32
      %dma_wait3A_665 = tpu.memref_slice %arg2[%dma_wait3A_663, %dma_wait3A_664] : memref<10000x128xf32, #tpu.memory_space<hbm>> -> memref<10000x128xf32, #tpu.memory_space<hbm>>
      %dma_wait3A_666 = tpu.memref_slice %arg11[%dma_wait3A_655] : memref<2x!tpu.dma_semaphore, #tpu.memory_space<semaphore_mem>> -> memref<1x!tpu.dma_semaphore, #tpu.memory_space<semaphore_mem>>
      %dma_wait3A_667 = tpu.memref_squeeze %dma_wait3A_666 : memref<1x!tpu.dma_semaphore, #tpu.memory_space<semaphore_mem>> -> memref<!tpu.dma_semaphore, #tpu.memory_space<semaphore_mem>>
      tpu.wait_indirect_dma semaphore(%dma_wait3A_667 : memref<!tpu.dma_semaphore, #tpu.memory_space<semaphore_mem>>) src(%dma_wait3A_665 : memref<10000x128xf32, #tpu.memory_space<hbm>>) dst(%dma_wait3A_659 : memref<128x128xf32, #tpu.memory_space<vmem>>)
      %dma_start3A_668 = arith.constant 0 : i32
      %dma_start3A_669 = arith.constant 10 : i32
      %dma_start3A_670 = arith.constant 0 : i32
      %dma_start3A_671 = arith.constant 0 : i32
      %dma_start3A_672 = arith.constant 0 : i32
      %dma_start3A_673 = tpu.memref_slice %arg9[%dma_start3A_668, %dma_start3A_671, %dma_start3A_672] : memref<2x128x128xf32, #tpu.memory_space<vmem>> -> memref<1x128x128xf32, #tpu.memory_space<vmem>>
      %dma_start3A_674 = tpu.memref_squeeze %dma_start3A_673 : memref<1x128x128xf32, #tpu.memory_space<vmem>> -> memref<128x128xf32, #tpu.memory_space<vmem>>
      %dma_start3A_675 = arith.constant 0 : i32
      %dma_start3A_676 = tpu.memref_slice %arg8[%rem3A_30, %dma_start3A_669, %dma_start3A_675] : memref<2x16x128xi32, #tpu.memory_space<vmem>> -> memref<1x1x128xi32, #tpu.memory_space<vmem>>
      %dma_start3A_677 = tpu.memref_squeeze %dma_start3A_676 : memref<1x1x128xi32, #tpu.memory_space<vmem>> -> memref<128xi32, #tpu.memory_space<vmem>>
      %dma_start3A_678 = arith.constant 0 : i32
      %dma_start3A_679 = arith.constant 0 : i32
      %dma_start3A_680 = tpu.memref_slice %arg10[%dma_start3A_678, %dma_start3A_679] : memref<10112x128xf32, #tpu.memory_space<vmem_shared>> -> memref<10112x128xf32, #tpu.memory_space<vmem_shared>>
      %dma_start3A_681 = tpu.memref_slice %arg13[%dma_start3A_670] : memref<2x!tpu.dma_semaphore, #tpu.memory_space<semaphore_mem>> -> memref<1x!tpu.dma_semaphore, #tpu.memory_space<semaphore_mem>>
      %dma_start3A_682 = tpu.memref_squeeze %dma_start3A_681 : memref<1x!tpu.dma_semaphore, #tpu.memory_space<semaphore_mem>> -> memref<!tpu.dma_semaphore, #tpu.memory_space<semaphore_mem>>
      tpu.enqueue_indirect_dma source(%dma_start3A_674 : memref<128x128xf32, #tpu.memory_space<vmem>>) target(%dma_start3A_680 : memref<10112x128xf32, #tpu.memory_space<vmem_shared>>) offsets(%dma_start3A_677 : memref<128xi32, #tpu.memory_space<vmem>>) semaphore(%dma_start3A_682 : memref<!tpu.dma_semaphore, #tpu.memory_space<semaphore_mem>>) {add = true}
      %dma_wait3A_683 = arith.constant 0 : i32
      %dma_wait3A_684 = arith.constant 10 : i32
      %dma_wait3A_685 = arith.constant 0 : i32
      %dma_wait3A_686 = arith.constant 0 : i32
      %dma_wait3A_687 = arith.constant 0 : i32
      %dma_wait3A_688 = tpu.memref_slice %arg9[%dma_wait3A_683, %dma_wait3A_686, %dma_wait3A_687] : memref<2x128x128xf32, #tpu.memory_space<vmem>> -> memref<1x128x128xf32, #tpu.memory_space<vmem>>
      %dma_wait3A_689 = tpu.memref_squeeze %dma_wait3A_688 : memref<1x128x128xf32, #tpu.memory_space<vmem>> -> memref<128x128xf32, #tpu.memory_space<vmem>>
      %dma_wait3A_690 = arith.constant 0 : i32
      %dma_wait3A_691 = tpu.memref_slice %arg8[%rem3A_30, %dma_wait3A_684, %dma_wait3A_690] : memref<2x16x128xi32, #tpu.memory_space<vmem>> -> memref<1x1x128xi32, #tpu.memory_space<vmem>>
      %dma_wait3A_692 = tpu.memref_squeeze %dma_wait3A_691 : memref<1x1x128xi32, #tpu.memory_space<vmem>> -> memref<128xi32, #tpu.memory_space<vmem>>
      %dma_wait3A_693 = arith.constant 0 : i32
      %dma_wait3A_694 = arith.constant 0 : i32
      %dma_wait3A_695 = tpu.memref_slice %arg10[%dma_wait3A_693, %dma_wait3A_694] : memref<10112x128xf32, #tpu.memory_space<vmem_shared>> -> memref<10112x128xf32, #tpu.memory_space<vmem_shared>>
      %dma_wait3A_696 = tpu.memref_slice %arg13[%dma_wait3A_685] : memref<2x!tpu.dma_semaphore, #tpu.memory_space<semaphore_mem>> -> memref<1x!tpu.dma_semaphore, #tpu.memory_space<semaphore_mem>>
      %dma_wait3A_697 = tpu.memref_squeeze %dma_wait3A_696 : memref<1x!tpu.dma_semaphore, #tpu.memory_space<semaphore_mem>> -> memref<!tpu.dma_semaphore, #tpu.memory_space<semaphore_mem>>
      tpu.wait_indirect_dma semaphore(%dma_wait3A_697 : memref<!tpu.dma_semaphore, #tpu.memory_space<semaphore_mem>>) src(%dma_wait3A_689 : memref<128x128xf32, #tpu.memory_space<vmem>>) dst(%dma_wait3A_695 : memref<10112x128xf32, #tpu.memory_space<vmem_shared>>)
      %dma_start3A_698 = arith.constant 12 : i32
      %dma_start3A_699 = arith.constant 0 : i32
      %dma_start3A_700 = arith.constant 0 : i32
      %dma_start3A_701 = arith.constant 0 : i32
      %dma_start3A_702 = arith.constant 0 : i32
      %dma_start3A_703 = tpu.memref_slice %arg9[%dma_start3A_699, %dma_start3A_701, %dma_start3A_702] : memref<2x128x128xf32, #tpu.memory_space<vmem>> -> memref<1x128x128xf32, #tpu.memory_space<vmem>>
      %dma_start3A_704 = tpu.memref_squeeze %dma_start3A_703 : memref<1x128x128xf32, #tpu.memory_space<vmem>> -> memref<128x128xf32, #tpu.memory_space<vmem>>
      %dma_start3A_705 = arith.constant 0 : i32
      %dma_start3A_706 = tpu.memref_slice %arg7[%rem3A_30, %dma_start3A_698, %dma_start3A_705] : memref<2x16x128xi32, #tpu.memory_space<vmem>> -> memref<1x1x128xi32, #tpu.memory_space<vmem>>
      %dma_start3A_707 = tpu.memref_squeeze %dma_start3A_706 : memref<1x1x128xi32, #tpu.memory_space<vmem>> -> memref<128xi32, #tpu.memory_space<vmem>>
      %dma_start3A_708 = arith.constant 0 : i32
      %dma_start3A_709 = arith.constant 0 : i32
      %dma_start3A_710 = tpu.memref_slice %arg2[%dma_start3A_708, %dma_start3A_709] : memref<10000x128xf32, #tpu.memory_space<hbm>> -> memref<10000x128xf32, #tpu.memory_space<hbm>>
      %dma_start3A_711 = tpu.memref_slice %arg11[%dma_start3A_700] : memref<2x!tpu.dma_semaphore, #tpu.memory_space<semaphore_mem>> -> memref<1x!tpu.dma_semaphore, #tpu.memory_space<semaphore_mem>>
      %dma_start3A_712 = tpu.memref_squeeze %dma_start3A_711 : memref<1x!tpu.dma_semaphore, #tpu.memory_space<semaphore_mem>> -> memref<!tpu.dma_semaphore, #tpu.memory_space<semaphore_mem>>
      tpu.enqueue_indirect_dma source(%dma_start3A_710 : memref<10000x128xf32, #tpu.memory_space<hbm>>) target(%dma_start3A_704 : memref<128x128xf32, #tpu.memory_space<vmem>>) offsets(%dma_start3A_707 : memref<128xi32, #tpu.memory_space<vmem>>) semaphore(%dma_start3A_712 : memref<!tpu.dma_semaphore, #tpu.memory_space<semaphore_mem>>)
      %dma_wait3A_713 = arith.constant 11 : i32
      %dma_wait3A_714 = arith.constant 1 : i32
      %dma_wait3A_715 = arith.constant 1 : i32
      %dma_wait3A_716 = arith.constant 0 : i32
      %dma_wait3A_717 = arith.constant 0 : i32
      %dma_wait3A_718 = tpu.memref_slice %arg9[%dma_wait3A_714, %dma_wait3A_716, %dma_wait3A_717] : memref<2x128x128xf32, #tpu.memory_space<vmem>> -> memref<1x128x128xf32, #tpu.memory_space<vmem>>
      %dma_wait3A_719 = tpu.memref_squeeze %dma_wait3A_718 : memref<1x128x128xf32, #tpu.memory_space<vmem>> -> memref<128x128xf32, #tpu.memory_space<vmem>>
      %dma_wait3A_720 = arith.constant 0 : i32
      %dma_wait3A_721 = tpu.memref_slice %arg7[%rem3A_30, %dma_wait3A_713, %dma_wait3A_720] : memref<2x16x128xi32, #tpu.memory_space<vmem>> -> memref<1x1x128xi32, #tpu.memory_space<vmem>>
      %dma_wait3A_722 = tpu.memref_squeeze %dma_wait3A_721 : memref<1x1x128xi32, #tpu.memory_space<vmem>> -> memref<128xi32, #tpu.memory_space<vmem>>
      %dma_wait3A_723 = arith.constant 0 : i32
      %dma_wait3A_724 = arith.constant 0 : i32
      %dma_wait3A_725 = tpu.memref_slice %arg2[%dma_wait3A_723, %dma_wait3A_724] : memref<10000x128xf32, #tpu.memory_space<hbm>> -> memref<10000x128xf32, #tpu.memory_space<hbm>>
      %dma_wait3A_726 = tpu.memref_slice %arg11[%dma_wait3A_715] : memref<2x!tpu.dma_semaphore, #tpu.memory_space<semaphore_mem>> -> memref<1x!tpu.dma_semaphore, #tpu.memory_space<semaphore_mem>>
      %dma_wait3A_727 = tpu.memref_squeeze %dma_wait3A_726 : memref<1x!tpu.dma_semaphore, #tpu.memory_space<semaphore_mem>> -> memref<!tpu.dma_semaphore, #tpu.memory_space<semaphore_mem>>
      tpu.wait_indirect_dma semaphore(%dma_wait3A_727 : memref<!tpu.dma_semaphore, #tpu.memory_space<semaphore_mem>>) src(%dma_wait3A_725 : memref<10000x128xf32, #tpu.memory_space<hbm>>) dst(%dma_wait3A_719 : memref<128x128xf32, #tpu.memory_space<vmem>>)
      %dma_start3A_728 = arith.constant 1 : i32
      %dma_start3A_729 = arith.constant 11 : i32
      %dma_start3A_730 = arith.constant 1 : i32
      %dma_start3A_731 = arith.constant 0 : i32
      %dma_start3A_732 = arith.constant 0 : i32
      %dma_start3A_733 = tpu.memref_slice %arg9[%dma_start3A_728, %dma_start3A_731, %dma_start3A_732] : memref<2x128x128xf32, #tpu.memory_space<vmem>> -> memref<1x128x128xf32, #tpu.memory_space<vmem>>
      %dma_start3A_734 = tpu.memref_squeeze %dma_start3A_733 : memref<1x128x128xf32, #tpu.memory_space<vmem>> -> memref<128x128xf32, #tpu.memory_space<vmem>>
      %dma_start3A_735 = arith.constant 0 : i32
      %dma_start3A_736 = tpu.memref_slice %arg8[%rem3A_30, %dma_start3A_729, %dma_start3A_735] : memref<2x16x128xi32, #tpu.memory_space<vmem>> -> memref<1x1x128xi32, #tpu.memory_space<vmem>>
      %dma_start3A_737 = tpu.memref_squeeze %dma_start3A_736 : memref<1x1x128xi32, #tpu.memory_space<vmem>> -> memref<128xi32, #tpu.memory_space<vmem>>
      %dma_start3A_738 = arith.constant 0 : i32
      %dma_start3A_739 = arith.constant 0 : i32
      %dma_start3A_740 = tpu.memref_slice %arg10[%dma_start3A_738, %dma_start3A_739] : memref<10112x128xf32, #tpu.memory_space<vmem_shared>> -> memref<10112x128xf32, #tpu.memory_space<vmem_shared>>
      %dma_start3A_741 = tpu.memref_slice %arg13[%dma_start3A_730] : memref<2x!tpu.dma_semaphore, #tpu.memory_space<semaphore_mem>> -> memref<1x!tpu.dma_semaphore, #tpu.memory_space<semaphore_mem>>
      %dma_start3A_742 = tpu.memref_squeeze %dma_start3A_741 : memref<1x!tpu.dma_semaphore, #tpu.memory_space<semaphore_mem>> -> memref<!tpu.dma_semaphore, #tpu.memory_space<semaphore_mem>>
      tpu.enqueue_indirect_dma source(%dma_start3A_734 : memref<128x128xf32, #tpu.memory_space<vmem>>) target(%dma_start3A_740 : memref<10112x128xf32, #tpu.memory_space<vmem_shared>>) offsets(%dma_start3A_737 : memref<128xi32, #tpu.memory_space<vmem>>) semaphore(%dma_start3A_742 : memref<!tpu.dma_semaphore, #tpu.memory_space<semaphore_mem>>) {add = true}
      %dma_wait3A_743 = arith.constant 1 : i32
      %dma_wait3A_744 = arith.constant 11 : i32
      %dma_wait3A_745 = arith.constant 1 : i32
      %dma_wait3A_746 = arith.constant 0 : i32
      %dma_wait3A_747 = arith.constant 0 : i32
      %dma_wait3A_748 = tpu.memref_slice %arg9[%dma_wait3A_743, %dma_wait3A_746, %dma_wait3A_747] : memref<2x128x128xf32, #tpu.memory_space<vmem>> -> memref<1x128x128xf32, #tpu.memory_space<vmem>>
      %dma_wait3A_749 = tpu.memref_squeeze %dma_wait3A_748 : memref<1x128x128xf32, #tpu.memory_space<vmem>> -> memref<128x128xf32, #tpu.memory_space<vmem>>
      %dma_wait3A_750 = arith.constant 0 : i32
      %dma_wait3A_751 = tpu.memref_slice %arg8[%rem3A_30, %dma_wait3A_744, %dma_wait3A_750] : memref<2x16x128xi32, #tpu.memory_space<vmem>> -> memref<1x1x128xi32, #tpu.memory_space<vmem>>
      %dma_wait3A_752 = tpu.memref_squeeze %dma_wait3A_751 : memref<1x1x128xi32, #tpu.memory_space<vmem>> -> memref<128xi32, #tpu.memory_space<vmem>>
      %dma_wait3A_753 = arith.constant 0 : i32
      %dma_wait3A_754 = arith.constant 0 : i32
      %dma_wait3A_755 = tpu.memref_slice %arg10[%dma_wait3A_753, %dma_wait3A_754] : memref<10112x128xf32, #tpu.memory_space<vmem_shared>> -> memref<10112x128xf32, #tpu.memory_space<vmem_shared>>
      %dma_wait3A_756 = tpu.memref_slice %arg13[%dma_wait3A_745] : memref<2x!tpu.dma_semaphore, #tpu.memory_space<semaphore_mem>> -> memref<1x!tpu.dma_semaphore, #tpu.memory_space<semaphore_mem>>
      %dma_wait3A_757 = tpu.memref_squeeze %dma_wait3A_756 : memref<1x!tpu.dma_semaphore, #tpu.memory_space<semaphore_mem>> -> memref<!tpu.dma_semaphore, #tpu.memory_space<semaphore_mem>>
      tpu.wait_indirect_dma semaphore(%dma_wait3A_757 : memref<!tpu.dma_semaphore, #tpu.memory_space<semaphore_mem>>) src(%dma_wait3A_749 : memref<128x128xf32, #tpu.memory_space<vmem>>) dst(%dma_wait3A_755 : memref<10112x128xf32, #tpu.memory_space<vmem_shared>>)
      %dma_start3A_758 = arith.constant 13 : i32
      %dma_start3A_759 = arith.constant 1 : i32
      %dma_start3A_760 = arith.constant 1 : i32
      %dma_start3A_761 = arith.constant 0 : i32
      %dma_start3A_762 = arith.constant 0 : i32
      %dma_start3A_763 = tpu.memref_slice %arg9[%dma_start3A_759, %dma_start3A_761, %dma_start3A_762] : memref<2x128x128xf32, #tpu.memory_space<vmem>> -> memref<1x128x128xf32, #tpu.memory_space<vmem>>
      %dma_start3A_764 = tpu.memref_squeeze %dma_start3A_763 : memref<1x128x128xf32, #tpu.memory_space<vmem>> -> memref<128x128xf32, #tpu.memory_space<vmem>>
      %dma_start3A_765 = arith.constant 0 : i32
      %dma_start3A_766 = tpu.memref_slice %arg7[%rem3A_30, %dma_start3A_758, %dma_start3A_765] : memref<2x16x128xi32, #tpu.memory_space<vmem>> -> memref<1x1x128xi32, #tpu.memory_space<vmem>>
      %dma_start3A_767 = tpu.memref_squeeze %dma_start3A_766 : memref<1x1x128xi32, #tpu.memory_space<vmem>> -> memref<128xi32, #tpu.memory_space<vmem>>
      %dma_start3A_768 = arith.constant 0 : i32
      %dma_start3A_769 = arith.constant 0 : i32
      %dma_start3A_770 = tpu.memref_slice %arg2[%dma_start3A_768, %dma_start3A_769] : memref<10000x128xf32, #tpu.memory_space<hbm>> -> memref<10000x128xf32, #tpu.memory_space<hbm>>
      %dma_start3A_771 = tpu.memref_slice %arg11[%dma_start3A_760] : memref<2x!tpu.dma_semaphore, #tpu.memory_space<semaphore_mem>> -> memref<1x!tpu.dma_semaphore, #tpu.memory_space<semaphore_mem>>
      %dma_start3A_772 = tpu.memref_squeeze %dma_start3A_771 : memref<1x!tpu.dma_semaphore, #tpu.memory_space<semaphore_mem>> -> memref<!tpu.dma_semaphore, #tpu.memory_space<semaphore_mem>>
      tpu.enqueue_indirect_dma source(%dma_start3A_770 : memref<10000x128xf32, #tpu.memory_space<hbm>>) target(%dma_start3A_764 : memref<128x128xf32, #tpu.memory_space<vmem>>) offsets(%dma_start3A_767 : memref<128xi32, #tpu.memory_space<vmem>>) semaphore(%dma_start3A_772 : memref<!tpu.dma_semaphore, #tpu.memory_space<semaphore_mem>>)
      %dma_wait3A_773 = arith.constant 12 : i32
      %dma_wait3A_774 = arith.constant 0 : i32
      %dma_wait3A_775 = arith.constant 0 : i32
      %dma_wait3A_776 = arith.constant 0 : i32
      %dma_wait3A_777 = arith.constant 0 : i32
      %dma_wait3A_778 = tpu.memref_slice %arg9[%dma_wait3A_774, %dma_wait3A_776, %dma_wait3A_777] : memref<2x128x128xf32, #tpu.memory_space<vmem>> -> memref<1x128x128xf32, #tpu.memory_space<vmem>>
      %dma_wait3A_779 = tpu.memref_squeeze %dma_wait3A_778 : memref<1x128x128xf32, #tpu.memory_space<vmem>> -> memref<128x128xf32, #tpu.memory_space<vmem>>
      %dma_wait3A_780 = arith.constant 0 : i32
      %dma_wait3A_781 = tpu.memref_slice %arg7[%rem3A_30, %dma_wait3A_773, %dma_wait3A_780] : memref<2x16x128xi32, #tpu.memory_space<vmem>> -> memref<1x1x128xi32, #tpu.memory_space<vmem>>
      %dma_wait3A_782 = tpu.memref_squeeze %dma_wait3A_781 : memref<1x1x128xi32, #tpu.memory_space<vmem>> -> memref<128xi32, #tpu.memory_space<vmem>>
      %dma_wait3A_783 = arith.constant 0 : i32
      %dma_wait3A_784 = arith.constant 0 : i32
      %dma_wait3A_785 = tpu.memref_slice %arg2[%dma_wait3A_783, %dma_wait3A_784] : memref<10000x128xf32, #tpu.memory_space<hbm>> -> memref<10000x128xf32, #tpu.memory_space<hbm>>
      %dma_wait3A_786 = tpu.memref_slice %arg11[%dma_wait3A_775] : memref<2x!tpu.dma_semaphore, #tpu.memory_space<semaphore_mem>> -> memref<1x!tpu.dma_semaphore, #tpu.memory_space<semaphore_mem>>
      %dma_wait3A_787 = tpu.memref_squeeze %dma_wait3A_786 : memref<1x!tpu.dma_semaphore, #tpu.memory_space<semaphore_mem>> -> memref<!tpu.dma_semaphore, #tpu.memory_space<semaphore_mem>>
      tpu.wait_indirect_dma semaphore(%dma_wait3A_787 : memref<!tpu.dma_semaphore, #tpu.memory_space<semaphore_mem>>) src(%dma_wait3A_785 : memref<10000x128xf32, #tpu.memory_space<hbm>>) dst(%dma_wait3A_779 : memref<128x128xf32, #tpu.memory_space<vmem>>)
      %dma_start3A_788 = arith.constant 0 : i32
      %dma_start3A_789 = arith.constant 12 : i32
      %dma_start3A_790 = arith.constant 0 : i32
      %dma_start3A_791 = arith.constant 0 : i32
      %dma_start3A_792 = arith.constant 0 : i32
      %dma_start3A_793 = tpu.memref_slice %arg9[%dma_start3A_788, %dma_start3A_791, %dma_start3A_792] : memref<2x128x128xf32, #tpu.memory_space<vmem>> -> memref<1x128x128xf32, #tpu.memory_space<vmem>>
      %dma_start3A_794 = tpu.memref_squeeze %dma_start3A_793 : memref<1x128x128xf32, #tpu.memory_space<vmem>> -> memref<128x128xf32, #tpu.memory_space<vmem>>
      %dma_start3A_795 = arith.constant 0 : i32
      %dma_start3A_796 = tpu.memref_slice %arg8[%rem3A_30, %dma_start3A_789, %dma_start3A_795] : memref<2x16x128xi32, #tpu.memory_space<vmem>> -> memref<1x1x128xi32, #tpu.memory_space<vmem>>
      %dma_start3A_797 = tpu.memref_squeeze %dma_start3A_796 : memref<1x1x128xi32, #tpu.memory_space<vmem>> -> memref<128xi32, #tpu.memory_space<vmem>>
      %dma_start3A_798 = arith.constant 0 : i32
      %dma_start3A_799 = arith.constant 0 : i32
      %dma_start3A_800 = tpu.memref_slice %arg10[%dma_start3A_798, %dma_start3A_799] : memref<10112x128xf32, #tpu.memory_space<vmem_shared>> -> memref<10112x128xf32, #tpu.memory_space<vmem_shared>>
      %dma_start3A_801 = tpu.memref_slice %arg13[%dma_start3A_790] : memref<2x!tpu.dma_semaphore, #tpu.memory_space<semaphore_mem>> -> memref<1x!tpu.dma_semaphore, #tpu.memory_space<semaphore_mem>>
      %dma_start3A_802 = tpu.memref_squeeze %dma_start3A_801 : memref<1x!tpu.dma_semaphore, #tpu.memory_space<semaphore_mem>> -> memref<!tpu.dma_semaphore, #tpu.memory_space<semaphore_mem>>
      tpu.enqueue_indirect_dma source(%dma_start3A_794 : memref<128x128xf32, #tpu.memory_space<vmem>>) target(%dma_start3A_800 : memref<10112x128xf32, #tpu.memory_space<vmem_shared>>) offsets(%dma_start3A_797 : memref<128xi32, #tpu.memory_space<vmem>>) semaphore(%dma_start3A_802 : memref<!tpu.dma_semaphore, #tpu.memory_space<semaphore_mem>>) {add = true}
      %dma_wait3A_803 = arith.constant 0 : i32
      %dma_wait3A_804 = arith.constant 12 : i32
      %dma_wait3A_805 = arith.constant 0 : i32
      %dma_wait3A_806 = arith.constant 0 : i32
      %dma_wait3A_807 = arith.constant 0 : i32
      %dma_wait3A_808 = tpu.memref_slice %arg9[%dma_wait3A_803, %dma_wait3A_806, %dma_wait3A_807] : memref<2x128x128xf32, #tpu.memory_space<vmem>> -> memref<1x128x128xf32, #tpu.memory_space<vmem>>
      %dma_wait3A_809 = tpu.memref_squeeze %dma_wait3A_808 : memref<1x128x128xf32, #tpu.memory_space<vmem>> -> memref<128x128xf32, #tpu.memory_space<vmem>>
      %dma_wait3A_810 = arith.constant 0 : i32
      %dma_wait3A_811 = tpu.memref_slice %arg8[%rem3A_30, %dma_wait3A_804, %dma_wait3A_810] : memref<2x16x128xi32, #tpu.memory_space<vmem>> -> memref<1x1x128xi32, #tpu.memory_space<vmem>>
      %dma_wait3A_812 = tpu.memref_squeeze %dma_wait3A_811 : memref<1x1x128xi32, #tpu.memory_space<vmem>> -> memref<128xi32, #tpu.memory_space<vmem>>
      %dma_wait3A_813 = arith.constant 0 : i32
      %dma_wait3A_814 = arith.constant 0 : i32
      %dma_wait3A_815 = tpu.memref_slice %arg10[%dma_wait3A_813, %dma_wait3A_814] : memref<10112x128xf32, #tpu.memory_space<vmem_shared>> -> memref<10112x128xf32, #tpu.memory_space<vmem_shared>>
      %dma_wait3A_816 = tpu.memref_slice %arg13[%dma_wait3A_805] : memref<2x!tpu.dma_semaphore, #tpu.memory_space<semaphore_mem>> -> memref<1x!tpu.dma_semaphore, #tpu.memory_space<semaphore_mem>>
      %dma_wait3A_817 = tpu.memref_squeeze %dma_wait3A_816 : memref<1x!tpu.dma_semaphore, #tpu.memory_space<semaphore_mem>> -> memref<!tpu.dma_semaphore, #tpu.memory_space<semaphore_mem>>
      tpu.wait_indirect_dma semaphore(%dma_wait3A_817 : memref<!tpu.dma_semaphore, #tpu.memory_space<semaphore_mem>>) src(%dma_wait3A_809 : memref<128x128xf32, #tpu.memory_space<vmem>>) dst(%dma_wait3A_815 : memref<10112x128xf32, #tpu.memory_space<vmem_shared>>)
      %dma_start3A_818 = arith.constant 14 : i32
      %dma_start3A_819 = arith.constant 0 : i32
      %dma_start3A_820 = arith.constant 0 : i32
      %dma_start3A_821 = arith.constant 0 : i32
      %dma_start3A_822 = arith.constant 0 : i32
      %dma_start3A_823 = tpu.memref_slice %arg9[%dma_start3A_819, %dma_start3A_821, %dma_start3A_822] : memref<2x128x128xf32, #tpu.memory_space<vmem>> -> memref<1x128x128xf32, #tpu.memory_space<vmem>>
      %dma_start3A_824 = tpu.memref_squeeze %dma_start3A_823 : memref<1x128x128xf32, #tpu.memory_space<vmem>> -> memref<128x128xf32, #tpu.memory_space<vmem>>
      %dma_start3A_825 = arith.constant 0 : i32
      %dma_start3A_826 = tpu.memref_slice %arg7[%rem3A_30, %dma_start3A_818, %dma_start3A_825] : memref<2x16x128xi32, #tpu.memory_space<vmem>> -> memref<1x1x128xi32, #tpu.memory_space<vmem>>
      %dma_start3A_827 = tpu.memref_squeeze %dma_start3A_826 : memref<1x1x128xi32, #tpu.memory_space<vmem>> -> memref<128xi32, #tpu.memory_space<vmem>>
      %dma_start3A_828 = arith.constant 0 : i32
      %dma_start3A_829 = arith.constant 0 : i32
      %dma_start3A_830 = tpu.memref_slice %arg2[%dma_start3A_828, %dma_start3A_829] : memref<10000x128xf32, #tpu.memory_space<hbm>> -> memref<10000x128xf32, #tpu.memory_space<hbm>>
      %dma_start3A_831 = tpu.memref_slice %arg11[%dma_start3A_820] : memref<2x!tpu.dma_semaphore, #tpu.memory_space<semaphore_mem>> -> memref<1x!tpu.dma_semaphore, #tpu.memory_space<semaphore_mem>>
      %dma_start3A_832 = tpu.memref_squeeze %dma_start3A_831 : memref<1x!tpu.dma_semaphore, #tpu.memory_space<semaphore_mem>> -> memref<!tpu.dma_semaphore, #tpu.memory_space<semaphore_mem>>
      tpu.enqueue_indirect_dma source(%dma_start3A_830 : memref<10000x128xf32, #tpu.memory_space<hbm>>) target(%dma_start3A_824 : memref<128x128xf32, #tpu.memory_space<vmem>>) offsets(%dma_start3A_827 : memref<128xi32, #tpu.memory_space<vmem>>) semaphore(%dma_start3A_832 : memref<!tpu.dma_semaphore, #tpu.memory_space<semaphore_mem>>)
      %dma_wait3A_833 = arith.constant 13 : i32
      %dma_wait3A_834 = arith.constant 1 : i32
      %dma_wait3A_835 = arith.constant 1 : i32
      %dma_wait3A_836 = arith.constant 0 : i32
      %dma_wait3A_837 = arith.constant 0 : i32
      %dma_wait3A_838 = tpu.memref_slice %arg9[%dma_wait3A_834, %dma_wait3A_836, %dma_wait3A_837] : memref<2x128x128xf32, #tpu.memory_space<vmem>> -> memref<1x128x128xf32, #tpu.memory_space<vmem>>
      %dma_wait3A_839 = tpu.memref_squeeze %dma_wait3A_838 : memref<1x128x128xf32, #tpu.memory_space<vmem>> -> memref<128x128xf32, #tpu.memory_space<vmem>>
      %dma_wait3A_840 = arith.constant 0 : i32
      %dma_wait3A_841 = tpu.memref_slice %arg7[%rem3A_30, %dma_wait3A_833, %dma_wait3A_840] : memref<2x16x128xi32, #tpu.memory_space<vmem>> -> memref<1x1x128xi32, #tpu.memory_space<vmem>>
      %dma_wait3A_842 = tpu.memref_squeeze %dma_wait3A_841 : memref<1x1x128xi32, #tpu.memory_space<vmem>> -> memref<128xi32, #tpu.memory_space<vmem>>
      %dma_wait3A_843 = arith.constant 0 : i32
      %dma_wait3A_844 = arith.constant 0 : i32
      %dma_wait3A_845 = tpu.memref_slice %arg2[%dma_wait3A_843, %dma_wait3A_844] : memref<10000x128xf32, #tpu.memory_space<hbm>> -> memref<10000x128xf32, #tpu.memory_space<hbm>>
      %dma_wait3A_846 = tpu.memref_slice %arg11[%dma_wait3A_835] : memref<2x!tpu.dma_semaphore, #tpu.memory_space<semaphore_mem>> -> memref<1x!tpu.dma_semaphore, #tpu.memory_space<semaphore_mem>>
      %dma_wait3A_847 = tpu.memref_squeeze %dma_wait3A_846 : memref<1x!tpu.dma_semaphore, #tpu.memory_space<semaphore_mem>> -> memref<!tpu.dma_semaphore, #tpu.memory_space<semaphore_mem>>
      tpu.wait_indirect_dma semaphore(%dma_wait3A_847 : memref<!tpu.dma_semaphore, #tpu.memory_space<semaphore_mem>>) src(%dma_wait3A_845 : memref<10000x128xf32, #tpu.memory_space<hbm>>) dst(%dma_wait3A_839 : memref<128x128xf32, #tpu.memory_space<vmem>>)
      %dma_start3A_848 = arith.constant 1 : i32
      %dma_start3A_849 = arith.constant 13 : i32
      %dma_start3A_850 = arith.constant 1 : i32
      %dma_start3A_851 = arith.constant 0 : i32
      %dma_start3A_852 = arith.constant 0 : i32
      %dma_start3A_853 = tpu.memref_slice %arg9[%dma_start3A_848, %dma_start3A_851, %dma_start3A_852] : memref<2x128x128xf32, #tpu.memory_space<vmem>> -> memref<1x128x128xf32, #tpu.memory_space<vmem>>
      %dma_start3A_854 = tpu.memref_squeeze %dma_start3A_853 : memref<1x128x128xf32, #tpu.memory_space<vmem>> -> memref<128x128xf32, #tpu.memory_space<vmem>>
      %dma_start3A_855 = arith.constant 0 : i32
      %dma_start3A_856 = tpu.memref_slice %arg8[%rem3A_30, %dma_start3A_849, %dma_start3A_855] : memref<2x16x128xi32, #tpu.memory_space<vmem>> -> memref<1x1x128xi32, #tpu.memory_space<vmem>>
      %dma_start3A_857 = tpu.memref_squeeze %dma_start3A_856 : memref<1x1x128xi32, #tpu.memory_space<vmem>> -> memref<128xi32, #tpu.memory_space<vmem>>
      %dma_start3A_858 = arith.constant 0 : i32
      %dma_start3A_859 = arith.constant 0 : i32
      %dma_start3A_860 = tpu.memref_slice %arg10[%dma_start3A_858, %dma_start3A_859] : memref<10112x128xf32, #tpu.memory_space<vmem_shared>> -> memref<10112x128xf32, #tpu.memory_space<vmem_shared>>
      %dma_start3A_861 = tpu.memref_slice %arg13[%dma_start3A_850] : memref<2x!tpu.dma_semaphore, #tpu.memory_space<semaphore_mem>> -> memref<1x!tpu.dma_semaphore, #tpu.memory_space<semaphore_mem>>
      %dma_start3A_862 = tpu.memref_squeeze %dma_start3A_861 : memref<1x!tpu.dma_semaphore, #tpu.memory_space<semaphore_mem>> -> memref<!tpu.dma_semaphore, #tpu.memory_space<semaphore_mem>>
      tpu.enqueue_indirect_dma source(%dma_start3A_854 : memref<128x128xf32, #tpu.memory_space<vmem>>) target(%dma_start3A_860 : memref<10112x128xf32, #tpu.memory_space<vmem_shared>>) offsets(%dma_start3A_857 : memref<128xi32, #tpu.memory_space<vmem>>) semaphore(%dma_start3A_862 : memref<!tpu.dma_semaphore, #tpu.memory_space<semaphore_mem>>) {add = true}
      %dma_wait3A_863 = arith.constant 1 : i32
      %dma_wait3A_864 = arith.constant 13 : i32
      %dma_wait3A_865 = arith.constant 1 : i32
      %dma_wait3A_866 = arith.constant 0 : i32
      %dma_wait3A_867 = arith.constant 0 : i32
      %dma_wait3A_868 = tpu.memref_slice %arg9[%dma_wait3A_863, %dma_wait3A_866, %dma_wait3A_867] : memref<2x128x128xf32, #tpu.memory_space<vmem>> -> memref<1x128x128xf32, #tpu.memory_space<vmem>>
      %dma_wait3A_869 = tpu.memref_squeeze %dma_wait3A_868 : memref<1x128x128xf32, #tpu.memory_space<vmem>> -> memref<128x128xf32, #tpu.memory_space<vmem>>
      %dma_wait3A_870 = arith.constant 0 : i32
      %dma_wait3A_871 = tpu.memref_slice %arg8[%rem3A_30, %dma_wait3A_864, %dma_wait3A_870] : memref<2x16x128xi32, #tpu.memory_space<vmem>> -> memref<1x1x128xi32, #tpu.memory_space<vmem>>
      %dma_wait3A_872 = tpu.memref_squeeze %dma_wait3A_871 : memref<1x1x128xi32, #tpu.memory_space<vmem>> -> memref<128xi32, #tpu.memory_space<vmem>>
      %dma_wait3A_873 = arith.constant 0 : i32
      %dma_wait3A_874 = arith.constant 0 : i32
      %dma_wait3A_875 = tpu.memref_slice %arg10[%dma_wait3A_873, %dma_wait3A_874] : memref<10112x128xf32, #tpu.memory_space<vmem_shared>> -> memref<10112x128xf32, #tpu.memory_space<vmem_shared>>
      %dma_wait3A_876 = tpu.memref_slice %arg13[%dma_wait3A_865] : memref<2x!tpu.dma_semaphore, #tpu.memory_space<semaphore_mem>> -> memref<1x!tpu.dma_semaphore, #tpu.memory_space<semaphore_mem>>
      %dma_wait3A_877 = tpu.memref_squeeze %dma_wait3A_876 : memref<1x!tpu.dma_semaphore, #tpu.memory_space<semaphore_mem>> -> memref<!tpu.dma_semaphore, #tpu.memory_space<semaphore_mem>>
      tpu.wait_indirect_dma semaphore(%dma_wait3A_877 : memref<!tpu.dma_semaphore, #tpu.memory_space<semaphore_mem>>) src(%dma_wait3A_869 : memref<128x128xf32, #tpu.memory_space<vmem>>) dst(%dma_wait3A_875 : memref<10112x128xf32, #tpu.memory_space<vmem_shared>>)
      %dma_start3A_878 = arith.constant 15 : i32
      %dma_start3A_879 = arith.constant 1 : i32
      %dma_start3A_880 = arith.constant 1 : i32
      %dma_start3A_881 = arith.constant 0 : i32
      %dma_start3A_882 = arith.constant 0 : i32
      %dma_start3A_883 = tpu.memref_slice %arg9[%dma_start3A_879, %dma_start3A_881, %dma_start3A_882] : memref<2x128x128xf32, #tpu.memory_space<vmem>> -> memref<1x128x128xf32, #tpu.memory_space<vmem>>
      %dma_start3A_884 = tpu.memref_squeeze %dma_start3A_883 : memref<1x128x128xf32, #tpu.memory_space<vmem>> -> memref<128x128xf32, #tpu.memory_space<vmem>>
      %dma_start3A_885 = arith.constant 0 : i32
      %dma_start3A_886 = tpu.memref_slice %arg7[%rem3A_30, %dma_start3A_878, %dma_start3A_885] : memref<2x16x128xi32, #tpu.memory_space<vmem>> -> memref<1x1x128xi32, #tpu.memory_space<vmem>>
      %dma_start3A_887 = tpu.memref_squeeze %dma_start3A_886 : memref<1x1x128xi32, #tpu.memory_space<vmem>> -> memref<128xi32, #tpu.memory_space<vmem>>
      %dma_start3A_888 = arith.constant 0 : i32
      %dma_start3A_889 = arith.constant 0 : i32
      %dma_start3A_890 = tpu.memref_slice %arg2[%dma_start3A_888, %dma_start3A_889] : memref<10000x128xf32, #tpu.memory_space<hbm>> -> memref<10000x128xf32, #tpu.memory_space<hbm>>
      %dma_start3A_891 = tpu.memref_slice %arg11[%dma_start3A_880] : memref<2x!tpu.dma_semaphore, #tpu.memory_space<semaphore_mem>> -> memref<1x!tpu.dma_semaphore, #tpu.memory_space<semaphore_mem>>
      %dma_start3A_892 = tpu.memref_squeeze %dma_start3A_891 : memref<1x!tpu.dma_semaphore, #tpu.memory_space<semaphore_mem>> -> memref<!tpu.dma_semaphore, #tpu.memory_space<semaphore_mem>>
      tpu.enqueue_indirect_dma source(%dma_start3A_890 : memref<10000x128xf32, #tpu.memory_space<hbm>>) target(%dma_start3A_884 : memref<128x128xf32, #tpu.memory_space<vmem>>) offsets(%dma_start3A_887 : memref<128xi32, #tpu.memory_space<vmem>>) semaphore(%dma_start3A_892 : memref<!tpu.dma_semaphore, #tpu.memory_space<semaphore_mem>>)
      %dma_wait3A_893 = arith.constant 14 : i32
      %dma_wait3A_894 = arith.constant 0 : i32
      %dma_wait3A_895 = arith.constant 0 : i32
      %dma_wait3A_896 = arith.constant 0 : i32
      %dma_wait3A_897 = arith.constant 0 : i32
      %dma_wait3A_898 = tpu.memref_slice %arg9[%dma_wait3A_894, %dma_wait3A_896, %dma_wait3A_897] : memref<2x128x128xf32, #tpu.memory_space<vmem>> -> memref<1x128x128xf32, #tpu.memory_space<vmem>>
      %dma_wait3A_899 = tpu.memref_squeeze %dma_wait3A_898 : memref<1x128x128xf32, #tpu.memory_space<vmem>> -> memref<128x128xf32, #tpu.memory_space<vmem>>
      %dma_wait3A_900 = arith.constant 0 : i32
      %dma_wait3A_901 = tpu.memref_slice %arg7[%rem3A_30, %dma_wait3A_893, %dma_wait3A_900] : memref<2x16x128xi32, #tpu.memory_space<vmem>> -> memref<1x1x128xi32, #tpu.memory_space<vmem>>
      %dma_wait3A_902 = tpu.memref_squeeze %dma_wait3A_901 : memref<1x1x128xi32, #tpu.memory_space<vmem>> -> memref<128xi32, #tpu.memory_space<vmem>>
      %dma_wait3A_903 = arith.constant 0 : i32
      %dma_wait3A_904 = arith.constant 0 : i32
      %dma_wait3A_905 = tpu.memref_slice %arg2[%dma_wait3A_903, %dma_wait3A_904] : memref<10000x128xf32, #tpu.memory_space<hbm>> -> memref<10000x128xf32, #tpu.memory_space<hbm>>
      %dma_wait3A_906 = tpu.memref_slice %arg11[%dma_wait3A_895] : memref<2x!tpu.dma_semaphore, #tpu.memory_space<semaphore_mem>> -> memref<1x!tpu.dma_semaphore, #tpu.memory_space<semaphore_mem>>
      %dma_wait3A_907 = tpu.memref_squeeze %dma_wait3A_906 : memref<1x!tpu.dma_semaphore, #tpu.memory_space<semaphore_mem>> -> memref<!tpu.dma_semaphore, #tpu.memory_space<semaphore_mem>>
      tpu.wait_indirect_dma semaphore(%dma_wait3A_907 : memref<!tpu.dma_semaphore, #tpu.memory_space<semaphore_mem>>) src(%dma_wait3A_905 : memref<10000x128xf32, #tpu.memory_space<hbm>>) dst(%dma_wait3A_899 : memref<128x128xf32, #tpu.memory_space<vmem>>)
      %dma_start3A_908 = arith.constant 0 : i32
      %dma_start3A_909 = arith.constant 14 : i32
      %dma_start3A_910 = arith.constant 0 : i32
      %dma_start3A_911 = arith.constant 0 : i32
      %dma_start3A_912 = arith.constant 0 : i32
      %dma_start3A_913 = tpu.memref_slice %arg9[%dma_start3A_908, %dma_start3A_911, %dma_start3A_912] : memref<2x128x128xf32, #tpu.memory_space<vmem>> -> memref<1x128x128xf32, #tpu.memory_space<vmem>>
      %dma_start3A_914 = tpu.memref_squeeze %dma_start3A_913 : memref<1x128x128xf32, #tpu.memory_space<vmem>> -> memref<128x128xf32, #tpu.memory_space<vmem>>
      %dma_start3A_915 = arith.constant 0 : i32
      %dma_start3A_916 = tpu.memref_slice %arg8[%rem3A_30, %dma_start3A_909, %dma_start3A_915] : memref<2x16x128xi32, #tpu.memory_space<vmem>> -> memref<1x1x128xi32, #tpu.memory_space<vmem>>
      %dma_start3A_917 = tpu.memref_squeeze %dma_start3A_916 : memref<1x1x128xi32, #tpu.memory_space<vmem>> -> memref<128xi32, #tpu.memory_space<vmem>>
      %dma_start3A_918 = arith.constant 0 : i32
      %dma_start3A_919 = arith.constant 0 : i32
      %dma_start3A_920 = tpu.memref_slice %arg10[%dma_start3A_918, %dma_start3A_919] : memref<10112x128xf32, #tpu.memory_space<vmem_shared>> -> memref<10112x128xf32, #tpu.memory_space<vmem_shared>>
      %dma_start3A_921 = tpu.memref_slice %arg13[%dma_start3A_910] : memref<2x!tpu.dma_semaphore, #tpu.memory_space<semaphore_mem>> -> memref<1x!tpu.dma_semaphore, #tpu.memory_space<semaphore_mem>>
      %dma_start3A_922 = tpu.memref_squeeze %dma_start3A_921 : memref<1x!tpu.dma_semaphore, #tpu.memory_space<semaphore_mem>> -> memref<!tpu.dma_semaphore, #tpu.memory_space<semaphore_mem>>
      tpu.enqueue_indirect_dma source(%dma_start3A_914 : memref<128x128xf32, #tpu.memory_space<vmem>>) target(%dma_start3A_920 : memref<10112x128xf32, #tpu.memory_space<vmem_shared>>) offsets(%dma_start3A_917 : memref<128xi32, #tpu.memory_space<vmem>>) semaphore(%dma_start3A_922 : memref<!tpu.dma_semaphore, #tpu.memory_space<semaphore_mem>>) {add = true}
      %dma_wait3A_923 = arith.constant 0 : i32
      %dma_wait3A_924 = arith.constant 14 : i32
      %dma_wait3A_925 = arith.constant 0 : i32
      %dma_wait3A_926 = arith.constant 0 : i32
      %dma_wait3A_927 = arith.constant 0 : i32
      %dma_wait3A_928 = tpu.memref_slice %arg9[%dma_wait3A_923, %dma_wait3A_926, %dma_wait3A_927] : memref<2x128x128xf32, #tpu.memory_space<vmem>> -> memref<1x128x128xf32, #tpu.memory_space<vmem>>
      %dma_wait3A_929 = tpu.memref_squeeze %dma_wait3A_928 : memref<1x128x128xf32, #tpu.memory_space<vmem>> -> memref<128x128xf32, #tpu.memory_space<vmem>>
      %dma_wait3A_930 = arith.constant 0 : i32
      %dma_wait3A_931 = tpu.memref_slice %arg8[%rem3A_30, %dma_wait3A_924, %dma_wait3A_930] : memref<2x16x128xi32, #tpu.memory_space<vmem>> -> memref<1x1x128xi32, #tpu.memory_space<vmem>>
      %dma_wait3A_932 = tpu.memref_squeeze %dma_wait3A_931 : memref<1x1x128xi32, #tpu.memory_space<vmem>> -> memref<128xi32, #tpu.memory_space<vmem>>
      %dma_wait3A_933 = arith.constant 0 : i32
      %dma_wait3A_934 = arith.constant 0 : i32
      %dma_wait3A_935 = tpu.memref_slice %arg10[%dma_wait3A_933, %dma_wait3A_934] : memref<10112x128xf32, #tpu.memory_space<vmem_shared>> -> memref<10112x128xf32, #tpu.memory_space<vmem_shared>>
      %dma_wait3A_936 = tpu.memref_slice %arg13[%dma_wait3A_925] : memref<2x!tpu.dma_semaphore, #tpu.memory_space<semaphore_mem>> -> memref<1x!tpu.dma_semaphore, #tpu.memory_space<semaphore_mem>>
      %dma_wait3A_937 = tpu.memref_squeeze %dma_wait3A_936 : memref<1x!tpu.dma_semaphore, #tpu.memory_space<semaphore_mem>> -> memref<!tpu.dma_semaphore, #tpu.memory_space<semaphore_mem>>
      tpu.wait_indirect_dma semaphore(%dma_wait3A_937 : memref<!tpu.dma_semaphore, #tpu.memory_space<semaphore_mem>>) src(%dma_wait3A_929 : memref<128x128xf32, #tpu.memory_space<vmem>>) dst(%dma_wait3A_935 : memref<10112x128xf32, #tpu.memory_space<vmem_shared>>)
      %add3A_938 = arith.constant 1 : i32
      %add3A_939 = arith.addi %scan3A_29, %add3A_938 : i32
      %lt3A_940 = arith.constant 5 : i32
      %lt3A_941 = arith.cmpi slt, %add3A_939, %lt3A_940 : i32
      %convert_element_type3A_942 = arith.extui %lt3A_941 : i1 to i32
      %cond3A_943 = arith.constant 0 : i32
      %cond3A_944 = arith.cmpi ne, %convert_element_type3A_942, %cond3A_943 : i32
      scf.if %cond3A_944 {
        %add3A_990 = arith.constant 1 : i32
        %add3A_991 = arith.addi %scan3A_29, %add3A_990 : i32
        %mul3A_992 = arith.constant 16 : i32
        %mul3A_993 = arith.muli %add3A_991, %mul3A_992 : i32
        %dma_wait3A_994 = arith.constant 0 : i32
        %dma_wait3A_995 = arith.constant 0 : i32
        %dma_wait3A_996 = arith.constant 0 : i32
        %dma_wait3A_997 = tpu.memref_slice %arg7[%rem3A_34, %dma_wait3A_995, %dma_wait3A_996] : memref<2x16x128xi32, #tpu.memory_space<vmem>> -> memref<1x16x128xi32, #tpu.memory_space<vmem>>
        %dma_wait3A_998 = tpu.memref_squeeze %dma_wait3A_997 : memref<1x16x128xi32, #tpu.memory_space<vmem>> -> memref<16x128xi32, #tpu.memory_space<vmem>>
        %dma_wait3A_999 = arith.constant 0 : i32
        %dma_wait3A_1000 = tpu.memref_slice %arg3[%add3A, %mul3A_993, %dma_wait3A_999] : memref<32x80x128xi32, #tpu.memory_space<hbm>> -> memref<1x16x128xi32, #tpu.memory_space<hbm>>
        %dma_wait3A_1001 = tpu.memref_squeeze %dma_wait3A_1000 : memref<1x16x128xi32, #tpu.memory_space<hbm>> -> memref<16x128xi32, #tpu.memory_space<hbm>>
        %dma_wait3A_1002 = tpu.memref_slice %arg12[%dma_wait3A_994] : memref<2x!tpu.dma_semaphore, #tpu.memory_space<semaphore_mem>> -> memref<1x!tpu.dma_semaphore, #tpu.memory_space<semaphore_mem>>
        %dma_wait3A_1003 = tpu.memref_squeeze %dma_wait3A_1002 : memref<1x!tpu.dma_semaphore, #tpu.memory_space<semaphore_mem>> -> memref<!tpu.dma_semaphore, #tpu.memory_space<semaphore_mem>>
        %dma_wait3A_1004 = arith.constant 0 : i32
        %dma_wait3A_1005 = arith.constant 0 : i32
        %dma_wait3A_1006 = tpu.memref_slice %arg7[%rem3A_34, %dma_wait3A_1004, %dma_wait3A_1005] : memref<2x16x128xi32, #tpu.memory_space<vmem>> -> memref<1x16x128xi32, #tpu.memory_space<vmem>>
        %dma_wait3A_1007 = tpu.memref_squeeze %dma_wait3A_1006 : memref<1x16x128xi32, #tpu.memory_space<vmem>> -> memref<16x128xi32, #tpu.memory_space<vmem>>
        %dma_wait3A_1008 = arith.constant 0 : i32
        %dma_wait3A_1009 = tpu.memref_slice %arg3[%add3A, %mul3A_993, %dma_wait3A_1008] : memref<32x80x128xi32, #tpu.memory_space<hbm>> -> memref<1x16x128xi32, #tpu.memory_space<hbm>>
        %dma_wait3A_1010 = tpu.memref_squeeze %dma_wait3A_1009 : memref<1x16x128xi32, #tpu.memory_space<hbm>> -> memref<16x128xi32, #tpu.memory_space<hbm>>
        tpu.wait_dma2 semaphore(%dma_wait3A_1003 : memref<!tpu.dma_semaphore, #tpu.memory_space<semaphore_mem>>) src(%dma_wait3A_1010 : memref<16x128xi32, #tpu.memory_space<hbm>>) dst(%dma_wait3A_1007 : memref<16x128xi32, #tpu.memory_space<vmem>>)
        %add3A_1011 = arith.constant 1 : i32
        %add3A_1012 = arith.addi %scan3A_29, %add3A_1011 : i32
        %mul3A_1013 = arith.constant 16 : i32
        %mul3A_1014 = arith.muli %add3A_1012, %mul3A_1013 : i32
        %dma_wait3A_1015 = arith.constant 1 : i32
        %dma_wait3A_1016 = arith.constant 0 : i32
        %dma_wait3A_1017 = arith.constant 0 : i32
        %dma_wait3A_1018 = tpu.memref_slice %arg8[%rem3A_34, %dma_wait3A_1016, %dma_wait3A_1017] : memref<2x16x128xi32, #tpu.memory_space<vmem>> -> memref<1x16x128xi32, #tpu.memory_space<vmem>>
        %dma_wait3A_1019 = tpu.memref_squeeze %dma_wait3A_1018 : memref<1x16x128xi32, #tpu.memory_space<vmem>> -> memref<16x128xi32, #tpu.memory_space<vmem>>
        %dma_wait3A_1020 = arith.constant 0 : i32
        %dma_wait3A_1021 = tpu.memref_slice %arg4[%add3A, %mul3A_1014, %dma_wait3A_1020] : memref<32x80x128xi32, #tpu.memory_space<hbm>> -> memref<1x16x128xi32, #tpu.memory_space<hbm>>
        %dma_wait3A_1022 = tpu.memref_squeeze %dma_wait3A_1021 : memref<1x16x128xi32, #tpu.memory_space<hbm>> -> memref<16x128xi32, #tpu.memory_space<hbm>>
        %dma_wait3A_1023 = tpu.memref_slice %arg12[%dma_wait3A_1015] : memref<2x!tpu.dma_semaphore, #tpu.memory_space<semaphore_mem>> -> memref<1x!tpu.dma_semaphore, #tpu.memory_space<semaphore_mem>>
        %dma_wait3A_1024 = tpu.memref_squeeze %dma_wait3A_1023 : memref<1x!tpu.dma_semaphore, #tpu.memory_space<semaphore_mem>> -> memref<!tpu.dma_semaphore, #tpu.memory_space<semaphore_mem>>
        %dma_wait3A_1025 = arith.constant 0 : i32
        %dma_wait3A_1026 = arith.constant 0 : i32
        %dma_wait3A_1027 = tpu.memref_slice %arg8[%rem3A_34, %dma_wait3A_1025, %dma_wait3A_1026] : memref<2x16x128xi32, #tpu.memory_space<vmem>> -> memref<1x16x128xi32, #tpu.memory_space<vmem>>
        %dma_wait3A_1028 = tpu.memref_squeeze %dma_wait3A_1027 : memref<1x16x128xi32, #tpu.memory_space<vmem>> -> memref<16x128xi32, #tpu.memory_space<vmem>>
        %dma_wait3A_1029 = arith.constant 0 : i32
        %dma_wait3A_1030 = tpu.memref_slice %arg4[%add3A, %mul3A_1014, %dma_wait3A_1029] : memref<32x80x128xi32, #tpu.memory_space<hbm>> -> memref<1x16x128xi32, #tpu.memory_space<hbm>>
        %dma_wait3A_1031 = tpu.memref_squeeze %dma_wait3A_1030 : memref<1x16x128xi32, #tpu.memory_space<hbm>> -> memref<16x128xi32, #tpu.memory_space<hbm>>
        tpu.wait_dma2 semaphore(%dma_wait3A_1024 : memref<!tpu.dma_semaphore, #tpu.memory_space<semaphore_mem>>) src(%dma_wait3A_1031 : memref<16x128xi32, #tpu.memory_space<hbm>>) dst(%dma_wait3A_1028 : memref<16x128xi32, #tpu.memory_space<vmem>>)
        %dma_start3A_1032 = arith.constant 0 : i32
        %dma_start3A_1033 = arith.constant 0 : i32
        %dma_start3A_1034 = arith.constant 0 : i32
        %dma_start3A_1035 = arith.constant 0 : i32
        %dma_start3A_1036 = arith.constant 0 : i32
        %dma_start3A_1037 = tpu.memref_slice %arg9[%dma_start3A_1033, %dma_start3A_1035, %dma_start3A_1036] : memref<2x128x128xf32, #tpu.memory_space<vmem>> -> memref<1x128x128xf32, #tpu.memory_space<vmem>>
        %dma_start3A_1038 = tpu.memref_squeeze %dma_start3A_1037 : memref<1x128x128xf32, #tpu.memory_space<vmem>> -> memref<128x128xf32, #tpu.memory_space<vmem>>
        %dma_start3A_1039 = arith.constant 0 : i32
        %dma_start3A_1040 = tpu.memref_slice %arg7[%rem3A_34, %dma_start3A_1032, %dma_start3A_1039] : memref<2x16x128xi32, #tpu.memory_space<vmem>> -> memref<1x1x128xi32, #tpu.memory_space<vmem>>
        %dma_start3A_1041 = tpu.memref_squeeze %dma_start3A_1040 : memref<1x1x128xi32, #tpu.memory_space<vmem>> -> memref<128xi32, #tpu.memory_space<vmem>>
        %dma_start3A_1042 = arith.constant 0 : i32
        %dma_start3A_1043 = arith.constant 0 : i32
        %dma_start3A_1044 = tpu.memref_slice %arg2[%dma_start3A_1042, %dma_start3A_1043] : memref<10000x128xf32, #tpu.memory_space<hbm>> -> memref<10000x128xf32, #tpu.memory_space<hbm>>
        %dma_start3A_1045 = tpu.memref_slice %arg11[%dma_start3A_1034] : memref<2x!tpu.dma_semaphore, #tpu.memory_space<semaphore_mem>> -> memref<1x!tpu.dma_semaphore, #tpu.memory_space<semaphore_mem>>
        %dma_start3A_1046 = tpu.memref_squeeze %dma_start3A_1045 : memref<1x!tpu.dma_semaphore, #tpu.memory_space<semaphore_mem>> -> memref<!tpu.dma_semaphore, #tpu.memory_space<semaphore_mem>>
        tpu.enqueue_indirect_dma source(%dma_start3A_1044 : memref<10000x128xf32, #tpu.memory_space<hbm>>) target(%dma_start3A_1038 : memref<128x128xf32, #tpu.memory_space<vmem>>) offsets(%dma_start3A_1041 : memref<128xi32, #tpu.memory_space<vmem>>) semaphore(%dma_start3A_1046 : memref<!tpu.dma_semaphore, #tpu.memory_space<semaphore_mem>>)
      } else {
      }
      %dma_wait3A_945 = arith.constant 15 : i32
      %dma_wait3A_946 = arith.constant 1 : i32
      %dma_wait3A_947 = arith.constant 1 : i32
      %dma_wait3A_948 = arith.constant 0 : i32
      %dma_wait3A_949 = arith.constant 0 : i32
      %dma_wait3A_950 = tpu.memref_slice %arg9[%dma_wait3A_946, %dma_wait3A_948, %dma_wait3A_949] : memref<2x128x128xf32, #tpu.memory_space<vmem>> -> memref<1x128x128xf32, #tpu.memory_space<vmem>>
      %dma_wait3A_951 = tpu.memref_squeeze %dma_wait3A_950 : memref<1x128x128xf32, #tpu.memory_space<vmem>> -> memref<128x128xf32, #tpu.memory_space<vmem>>
      %dma_wait3A_952 = arith.constant 0 : i32
      %dma_wait3A_953 = tpu.memref_slice %arg7[%rem3A_30, %dma_wait3A_945, %dma_wait3A_952] : memref<2x16x128xi32, #tpu.memory_space<vmem>> -> memref<1x1x128xi32, #tpu.memory_space<vmem>>
      %dma_wait3A_954 = tpu.memref_squeeze %dma_wait3A_953 : memref<1x1x128xi32, #tpu.memory_space<vmem>> -> memref<128xi32, #tpu.memory_space<vmem>>
      %dma_wait3A_955 = arith.constant 0 : i32
      %dma_wait3A_956 = arith.constant 0 : i32
      %dma_wait3A_957 = tpu.memref_slice %arg2[%dma_wait3A_955, %dma_wait3A_956] : memref<10000x128xf32, #tpu.memory_space<hbm>> -> memref<10000x128xf32, #tpu.memory_space<hbm>>
      %dma_wait3A_958 = tpu.memref_slice %arg11[%dma_wait3A_947] : memref<2x!tpu.dma_semaphore, #tpu.memory_space<semaphore_mem>> -> memref<1x!tpu.dma_semaphore, #tpu.memory_space<semaphore_mem>>
      %dma_wait3A_959 = tpu.memref_squeeze %dma_wait3A_958 : memref<1x!tpu.dma_semaphore, #tpu.memory_space<semaphore_mem>> -> memref<!tpu.dma_semaphore, #tpu.memory_space<semaphore_mem>>
      tpu.wait_indirect_dma semaphore(%dma_wait3A_959 : memref<!tpu.dma_semaphore, #tpu.memory_space<semaphore_mem>>) src(%dma_wait3A_957 : memref<10000x128xf32, #tpu.memory_space<hbm>>) dst(%dma_wait3A_951 : memref<128x128xf32, #tpu.memory_space<vmem>>)
      %dma_start3A_960 = arith.constant 1 : i32
      %dma_start3A_961 = arith.constant 15 : i32
      %dma_start3A_962 = arith.constant 1 : i32
      %dma_start3A_963 = arith.constant 0 : i32
      %dma_start3A_964 = arith.constant 0 : i32
      %dma_start3A_965 = tpu.memref_slice %arg9[%dma_start3A_960, %dma_start3A_963, %dma_start3A_964] : memref<2x128x128xf32, #tpu.memory_space<vmem>> -> memref<1x128x128xf32, #tpu.memory_space<vmem>>
      %dma_start3A_966 = tpu.memref_squeeze %dma_start3A_965 : memref<1x128x128xf32, #tpu.memory_space<vmem>> -> memref<128x128xf32, #tpu.memory_space<vmem>>
      %dma_start3A_967 = arith.constant 0 : i32
      %dma_start3A_968 = tpu.memref_slice %arg8[%rem3A_30, %dma_start3A_961, %dma_start3A_967] : memref<2x16x128xi32, #tpu.memory_space<vmem>> -> memref<1x1x128xi32, #tpu.memory_space<vmem>>
      %dma_start3A_969 = tpu.memref_squeeze %dma_start3A_968 : memref<1x1x128xi32, #tpu.memory_space<vmem>> -> memref<128xi32, #tpu.memory_space<vmem>>
      %dma_start3A_970 = arith.constant 0 : i32
      %dma_start3A_971 = arith.constant 0 : i32
      %dma_start3A_972 = tpu.memref_slice %arg10[%dma_start3A_970, %dma_start3A_971] : memref<10112x128xf32, #tpu.memory_space<vmem_shared>> -> memref<10112x128xf32, #tpu.memory_space<vmem_shared>>
      %dma_start3A_973 = tpu.memref_slice %arg13[%dma_start3A_962] : memref<2x!tpu.dma_semaphore, #tpu.memory_space<semaphore_mem>> -> memref<1x!tpu.dma_semaphore, #tpu.memory_space<semaphore_mem>>
      %dma_start3A_974 = tpu.memref_squeeze %dma_start3A_973 : memref<1x!tpu.dma_semaphore, #tpu.memory_space<semaphore_mem>> -> memref<!tpu.dma_semaphore, #tpu.memory_space<semaphore_mem>>
      tpu.enqueue_indirect_dma source(%dma_start3A_966 : memref<128x128xf32, #tpu.memory_space<vmem>>) target(%dma_start3A_972 : memref<10112x128xf32, #tpu.memory_space<vmem_shared>>) offsets(%dma_start3A_969 : memref<128xi32, #tpu.memory_space<vmem>>) semaphore(%dma_start3A_974 : memref<!tpu.dma_semaphore, #tpu.memory_space<semaphore_mem>>) {add = true}
      %dma_wait3A_975 = arith.constant 1 : i32
      %dma_wait3A_976 = arith.constant 15 : i32
      %dma_wait3A_977 = arith.constant 1 : i32
      %dma_wait3A_978 = arith.constant 0 : i32
      %dma_wait3A_979 = arith.constant 0 : i32
      %dma_wait3A_980 = tpu.memref_slice %arg9[%dma_wait3A_975, %dma_wait3A_978, %dma_wait3A_979] : memref<2x128x128xf32, #tpu.memory_space<vmem>> -> memref<1x128x128xf32, #tpu.memory_space<vmem>>
      %dma_wait3A_981 = tpu.memref_squeeze %dma_wait3A_980 : memref<1x128x128xf32, #tpu.memory_space<vmem>> -> memref<128x128xf32, #tpu.memory_space<vmem>>
      %dma_wait3A_982 = arith.constant 0 : i32
      %dma_wait3A_983 = tpu.memref_slice %arg8[%rem3A_30, %dma_wait3A_976, %dma_wait3A_982] : memref<2x16x128xi32, #tpu.memory_space<vmem>> -> memref<1x1x128xi32, #tpu.memory_space<vmem>>
      %dma_wait3A_984 = tpu.memref_squeeze %dma_wait3A_983 : memref<1x1x128xi32, #tpu.memory_space<vmem>> -> memref<128xi32, #tpu.memory_space<vmem>>
      %dma_wait3A_985 = arith.constant 0 : i32
      %dma_wait3A_986 = arith.constant 0 : i32
      %dma_wait3A_987 = tpu.memref_slice %arg10[%dma_wait3A_985, %dma_wait3A_986] : memref<10112x128xf32, #tpu.memory_space<vmem_shared>> -> memref<10112x128xf32, #tpu.memory_space<vmem_shared>>
      %dma_wait3A_988 = tpu.memref_slice %arg13[%dma_wait3A_977] : memref<2x!tpu.dma_semaphore, #tpu.memory_space<semaphore_mem>> -> memref<1x!tpu.dma_semaphore, #tpu.memory_space<semaphore_mem>>
      %dma_wait3A_989 = tpu.memref_squeeze %dma_wait3A_988 : memref<1x!tpu.dma_semaphore, #tpu.memory_space<semaphore_mem>> -> memref<!tpu.dma_semaphore, #tpu.memory_space<semaphore_mem>>
      tpu.wait_indirect_dma semaphore(%dma_wait3A_989 : memref<!tpu.dma_semaphore, #tpu.memory_space<semaphore_mem>>) src(%dma_wait3A_981 : memref<128x128xf32, #tpu.memory_space<vmem>>) dst(%dma_wait3A_987 : memref<10112x128xf32, #tpu.memory_space<vmem_shared>>)
    }
    %scan3A_23 = arith.constant 5 : i32
    %barrier3A_24 = arith.constant 0 : index
    tpu.barrier barrier_id(%barrier3A_24)
    %mul3A_25 = arith.constant 632 : i32
    %mul3A_26 = arith.muli %arg1, %mul3A_25 : i32
    %mul3A_27 = arith.constant 632 : i32
    %mul3A_28 = arith.muli %arg1, %mul3A_27 : i32
    "tpu.region"() ({
      %run_scoped3A_29 = tpu.sem_alloc : memref<!tpu.dma_semaphore, #tpu.memory_space<semaphore_mem>>
      %dma_start3A_30 = arith.constant 0 : i32
      %dma_start3A_31 = tpu.memref_slice %arg6[%arg0, %mul3A_28, %dma_start3A_30] : memref<2x10112x128xf32, #tpu.memory_space<hbm>> -> memref<1x632x128xf32, #tpu.memory_space<hbm>>
      %dma_start3A_32 = tpu.memref_squeeze %dma_start3A_31 : memref<1x632x128xf32, #tpu.memory_space<hbm>> -> memref<632x128xf32, #tpu.memory_space<hbm>>
      %dma_start3A_33 = arith.constant 0 : i32
      %dma_start3A_34 = tpu.memref_slice %arg10[%mul3A_26, %dma_start3A_33] : memref<10112x128xf32, #tpu.memory_space<vmem_shared>> -> memref<632x128xf32, #tpu.memory_space<vmem_shared>>
      tpu.enqueue_dma source(%dma_start3A_34 : memref<632x128xf32, #tpu.memory_space<vmem_shared>>) target(%dma_start3A_32 : memref<632x128xf32, #tpu.memory_space<hbm>>) target_semaphore(%run_scoped3A_29 : memref<!tpu.dma_semaphore, #tpu.memory_space<semaphore_mem>>)
      %dma_wait3A = arith.constant 0 : i32
      %dma_wait3A_35 = tpu.memref_slice %arg6[%arg0, %mul3A_28, %dma_wait3A] : memref<2x10112x128xf32, #tpu.memory_space<hbm>> -> memref<1x632x128xf32, #tpu.memory_space<hbm>>
      %dma_wait3A_36 = tpu.memref_squeeze %dma_wait3A_35 : memref<1x632x128xf32, #tpu.memory_space<hbm>> -> memref<632x128xf32, #tpu.memory_space<hbm>>
      %dma_wait3A_37 = arith.constant 0 : i32
      %dma_wait3A_38 = tpu.memref_slice %arg10[%mul3A_26, %dma_wait3A_37] : memref<10112x128xf32, #tpu.memory_space<vmem_shared>> -> memref<632x128xf32, #tpu.memory_space<vmem_shared>>
      tpu.wait_dma2 semaphore(%run_scoped3A_29 : memref<!tpu.dma_semaphore, #tpu.memory_space<semaphore_mem>>) src(%dma_wait3A_38 : memref<632x128xf32, #tpu.memory_space<vmem_shared>>) dst(%dma_wait3A_36 : memref<632x128xf32, #tpu.memory_space<hbm>>)
      tpu.yield
    }) : () -> ()
    return
  }
}

#map = affine_map<(d0, d1) -> (0, 0, 0)>
#map1 = affine_map<(d0, d1) -> (0, 0)>
module attributes {stable_mosaic.version = 14 : i64} {
  func.func @_deg_kernel(%arg0: i32, %arg1: i32, %arg2: memref<32x80x128xi32, #tpu.memory_space<hbm>>, %arg3: memref<2x10240xf32, #tpu.memory_space<hbm>>, %arg4: memref<80x128xi32, #tpu.memory_space<vmem>>, %arg5: memref<128xf32, #tpu.memory_space<vmem>>, %arg6: memref<640xf32, #tpu.memory_space<vmem>>, %arg7: memref<10240xf32, #tpu.memory_space<vmem_shared>>, %arg8: memref<!tpu.dma_semaphore, #tpu.memory_space<semaphore_mem>>) attributes {dimension_semantics = [#tpu.dimension_semantics<core_parallel>, #tpu.dimension_semantics<subcore_parallel>], iteration_bounds = array<i64: 2, 16>, scalar_prefetch = 0 : i64, scratch_operands = 5 : i64, tpu.core_type = #tpu.core_type<sc_vector_subcore>, window_params = [{transform_indices = #map}, {transform_indices = #map1}]} {
    %mul3A = arith.constant 2 : i32
    %mul3A_0 = arith.muli %arg1, %mul3A : i32
    %add3A = arith.addi %mul3A_0, %arg0 : i32
    "tpu.region"() ({
      %run_scoped3A = tpu.sem_alloc : memref<!tpu.dma_semaphore, #tpu.memory_space<semaphore_mem>>
      %dma_start3A = arith.constant 0 : i32
      %dma_start3A_305 = arith.constant 0 : i32
      %dma_start3A_306 = tpu.memref_slice %arg2[%add3A, %dma_start3A, %dma_start3A_305] : memref<32x80x128xi32, #tpu.memory_space<hbm>> -> memref<1x80x128xi32, #tpu.memory_space<hbm>>
      %dma_start3A_307 = tpu.memref_squeeze %dma_start3A_306 : memref<1x80x128xi32, #tpu.memory_space<hbm>> -> memref<80x128xi32, #tpu.memory_space<hbm>>
      %dma_start3A_308 = arith.constant 0 : i32
      %dma_start3A_309 = arith.constant 0 : i32
      %dma_start3A_310 = tpu.memref_slice %arg2[%add3A, %dma_start3A_308, %dma_start3A_309] : memref<32x80x128xi32, #tpu.memory_space<hbm>> -> memref<1x80x128xi32, #tpu.memory_space<hbm>>
      %dma_start3A_311 = tpu.memref_squeeze %dma_start3A_310 : memref<1x80x128xi32, #tpu.memory_space<hbm>> -> memref<80x128xi32, #tpu.memory_space<hbm>>
      tpu.enqueue_dma source(%dma_start3A_311 : memref<80x128xi32, #tpu.memory_space<hbm>>) target(%arg4 : memref<80x128xi32, #tpu.memory_space<vmem>>) target_semaphore(%run_scoped3A : memref<!tpu.dma_semaphore, #tpu.memory_space<semaphore_mem>>)
      %dma_wait3A = arith.constant 0 : i32
      %dma_wait3A_312 = arith.constant 0 : i32
      %dma_wait3A_313 = tpu.memref_slice %arg2[%add3A, %dma_wait3A, %dma_wait3A_312] : memref<32x80x128xi32, #tpu.memory_space<hbm>> -> memref<1x80x128xi32, #tpu.memory_space<hbm>>
      %dma_wait3A_314 = tpu.memref_squeeze %dma_wait3A_313 : memref<1x80x128xi32, #tpu.memory_space<hbm>> -> memref<80x128xi32, #tpu.memory_space<hbm>>
      %dma_wait3A_315 = arith.constant 0 : i32
      %dma_wait3A_316 = arith.constant 0 : i32
      %dma_wait3A_317 = tpu.memref_slice %arg2[%add3A, %dma_wait3A_315, %dma_wait3A_316] : memref<32x80x128xi32, #tpu.memory_space<hbm>> -> memref<1x80x128xi32, #tpu.memory_space<hbm>>
      %dma_wait3A_318 = tpu.memref_squeeze %dma_wait3A_317 : memref<1x80x128xi32, #tpu.memory_space<hbm>> -> memref<80x128xi32, #tpu.memory_space<hbm>>
      tpu.wait_dma2 semaphore(%run_scoped3A : memref<!tpu.dma_semaphore, #tpu.memory_space<semaphore_mem>>) src(%dma_wait3A_318 : memref<80x128xi32, #tpu.memory_space<hbm>>) dst(%arg4 : memref<80x128xi32, #tpu.memory_space<vmem>>)
      tpu.yield
    }) : () -> ()
    %broadcast_in_dim3A = arith.constant 1.000000e+00 : f32
    %broadcast_in_dim3A_1 = vector.broadcast %broadcast_in_dim3A : f32 to vector<16xf32>
    %swap3A = arith.constant 0 : index
    %swap3A_2 = tpu.vector_load %arg5[%swap3A] {strides = array<i32>} : memref<128xf32, #tpu.memory_space<vmem>>, vector<16xf32>,
    %swap3A_3 = vector.shape_cast %swap3A_2 : vector<16xf32> to vector<16xf32>
    %swap3A_4 = vector.shape_cast %broadcast_in_dim3A_1 : vector<16xf32> to vector<16xf32>
    tpu.vector_store %arg5[%swap3A], %swap3A_4 {strides = array<i32>} : memref<128xf32, #tpu.memory_space<vmem>>, vector<16xf32>,
    %broadcast_in_dim3A_5 = arith.constant 1.000000e+00 : f32
    %broadcast_in_dim3A_6 = vector.broadcast %broadcast_in_dim3A_5 : f32 to vector<16xf32>
    %swap3A_7 = arith.constant 16 : index
    %swap3A_8 = tpu.vector_load %arg5[%swap3A_7] {strides = array<i32>} : memref<128xf32, #tpu.memory_space<vmem>>, vector<16xf32>,
    %swap3A_9 = vector.shape_cast %swap3A_8 : vector<16xf32> to vector<16xf32>
    %swap3A_10 = vector.shape_cast %broadcast_in_dim3A_6 : vector<16xf32> to vector<16xf32>
    tpu.vector_store %arg5[%swap3A_7], %swap3A_10 {strides = array<i32>} : memref<128xf32, #tpu.memory_space<vmem>>, vector<16xf32>,
    %broadcast_in_dim3A_11 = arith.constant 1.000000e+00 : f32
    %broadcast_in_dim3A_12 = vector.broadcast %broadcast_in_dim3A_11 : f32 to vector<16xf32>
    %swap3A_13 = arith.constant 32 : index
    %swap3A_14 = tpu.vector_load %arg5[%swap3A_13] {strides = array<i32>} : memref<128xf32, #tpu.memory_space<vmem>>, vector<16xf32>,
    %swap3A_15 = vector.shape_cast %swap3A_14 : vector<16xf32> to vector<16xf32>
    %swap3A_16 = vector.shape_cast %broadcast_in_dim3A_12 : vector<16xf32> to vector<16xf32>
    tpu.vector_store %arg5[%swap3A_13], %swap3A_16 {strides = array<i32>} : memref<128xf32, #tpu.memory_space<vmem>>, vector<16xf32>,
    %broadcast_in_dim3A_17 = arith.constant 1.000000e+00 : f32
    %broadcast_in_dim3A_18 = vector.broadcast %broadcast_in_dim3A_17 : f32 to vector<16xf32>
    %swap3A_19 = arith.constant 48 : index
    %swap3A_20 = tpu.vector_load %arg5[%swap3A_19] {strides = array<i32>} : memref<128xf32, #tpu.memory_space<vmem>>, vector<16xf32>,
    %swap3A_21 = vector.shape_cast %swap3A_20 : vector<16xf32> to vector<16xf32>
    %swap3A_22 = vector.shape_cast %broadcast_in_dim3A_18 : vector<16xf32> to vector<16xf32>
    tpu.vector_store %arg5[%swap3A_19], %swap3A_22 {strides = array<i32>} : memref<128xf32, #tpu.memory_space<vmem>>, vector<16xf32>,
    %broadcast_in_dim3A_23 = arith.constant 1.000000e+00 : f32
    %broadcast_in_dim3A_24 = vector.broadcast %broadcast_in_dim3A_23 : f32 to vector<16xf32>
    %swap3A_25 = arith.constant 64 : index
    %swap3A_26 = tpu.vector_load %arg5[%swap3A_25] {strides = array<i32>} : memref<128xf32, #tpu.memory_space<vmem>>, vector<16xf32>,
    %swap3A_27 = vector.shape_cast %swap3A_26 : vector<16xf32> to vector<16xf32>
    %swap3A_28 = vector.shape_cast %broadcast_in_dim3A_24 : vector<16xf32> to vector<16xf32>
    tpu.vector_store %arg5[%swap3A_25], %swap3A_28 {strides = array<i32>} : memref<128xf32, #tpu.memory_space<vmem>>, vector<16xf32>,
    %broadcast_in_dim3A_29 = arith.constant 1.000000e+00 : f32
    %broadcast_in_dim3A_30 = vector.broadcast %broadcast_in_dim3A_29 : f32 to vector<16xf32>
    %swap3A_31 = arith.constant 80 : index
    %swap3A_32 = tpu.vector_load %arg5[%swap3A_31] {strides = array<i32>} : memref<128xf32, #tpu.memory_space<vmem>>, vector<16xf32>,
    %swap3A_33 = vector.shape_cast %swap3A_32 : vector<16xf32> to vector<16xf32>
    %swap3A_34 = vector.shape_cast %broadcast_in_dim3A_30 : vector<16xf32> to vector<16xf32>
    tpu.vector_store %arg5[%swap3A_31], %swap3A_34 {strides = array<i32>} : memref<128xf32, #tpu.memory_space<vmem>>, vector<16xf32>,
    %broadcast_in_dim3A_35 = arith.constant 1.000000e+00 : f32
    %broadcast_in_dim3A_36 = vector.broadcast %broadcast_in_dim3A_35 : f32 to vector<16xf32>
    %swap3A_37 = arith.constant 96 : index
    %swap3A_38 = tpu.vector_load %arg5[%swap3A_37] {strides = array<i32>} : memref<128xf32, #tpu.memory_space<vmem>>, vector<16xf32>,
    %swap3A_39 = vector.shape_cast %swap3A_38 : vector<16xf32> to vector<16xf32>
    %swap3A_40 = vector.shape_cast %broadcast_in_dim3A_36 : vector<16xf32> to vector<16xf32>
    tpu.vector_store %arg5[%swap3A_37], %swap3A_40 {strides = array<i32>} : memref<128xf32, #tpu.memory_space<vmem>>, vector<16xf32>,
    %broadcast_in_dim3A_41 = arith.constant 1.000000e+00 : f32
    %broadcast_in_dim3A_42 = vector.broadcast %broadcast_in_dim3A_41 : f32 to vector<16xf32>
    %swap3A_43 = arith.constant 112 : index
    %swap3A_44 = tpu.vector_load %arg5[%swap3A_43] {strides = array<i32>} : memref<128xf32, #tpu.memory_space<vmem>>, vector<16xf32>,
    %swap3A_45 = vector.shape_cast %swap3A_44 : vector<16xf32> to vector<16xf32>
    %swap3A_46 = vector.shape_cast %broadcast_in_dim3A_42 : vector<16xf32> to vector<16xf32>
    tpu.vector_store %arg5[%swap3A_43], %swap3A_46 {strides = array<i32>} : memref<128xf32, #tpu.memory_space<vmem>>, vector<16xf32>,
    %broadcast_in_dim3A_47 = arith.constant 0.000000e+00 : f32
    %broadcast_in_dim3A_48 = vector.broadcast %broadcast_in_dim3A_47 : f32 to vector<16xf32>
    %swap3A_49 = arith.constant 0 : index
    %swap3A_50 = tpu.vector_load %arg6[%swap3A_49] {strides = array<i32>} : memref<640xf32, #tpu.memory_space<vmem>>, vector<16xf32>,
    %swap3A_51 = vector.shape_cast %swap3A_50 : vector<16xf32> to vector<16xf32>
    %swap3A_52 = vector.shape_cast %broadcast_in_dim3A_48 : vector<16xf32> to vector<16xf32>
    tpu.vector_store %arg6[%swap3A_49], %swap3A_52 {strides = array<i32>} : memref<640xf32, #tpu.memory_space<vmem>>, vector<16xf32>,
    %broadcast_in_dim3A_53 = arith.constant 0.000000e+00 : f32
    %broadcast_in_dim3A_54 = vector.broadcast %broadcast_in_dim3A_53 : f32 to vector<16xf32>
    %swap3A_55 = arith.constant 16 : index
    %swap3A_56 = tpu.vector_load %arg6[%swap3A_55] {strides = array<i32>} : memref<640xf32, #tpu.memory_space<vmem>>, vector<16xf32>,
    %swap3A_57 = vector.shape_cast %swap3A_56 : vector<16xf32> to vector<16xf32>
    %swap3A_58 = vector.shape_cast %broadcast_in_dim3A_54 : vector<16xf32> to vector<16xf32>
    tpu.vector_store %arg6[%swap3A_55], %swap3A_58 {strides = array<i32>} : memref<640xf32, #tpu.memory_space<vmem>>, vector<16xf32>,
    %broadcast_in_dim3A_59 = arith.constant 0.000000e+00 : f32
    %broadcast_in_dim3A_60 = vector.broadcast %broadcast_in_dim3A_59 : f32 to vector<16xf32>
    %swap3A_61 = arith.constant 32 : index
    %swap3A_62 = tpu.vector_load %arg6[%swap3A_61] {strides = array<i32>} : memref<640xf32, #tpu.memory_space<vmem>>, vector<16xf32>,
    %swap3A_63 = vector.shape_cast %swap3A_62 : vector<16xf32> to vector<16xf32>
    %swap3A_64 = vector.shape_cast %broadcast_in_dim3A_60 : vector<16xf32> to vector<16xf32>
    tpu.vector_store %arg6[%swap3A_61], %swap3A_64 {strides = array<i32>} : memref<640xf32, #tpu.memory_space<vmem>>, vector<16xf32>,
    %broadcast_in_dim3A_65 = arith.constant 0.000000e+00 : f32
    %broadcast_in_dim3A_66 = vector.broadcast %broadcast_in_dim3A_65 : f32 to vector<16xf32>
    %swap3A_67 = arith.constant 48 : index
    %swap3A_68 = tpu.vector_load %arg6[%swap3A_67] {strides = array<i32>} : memref<640xf32, #tpu.memory_space<vmem>>, vector<16xf32>,
    %swap3A_69 = vector.shape_cast %swap3A_68 : vector<16xf32> to vector<16xf32>
    %swap3A_70 = vector.shape_cast %broadcast_in_dim3A_66 : vector<16xf32> to vector<16xf32>
    tpu.vector_store %arg6[%swap3A_67], %swap3A_70 {strides = array<i32>} : memref<640xf32, #tpu.memory_space<vmem>>, vector<16xf32>,
    %broadcast_in_dim3A_71 = arith.constant 0.000000e+00 : f32
    %broadcast_in_dim3A_72 = vector.broadcast %broadcast_in_dim3A_71 : f32 to vector<16xf32>
    %swap3A_73 = arith.constant 64 : index
    %swap3A_74 = tpu.vector_load %arg6[%swap3A_73] {strides = array<i32>} : memref<640xf32, #tpu.memory_space<vmem>>, vector<16xf32>,
    %swap3A_75 = vector.shape_cast %swap3A_74 : vector<16xf32> to vector<16xf32>
    %swap3A_76 = vector.shape_cast %broadcast_in_dim3A_72 : vector<16xf32> to vector<16xf32>
    tpu.vector_store %arg6[%swap3A_73], %swap3A_76 {strides = array<i32>} : memref<640xf32, #tpu.memory_space<vmem>>, vector<16xf32>,
    %broadcast_in_dim3A_77 = arith.constant 0.000000e+00 : f32
    %broadcast_in_dim3A_78 = vector.broadcast %broadcast_in_dim3A_77 : f32 to vector<16xf32>
    %swap3A_79 = arith.constant 80 : index
    %swap3A_80 = tpu.vector_load %arg6[%swap3A_79] {strides = array<i32>} : memref<640xf32, #tpu.memory_space<vmem>>, vector<16xf32>,
    %swap3A_81 = vector.shape_cast %swap3A_80 : vector<16xf32> to vector<16xf32>
    %swap3A_82 = vector.shape_cast %broadcast_in_dim3A_78 : vector<16xf32> to vector<16xf32>
    tpu.vector_store %arg6[%swap3A_79], %swap3A_82 {strides = array<i32>} : memref<640xf32, #tpu.memory_space<vmem>>, vector<16xf32>,
    %broadcast_in_dim3A_83 = arith.constant 0.000000e+00 : f32
    %broadcast_in_dim3A_84 = vector.broadcast %broadcast_in_dim3A_83 : f32 to vector<16xf32>
    %swap3A_85 = arith.constant 96 : index
    %swap3A_86 = tpu.vector_load %arg6[%swap3A_85] {strides = array<i32>} : memref<640xf32, #tpu.memory_space<vmem>>, vector<16xf32>,
    %swap3A_87 = vector.shape_cast %swap3A_86 : vector<16xf32> to vector<16xf32>
    %swap3A_88 = vector.shape_cast %broadcast_in_dim3A_84 : vector<16xf32> to vector<16xf32>
    tpu.vector_store %arg6[%swap3A_85], %swap3A_88 {strides = array<i32>} : memref<640xf32, #tpu.memory_space<vmem>>, vector<16xf32>,
    %broadcast_in_dim3A_89 = arith.constant 0.000000e+00 : f32
    %broadcast_in_dim3A_90 = vector.broadcast %broadcast_in_dim3A_89 : f32 to vector<16xf32>
    %swap3A_91 = arith.constant 112 : index
    %swap3A_92 = tpu.vector_load %arg6[%swap3A_91] {strides = array<i32>} : memref<640xf32, #tpu.memory_space<vmem>>, vector<16xf32>,
    %swap3A_93 = vector.shape_cast %swap3A_92 : vector<16xf32> to vector<16xf32>
    %swap3A_94 = vector.shape_cast %broadcast_in_dim3A_90 : vector<16xf32> to vector<16xf32>
    tpu.vector_store %arg6[%swap3A_91], %swap3A_94 {strides = array<i32>} : memref<640xf32, #tpu.memory_space<vmem>>, vector<16xf32>,
    %broadcast_in_dim3A_95 = arith.constant 0.000000e+00 : f32
    %broadcast_in_dim3A_96 = vector.broadcast %broadcast_in_dim3A_95 : f32 to vector<16xf32>
    %swap3A_97 = arith.constant 128 : index
    %swap3A_98 = tpu.vector_load %arg6[%swap3A_97] {strides = array<i32>} : memref<640xf32, #tpu.memory_space<vmem>>, vector<16xf32>,
    %swap3A_99 = vector.shape_cast %swap3A_98 : vector<16xf32> to vector<16xf32>
    %swap3A_100 = vector.shape_cast %broadcast_in_dim3A_96 : vector<16xf32> to vector<16xf32>
    tpu.vector_store %arg6[%swap3A_97], %swap3A_100 {strides = array<i32>} : memref<640xf32, #tpu.memory_space<vmem>>, vector<16xf32>,
    %broadcast_in_dim3A_101 = arith.constant 0.000000e+00 : f32
    %broadcast_in_dim3A_102 = vector.broadcast %broadcast_in_dim3A_101 : f32 to vector<16xf32>
    %swap3A_103 = arith.constant 144 : index
    %swap3A_104 = tpu.vector_load %arg6[%swap3A_103] {strides = array<i32>} : memref<640xf32, #tpu.memory_space<vmem>>, vector<16xf32>,
    %swap3A_105 = vector.shape_cast %swap3A_104 : vector<16xf32> to vector<16xf32>
    %swap3A_106 = vector.shape_cast %broadcast_in_dim3A_102 : vector<16xf32> to vector<16xf32>
    tpu.vector_store %arg6[%swap3A_103], %swap3A_106 {strides = array<i32>} : memref<640xf32, #tpu.memory_space<vmem>>, vector<16xf32>,
    %broadcast_in_dim3A_107 = arith.constant 0.000000e+00 : f32
    %broadcast_in_dim3A_108 = vector.broadcast %broadcast_in_dim3A_107 : f32 to vector<16xf32>
    %swap3A_109 = arith.constant 160 : index
    %swap3A_110 = tpu.vector_load %arg6[%swap3A_109] {strides = array<i32>} : memref<640xf32, #tpu.memory_space<vmem>>, vector<16xf32>,
    %swap3A_111 = vector.shape_cast %swap3A_110 : vector<16xf32> to vector<16xf32>
    %swap3A_112 = vector.shape_cast %broadcast_in_dim3A_108 : vector<16xf32> to vector<16xf32>
    tpu.vector_store %arg6[%swap3A_109], %swap3A_112 {strides = array<i32>} : memref<640xf32, #tpu.memory_space<vmem>>, vector<16xf32>,
    %broadcast_in_dim3A_113 = arith.constant 0.000000e+00 : f32
    %broadcast_in_dim3A_114 = vector.broadcast %broadcast_in_dim3A_113 : f32 to vector<16xf32>
    %swap3A_115 = arith.constant 176 : index
    %swap3A_116 = tpu.vector_load %arg6[%swap3A_115] {strides = array<i32>} : memref<640xf32, #tpu.memory_space<vmem>>, vector<16xf32>,
    %swap3A_117 = vector.shape_cast %swap3A_116 : vector<16xf32> to vector<16xf32>
    %swap3A_118 = vector.shape_cast %broadcast_in_dim3A_114 : vector<16xf32> to vector<16xf32>
    tpu.vector_store %arg6[%swap3A_115], %swap3A_118 {strides = array<i32>} : memref<640xf32, #tpu.memory_space<vmem>>, vector<16xf32>,
    %broadcast_in_dim3A_119 = arith.constant 0.000000e+00 : f32
    %broadcast_in_dim3A_120 = vector.broadcast %broadcast_in_dim3A_119 : f32 to vector<16xf32>
    %swap3A_121 = arith.constant 192 : index
    %swap3A_122 = tpu.vector_load %arg6[%swap3A_121] {strides = array<i32>} : memref<640xf32, #tpu.memory_space<vmem>>, vector<16xf32>,
    %swap3A_123 = vector.shape_cast %swap3A_122 : vector<16xf32> to vector<16xf32>
    %swap3A_124 = vector.shape_cast %broadcast_in_dim3A_120 : vector<16xf32> to vector<16xf32>
    tpu.vector_store %arg6[%swap3A_121], %swap3A_124 {strides = array<i32>} : memref<640xf32, #tpu.memory_space<vmem>>, vector<16xf32>,
    %broadcast_in_dim3A_125 = arith.constant 0.000000e+00 : f32
    %broadcast_in_dim3A_126 = vector.broadcast %broadcast_in_dim3A_125 : f32 to vector<16xf32>
    %swap3A_127 = arith.constant 208 : index
    %swap3A_128 = tpu.vector_load %arg6[%swap3A_127] {strides = array<i32>} : memref<640xf32, #tpu.memory_space<vmem>>, vector<16xf32>,
    %swap3A_129 = vector.shape_cast %swap3A_128 : vector<16xf32> to vector<16xf32>
    %swap3A_130 = vector.shape_cast %broadcast_in_dim3A_126 : vector<16xf32> to vector<16xf32>
    tpu.vector_store %arg6[%swap3A_127], %swap3A_130 {strides = array<i32>} : memref<640xf32, #tpu.memory_space<vmem>>, vector<16xf32>,
    %broadcast_in_dim3A_131 = arith.constant 0.000000e+00 : f32
    %broadcast_in_dim3A_132 = vector.broadcast %broadcast_in_dim3A_131 : f32 to vector<16xf32>
    %swap3A_133 = arith.constant 224 : index
    %swap3A_134 = tpu.vector_load %arg6[%swap3A_133] {strides = array<i32>} : memref<640xf32, #tpu.memory_space<vmem>>, vector<16xf32>,
    %swap3A_135 = vector.shape_cast %swap3A_134 : vector<16xf32> to vector<16xf32>
    %swap3A_136 = vector.shape_cast %broadcast_in_dim3A_132 : vector<16xf32> to vector<16xf32>
    tpu.vector_store %arg6[%swap3A_133], %swap3A_136 {strides = array<i32>} : memref<640xf32, #tpu.memory_space<vmem>>, vector<16xf32>,
    %broadcast_in_dim3A_137 = arith.constant 0.000000e+00 : f32
    %broadcast_in_dim3A_138 = vector.broadcast %broadcast_in_dim3A_137 : f32 to vector<16xf32>
    %swap3A_139 = arith.constant 240 : index
    %swap3A_140 = tpu.vector_load %arg6[%swap3A_139] {strides = array<i32>} : memref<640xf32, #tpu.memory_space<vmem>>, vector<16xf32>,
    %swap3A_141 = vector.shape_cast %swap3A_140 : vector<16xf32> to vector<16xf32>
    %swap3A_142 = vector.shape_cast %broadcast_in_dim3A_138 : vector<16xf32> to vector<16xf32>
    tpu.vector_store %arg6[%swap3A_139], %swap3A_142 {strides = array<i32>} : memref<640xf32, #tpu.memory_space<vmem>>, vector<16xf32>,
    %broadcast_in_dim3A_143 = arith.constant 0.000000e+00 : f32
    %broadcast_in_dim3A_144 = vector.broadcast %broadcast_in_dim3A_143 : f32 to vector<16xf32>
    %swap3A_145 = arith.constant 256 : index
    %swap3A_146 = tpu.vector_load %arg6[%swap3A_145] {strides = array<i32>} : memref<640xf32, #tpu.memory_space<vmem>>, vector<16xf32>,
    %swap3A_147 = vector.shape_cast %swap3A_146 : vector<16xf32> to vector<16xf32>
    %swap3A_148 = vector.shape_cast %broadcast_in_dim3A_144 : vector<16xf32> to vector<16xf32>
    tpu.vector_store %arg6[%swap3A_145], %swap3A_148 {strides = array<i32>} : memref<640xf32, #tpu.memory_space<vmem>>, vector<16xf32>,
    %broadcast_in_dim3A_149 = arith.constant 0.000000e+00 : f32
    %broadcast_in_dim3A_150 = vector.broadcast %broadcast_in_dim3A_149 : f32 to vector<16xf32>
    %swap3A_151 = arith.constant 272 : index
    %swap3A_152 = tpu.vector_load %arg6[%swap3A_151] {strides = array<i32>} : memref<640xf32, #tpu.memory_space<vmem>>, vector<16xf32>,
    %swap3A_153 = vector.shape_cast %swap3A_152 : vector<16xf32> to vector<16xf32>
    %swap3A_154 = vector.shape_cast %broadcast_in_dim3A_150 : vector<16xf32> to vector<16xf32>
    tpu.vector_store %arg6[%swap3A_151], %swap3A_154 {strides = array<i32>} : memref<640xf32, #tpu.memory_space<vmem>>, vector<16xf32>,
    %broadcast_in_dim3A_155 = arith.constant 0.000000e+00 : f32
    %broadcast_in_dim3A_156 = vector.broadcast %broadcast_in_dim3A_155 : f32 to vector<16xf32>
    %swap3A_157 = arith.constant 288 : index
    %swap3A_158 = tpu.vector_load %arg6[%swap3A_157] {strides = array<i32>} : memref<640xf32, #tpu.memory_space<vmem>>, vector<16xf32>,
    %swap3A_159 = vector.shape_cast %swap3A_158 : vector<16xf32> to vector<16xf32>
    %swap3A_160 = vector.shape_cast %broadcast_in_dim3A_156 : vector<16xf32> to vector<16xf32>
    tpu.vector_store %arg6[%swap3A_157], %swap3A_160 {strides = array<i32>} : memref<640xf32, #tpu.memory_space<vmem>>, vector<16xf32>,
    %broadcast_in_dim3A_161 = arith.constant 0.000000e+00 : f32
    %broadcast_in_dim3A_162 = vector.broadcast %broadcast_in_dim3A_161 : f32 to vector<16xf32>
    %swap3A_163 = arith.constant 304 : index
    %swap3A_164 = tpu.vector_load %arg6[%swap3A_163] {strides = array<i32>} : memref<640xf32, #tpu.memory_space<vmem>>, vector<16xf32>,
    %swap3A_165 = vector.shape_cast %swap3A_164 : vector<16xf32> to vector<16xf32>
    %swap3A_166 = vector.shape_cast %broadcast_in_dim3A_162 : vector<16xf32> to vector<16xf32>
    tpu.vector_store %arg6[%swap3A_163], %swap3A_166 {strides = array<i32>} : memref<640xf32, #tpu.memory_space<vmem>>, vector<16xf32>,
    %broadcast_in_dim3A_167 = arith.constant 0.000000e+00 : f32
    %broadcast_in_dim3A_168 = vector.broadcast %broadcast_in_dim3A_167 : f32 to vector<16xf32>
    %swap3A_169 = arith.constant 320 : index
    %swap3A_170 = tpu.vector_load %arg6[%swap3A_169] {strides = array<i32>} : memref<640xf32, #tpu.memory_space<vmem>>, vector<16xf32>,
    %swap3A_171 = vector.shape_cast %swap3A_170 : vector<16xf32> to vector<16xf32>
    %swap3A_172 = vector.shape_cast %broadcast_in_dim3A_168 : vector<16xf32> to vector<16xf32>
    tpu.vector_store %arg6[%swap3A_169], %swap3A_172 {strides = array<i32>} : memref<640xf32, #tpu.memory_space<vmem>>, vector<16xf32>,
    %broadcast_in_dim3A_173 = arith.constant 0.000000e+00 : f32
    %broadcast_in_dim3A_174 = vector.broadcast %broadcast_in_dim3A_173 : f32 to vector<16xf32>
    %swap3A_175 = arith.constant 336 : index
    %swap3A_176 = tpu.vector_load %arg6[%swap3A_175] {strides = array<i32>} : memref<640xf32, #tpu.memory_space<vmem>>, vector<16xf32>,
    %swap3A_177 = vector.shape_cast %swap3A_176 : vector<16xf32> to vector<16xf32>
    %swap3A_178 = vector.shape_cast %broadcast_in_dim3A_174 : vector<16xf32> to vector<16xf32>
    tpu.vector_store %arg6[%swap3A_175], %swap3A_178 {strides = array<i32>} : memref<640xf32, #tpu.memory_space<vmem>>, vector<16xf32>,
    %broadcast_in_dim3A_179 = arith.constant 0.000000e+00 : f32
    %broadcast_in_dim3A_180 = vector.broadcast %broadcast_in_dim3A_179 : f32 to vector<16xf32>
    %swap3A_181 = arith.constant 352 : index
    %swap3A_182 = tpu.vector_load %arg6[%swap3A_181] {strides = array<i32>} : memref<640xf32, #tpu.memory_space<vmem>>, vector<16xf32>,
    %swap3A_183 = vector.shape_cast %swap3A_182 : vector<16xf32> to vector<16xf32>
    %swap3A_184 = vector.shape_cast %broadcast_in_dim3A_180 : vector<16xf32> to vector<16xf32>
    tpu.vector_store %arg6[%swap3A_181], %swap3A_184 {strides = array<i32>} : memref<640xf32, #tpu.memory_space<vmem>>, vector<16xf32>,
    %broadcast_in_dim3A_185 = arith.constant 0.000000e+00 : f32
    %broadcast_in_dim3A_186 = vector.broadcast %broadcast_in_dim3A_185 : f32 to vector<16xf32>
    %swap3A_187 = arith.constant 368 : index
    %swap3A_188 = tpu.vector_load %arg6[%swap3A_187] {strides = array<i32>} : memref<640xf32, #tpu.memory_space<vmem>>, vector<16xf32>,
    %swap3A_189 = vector.shape_cast %swap3A_188 : vector<16xf32> to vector<16xf32>
    %swap3A_190 = vector.shape_cast %broadcast_in_dim3A_186 : vector<16xf32> to vector<16xf32>
    tpu.vector_store %arg6[%swap3A_187], %swap3A_190 {strides = array<i32>} : memref<640xf32, #tpu.memory_space<vmem>>, vector<16xf32>,
    %broadcast_in_dim3A_191 = arith.constant 0.000000e+00 : f32
    %broadcast_in_dim3A_192 = vector.broadcast %broadcast_in_dim3A_191 : f32 to vector<16xf32>
    %swap3A_193 = arith.constant 384 : index
    %swap3A_194 = tpu.vector_load %arg6[%swap3A_193] {strides = array<i32>} : memref<640xf32, #tpu.memory_space<vmem>>, vector<16xf32>,
    %swap3A_195 = vector.shape_cast %swap3A_194 : vector<16xf32> to vector<16xf32>
    %swap3A_196 = vector.shape_cast %broadcast_in_dim3A_192 : vector<16xf32> to vector<16xf32>
    tpu.vector_store %arg6[%swap3A_193], %swap3A_196 {strides = array<i32>} : memref<640xf32, #tpu.memory_space<vmem>>, vector<16xf32>,
    %broadcast_in_dim3A_197 = arith.constant 0.000000e+00 : f32
    %broadcast_in_dim3A_198 = vector.broadcast %broadcast_in_dim3A_197 : f32 to vector<16xf32>
    %swap3A_199 = arith.constant 400 : index
    %swap3A_200 = tpu.vector_load %arg6[%swap3A_199] {strides = array<i32>} : memref<640xf32, #tpu.memory_space<vmem>>, vector<16xf32>,
    %swap3A_201 = vector.shape_cast %swap3A_200 : vector<16xf32> to vector<16xf32>
    %swap3A_202 = vector.shape_cast %broadcast_in_dim3A_198 : vector<16xf32> to vector<16xf32>
    tpu.vector_store %arg6[%swap3A_199], %swap3A_202 {strides = array<i32>} : memref<640xf32, #tpu.memory_space<vmem>>, vector<16xf32>,
    %broadcast_in_dim3A_203 = arith.constant 0.000000e+00 : f32
    %broadcast_in_dim3A_204 = vector.broadcast %broadcast_in_dim3A_203 : f32 to vector<16xf32>
    %swap3A_205 = arith.constant 416 : index
    %swap3A_206 = tpu.vector_load %arg6[%swap3A_205] {strides = array<i32>} : memref<640xf32, #tpu.memory_space<vmem>>, vector<16xf32>,
    %swap3A_207 = vector.shape_cast %swap3A_206 : vector<16xf32> to vector<16xf32>
    %swap3A_208 = vector.shape_cast %broadcast_in_dim3A_204 : vector<16xf32> to vector<16xf32>
    tpu.vector_store %arg6[%swap3A_205], %swap3A_208 {strides = array<i32>} : memref<640xf32, #tpu.memory_space<vmem>>, vector<16xf32>,
    %broadcast_in_dim3A_209 = arith.constant 0.000000e+00 : f32
    %broadcast_in_dim3A_210 = vector.broadcast %broadcast_in_dim3A_209 : f32 to vector<16xf32>
    %swap3A_211 = arith.constant 432 : index
    %swap3A_212 = tpu.vector_load %arg6[%swap3A_211] {strides = array<i32>} : memref<640xf32, #tpu.memory_space<vmem>>, vector<16xf32>,
    %swap3A_213 = vector.shape_cast %swap3A_212 : vector<16xf32> to vector<16xf32>
    %swap3A_214 = vector.shape_cast %broadcast_in_dim3A_210 : vector<16xf32> to vector<16xf32>
    tpu.vector_store %arg6[%swap3A_211], %swap3A_214 {strides = array<i32>} : memref<640xf32, #tpu.memory_space<vmem>>, vector<16xf32>,
    %broadcast_in_dim3A_215 = arith.constant 0.000000e+00 : f32
    %broadcast_in_dim3A_216 = vector.broadcast %broadcast_in_dim3A_215 : f32 to vector<16xf32>
    %swap3A_217 = arith.constant 448 : index
    %swap3A_218 = tpu.vector_load %arg6[%swap3A_217] {strides = array<i32>} : memref<640xf32, #tpu.memory_space<vmem>>, vector<16xf32>,
    %swap3A_219 = vector.shape_cast %swap3A_218 : vector<16xf32> to vector<16xf32>
    %swap3A_220 = vector.shape_cast %broadcast_in_dim3A_216 : vector<16xf32> to vector<16xf32>
    tpu.vector_store %arg6[%swap3A_217], %swap3A_220 {strides = array<i32>} : memref<640xf32, #tpu.memory_space<vmem>>, vector<16xf32>,
    %broadcast_in_dim3A_221 = arith.constant 0.000000e+00 : f32
    %broadcast_in_dim3A_222 = vector.broadcast %broadcast_in_dim3A_221 : f32 to vector<16xf32>
    %swap3A_223 = arith.constant 464 : index
    %swap3A_224 = tpu.vector_load %arg6[%swap3A_223] {strides = array<i32>} : memref<640xf32, #tpu.memory_space<vmem>>, vector<16xf32>,
    %swap3A_225 = vector.shape_cast %swap3A_224 : vector<16xf32> to vector<16xf32>
    %swap3A_226 = vector.shape_cast %broadcast_in_dim3A_222 : vector<16xf32> to vector<16xf32>
    tpu.vector_store %arg6[%swap3A_223], %swap3A_226 {strides = array<i32>} : memref<640xf32, #tpu.memory_space<vmem>>, vector<16xf32>,
    %broadcast_in_dim3A_227 = arith.constant 0.000000e+00 : f32
    %broadcast_in_dim3A_228 = vector.broadcast %broadcast_in_dim3A_227 : f32 to vector<16xf32>
    %swap3A_229 = arith.constant 480 : index
    %swap3A_230 = tpu.vector_load %arg6[%swap3A_229] {strides = array<i32>} : memref<640xf32, #tpu.memory_space<vmem>>, vector<16xf32>,
    %swap3A_231 = vector.shape_cast %swap3A_230 : vector<16xf32> to vector<16xf32>
    %swap3A_232 = vector.shape_cast %broadcast_in_dim3A_228 : vector<16xf32> to vector<16xf32>
    tpu.vector_store %arg6[%swap3A_229], %swap3A_232 {strides = array<i32>} : memref<640xf32, #tpu.memory_space<vmem>>, vector<16xf32>,
    %broadcast_in_dim3A_233 = arith.constant 0.000000e+00 : f32
    %broadcast_in_dim3A_234 = vector.broadcast %broadcast_in_dim3A_233 : f32 to vector<16xf32>
    %swap3A_235 = arith.constant 496 : index
    %swap3A_236 = tpu.vector_load %arg6[%swap3A_235] {strides = array<i32>} : memref<640xf32, #tpu.memory_space<vmem>>, vector<16xf32>,
    %swap3A_237 = vector.shape_cast %swap3A_236 : vector<16xf32> to vector<16xf32>
    %swap3A_238 = vector.shape_cast %broadcast_in_dim3A_234 : vector<16xf32> to vector<16xf32>
    tpu.vector_store %arg6[%swap3A_235], %swap3A_238 {strides = array<i32>} : memref<640xf32, #tpu.memory_space<vmem>>, vector<16xf32>,
    %broadcast_in_dim3A_239 = arith.constant 0.000000e+00 : f32
    %broadcast_in_dim3A_240 = vector.broadcast %broadcast_in_dim3A_239 : f32 to vector<16xf32>
    %swap3A_241 = arith.constant 512 : index
    %swap3A_242 = tpu.vector_load %arg6[%swap3A_241] {strides = array<i32>} : memref<640xf32, #tpu.memory_space<vmem>>, vector<16xf32>,
    %swap3A_243 = vector.shape_cast %swap3A_242 : vector<16xf32> to vector<16xf32>
    %swap3A_244 = vector.shape_cast %broadcast_in_dim3A_240 : vector<16xf32> to vector<16xf32>
    tpu.vector_store %arg6[%swap3A_241], %swap3A_244 {strides = array<i32>} : memref<640xf32, #tpu.memory_space<vmem>>, vector<16xf32>,
    %broadcast_in_dim3A_245 = arith.constant 0.000000e+00 : f32
    %broadcast_in_dim3A_246 = vector.broadcast %broadcast_in_dim3A_245 : f32 to vector<16xf32>
    %swap3A_247 = arith.constant 528 : index
    %swap3A_248 = tpu.vector_load %arg6[%swap3A_247] {strides = array<i32>} : memref<640xf32, #tpu.memory_space<vmem>>, vector<16xf32>,
    %swap3A_249 = vector.shape_cast %swap3A_248 : vector<16xf32> to vector<16xf32>
    %swap3A_250 = vector.shape_cast %broadcast_in_dim3A_246 : vector<16xf32> to vector<16xf32>
    tpu.vector_store %arg6[%swap3A_247], %swap3A_250 {strides = array<i32>} : memref<640xf32, #tpu.memory_space<vmem>>, vector<16xf32>,
    %broadcast_in_dim3A_251 = arith.constant 0.000000e+00 : f32
    %broadcast_in_dim3A_252 = vector.broadcast %broadcast_in_dim3A_251 : f32 to vector<16xf32>
    %swap3A_253 = arith.constant 544 : index
    %swap3A_254 = tpu.vector_load %arg6[%swap3A_253] {strides = array<i32>} : memref<640xf32, #tpu.memory_space<vmem>>, vector<16xf32>,
    %swap3A_255 = vector.shape_cast %swap3A_254 : vector<16xf32> to vector<16xf32>
    %swap3A_256 = vector.shape_cast %broadcast_in_dim3A_252 : vector<16xf32> to vector<16xf32>
    tpu.vector_store %arg6[%swap3A_253], %swap3A_256 {strides = array<i32>} : memref<640xf32, #tpu.memory_space<vmem>>, vector<16xf32>,
    %broadcast_in_dim3A_257 = arith.constant 0.000000e+00 : f32
    %broadcast_in_dim3A_258 = vector.broadcast %broadcast_in_dim3A_257 : f32 to vector<16xf32>
    %swap3A_259 = arith.constant 560 : index
    %swap3A_260 = tpu.vector_load %arg6[%swap3A_259] {strides = array<i32>} : memref<640xf32, #tpu.memory_space<vmem>>, vector<16xf32>,
    %swap3A_261 = vector.shape_cast %swap3A_260 : vector<16xf32> to vector<16xf32>
    %swap3A_262 = vector.shape_cast %broadcast_in_dim3A_258 : vector<16xf32> to vector<16xf32>
    tpu.vector_store %arg6[%swap3A_259], %swap3A_262 {strides = array<i32>} : memref<640xf32, #tpu.memory_space<vmem>>, vector<16xf32>,
    %broadcast_in_dim3A_263 = arith.constant 0.000000e+00 : f32
    %broadcast_in_dim3A_264 = vector.broadcast %broadcast_in_dim3A_263 : f32 to vector<16xf32>
    %swap3A_265 = arith.constant 576 : index
    %swap3A_266 = tpu.vector_load %arg6[%swap3A_265] {strides = array<i32>} : memref<640xf32, #tpu.memory_space<vmem>>, vector<16xf32>,
    %swap3A_267 = vector.shape_cast %swap3A_266 : vector<16xf32> to vector<16xf32>
    %swap3A_268 = vector.shape_cast %broadcast_in_dim3A_264 : vector<16xf32> to vector<16xf32>
    tpu.vector_store %arg6[%swap3A_265], %swap3A_268 {strides = array<i32>} : memref<640xf32, #tpu.memory_space<vmem>>, vector<16xf32>,
    %broadcast_in_dim3A_269 = arith.constant 0.000000e+00 : f32
    %broadcast_in_dim3A_270 = vector.broadcast %broadcast_in_dim3A_269 : f32 to vector<16xf32>
    %swap3A_271 = arith.constant 592 : index
    %swap3A_272 = tpu.vector_load %arg6[%swap3A_271] {strides = array<i32>} : memref<640xf32, #tpu.memory_space<vmem>>, vector<16xf32>,
    %swap3A_273 = vector.shape_cast %swap3A_272 : vector<16xf32> to vector<16xf32>
    %swap3A_274 = vector.shape_cast %broadcast_in_dim3A_270 : vector<16xf32> to vector<16xf32>
    tpu.vector_store %arg6[%swap3A_271], %swap3A_274 {strides = array<i32>} : memref<640xf32, #tpu.memory_space<vmem>>, vector<16xf32>,
    %broadcast_in_dim3A_275 = arith.constant 0.000000e+00 : f32
    %broadcast_in_dim3A_276 = vector.broadcast %broadcast_in_dim3A_275 : f32 to vector<16xf32>
    %swap3A_277 = arith.constant 608 : index
    %swap3A_278 = tpu.vector_load %arg6[%swap3A_277] {strides = array<i32>} : memref<640xf32, #tpu.memory_space<vmem>>, vector<16xf32>,
    %swap3A_279 = vector.shape_cast %swap3A_278 : vector<16xf32> to vector<16xf32>
    %swap3A_280 = vector.shape_cast %broadcast_in_dim3A_276 : vector<16xf32> to vector<16xf32>
    tpu.vector_store %arg6[%swap3A_277], %swap3A_280 {strides = array<i32>} : memref<640xf32, #tpu.memory_space<vmem>>, vector<16xf32>,
    %broadcast_in_dim3A_281 = arith.constant 0.000000e+00 : f32
    %broadcast_in_dim3A_282 = vector.broadcast %broadcast_in_dim3A_281 : f32 to vector<16xf32>
    %swap3A_283 = arith.constant 624 : index
    %swap3A_284 = tpu.vector_load %arg6[%swap3A_283] {strides = array<i32>} : memref<640xf32, #tpu.memory_space<vmem>>, vector<16xf32>,
    %swap3A_285 = vector.shape_cast %swap3A_284 : vector<16xf32> to vector<16xf32>
    %swap3A_286 = vector.shape_cast %broadcast_in_dim3A_282 : vector<16xf32> to vector<16xf32>
    tpu.vector_store %arg6[%swap3A_283], %swap3A_286 {strides = array<i32>} : memref<640xf32, #tpu.memory_space<vmem>>, vector<16xf32>,
    %mul3A_287 = arith.constant 640 : i32
    %mul3A_288 = arith.muli %arg1, %mul3A_287 : i32
    "tpu.region"() ({
      %run_scoped3A = tpu.sem_alloc : memref<!tpu.dma_semaphore, #tpu.memory_space<semaphore_mem>>
      %dma_start3A = tpu.memref_slice %arg7[%mul3A_288] : memref<10240xf32, #tpu.memory_space<vmem_shared>> -> memref<640xf32, #tpu.memory_space<vmem_shared>>
      %dma_start3A_305 = tpu.memref_slice %arg7[%mul3A_288] : memref<10240xf32, #tpu.memory_space<vmem_shared>> -> memref<640xf32, #tpu.memory_space<vmem_shared>>
      tpu.enqueue_dma source(%arg6 : memref<640xf32, #tpu.memory_space<vmem>>) target(%dma_start3A_305 : memref<640xf32, #tpu.memory_space<vmem_shared>>) target_semaphore(%run_scoped3A : memref<!tpu.dma_semaphore, #tpu.memory_space<semaphore_mem>>)
      %dma_wait3A = tpu.memref_slice %arg7[%mul3A_288] : memref<10240xf32, #tpu.memory_space<vmem_shared>> -> memref<640xf32, #tpu.memory_space<vmem_shared>>
      %dma_wait3A_306 = tpu.memref_slice %arg7[%mul3A_288] : memref<10240xf32, #tpu.memory_space<vmem_shared>> -> memref<640xf32, #tpu.memory_space<vmem_shared>>
      tpu.wait_dma2 semaphore(%run_scoped3A : memref<!tpu.dma_semaphore, #tpu.memory_space<semaphore_mem>>) src(%arg6 : memref<640xf32, #tpu.memory_space<vmem>>) dst(%dma_wait3A_306 : memref<640xf32, #tpu.memory_space<vmem_shared>>)
      tpu.yield
    }) : () -> ()
    %barrier3A = arith.constant 0 : index
    tpu.barrier barrier_id(%barrier3A)
    %scan3A = arith.constant 0 : i32
    %scan3A_289 = arith.constant 0 : i32
    %scan3A_290 = arith.constant 80 : i32
    %scan3A_291 = arith.addi %scan3A_289, %scan3A_290 : i32
    %scan3A_292 = arith.constant 1 : i32
    scf.for %scan3A_305 = %scan3A_289 to %scan3A_291 step %scan3A_292  : i32 {
      %dma_start3A = arith.constant 0 : i32
      %dma_start3A_306 = tpu.memref_slice %arg4[%scan3A_305, %dma_start3A] : memref<80x128xi32, #tpu.memory_space<vmem>> -> memref<1x128xi32, #tpu.memory_space<vmem>>
      %dma_start3A_307 = tpu.memref_squeeze %dma_start3A_306 : memref<1x128xi32, #tpu.memory_space<vmem>> -> memref<128xi32, #tpu.memory_space<vmem>>
      %dma_start3A_308 = arith.constant 0 : i32
      %dma_start3A_309 = tpu.memref_slice %arg7[%dma_start3A_308] : memref<10240xf32, #tpu.memory_space<vmem_shared>> -> memref<10240xf32, #tpu.memory_space<vmem_shared>>
      tpu.enqueue_indirect_dma source(%arg5 : memref<128xf32, #tpu.memory_space<vmem>>) target(%dma_start3A_309 : memref<10240xf32, #tpu.memory_space<vmem_shared>>) offsets(%dma_start3A_307 : memref<128xi32, #tpu.memory_space<vmem>>) semaphore(%arg8 : memref<!tpu.dma_semaphore, #tpu.memory_space<semaphore_mem>>) {add = true}
    }
    %scan3A_293 = arith.constant 80 : i32
    %scan3A_294 = arith.constant 0 : i32
    %scan3A_295 = arith.constant 0 : i32
    %scan3A_296 = arith.constant 80 : i32
    %scan3A_297 = arith.addi %scan3A_295, %scan3A_296 : i32
    %scan3A_298 = arith.constant 1 : i32
    scf.for %scan3A_305 = %scan3A_295 to %scan3A_297 step %scan3A_298  : i32 {
      %dma_wait3A = arith.constant 0 : i32
      %dma_wait3A_306 = tpu.memref_slice %arg4[%scan3A_305, %dma_wait3A] : memref<80x128xi32, #tpu.memory_space<vmem>> -> memref<1x128xi32, #tpu.memory_space<vmem>>
      %dma_wait3A_307 = tpu.memref_squeeze %dma_wait3A_306 : memref<1x128xi32, #tpu.memory_space<vmem>> -> memref<128xi32, #tpu.memory_space<vmem>>
      %dma_wait3A_308 = arith.constant 0 : i32
      %dma_wait3A_309 = tpu.memref_slice %arg7[%dma_wait3A_308] : memref<10240xf32, #tpu.memory_space<vmem_shared>> -> memref<10240xf32, #tpu.memory_space<vmem_shared>>
      tpu.wait_indirect_dma semaphore(%arg8 : memref<!tpu.dma_semaphore, #tpu.memory_space<semaphore_mem>>) src(%arg5 : memref<128xf32, #tpu.memory_space<vmem>>) dst(%dma_wait3A_309 : memref<10240xf32, #tpu.memory_space<vmem_shared>>)
    }
    %scan3A_299 = arith.constant 80 : i32
    %barrier3A_300 = arith.constant 0 : index
    tpu.barrier barrier_id(%barrier3A_300)
    %mul3A_301 = arith.constant 640 : i32
    %mul3A_302 = arith.muli %arg1, %mul3A_301 : i32
    %mul3A_303 = arith.constant 640 : i32
    %mul3A_304 = arith.muli %arg1, %mul3A_303 : i32
    "tpu.region"() ({
      %run_scoped3A = tpu.sem_alloc : memref<!tpu.dma_semaphore, #tpu.memory_space<semaphore_mem>>
      %dma_start3A = tpu.memref_slice %arg3[%arg0, %mul3A_304] : memref<2x10240xf32, #tpu.memory_space<hbm>> -> memref<1x640xf32, #tpu.memory_space<hbm>>
      %dma_start3A_305 = tpu.memref_squeeze %dma_start3A : memref<1x640xf32, #tpu.memory_space<hbm>> -> memref<640xf32, #tpu.memory_space<hbm>>
      %dma_start3A_306 = tpu.memref_slice %arg7[%mul3A_302] : memref<10240xf32, #tpu.memory_space<vmem_shared>> -> memref<640xf32, #tpu.memory_space<vmem_shared>>
      tpu.enqueue_dma source(%dma_start3A_306 : memref<640xf32, #tpu.memory_space<vmem_shared>>) target(%dma_start3A_305 : memref<640xf32, #tpu.memory_space<hbm>>) target_semaphore(%run_scoped3A : memref<!tpu.dma_semaphore, #tpu.memory_space<semaphore_mem>>)
      %dma_wait3A = tpu.memref_slice %arg3[%arg0, %mul3A_304] : memref<2x10240xf32, #tpu.memory_space<hbm>> -> memref<1x640xf32, #tpu.memory_space<hbm>>
      %dma_wait3A_307 = tpu.memref_squeeze %dma_wait3A : memref<1x640xf32, #tpu.memory_space<hbm>> -> memref<640xf32, #tpu.memory_space<hbm>>
      %dma_wait3A_308 = tpu.memref_slice %arg7[%mul3A_302] : memref<10240xf32, #tpu.memory_space<vmem_shared>> -> memref<640xf32, #tpu.memory_space<vmem_shared>>
      tpu.wait_dma2 semaphore(%run_scoped3A : memref<!tpu.dma_semaphore, #tpu.memory_space<semaphore_mem>>) src(%dma_wait3A_308 : memref<640xf32, #tpu.memory_space<vmem_shared>>) dst(%dma_wait3A_307 : memref<640xf32, #tpu.memory_space<hbm>>)
      tpu.yield
    }) : () -> ()
    return
  }
}

#map = affine_map<(d0, d1) -> (0, 0)>
#map1 = affine_map<(d0, d1) -> (0, 0, 0)>
module attributes {stable_mosaic.version = 14 : i64} {
  func.func @_agg_kernel(%arg0: i32, %arg1: i32, %arg2: memref<10000x128xf32, #tpu.memory_space<hbm>>, %arg3: memref<32x80x128xi32, #tpu.memory_space<hbm>>, %arg4: memref<32x80x128xi32, #tpu.memory_space<hbm>>, %arg5: memref<632x128xf32, #tpu.memory_space<hbm>>, %arg6: memref<2x10112x128xf32, #tpu.memory_space<hbm>>, %arg7: memref<2x16x128xi32, #tpu.memory_space<vmem>>, %arg8: memref<2x16x128xi32, #tpu.memory_space<vmem>>, %arg9: memref<2x128x128xf32, #tpu.memory_space<vmem>>, %arg10: memref<10112x128xf32, #tpu.memory_space<vmem_shared>>, %arg11: memref<2x!tpu.dma_semaphore, #tpu.memory_space<semaphore_mem>>, %arg12: memref<2x!tpu.dma_semaphore, #tpu.memory_space<semaphore_mem>>, %arg13: memref<2x!tpu.dma_semaphore, #tpu.memory_space<semaphore_mem>>) attributes {dimension_semantics = [#tpu.dimension_semantics<core_parallel>, #tpu.dimension_semantics<subcore_parallel>], iteration_bounds = array<i64: 2, 16>, scalar_prefetch = 0 : i64, scratch_operands = 7 : i64, tpu.core_type = #tpu.core_type<sc_vector_subcore>, window_params = [{transform_indices = #map}, {transform_indices = #map1}, {transform_indices = #map1}, {transform_indices = #map}, {transform_indices = #map1}]} {
    %mul3A = arith.constant 2 : i32
    %mul3A_0 = arith.muli %arg1, %mul3A : i32
    %add3A = arith.addi %mul3A_0, %arg0 : i32
    %mul3A_1 = arith.constant 632 : i32
    %mul3A_2 = arith.muli %arg1, %mul3A_1 : i32
    "tpu.region"() ({
      %run_scoped3A_29 = tpu.sem_alloc : memref<!tpu.dma_semaphore, #tpu.memory_space<semaphore_mem>>
      %dma_start3A_30 = arith.constant 0 : i32
      %dma_start3A_31 = tpu.memref_slice %arg10[%mul3A_2, %dma_start3A_30] : memref<10112x128xf32, #tpu.memory_space<vmem_shared>> -> memref<632x128xf32, #tpu.memory_space<vmem_shared>>
      tpu.enqueue_dma source(%arg5 : memref<632x128xf32, #tpu.memory_space<hbm>>) target(%dma_start3A_31 : memref<632x128xf32, #tpu.memory_space<vmem_shared>>) target_semaphore(%run_scoped3A_29 : memref<!tpu.dma_semaphore, #tpu.memory_space<semaphore_mem>>)
      %dma_wait3A = arith.constant 0 : i32
      %dma_wait3A_32 = tpu.memref_slice %arg10[%mul3A_2, %dma_wait3A] : memref<10112x128xf32, #tpu.memory_space<vmem_shared>> -> memref<632x128xf32, #tpu.memory_space<vmem_shared>>
      tpu.wait_dma2 semaphore(%run_scoped3A_29 : memref<!tpu.dma_semaphore, #tpu.memory_space<semaphore_mem>>) src(%arg5 : memref<632x128xf32, #tpu.memory_space<hbm>>) dst(%dma_wait3A_32 : memref<632x128xf32, #tpu.memory_space<vmem_shared>>)
      tpu.yield
    }) : () -> ()
    %barrier3A = arith.constant 0 : index
    tpu.barrier barrier_id(%barrier3A)
    %run_scoped3A = arith.constant 0 : i32
    "tpu.region"() ({
      %run_scoped3A_29 = tpu.sem_alloc : memref<!tpu.dma_semaphore, #tpu.memory_space<semaphore_mem>>
      %dma_start3A_30 = arith.constant 0 : i32
      %dma_start3A_31 = arith.constant 0 : i32
      %dma_start3A_32 = tpu.memref_slice %arg7[%run_scoped3A, %dma_start3A_30, %dma_start3A_31] : memref<2x16x128xi32, #tpu.memory_space<vmem>> -> memref<1x16x128xi32, #tpu.memory_space<vmem>>
      %dma_start3A_33 = tpu.memref_squeeze %dma_start3A_32 : memref<1x16x128xi32, #tpu.memory_space<vmem>> -> memref<16x128xi32, #tpu.memory_space<vmem>>
      %dma_start3A_34 = arith.constant 0 : i32
      %dma_start3A_35 = arith.constant 0 : i32
      %dma_start3A_36 = tpu.memref_slice %arg3[%add3A, %dma_start3A_34, %dma_start3A_35] : memref<32x80x128xi32, #tpu.memory_space<hbm>> -> memref<1x16x128xi32, #tpu.memory_space<hbm>>
      %dma_start3A_37 = tpu.memref_squeeze %dma_start3A_36 : memref<1x16x128xi32, #tpu.memory_space<hbm>> -> memref<16x128xi32, #tpu.memory_space<hbm>>
      %dma_start3A_38 = arith.constant 0 : i32
      %dma_start3A_39 = arith.constant 0 : i32
      %dma_start3A_40 = tpu.memref_slice %arg7[%run_scoped3A, %dma_start3A_38, %dma_start3A_39] : memref<2x16x128xi32, #tpu.memory_space<vmem>> -> memref<1x16x128xi32, #tpu.memory_space<vmem>>
      %dma_start3A_41 = tpu.memref_squeeze %dma_start3A_40 : memref<1x16x128xi32, #tpu.memory_space<vmem>> -> memref<16x128xi32, #tpu.memory_space<vmem>>
      %dma_start3A_42 = arith.constant 0 : i32
      %dma_start3A_43 = arith.constant 0 : i32
      %dma_start3A_44 = tpu.memref_slice %arg3[%add3A, %dma_start3A_42, %dma_start3A_43] : memref<32x80x128xi32, #tpu.memory_space<hbm>> -> memref<1x16x128xi32, #tpu.memory_space<hbm>>
      %dma_start3A_45 = tpu.memref_squeeze %dma_start3A_44 : memref<1x16x128xi32, #tpu.memory_space<hbm>> -> memref<16x128xi32, #tpu.memory_space<hbm>>
      tpu.enqueue_dma source(%dma_start3A_45 : memref<16x128xi32, #tpu.memory_space<hbm>>) target(%dma_start3A_41 : memref<16x128xi32, #tpu.memory_space<vmem>>) target_semaphore(%run_scoped3A_29 : memref<!tpu.dma_semaphore, #tpu.memory_space<semaphore_mem>>)
      %dma_wait3A = arith.constant 0 : i32
      %dma_wait3A_46 = arith.constant 0 : i32
      %dma_wait3A_47 = tpu.memref_slice %arg7[%run_scoped3A, %dma_wait3A, %dma_wait3A_46] : memref<2x16x128xi32, #tpu.memory_space<vmem>> -> memref<1x16x128xi32, #tpu.memory_space<vmem>>
      %dma_wait3A_48 = tpu.memref_squeeze %dma_wait3A_47 : memref<1x16x128xi32, #tpu.memory_space<vmem>> -> memref<16x128xi32, #tpu.memory_space<vmem>>
      %dma_wait3A_49 = arith.constant 0 : i32
      %dma_wait3A_50 = arith.constant 0 : i32
      %dma_wait3A_51 = tpu.memref_slice %arg3[%add3A, %dma_wait3A_49, %dma_wait3A_50] : memref<32x80x128xi32, #tpu.memory_space<hbm>> -> memref<1x16x128xi32, #tpu.memory_space<hbm>>
      %dma_wait3A_52 = tpu.memref_squeeze %dma_wait3A_51 : memref<1x16x128xi32, #tpu.memory_space<hbm>> -> memref<16x128xi32, #tpu.memory_space<hbm>>
      %dma_wait3A_53 = arith.constant 0 : i32
      %dma_wait3A_54 = arith.constant 0 : i32
      %dma_wait3A_55 = tpu.memref_slice %arg7[%run_scoped3A, %dma_wait3A_53, %dma_wait3A_54] : memref<2x16x128xi32, #tpu.memory_space<vmem>> -> memref<1x16x128xi32, #tpu.memory_space<vmem>>
      %dma_wait3A_56 = tpu.memref_squeeze %dma_wait3A_55 : memref<1x16x128xi32, #tpu.memory_space<vmem>> -> memref<16x128xi32, #tpu.memory_space<vmem>>
      %dma_wait3A_57 = arith.constant 0 : i32
      %dma_wait3A_58 = arith.constant 0 : i32
      %dma_wait3A_59 = tpu.memref_slice %arg3[%add3A, %dma_wait3A_57, %dma_wait3A_58] : memref<32x80x128xi32, #tpu.memory_space<hbm>> -> memref<1x16x128xi32, #tpu.memory_space<hbm>>
      %dma_wait3A_60 = tpu.memref_squeeze %dma_wait3A_59 : memref<1x16x128xi32, #tpu.memory_space<hbm>> -> memref<16x128xi32, #tpu.memory_space<hbm>>
      tpu.wait_dma2 semaphore(%run_scoped3A_29 : memref<!tpu.dma_semaphore, #tpu.memory_space<semaphore_mem>>) src(%dma_wait3A_60 : memref<16x128xi32, #tpu.memory_space<hbm>>) dst(%dma_wait3A_56 : memref<16x128xi32, #tpu.memory_space<vmem>>)
      tpu.yield
    }) : () -> ()
    %run_scoped3A_3 = arith.constant 0 : i32
    "tpu.region"() ({
      %run_scoped3A_29 = tpu.sem_alloc : memref<!tpu.dma_semaphore, #tpu.memory_space<semaphore_mem>>
      %dma_start3A_30 = arith.constant 0 : i32
      %dma_start3A_31 = arith.constant 0 : i32
      %dma_start3A_32 = tpu.memref_slice %arg8[%run_scoped3A_3, %dma_start3A_30, %dma_start3A_31] : memref<2x16x128xi32, #tpu.memory_space<vmem>> -> memref<1x16x128xi32, #tpu.memory_space<vmem>>
      %dma_start3A_33 = tpu.memref_squeeze %dma_start3A_32 : memref<1x16x128xi32, #tpu.memory_space<vmem>> -> memref<16x128xi32, #tpu.memory_space<vmem>>
      %dma_start3A_34 = arith.constant 0 : i32
      %dma_start3A_35 = arith.constant 0 : i32
      %dma_start3A_36 = tpu.memref_slice %arg4[%add3A, %dma_start3A_34, %dma_start3A_35] : memref<32x80x128xi32, #tpu.memory_space<hbm>> -> memref<1x16x128xi32, #tpu.memory_space<hbm>>
      %dma_start3A_37 = tpu.memref_squeeze %dma_start3A_36 : memref<1x16x128xi32, #tpu.memory_space<hbm>> -> memref<16x128xi32, #tpu.memory_space<hbm>>
      %dma_start3A_38 = arith.constant 0 : i32
      %dma_start3A_39 = arith.constant 0 : i32
      %dma_start3A_40 = tpu.memref_slice %arg8[%run_scoped3A_3, %dma_start3A_38, %dma_start3A_39] : memref<2x16x128xi32, #tpu.memory_space<vmem>> -> memref<1x16x128xi32, #tpu.memory_space<vmem>>
      %dma_start3A_41 = tpu.memref_squeeze %dma_start3A_40 : memref<1x16x128xi32, #tpu.memory_space<vmem>> -> memref<16x128xi32, #tpu.memory_space<vmem>>
      %dma_start3A_42 = arith.constant 0 : i32
      %dma_start3A_43 = arith.constant 0 : i32
      %dma_start3A_44 = tpu.memref_slice %arg4[%add3A, %dma_start3A_42, %dma_start3A_43] : memref<32x80x128xi32, #tpu.memory_space<hbm>> -> memref<1x16x128xi32, #tpu.memory_space<hbm>>
      %dma_start3A_45 = tpu.memref_squeeze %dma_start3A_44 : memref<1x16x128xi32, #tpu.memory_space<hbm>> -> memref<16x128xi32, #tpu.memory_space<hbm>>
      tpu.enqueue_dma source(%dma_start3A_45 : memref<16x128xi32, #tpu.memory_space<hbm>>) target(%dma_start3A_41 : memref<16x128xi32, #tpu.memory_space<vmem>>) target_semaphore(%run_scoped3A_29 : memref<!tpu.dma_semaphore, #tpu.memory_space<semaphore_mem>>)
      %dma_wait3A = arith.constant 0 : i32
      %dma_wait3A_46 = arith.constant 0 : i32
      %dma_wait3A_47 = tpu.memref_slice %arg8[%run_scoped3A_3, %dma_wait3A, %dma_wait3A_46] : memref<2x16x128xi32, #tpu.memory_space<vmem>> -> memref<1x16x128xi32, #tpu.memory_space<vmem>>
      %dma_wait3A_48 = tpu.memref_squeeze %dma_wait3A_47 : memref<1x16x128xi32, #tpu.memory_space<vmem>> -> memref<16x128xi32, #tpu.memory_space<vmem>>
      %dma_wait3A_49 = arith.constant 0 : i32
      %dma_wait3A_50 = arith.constant 0 : i32
      %dma_wait3A_51 = tpu.memref_slice %arg4[%add3A, %dma_wait3A_49, %dma_wait3A_50] : memref<32x80x128xi32, #tpu.memory_space<hbm>> -> memref<1x16x128xi32, #tpu.memory_space<hbm>>
      %dma_wait3A_52 = tpu.memref_squeeze %dma_wait3A_51 : memref<1x16x128xi32, #tpu.memory_space<hbm>> -> memref<16x128xi32, #tpu.memory_space<hbm>>
      %dma_wait3A_53 = arith.constant 0 : i32
      %dma_wait3A_54 = arith.constant 0 : i32
      %dma_wait3A_55 = tpu.memref_slice %arg8[%run_scoped3A_3, %dma_wait3A_53, %dma_wait3A_54] : memref<2x16x128xi32, #tpu.memory_space<vmem>> -> memref<1x16x128xi32, #tpu.memory_space<vmem>>
      %dma_wait3A_56 = tpu.memref_squeeze %dma_wait3A_55 : memref<1x16x128xi32, #tpu.memory_space<vmem>> -> memref<16x128xi32, #tpu.memory_space<vmem>>
      %dma_wait3A_57 = arith.constant 0 : i32
      %dma_wait3A_58 = arith.constant 0 : i32
      %dma_wait3A_59 = tpu.memref_slice %arg4[%add3A, %dma_wait3A_57, %dma_wait3A_58] : memref<32x80x128xi32, #tpu.memory_space<hbm>> -> memref<1x16x128xi32, #tpu.memory_space<hbm>>
      %dma_wait3A_60 = tpu.memref_squeeze %dma_wait3A_59 : memref<1x16x128xi32, #tpu.memory_space<hbm>> -> memref<16x128xi32, #tpu.memory_space<hbm>>
      tpu.wait_dma2 semaphore(%run_scoped3A_29 : memref<!tpu.dma_semaphore, #tpu.memory_space<semaphore_mem>>) src(%dma_wait3A_60 : memref<16x128xi32, #tpu.memory_space<hbm>>) dst(%dma_wait3A_56 : memref<16x128xi32, #tpu.memory_space<vmem>>)
      tpu.yield
    }) : () -> ()
    %dma_start3A = arith.constant 0 : i32
    %dma_start3A_4 = arith.constant 0 : i32
    %dma_start3A_5 = arith.constant 0 : i32
    %dma_start3A_6 = arith.constant 0 : i32
    %dma_start3A_7 = arith.constant 0 : i32
    %dma_start3A_8 = arith.constant 0 : i32
    %dma_start3A_9 = tpu.memref_slice %arg9[%dma_start3A_5, %dma_start3A_7, %dma_start3A_8] : memref<2x128x128xf32, #tpu.memory_space<vmem>> -> memref<1x128x128xf32, #tpu.memory_space<vmem>>
    %dma_start3A_10 = tpu.memref_squeeze %dma_start3A_9 : memref<1x128x128xf32, #tpu.memory_space<vmem>> -> memref<128x128xf32, #tpu.memory_space<vmem>>
    %dma_start3A_11 = arith.constant 0 : i32
    %dma_start3A_12 = tpu.memref_slice %arg7[%dma_start3A, %dma_start3A_4, %dma_start3A_11] : memref<2x16x128xi32, #tpu.memory_space<vmem>> -> memref<1x1x128xi32, #tpu.memory_space<vmem>>
    %dma_start3A_13 = tpu.memref_squeeze %dma_start3A_12 : memref<1x1x128xi32, #tpu.memory_space<vmem>> -> memref<128xi32, #tpu.memory_space<vmem>>
    %dma_start3A_14 = arith.constant 0 : i32
    %dma_start3A_15 = arith.constant 0 : i32
    %dma_start3A_16 = tpu.memref_slice %arg2[%dma_start3A_14, %dma_start3A_15] : memref<10000x128xf32, #tpu.memory_space<hbm>> -> memref<10000x128xf32, #tpu.memory_space<hbm>>
    %dma_start3A_17 = tpu.memref_slice %arg11[%dma_start3A_6] : memref<2x!tpu.dma_semaphore, #tpu.memory_space<semaphore_mem>> -> memref<1x!tpu.dma_semaphore, #tpu.memory_space<semaphore_mem>>
    %dma_start3A_18 = tpu.memref_squeeze %dma_start3A_17 : memref<1x!tpu.dma_semaphore, #tpu.memory_space<semaphore_mem>> -> memref<!tpu.dma_semaphore, #tpu.memory_space<semaphore_mem>>
    tpu.enqueue_indirect_dma source(%dma_start3A_16 : memref<10000x128xf32, #tpu.memory_space<hbm>>) target(%dma_start3A_10 : memref<128x128xf32, #tpu.memory_space<vmem>>) offsets(%dma_start3A_13 : memref<128xi32, #tpu.memory_space<vmem>>) semaphore(%dma_start3A_18 : memref<!tpu.dma_semaphore, #tpu.memory_space<semaphore_mem>>)
    %scan3A = arith.constant 0 : i32
    %scan3A_19 = arith.constant 0 : i32
    %scan3A_20 = arith.constant 5 : i32
    %scan3A_21 = arith.addi %scan3A_19, %scan3A_20 : i32
    %scan3A_22 = arith.constant 1 : i32
    scf.for %scan3A_29 = %scan3A_19 to %scan3A_21 step %scan3A_22  : i32 {
      %rem3A = arith.constant 2 : i32
      %rem3A_30 = arith.remsi %scan3A_29, %rem3A : i32
      %add3A_31 = arith.constant 1 : i32
      %add3A_32 = arith.addi %scan3A_29, %add3A_31 : i32
      %rem3A_33 = arith.constant 2 : i32
      %rem3A_34 = arith.remsi %add3A_32, %rem3A_33 : i32
      %add3A_35 = arith.constant 1 : i32
      %add3A_36 = arith.addi %scan3A_29, %add3A_35 : i32
      %lt3A = arith.constant 5 : i32
      %lt3A_37 = arith.cmpi slt, %add3A_36, %lt3A : i32
      %convert_element_type3A = arith.extui %lt3A_37 : i1 to i32
      %cond3A = arith.constant 0 : i32
      %cond3A_38 = arith.cmpi ne, %convert_element_type3A, %cond3A : i32
      scf.if %cond3A_38 {
        %add3A_990 = arith.constant 1 : i32
        %add3A_991 = arith.addi %scan3A_29, %add3A_990 : i32
        %mul3A_992 = arith.constant 16 : i32
        %mul3A_993 = arith.muli %add3A_991, %mul3A_992 : i32
        %dma_start3A_994 = arith.constant 0 : i32
        %dma_start3A_995 = arith.constant 0 : i32
        %dma_start3A_996 = arith.constant 0 : i32
        %dma_start3A_997 = tpu.memref_slice %arg7[%rem3A_34, %dma_start3A_995, %dma_start3A_996] : memref<2x16x128xi32, #tpu.memory_space<vmem>> -> memref<1x16x128xi32, #tpu.memory_space<vmem>>
        %dma_start3A_998 = tpu.memref_squeeze %dma_start3A_997 : memref<1x16x128xi32, #tpu.memory_space<vmem>> -> memref<16x128xi32, #tpu.memory_space<vmem>>
        %dma_start3A_999 = arith.constant 0 : i32
        %dma_start3A_1000 = tpu.memref_slice %arg3[%add3A, %mul3A_993, %dma_start3A_999] : memref<32x80x128xi32, #tpu.memory_space<hbm>> -> memref<1x16x128xi32, #tpu.memory_space<hbm>>
        %dma_start3A_1001 = tpu.memref_squeeze %dma_start3A_1000 : memref<1x16x128xi32, #tpu.memory_space<hbm>> -> memref<16x128xi32, #tpu.memory_space<hbm>>
        %dma_start3A_1002 = tpu.memref_slice %arg12[%dma_start3A_994] : memref<2x!tpu.dma_semaphore, #tpu.memory_space<semaphore_mem>> -> memref<1x!tpu.dma_semaphore, #tpu.memory_space<semaphore_mem>>
        %dma_start3A_1003 = tpu.memref_squeeze %dma_start3A_1002 : memref<1x!tpu.dma_semaphore, #tpu.memory_space<semaphore_mem>> -> memref<!tpu.dma_semaphore, #tpu.memory_space<semaphore_mem>>
        %dma_start3A_1004 = arith.constant 0 : i32
        %dma_start3A_1005 = arith.constant 0 : i32
        %dma_start3A_1006 = tpu.memref_slice %arg7[%rem3A_34, %dma_start3A_1004, %dma_start3A_1005] : memref<2x16x128xi32, #tpu.memory_space<vmem>> -> memref<1x16x128xi32, #tpu.memory_space<vmem>>
        %dma_start3A_1007 = tpu.memref_squeeze %dma_start3A_1006 : memref<1x16x128xi32, #tpu.memory_space<vmem>> -> memref<16x128xi32, #tpu.memory_space<vmem>>
        %dma_start3A_1008 = arith.constant 0 : i32
        %dma_start3A_1009 = tpu.memref_slice %arg3[%add3A, %mul3A_993, %dma_start3A_1008] : memref<32x80x128xi32, #tpu.memory_space<hbm>> -> memref<1x16x128xi32, #tpu.memory_space<hbm>>
        %dma_start3A_1010 = tpu.memref_squeeze %dma_start3A_1009 : memref<1x16x128xi32, #tpu.memory_space<hbm>> -> memref<16x128xi32, #tpu.memory_space<hbm>>
        tpu.enqueue_dma source(%dma_start3A_1010 : memref<16x128xi32, #tpu.memory_space<hbm>>) target(%dma_start3A_1007 : memref<16x128xi32, #tpu.memory_space<vmem>>) target_semaphore(%dma_start3A_1003 : memref<!tpu.dma_semaphore, #tpu.memory_space<semaphore_mem>>)
        %add3A_1011 = arith.constant 1 : i32
        %add3A_1012 = arith.addi %scan3A_29, %add3A_1011 : i32
        %mul3A_1013 = arith.constant 16 : i32
        %mul3A_1014 = arith.muli %add3A_1012, %mul3A_1013 : i32
        %dma_start3A_1015 = arith.constant 1 : i32
        %dma_start3A_1016 = arith.constant 0 : i32
        %dma_start3A_1017 = arith.constant 0 : i32
        %dma_start3A_1018 = tpu.memref_slice %arg8[%rem3A_34, %dma_start3A_1016, %dma_start3A_1017] : memref<2x16x128xi32, #tpu.memory_space<vmem>> -> memref<1x16x128xi32, #tpu.memory_space<vmem>>
        %dma_start3A_1019 = tpu.memref_squeeze %dma_start3A_1018 : memref<1x16x128xi32, #tpu.memory_space<vmem>> -> memref<16x128xi32, #tpu.memory_space<vmem>>
        %dma_start3A_1020 = arith.constant 0 : i32
        %dma_start3A_1021 = tpu.memref_slice %arg4[%add3A, %mul3A_1014, %dma_start3A_1020] : memref<32x80x128xi32, #tpu.memory_space<hbm>> -> memref<1x16x128xi32, #tpu.memory_space<hbm>>
        %dma_start3A_1022 = tpu.memref_squeeze %dma_start3A_1021 : memref<1x16x128xi32, #tpu.memory_space<hbm>> -> memref<16x128xi32, #tpu.memory_space<hbm>>
        %dma_start3A_1023 = tpu.memref_slice %arg12[%dma_start3A_1015] : memref<2x!tpu.dma_semaphore, #tpu.memory_space<semaphore_mem>> -> memref<1x!tpu.dma_semaphore, #tpu.memory_space<semaphore_mem>>
        %dma_start3A_1024 = tpu.memref_squeeze %dma_start3A_1023 : memref<1x!tpu.dma_semaphore, #tpu.memory_space<semaphore_mem>> -> memref<!tpu.dma_semaphore, #tpu.memory_space<semaphore_mem>>
        %dma_start3A_1025 = arith.constant 0 : i32
        %dma_start3A_1026 = arith.constant 0 : i32
        %dma_start3A_1027 = tpu.memref_slice %arg8[%rem3A_34, %dma_start3A_1025, %dma_start3A_1026] : memref<2x16x128xi32, #tpu.memory_space<vmem>> -> memref<1x16x128xi32, #tpu.memory_space<vmem>>
        %dma_start3A_1028 = tpu.memref_squeeze %dma_start3A_1027 : memref<1x16x128xi32, #tpu.memory_space<vmem>> -> memref<16x128xi32, #tpu.memory_space<vmem>>
        %dma_start3A_1029 = arith.constant 0 : i32
        %dma_start3A_1030 = tpu.memref_slice %arg4[%add3A, %mul3A_1014, %dma_start3A_1029] : memref<32x80x128xi32, #tpu.memory_space<hbm>> -> memref<1x16x128xi32, #tpu.memory_space<hbm>>
        %dma_start3A_1031 = tpu.memref_squeeze %dma_start3A_1030 : memref<1x16x128xi32, #tpu.memory_space<hbm>> -> memref<16x128xi32, #tpu.memory_space<hbm>>
        tpu.enqueue_dma source(%dma_start3A_1031 : memref<16x128xi32, #tpu.memory_space<hbm>>) target(%dma_start3A_1028 : memref<16x128xi32, #tpu.memory_space<vmem>>) target_semaphore(%dma_start3A_1024 : memref<!tpu.dma_semaphore, #tpu.memory_space<semaphore_mem>>)
      } else {
      }
      %dma_start3A_39 = arith.constant 1 : i32
      %dma_start3A_40 = arith.constant 1 : i32
      %dma_start3A_41 = arith.constant 1 : i32
      %dma_start3A_42 = arith.constant 0 : i32
      %dma_start3A_43 = arith.constant 0 : i32
      %dma_start3A_44 = tpu.memref_slice %arg9[%dma_start3A_40, %dma_start3A_42, %dma_start3A_43] : memref<2x128x128xf32, #tpu.memory_space<vmem>> -> memref<1x128x128xf32, #tpu.memory_space<vmem>>
      %dma_start3A_45 = tpu.memref_squeeze %dma_start3A_44 : memref<1x128x128xf32, #tpu.memory_space<vmem>> -> memref<128x128xf32, #tpu.memory_space<vmem>>
      %dma_start3A_46 = arith.constant 0 : i32
      %dma_start3A_47 = tpu.memref_slice %arg7[%rem3A_30, %dma_start3A_39, %dma_start3A_46] : memref<2x16x128xi32, #tpu.memory_space<vmem>> -> memref<1x1x128xi32, #tpu.memory_space<vmem>>
      %dma_start3A_48 = tpu.memref_squeeze %dma_start3A_47 : memref<1x1x128xi32, #tpu.memory_space<vmem>> -> memref<128xi32, #tpu.memory_space<vmem>>
      %dma_start3A_49 = arith.constant 0 : i32
      %dma_start3A_50 = arith.constant 0 : i32
      %dma_start3A_51 = tpu.memref_slice %arg2[%dma_start3A_49, %dma_start3A_50] : memref<10000x128xf32, #tpu.memory_space<hbm>> -> memref<10000x128xf32, #tpu.memory_space<hbm>>
      %dma_start3A_52 = tpu.memref_slice %arg11[%dma_start3A_41] : memref<2x!tpu.dma_semaphore, #tpu.memory_space<semaphore_mem>> -> memref<1x!tpu.dma_semaphore, #tpu.memory_space<semaphore_mem>>
      %dma_start3A_53 = tpu.memref_squeeze %dma_start3A_52 : memref<1x!tpu.dma_semaphore, #tpu.memory_space<semaphore_mem>> -> memref<!tpu.dma_semaphore, #tpu.memory_space<semaphore_mem>>
      tpu.enqueue_indirect_dma source(%dma_start3A_51 : memref<10000x128xf32, #tpu.memory_space<hbm>>) target(%dma_start3A_45 : memref<128x128xf32, #tpu.memory_space<vmem>>) offsets(%dma_start3A_48 : memref<128xi32, #tpu.memory_space<vmem>>) semaphore(%dma_start3A_53 : memref<!tpu.dma_semaphore, #tpu.memory_space<semaphore_mem>>)
      %dma_wait3A = arith.constant 0 : i32
      %dma_wait3A_54 = arith.constant 0 : i32
      %dma_wait3A_55 = arith.constant 0 : i32
      %dma_wait3A_56 = arith.constant 0 : i32
      %dma_wait3A_57 = arith.constant 0 : i32
      %dma_wait3A_58 = tpu.memref_slice %arg9[%dma_wait3A_54, %dma_wait3A_56, %dma_wait3A_57] : memref<2x128x128xf32, #tpu.memory_space<vmem>> -> memref<1x128x128xf32, #tpu.memory_space<vmem>>
      %dma_wait3A_59 = tpu.memref_squeeze %dma_wait3A_58 : memref<1x128x128xf32, #tpu.memory_space<vmem>> -> memref<128x128xf32, #tpu.memory_space<vmem>>
      %dma_wait3A_60 = arith.constant 0 : i32
      %dma_wait3A_61 = tpu.memref_slice %arg7[%rem3A_30, %dma_wait3A, %dma_wait3A_60] : memref<2x16x128xi32, #tpu.memory_space<vmem>> -> memref<1x1x128xi32, #tpu.memory_space<vmem>>
      %dma_wait3A_62 = tpu.memref_squeeze %dma_wait3A_61 : memref<1x1x128xi32, #tpu.memory_space<vmem>> -> memref<128xi32, #tpu.memory_space<vmem>>
      %dma_wait3A_63 = arith.constant 0 : i32
      %dma_wait3A_64 = arith.constant 0 : i32
      %dma_wait3A_65 = tpu.memref_slice %arg2[%dma_wait3A_63, %dma_wait3A_64] : memref<10000x128xf32, #tpu.memory_space<hbm>> -> memref<10000x128xf32, #tpu.memory_space<hbm>>
      %dma_wait3A_66 = tpu.memref_slice %arg11[%dma_wait3A_55] : memref<2x!tpu.dma_semaphore, #tpu.memory_space<semaphore_mem>> -> memref<1x!tpu.dma_semaphore, #tpu.memory_space<semaphore_mem>>
      %dma_wait3A_67 = tpu.memref_squeeze %dma_wait3A_66 : memref<1x!tpu.dma_semaphore, #tpu.memory_space<semaphore_mem>> -> memref<!tpu.dma_semaphore, #tpu.memory_space<semaphore_mem>>
      tpu.wait_indirect_dma semaphore(%dma_wait3A_67 : memref<!tpu.dma_semaphore, #tpu.memory_space<semaphore_mem>>) src(%dma_wait3A_65 : memref<10000x128xf32, #tpu.memory_space<hbm>>) dst(%dma_wait3A_59 : memref<128x128xf32, #tpu.memory_space<vmem>>)
      %dma_start3A_68 = arith.constant 0 : i32
      %dma_start3A_69 = arith.constant 0 : i32
      %dma_start3A_70 = arith.constant 0 : i32
      %dma_start3A_71 = arith.constant 0 : i32
      %dma_start3A_72 = arith.constant 0 : i32
      %dma_start3A_73 = tpu.memref_slice %arg9[%dma_start3A_68, %dma_start3A_71, %dma_start3A_72] : memref<2x128x128xf32, #tpu.memory_space<vmem>> -> memref<1x128x128xf32, #tpu.memory_space<vmem>>
      %dma_start3A_74 = tpu.memref_squeeze %dma_start3A_73 : memref<1x128x128xf32, #tpu.memory_space<vmem>> -> memref<128x128xf32, #tpu.memory_space<vmem>>
      %dma_start3A_75 = arith.constant 0 : i32
      %dma_start3A_76 = tpu.memref_slice %arg8[%rem3A_30, %dma_start3A_69, %dma_start3A_75] : memref<2x16x128xi32, #tpu.memory_space<vmem>> -> memref<1x1x128xi32, #tpu.memory_space<vmem>>
      %dma_start3A_77 = tpu.memref_squeeze %dma_start3A_76 : memref<1x1x128xi32, #tpu.memory_space<vmem>> -> memref<128xi32, #tpu.memory_space<vmem>>
      %dma_start3A_78 = arith.constant 0 : i32
      %dma_start3A_79 = arith.constant 0 : i32
      %dma_start3A_80 = tpu.memref_slice %arg10[%dma_start3A_78, %dma_start3A_79] : memref<10112x128xf32, #tpu.memory_space<vmem_shared>> -> memref<10112x128xf32, #tpu.memory_space<vmem_shared>>
      %dma_start3A_81 = tpu.memref_slice %arg13[%dma_start3A_70] : memref<2x!tpu.dma_semaphore, #tpu.memory_space<semaphore_mem>> -> memref<1x!tpu.dma_semaphore, #tpu.memory_space<semaphore_mem>>
      %dma_start3A_82 = tpu.memref_squeeze %dma_start3A_81 : memref<1x!tpu.dma_semaphore, #tpu.memory_space<semaphore_mem>> -> memref<!tpu.dma_semaphore, #tpu.memory_space<semaphore_mem>>
      tpu.enqueue_indirect_dma source(%dma_start3A_74 : memref<128x128xf32, #tpu.memory_space<vmem>>) target(%dma_start3A_80 : memref<10112x128xf32, #tpu.memory_space<vmem_shared>>) offsets(%dma_start3A_77 : memref<128xi32, #tpu.memory_space<vmem>>) semaphore(%dma_start3A_82 : memref<!tpu.dma_semaphore, #tpu.memory_space<semaphore_mem>>) {add = true}
      %dma_wait3A_83 = arith.constant 0 : i32
      %dma_wait3A_84 = arith.constant 0 : i32
      %dma_wait3A_85 = arith.constant 0 : i32
      %dma_wait3A_86 = arith.constant 0 : i32
      %dma_wait3A_87 = arith.constant 0 : i32
      %dma_wait3A_88 = tpu.memref_slice %arg9[%dma_wait3A_83, %dma_wait3A_86, %dma_wait3A_87] : memref<2x128x128xf32, #tpu.memory_space<vmem>> -> memref<1x128x128xf32, #tpu.memory_space<vmem>>
      %dma_wait3A_89 = tpu.memref_squeeze %dma_wait3A_88 : memref<1x128x128xf32, #tpu.memory_space<vmem>> -> memref<128x128xf32, #tpu.memory_space<vmem>>
      %dma_wait3A_90 = arith.constant 0 : i32
      %dma_wait3A_91 = tpu.memref_slice %arg8[%rem3A_30, %dma_wait3A_84, %dma_wait3A_90] : memref<2x16x128xi32, #tpu.memory_space<vmem>> -> memref<1x1x128xi32, #tpu.memory_space<vmem>>
      %dma_wait3A_92 = tpu.memref_squeeze %dma_wait3A_91 : memref<1x1x128xi32, #tpu.memory_space<vmem>> -> memref<128xi32, #tpu.memory_space<vmem>>
      %dma_wait3A_93 = arith.constant 0 : i32
      %dma_wait3A_94 = arith.constant 0 : i32
      %dma_wait3A_95 = tpu.memref_slice %arg10[%dma_wait3A_93, %dma_wait3A_94] : memref<10112x128xf32, #tpu.memory_space<vmem_shared>> -> memref<10112x128xf32, #tpu.memory_space<vmem_shared>>
      %dma_wait3A_96 = tpu.memref_slice %arg13[%dma_wait3A_85] : memref<2x!tpu.dma_semaphore, #tpu.memory_space<semaphore_mem>> -> memref<1x!tpu.dma_semaphore, #tpu.memory_space<semaphore_mem>>
      %dma_wait3A_97 = tpu.memref_squeeze %dma_wait3A_96 : memref<1x!tpu.dma_semaphore, #tpu.memory_space<semaphore_mem>> -> memref<!tpu.dma_semaphore, #tpu.memory_space<semaphore_mem>>
      tpu.wait_indirect_dma semaphore(%dma_wait3A_97 : memref<!tpu.dma_semaphore, #tpu.memory_space<semaphore_mem>>) src(%dma_wait3A_89 : memref<128x128xf32, #tpu.memory_space<vmem>>) dst(%dma_wait3A_95 : memref<10112x128xf32, #tpu.memory_space<vmem_shared>>)
      %dma_start3A_98 = arith.constant 2 : i32
      %dma_start3A_99 = arith.constant 0 : i32
      %dma_start3A_100 = arith.constant 0 : i32
      %dma_start3A_101 = arith.constant 0 : i32
      %dma_start3A_102 = arith.constant 0 : i32
      %dma_start3A_103 = tpu.memref_slice %arg9[%dma_start3A_99, %dma_start3A_101, %dma_start3A_102] : memref<2x128x128xf32, #tpu.memory_space<vmem>> -> memref<1x128x128xf32, #tpu.memory_space<vmem>>
      %dma_start3A_104 = tpu.memref_squeeze %dma_start3A_103 : memref<1x128x128xf32, #tpu.memory_space<vmem>> -> memref<128x128xf32, #tpu.memory_space<vmem>>
      %dma_start3A_105 = arith.constant 0 : i32
      %dma_start3A_106 = tpu.memref_slice %arg7[%rem3A_30, %dma_start3A_98, %dma_start3A_105] : memref<2x16x128xi32, #tpu.memory_space<vmem>> -> memref<1x1x128xi32, #tpu.memory_space<vmem>>
      %dma_start3A_107 = tpu.memref_squeeze %dma_start3A_106 : memref<1x1x128xi32, #tpu.memory_space<vmem>> -> memref<128xi32, #tpu.memory_space<vmem>>
      %dma_start3A_108 = arith.constant 0 : i32
      %dma_start3A_109 = arith.constant 0 : i32
      %dma_start3A_110 = tpu.memref_slice %arg2[%dma_start3A_108, %dma_start3A_109] : memref<10000x128xf32, #tpu.memory_space<hbm>> -> memref<10000x128xf32, #tpu.memory_space<hbm>>
      %dma_start3A_111 = tpu.memref_slice %arg11[%dma_start3A_100] : memref<2x!tpu.dma_semaphore, #tpu.memory_space<semaphore_mem>> -> memref<1x!tpu.dma_semaphore, #tpu.memory_space<semaphore_mem>>
      %dma_start3A_112 = tpu.memref_squeeze %dma_start3A_111 : memref<1x!tpu.dma_semaphore, #tpu.memory_space<semaphore_mem>> -> memref<!tpu.dma_semaphore, #tpu.memory_space<semaphore_mem>>
      tpu.enqueue_indirect_dma source(%dma_start3A_110 : memref<10000x128xf32, #tpu.memory_space<hbm>>) target(%dma_start3A_104 : memref<128x128xf32, #tpu.memory_space<vmem>>) offsets(%dma_start3A_107 : memref<128xi32, #tpu.memory_space<vmem>>) semaphore(%dma_start3A_112 : memref<!tpu.dma_semaphore, #tpu.memory_space<semaphore_mem>>)
      %dma_wait3A_113 = arith.constant 1 : i32
      %dma_wait3A_114 = arith.constant 1 : i32
      %dma_wait3A_115 = arith.constant 1 : i32
      %dma_wait3A_116 = arith.constant 0 : i32
      %dma_wait3A_117 = arith.constant 0 : i32
      %dma_wait3A_118 = tpu.memref_slice %arg9[%dma_wait3A_114, %dma_wait3A_116, %dma_wait3A_117] : memref<2x128x128xf32, #tpu.memory_space<vmem>> -> memref<1x128x128xf32, #tpu.memory_space<vmem>>
      %dma_wait3A_119 = tpu.memref_squeeze %dma_wait3A_118 : memref<1x128x128xf32, #tpu.memory_space<vmem>> -> memref<128x128xf32, #tpu.memory_space<vmem>>
      %dma_wait3A_120 = arith.constant 0 : i32
      %dma_wait3A_121 = tpu.memref_slice %arg7[%rem3A_30, %dma_wait3A_113, %dma_wait3A_120] : memref<2x16x128xi32, #tpu.memory_space<vmem>> -> memref<1x1x128xi32, #tpu.memory_space<vmem>>
      %dma_wait3A_122 = tpu.memref_squeeze %dma_wait3A_121 : memref<1x1x128xi32, #tpu.memory_space<vmem>> -> memref<128xi32, #tpu.memory_space<vmem>>
      %dma_wait3A_123 = arith.constant 0 : i32
      %dma_wait3A_124 = arith.constant 0 : i32
      %dma_wait3A_125 = tpu.memref_slice %arg2[%dma_wait3A_123, %dma_wait3A_124] : memref<10000x128xf32, #tpu.memory_space<hbm>> -> memref<10000x128xf32, #tpu.memory_space<hbm>>
      %dma_wait3A_126 = tpu.memref_slice %arg11[%dma_wait3A_115] : memref<2x!tpu.dma_semaphore, #tpu.memory_space<semaphore_mem>> -> memref<1x!tpu.dma_semaphore, #tpu.memory_space<semaphore_mem>>
      %dma_wait3A_127 = tpu.memref_squeeze %dma_wait3A_126 : memref<1x!tpu.dma_semaphore, #tpu.memory_space<semaphore_mem>> -> memref<!tpu.dma_semaphore, #tpu.memory_space<semaphore_mem>>
      tpu.wait_indirect_dma semaphore(%dma_wait3A_127 : memref<!tpu.dma_semaphore, #tpu.memory_space<semaphore_mem>>) src(%dma_wait3A_125 : memref<10000x128xf32, #tpu.memory_space<hbm>>) dst(%dma_wait3A_119 : memref<128x128xf32, #tpu.memory_space<vmem>>)
      %dma_start3A_128 = arith.constant 1 : i32
      %dma_start3A_129 = arith.constant 1 : i32
      %dma_start3A_130 = arith.constant 1 : i32
      %dma_start3A_131 = arith.constant 0 : i32
      %dma_start3A_132 = arith.constant 0 : i32
      %dma_start3A_133 = tpu.memref_slice %arg9[%dma_start3A_128, %dma_start3A_131, %dma_start3A_132] : memref<2x128x128xf32, #tpu.memory_space<vmem>> -> memref<1x128x128xf32, #tpu.memory_space<vmem>>
      %dma_start3A_134 = tpu.memref_squeeze %dma_start3A_133 : memref<1x128x128xf32, #tpu.memory_space<vmem>> -> memref<128x128xf32, #tpu.memory_space<vmem>>
      %dma_start3A_135 = arith.constant 0 : i32
      %dma_start3A_136 = tpu.memref_slice %arg8[%rem3A_30, %dma_start3A_129, %dma_start3A_135] : memref<2x16x128xi32, #tpu.memory_space<vmem>> -> memref<1x1x128xi32, #tpu.memory_space<vmem>>
      %dma_start3A_137 = tpu.memref_squeeze %dma_start3A_136 : memref<1x1x128xi32, #tpu.memory_space<vmem>> -> memref<128xi32, #tpu.memory_space<vmem>>
      %dma_start3A_138 = arith.constant 0 : i32
      %dma_start3A_139 = arith.constant 0 : i32
      %dma_start3A_140 = tpu.memref_slice %arg10[%dma_start3A_138, %dma_start3A_139] : memref<10112x128xf32, #tpu.memory_space<vmem_shared>> -> memref<10112x128xf32, #tpu.memory_space<vmem_shared>>
      %dma_start3A_141 = tpu.memref_slice %arg13[%dma_start3A_130] : memref<2x!tpu.dma_semaphore, #tpu.memory_space<semaphore_mem>> -> memref<1x!tpu.dma_semaphore, #tpu.memory_space<semaphore_mem>>
      %dma_start3A_142 = tpu.memref_squeeze %dma_start3A_141 : memref<1x!tpu.dma_semaphore, #tpu.memory_space<semaphore_mem>> -> memref<!tpu.dma_semaphore, #tpu.memory_space<semaphore_mem>>
      tpu.enqueue_indirect_dma source(%dma_start3A_134 : memref<128x128xf32, #tpu.memory_space<vmem>>) target(%dma_start3A_140 : memref<10112x128xf32, #tpu.memory_space<vmem_shared>>) offsets(%dma_start3A_137 : memref<128xi32, #tpu.memory_space<vmem>>) semaphore(%dma_start3A_142 : memref<!tpu.dma_semaphore, #tpu.memory_space<semaphore_mem>>) {add = true}
      %dma_wait3A_143 = arith.constant 1 : i32
      %dma_wait3A_144 = arith.constant 1 : i32
      %dma_wait3A_145 = arith.constant 1 : i32
      %dma_wait3A_146 = arith.constant 0 : i32
      %dma_wait3A_147 = arith.constant 0 : i32
      %dma_wait3A_148 = tpu.memref_slice %arg9[%dma_wait3A_143, %dma_wait3A_146, %dma_wait3A_147] : memref<2x128x128xf32, #tpu.memory_space<vmem>> -> memref<1x128x128xf32, #tpu.memory_space<vmem>>
      %dma_wait3A_149 = tpu.memref_squeeze %dma_wait3A_148 : memref<1x128x128xf32, #tpu.memory_space<vmem>> -> memref<128x128xf32, #tpu.memory_space<vmem>>
      %dma_wait3A_150 = arith.constant 0 : i32
      %dma_wait3A_151 = tpu.memref_slice %arg8[%rem3A_30, %dma_wait3A_144, %dma_wait3A_150] : memref<2x16x128xi32, #tpu.memory_space<vmem>> -> memref<1x1x128xi32, #tpu.memory_space<vmem>>
      %dma_wait3A_152 = tpu.memref_squeeze %dma_wait3A_151 : memref<1x1x128xi32, #tpu.memory_space<vmem>> -> memref<128xi32, #tpu.memory_space<vmem>>
      %dma_wait3A_153 = arith.constant 0 : i32
      %dma_wait3A_154 = arith.constant 0 : i32
      %dma_wait3A_155 = tpu.memref_slice %arg10[%dma_wait3A_153, %dma_wait3A_154] : memref<10112x128xf32, #tpu.memory_space<vmem_shared>> -> memref<10112x128xf32, #tpu.memory_space<vmem_shared>>
      %dma_wait3A_156 = tpu.memref_slice %arg13[%dma_wait3A_145] : memref<2x!tpu.dma_semaphore, #tpu.memory_space<semaphore_mem>> -> memref<1x!tpu.dma_semaphore, #tpu.memory_space<semaphore_mem>>
      %dma_wait3A_157 = tpu.memref_squeeze %dma_wait3A_156 : memref<1x!tpu.dma_semaphore, #tpu.memory_space<semaphore_mem>> -> memref<!tpu.dma_semaphore, #tpu.memory_space<semaphore_mem>>
      tpu.wait_indirect_dma semaphore(%dma_wait3A_157 : memref<!tpu.dma_semaphore, #tpu.memory_space<semaphore_mem>>) src(%dma_wait3A_149 : memref<128x128xf32, #tpu.memory_space<vmem>>) dst(%dma_wait3A_155 : memref<10112x128xf32, #tpu.memory_space<vmem_shared>>)
      %dma_start3A_158 = arith.constant 3 : i32
      %dma_start3A_159 = arith.constant 1 : i32
      %dma_start3A_160 = arith.constant 1 : i32
      %dma_start3A_161 = arith.constant 0 : i32
      %dma_start3A_162 = arith.constant 0 : i32
      %dma_start3A_163 = tpu.memref_slice %arg9[%dma_start3A_159, %dma_start3A_161, %dma_start3A_162] : memref<2x128x128xf32, #tpu.memory_space<vmem>> -> memref<1x128x128xf32, #tpu.memory_space<vmem>>
      %dma_start3A_164 = tpu.memref_squeeze %dma_start3A_163 : memref<1x128x128xf32, #tpu.memory_space<vmem>> -> memref<128x128xf32, #tpu.memory_space<vmem>>
      %dma_start3A_165 = arith.constant 0 : i32
      %dma_start3A_166 = tpu.memref_slice %arg7[%rem3A_30, %dma_start3A_158, %dma_start3A_165] : memref<2x16x128xi32, #tpu.memory_space<vmem>> -> memref<1x1x128xi32, #tpu.memory_space<vmem>>
      %dma_start3A_167 = tpu.memref_squeeze %dma_start3A_166 : memref<1x1x128xi32, #tpu.memory_space<vmem>> -> memref<128xi32, #tpu.memory_space<vmem>>
      %dma_start3A_168 = arith.constant 0 : i32
      %dma_start3A_169 = arith.constant 0 : i32
      %dma_start3A_170 = tpu.memref_slice %arg2[%dma_start3A_168, %dma_start3A_169] : memref<10000x128xf32, #tpu.memory_space<hbm>> -> memref<10000x128xf32, #tpu.memory_space<hbm>>
      %dma_start3A_171 = tpu.memref_slice %arg11[%dma_start3A_160] : memref<2x!tpu.dma_semaphore, #tpu.memory_space<semaphore_mem>> -> memref<1x!tpu.dma_semaphore, #tpu.memory_space<semaphore_mem>>
      %dma_start3A_172 = tpu.memref_squeeze %dma_start3A_171 : memref<1x!tpu.dma_semaphore, #tpu.memory_space<semaphore_mem>> -> memref<!tpu.dma_semaphore, #tpu.memory_space<semaphore_mem>>
      tpu.enqueue_indirect_dma source(%dma_start3A_170 : memref<10000x128xf32, #tpu.memory_space<hbm>>) target(%dma_start3A_164 : memref<128x128xf32, #tpu.memory_space<vmem>>) offsets(%dma_start3A_167 : memref<128xi32, #tpu.memory_space<vmem>>) semaphore(%dma_start3A_172 : memref<!tpu.dma_semaphore, #tpu.memory_space<semaphore_mem>>)
      %dma_wait3A_173 = arith.constant 2 : i32
      %dma_wait3A_174 = arith.constant 0 : i32
      %dma_wait3A_175 = arith.constant 0 : i32
      %dma_wait3A_176 = arith.constant 0 : i32
      %dma_wait3A_177 = arith.constant 0 : i32
      %dma_wait3A_178 = tpu.memref_slice %arg9[%dma_wait3A_174, %dma_wait3A_176, %dma_wait3A_177] : memref<2x128x128xf32, #tpu.memory_space<vmem>> -> memref<1x128x128xf32, #tpu.memory_space<vmem>>
      %dma_wait3A_179 = tpu.memref_squeeze %dma_wait3A_178 : memref<1x128x128xf32, #tpu.memory_space<vmem>> -> memref<128x128xf32, #tpu.memory_space<vmem>>
      %dma_wait3A_180 = arith.constant 0 : i32
      %dma_wait3A_181 = tpu.memref_slice %arg7[%rem3A_30, %dma_wait3A_173, %dma_wait3A_180] : memref<2x16x128xi32, #tpu.memory_space<vmem>> -> memref<1x1x128xi32, #tpu.memory_space<vmem>>
      %dma_wait3A_182 = tpu.memref_squeeze %dma_wait3A_181 : memref<1x1x128xi32, #tpu.memory_space<vmem>> -> memref<128xi32, #tpu.memory_space<vmem>>
      %dma_wait3A_183 = arith.constant 0 : i32
      %dma_wait3A_184 = arith.constant 0 : i32
      %dma_wait3A_185 = tpu.memref_slice %arg2[%dma_wait3A_183, %dma_wait3A_184] : memref<10000x128xf32, #tpu.memory_space<hbm>> -> memref<10000x128xf32, #tpu.memory_space<hbm>>
      %dma_wait3A_186 = tpu.memref_slice %arg11[%dma_wait3A_175] : memref<2x!tpu.dma_semaphore, #tpu.memory_space<semaphore_mem>> -> memref<1x!tpu.dma_semaphore, #tpu.memory_space<semaphore_mem>>
      %dma_wait3A_187 = tpu.memref_squeeze %dma_wait3A_186 : memref<1x!tpu.dma_semaphore, #tpu.memory_space<semaphore_mem>> -> memref<!tpu.dma_semaphore, #tpu.memory_space<semaphore_mem>>
      tpu.wait_indirect_dma semaphore(%dma_wait3A_187 : memref<!tpu.dma_semaphore, #tpu.memory_space<semaphore_mem>>) src(%dma_wait3A_185 : memref<10000x128xf32, #tpu.memory_space<hbm>>) dst(%dma_wait3A_179 : memref<128x128xf32, #tpu.memory_space<vmem>>)
      %dma_start3A_188 = arith.constant 0 : i32
      %dma_start3A_189 = arith.constant 2 : i32
      %dma_start3A_190 = arith.constant 0 : i32
      %dma_start3A_191 = arith.constant 0 : i32
      %dma_start3A_192 = arith.constant 0 : i32
      %dma_start3A_193 = tpu.memref_slice %arg9[%dma_start3A_188, %dma_start3A_191, %dma_start3A_192] : memref<2x128x128xf32, #tpu.memory_space<vmem>> -> memref<1x128x128xf32, #tpu.memory_space<vmem>>
      %dma_start3A_194 = tpu.memref_squeeze %dma_start3A_193 : memref<1x128x128xf32, #tpu.memory_space<vmem>> -> memref<128x128xf32, #tpu.memory_space<vmem>>
      %dma_start3A_195 = arith.constant 0 : i32
      %dma_start3A_196 = tpu.memref_slice %arg8[%rem3A_30, %dma_start3A_189, %dma_start3A_195] : memref<2x16x128xi32, #tpu.memory_space<vmem>> -> memref<1x1x128xi32, #tpu.memory_space<vmem>>
      %dma_start3A_197 = tpu.memref_squeeze %dma_start3A_196 : memref<1x1x128xi32, #tpu.memory_space<vmem>> -> memref<128xi32, #tpu.memory_space<vmem>>
      %dma_start3A_198 = arith.constant 0 : i32
      %dma_start3A_199 = arith.constant 0 : i32
      %dma_start3A_200 = tpu.memref_slice %arg10[%dma_start3A_198, %dma_start3A_199] : memref<10112x128xf32, #tpu.memory_space<vmem_shared>> -> memref<10112x128xf32, #tpu.memory_space<vmem_shared>>
      %dma_start3A_201 = tpu.memref_slice %arg13[%dma_start3A_190] : memref<2x!tpu.dma_semaphore, #tpu.memory_space<semaphore_mem>> -> memref<1x!tpu.dma_semaphore, #tpu.memory_space<semaphore_mem>>
      %dma_start3A_202 = tpu.memref_squeeze %dma_start3A_201 : memref<1x!tpu.dma_semaphore, #tpu.memory_space<semaphore_mem>> -> memref<!tpu.dma_semaphore, #tpu.memory_space<semaphore_mem>>
      tpu.enqueue_indirect_dma source(%dma_start3A_194 : memref<128x128xf32, #tpu.memory_space<vmem>>) target(%dma_start3A_200 : memref<10112x128xf32, #tpu.memory_space<vmem_shared>>) offsets(%dma_start3A_197 : memref<128xi32, #tpu.memory_space<vmem>>) semaphore(%dma_start3A_202 : memref<!tpu.dma_semaphore, #tpu.memory_space<semaphore_mem>>) {add = true}
      %dma_wait3A_203 = arith.constant 0 : i32
      %dma_wait3A_204 = arith.constant 2 : i32
      %dma_wait3A_205 = arith.constant 0 : i32
      %dma_wait3A_206 = arith.constant 0 : i32
      %dma_wait3A_207 = arith.constant 0 : i32
      %dma_wait3A_208 = tpu.memref_slice %arg9[%dma_wait3A_203, %dma_wait3A_206, %dma_wait3A_207] : memref<2x128x128xf32, #tpu.memory_space<vmem>> -> memref<1x128x128xf32, #tpu.memory_space<vmem>>
      %dma_wait3A_209 = tpu.memref_squeeze %dma_wait3A_208 : memref<1x128x128xf32, #tpu.memory_space<vmem>> -> memref<128x128xf32, #tpu.memory_space<vmem>>
      %dma_wait3A_210 = arith.constant 0 : i32
      %dma_wait3A_211 = tpu.memref_slice %arg8[%rem3A_30, %dma_wait3A_204, %dma_wait3A_210] : memref<2x16x128xi32, #tpu.memory_space<vmem>> -> memref<1x1x128xi32, #tpu.memory_space<vmem>>
      %dma_wait3A_212 = tpu.memref_squeeze %dma_wait3A_211 : memref<1x1x128xi32, #tpu.memory_space<vmem>> -> memref<128xi32, #tpu.memory_space<vmem>>
      %dma_wait3A_213 = arith.constant 0 : i32
      %dma_wait3A_214 = arith.constant 0 : i32
      %dma_wait3A_215 = tpu.memref_slice %arg10[%dma_wait3A_213, %dma_wait3A_214] : memref<10112x128xf32, #tpu.memory_space<vmem_shared>> -> memref<10112x128xf32, #tpu.memory_space<vmem_shared>>
      %dma_wait3A_216 = tpu.memref_slice %arg13[%dma_wait3A_205] : memref<2x!tpu.dma_semaphore, #tpu.memory_space<semaphore_mem>> -> memref<1x!tpu.dma_semaphore, #tpu.memory_space<semaphore_mem>>
      %dma_wait3A_217 = tpu.memref_squeeze %dma_wait3A_216 : memref<1x!tpu.dma_semaphore, #tpu.memory_space<semaphore_mem>> -> memref<!tpu.dma_semaphore, #tpu.memory_space<semaphore_mem>>
      tpu.wait_indirect_dma semaphore(%dma_wait3A_217 : memref<!tpu.dma_semaphore, #tpu.memory_space<semaphore_mem>>) src(%dma_wait3A_209 : memref<128x128xf32, #tpu.memory_space<vmem>>) dst(%dma_wait3A_215 : memref<10112x128xf32, #tpu.memory_space<vmem_shared>>)
      %dma_start3A_218 = arith.constant 4 : i32
      %dma_start3A_219 = arith.constant 0 : i32
      %dma_start3A_220 = arith.constant 0 : i32
      %dma_start3A_221 = arith.constant 0 : i32
      %dma_start3A_222 = arith.constant 0 : i32
      %dma_start3A_223 = tpu.memref_slice %arg9[%dma_start3A_219, %dma_start3A_221, %dma_start3A_222] : memref<2x128x128xf32, #tpu.memory_space<vmem>> -> memref<1x128x128xf32, #tpu.memory_space<vmem>>
      %dma_start3A_224 = tpu.memref_squeeze %dma_start3A_223 : memref<1x128x128xf32, #tpu.memory_space<vmem>> -> memref<128x128xf32, #tpu.memory_space<vmem>>
      %dma_start3A_225 = arith.constant 0 : i32
      %dma_start3A_226 = tpu.memref_slice %arg7[%rem3A_30, %dma_start3A_218, %dma_start3A_225] : memref<2x16x128xi32, #tpu.memory_space<vmem>> -> memref<1x1x128xi32, #tpu.memory_space<vmem>>
      %dma_start3A_227 = tpu.memref_squeeze %dma_start3A_226 : memref<1x1x128xi32, #tpu.memory_space<vmem>> -> memref<128xi32, #tpu.memory_space<vmem>>
      %dma_start3A_228 = arith.constant 0 : i32
      %dma_start3A_229 = arith.constant 0 : i32
      %dma_start3A_230 = tpu.memref_slice %arg2[%dma_start3A_228, %dma_start3A_229] : memref<10000x128xf32, #tpu.memory_space<hbm>> -> memref<10000x128xf32, #tpu.memory_space<hbm>>
      %dma_start3A_231 = tpu.memref_slice %arg11[%dma_start3A_220] : memref<2x!tpu.dma_semaphore, #tpu.memory_space<semaphore_mem>> -> memref<1x!tpu.dma_semaphore, #tpu.memory_space<semaphore_mem>>
      %dma_start3A_232 = tpu.memref_squeeze %dma_start3A_231 : memref<1x!tpu.dma_semaphore, #tpu.memory_space<semaphore_mem>> -> memref<!tpu.dma_semaphore, #tpu.memory_space<semaphore_mem>>
      tpu.enqueue_indirect_dma source(%dma_start3A_230 : memref<10000x128xf32, #tpu.memory_space<hbm>>) target(%dma_start3A_224 : memref<128x128xf32, #tpu.memory_space<vmem>>) offsets(%dma_start3A_227 : memref<128xi32, #tpu.memory_space<vmem>>) semaphore(%dma_start3A_232 : memref<!tpu.dma_semaphore, #tpu.memory_space<semaphore_mem>>)
      %dma_wait3A_233 = arith.constant 3 : i32
      %dma_wait3A_234 = arith.constant 1 : i32
      %dma_wait3A_235 = arith.constant 1 : i32
      %dma_wait3A_236 = arith.constant 0 : i32
      %dma_wait3A_237 = arith.constant 0 : i32
      %dma_wait3A_238 = tpu.memref_slice %arg9[%dma_wait3A_234, %dma_wait3A_236, %dma_wait3A_237] : memref<2x128x128xf32, #tpu.memory_space<vmem>> -> memref<1x128x128xf32, #tpu.memory_space<vmem>>
      %dma_wait3A_239 = tpu.memref_squeeze %dma_wait3A_238 : memref<1x128x128xf32, #tpu.memory_space<vmem>> -> memref<128x128xf32, #tpu.memory_space<vmem>>
      %dma_wait3A_240 = arith.constant 0 : i32
      %dma_wait3A_241 = tpu.memref_slice %arg7[%rem3A_30, %dma_wait3A_233, %dma_wait3A_240] : memref<2x16x128xi32, #tpu.memory_space<vmem>> -> memref<1x1x128xi32, #tpu.memory_space<vmem>>
      %dma_wait3A_242 = tpu.memref_squeeze %dma_wait3A_241 : memref<1x1x128xi32, #tpu.memory_space<vmem>> -> memref<128xi32, #tpu.memory_space<vmem>>
      %dma_wait3A_243 = arith.constant 0 : i32
      %dma_wait3A_244 = arith.constant 0 : i32
      %dma_wait3A_245 = tpu.memref_slice %arg2[%dma_wait3A_243, %dma_wait3A_244] : memref<10000x128xf32, #tpu.memory_space<hbm>> -> memref<10000x128xf32, #tpu.memory_space<hbm>>
      %dma_wait3A_246 = tpu.memref_slice %arg11[%dma_wait3A_235] : memref<2x!tpu.dma_semaphore, #tpu.memory_space<semaphore_mem>> -> memref<1x!tpu.dma_semaphore, #tpu.memory_space<semaphore_mem>>
      %dma_wait3A_247 = tpu.memref_squeeze %dma_wait3A_246 : memref<1x!tpu.dma_semaphore, #tpu.memory_space<semaphore_mem>> -> memref<!tpu.dma_semaphore, #tpu.memory_space<semaphore_mem>>
      tpu.wait_indirect_dma semaphore(%dma_wait3A_247 : memref<!tpu.dma_semaphore, #tpu.memory_space<semaphore_mem>>) src(%dma_wait3A_245 : memref<10000x128xf32, #tpu.memory_space<hbm>>) dst(%dma_wait3A_239 : memref<128x128xf32, #tpu.memory_space<vmem>>)
      %dma_start3A_248 = arith.constant 1 : i32
      %dma_start3A_249 = arith.constant 3 : i32
      %dma_start3A_250 = arith.constant 1 : i32
      %dma_start3A_251 = arith.constant 0 : i32
      %dma_start3A_252 = arith.constant 0 : i32
      %dma_start3A_253 = tpu.memref_slice %arg9[%dma_start3A_248, %dma_start3A_251, %dma_start3A_252] : memref<2x128x128xf32, #tpu.memory_space<vmem>> -> memref<1x128x128xf32, #tpu.memory_space<vmem>>
      %dma_start3A_254 = tpu.memref_squeeze %dma_start3A_253 : memref<1x128x128xf32, #tpu.memory_space<vmem>> -> memref<128x128xf32, #tpu.memory_space<vmem>>
      %dma_start3A_255 = arith.constant 0 : i32
      %dma_start3A_256 = tpu.memref_slice %arg8[%rem3A_30, %dma_start3A_249, %dma_start3A_255] : memref<2x16x128xi32, #tpu.memory_space<vmem>> -> memref<1x1x128xi32, #tpu.memory_space<vmem>>
      %dma_start3A_257 = tpu.memref_squeeze %dma_start3A_256 : memref<1x1x128xi32, #tpu.memory_space<vmem>> -> memref<128xi32, #tpu.memory_space<vmem>>
      %dma_start3A_258 = arith.constant 0 : i32
      %dma_start3A_259 = arith.constant 0 : i32
      %dma_start3A_260 = tpu.memref_slice %arg10[%dma_start3A_258, %dma_start3A_259] : memref<10112x128xf32, #tpu.memory_space<vmem_shared>> -> memref<10112x128xf32, #tpu.memory_space<vmem_shared>>
      %dma_start3A_261 = tpu.memref_slice %arg13[%dma_start3A_250] : memref<2x!tpu.dma_semaphore, #tpu.memory_space<semaphore_mem>> -> memref<1x!tpu.dma_semaphore, #tpu.memory_space<semaphore_mem>>
      %dma_start3A_262 = tpu.memref_squeeze %dma_start3A_261 : memref<1x!tpu.dma_semaphore, #tpu.memory_space<semaphore_mem>> -> memref<!tpu.dma_semaphore, #tpu.memory_space<semaphore_mem>>
      tpu.enqueue_indirect_dma source(%dma_start3A_254 : memref<128x128xf32, #tpu.memory_space<vmem>>) target(%dma_start3A_260 : memref<10112x128xf32, #tpu.memory_space<vmem_shared>>) offsets(%dma_start3A_257 : memref<128xi32, #tpu.memory_space<vmem>>) semaphore(%dma_start3A_262 : memref<!tpu.dma_semaphore, #tpu.memory_space<semaphore_mem>>) {add = true}
      %dma_wait3A_263 = arith.constant 1 : i32
      %dma_wait3A_264 = arith.constant 3 : i32
      %dma_wait3A_265 = arith.constant 1 : i32
      %dma_wait3A_266 = arith.constant 0 : i32
      %dma_wait3A_267 = arith.constant 0 : i32
      %dma_wait3A_268 = tpu.memref_slice %arg9[%dma_wait3A_263, %dma_wait3A_266, %dma_wait3A_267] : memref<2x128x128xf32, #tpu.memory_space<vmem>> -> memref<1x128x128xf32, #tpu.memory_space<vmem>>
      %dma_wait3A_269 = tpu.memref_squeeze %dma_wait3A_268 : memref<1x128x128xf32, #tpu.memory_space<vmem>> -> memref<128x128xf32, #tpu.memory_space<vmem>>
      %dma_wait3A_270 = arith.constant 0 : i32
      %dma_wait3A_271 = tpu.memref_slice %arg8[%rem3A_30, %dma_wait3A_264, %dma_wait3A_270] : memref<2x16x128xi32, #tpu.memory_space<vmem>> -> memref<1x1x128xi32, #tpu.memory_space<vmem>>
      %dma_wait3A_272 = tpu.memref_squeeze %dma_wait3A_271 : memref<1x1x128xi32, #tpu.memory_space<vmem>> -> memref<128xi32, #tpu.memory_space<vmem>>
      %dma_wait3A_273 = arith.constant 0 : i32
      %dma_wait3A_274 = arith.constant 0 : i32
      %dma_wait3A_275 = tpu.memref_slice %arg10[%dma_wait3A_273, %dma_wait3A_274] : memref<10112x128xf32, #tpu.memory_space<vmem_shared>> -> memref<10112x128xf32, #tpu.memory_space<vmem_shared>>
      %dma_wait3A_276 = tpu.memref_slice %arg13[%dma_wait3A_265] : memref<2x!tpu.dma_semaphore, #tpu.memory_space<semaphore_mem>> -> memref<1x!tpu.dma_semaphore, #tpu.memory_space<semaphore_mem>>
      %dma_wait3A_277 = tpu.memref_squeeze %dma_wait3A_276 : memref<1x!tpu.dma_semaphore, #tpu.memory_space<semaphore_mem>> -> memref<!tpu.dma_semaphore, #tpu.memory_space<semaphore_mem>>
      tpu.wait_indirect_dma semaphore(%dma_wait3A_277 : memref<!tpu.dma_semaphore, #tpu.memory_space<semaphore_mem>>) src(%dma_wait3A_269 : memref<128x128xf32, #tpu.memory_space<vmem>>) dst(%dma_wait3A_275 : memref<10112x128xf32, #tpu.memory_space<vmem_shared>>)
      %dma_start3A_278 = arith.constant 5 : i32
      %dma_start3A_279 = arith.constant 1 : i32
      %dma_start3A_280 = arith.constant 1 : i32
      %dma_start3A_281 = arith.constant 0 : i32
      %dma_start3A_282 = arith.constant 0 : i32
      %dma_start3A_283 = tpu.memref_slice %arg9[%dma_start3A_279, %dma_start3A_281, %dma_start3A_282] : memref<2x128x128xf32, #tpu.memory_space<vmem>> -> memref<1x128x128xf32, #tpu.memory_space<vmem>>
      %dma_start3A_284 = tpu.memref_squeeze %dma_start3A_283 : memref<1x128x128xf32, #tpu.memory_space<vmem>> -> memref<128x128xf32, #tpu.memory_space<vmem>>
      %dma_start3A_285 = arith.constant 0 : i32
      %dma_start3A_286 = tpu.memref_slice %arg7[%rem3A_30, %dma_start3A_278, %dma_start3A_285] : memref<2x16x128xi32, #tpu.memory_space<vmem>> -> memref<1x1x128xi32, #tpu.memory_space<vmem>>
      %dma_start3A_287 = tpu.memref_squeeze %dma_start3A_286 : memref<1x1x128xi32, #tpu.memory_space<vmem>> -> memref<128xi32, #tpu.memory_space<vmem>>
      %dma_start3A_288 = arith.constant 0 : i32
      %dma_start3A_289 = arith.constant 0 : i32
      %dma_start3A_290 = tpu.memref_slice %arg2[%dma_start3A_288, %dma_start3A_289] : memref<10000x128xf32, #tpu.memory_space<hbm>> -> memref<10000x128xf32, #tpu.memory_space<hbm>>
      %dma_start3A_291 = tpu.memref_slice %arg11[%dma_start3A_280] : memref<2x!tpu.dma_semaphore, #tpu.memory_space<semaphore_mem>> -> memref<1x!tpu.dma_semaphore, #tpu.memory_space<semaphore_mem>>
      %dma_start3A_292 = tpu.memref_squeeze %dma_start3A_291 : memref<1x!tpu.dma_semaphore, #tpu.memory_space<semaphore_mem>> -> memref<!tpu.dma_semaphore, #tpu.memory_space<semaphore_mem>>
      tpu.enqueue_indirect_dma source(%dma_start3A_290 : memref<10000x128xf32, #tpu.memory_space<hbm>>) target(%dma_start3A_284 : memref<128x128xf32, #tpu.memory_space<vmem>>) offsets(%dma_start3A_287 : memref<128xi32, #tpu.memory_space<vmem>>) semaphore(%dma_start3A_292 : memref<!tpu.dma_semaphore, #tpu.memory_space<semaphore_mem>>)
      %dma_wait3A_293 = arith.constant 4 : i32
      %dma_wait3A_294 = arith.constant 0 : i32
      %dma_wait3A_295 = arith.constant 0 : i32
      %dma_wait3A_296 = arith.constant 0 : i32
      %dma_wait3A_297 = arith.constant 0 : i32
      %dma_wait3A_298 = tpu.memref_slice %arg9[%dma_wait3A_294, %dma_wait3A_296, %dma_wait3A_297] : memref<2x128x128xf32, #tpu.memory_space<vmem>> -> memref<1x128x128xf32, #tpu.memory_space<vmem>>
      %dma_wait3A_299 = tpu.memref_squeeze %dma_wait3A_298 : memref<1x128x128xf32, #tpu.memory_space<vmem>> -> memref<128x128xf32, #tpu.memory_space<vmem>>
      %dma_wait3A_300 = arith.constant 0 : i32
      %dma_wait3A_301 = tpu.memref_slice %arg7[%rem3A_30, %dma_wait3A_293, %dma_wait3A_300] : memref<2x16x128xi32, #tpu.memory_space<vmem>> -> memref<1x1x128xi32, #tpu.memory_space<vmem>>
      %dma_wait3A_302 = tpu.memref_squeeze %dma_wait3A_301 : memref<1x1x128xi32, #tpu.memory_space<vmem>> -> memref<128xi32, #tpu.memory_space<vmem>>
      %dma_wait3A_303 = arith.constant 0 : i32
      %dma_wait3A_304 = arith.constant 0 : i32
      %dma_wait3A_305 = tpu.memref_slice %arg2[%dma_wait3A_303, %dma_wait3A_304] : memref<10000x128xf32, #tpu.memory_space<hbm>> -> memref<10000x128xf32, #tpu.memory_space<hbm>>
      %dma_wait3A_306 = tpu.memref_slice %arg11[%dma_wait3A_295] : memref<2x!tpu.dma_semaphore, #tpu.memory_space<semaphore_mem>> -> memref<1x!tpu.dma_semaphore, #tpu.memory_space<semaphore_mem>>
      %dma_wait3A_307 = tpu.memref_squeeze %dma_wait3A_306 : memref<1x!tpu.dma_semaphore, #tpu.memory_space<semaphore_mem>> -> memref<!tpu.dma_semaphore, #tpu.memory_space<semaphore_mem>>
      tpu.wait_indirect_dma semaphore(%dma_wait3A_307 : memref<!tpu.dma_semaphore, #tpu.memory_space<semaphore_mem>>) src(%dma_wait3A_305 : memref<10000x128xf32, #tpu.memory_space<hbm>>) dst(%dma_wait3A_299 : memref<128x128xf32, #tpu.memory_space<vmem>>)
      %dma_start3A_308 = arith.constant 0 : i32
      %dma_start3A_309 = arith.constant 4 : i32
      %dma_start3A_310 = arith.constant 0 : i32
      %dma_start3A_311 = arith.constant 0 : i32
      %dma_start3A_312 = arith.constant 0 : i32
      %dma_start3A_313 = tpu.memref_slice %arg9[%dma_start3A_308, %dma_start3A_311, %dma_start3A_312] : memref<2x128x128xf32, #tpu.memory_space<vmem>> -> memref<1x128x128xf32, #tpu.memory_space<vmem>>
      %dma_start3A_314 = tpu.memref_squeeze %dma_start3A_313 : memref<1x128x128xf32, #tpu.memory_space<vmem>> -> memref<128x128xf32, #tpu.memory_space<vmem>>
      %dma_start3A_315 = arith.constant 0 : i32
      %dma_start3A_316 = tpu.memref_slice %arg8[%rem3A_30, %dma_start3A_309, %dma_start3A_315] : memref<2x16x128xi32, #tpu.memory_space<vmem>> -> memref<1x1x128xi32, #tpu.memory_space<vmem>>
      %dma_start3A_317 = tpu.memref_squeeze %dma_start3A_316 : memref<1x1x128xi32, #tpu.memory_space<vmem>> -> memref<128xi32, #tpu.memory_space<vmem>>
      %dma_start3A_318 = arith.constant 0 : i32
      %dma_start3A_319 = arith.constant 0 : i32
      %dma_start3A_320 = tpu.memref_slice %arg10[%dma_start3A_318, %dma_start3A_319] : memref<10112x128xf32, #tpu.memory_space<vmem_shared>> -> memref<10112x128xf32, #tpu.memory_space<vmem_shared>>
      %dma_start3A_321 = tpu.memref_slice %arg13[%dma_start3A_310] : memref<2x!tpu.dma_semaphore, #tpu.memory_space<semaphore_mem>> -> memref<1x!tpu.dma_semaphore, #tpu.memory_space<semaphore_mem>>
      %dma_start3A_322 = tpu.memref_squeeze %dma_start3A_321 : memref<1x!tpu.dma_semaphore, #tpu.memory_space<semaphore_mem>> -> memref<!tpu.dma_semaphore, #tpu.memory_space<semaphore_mem>>
      tpu.enqueue_indirect_dma source(%dma_start3A_314 : memref<128x128xf32, #tpu.memory_space<vmem>>) target(%dma_start3A_320 : memref<10112x128xf32, #tpu.memory_space<vmem_shared>>) offsets(%dma_start3A_317 : memref<128xi32, #tpu.memory_space<vmem>>) semaphore(%dma_start3A_322 : memref<!tpu.dma_semaphore, #tpu.memory_space<semaphore_mem>>) {add = true}
      %dma_wait3A_323 = arith.constant 0 : i32
      %dma_wait3A_324 = arith.constant 4 : i32
      %dma_wait3A_325 = arith.constant 0 : i32
      %dma_wait3A_326 = arith.constant 0 : i32
      %dma_wait3A_327 = arith.constant 0 : i32
      %dma_wait3A_328 = tpu.memref_slice %arg9[%dma_wait3A_323, %dma_wait3A_326, %dma_wait3A_327] : memref<2x128x128xf32, #tpu.memory_space<vmem>> -> memref<1x128x128xf32, #tpu.memory_space<vmem>>
      %dma_wait3A_329 = tpu.memref_squeeze %dma_wait3A_328 : memref<1x128x128xf32, #tpu.memory_space<vmem>> -> memref<128x128xf32, #tpu.memory_space<vmem>>
      %dma_wait3A_330 = arith.constant 0 : i32
      %dma_wait3A_331 = tpu.memref_slice %arg8[%rem3A_30, %dma_wait3A_324, %dma_wait3A_330] : memref<2x16x128xi32, #tpu.memory_space<vmem>> -> memref<1x1x128xi32, #tpu.memory_space<vmem>>
      %dma_wait3A_332 = tpu.memref_squeeze %dma_wait3A_331 : memref<1x1x128xi32, #tpu.memory_space<vmem>> -> memref<128xi32, #tpu.memory_space<vmem>>
      %dma_wait3A_333 = arith.constant 0 : i32
      %dma_wait3A_334 = arith.constant 0 : i32
      %dma_wait3A_335 = tpu.memref_slice %arg10[%dma_wait3A_333, %dma_wait3A_334] : memref<10112x128xf32, #tpu.memory_space<vmem_shared>> -> memref<10112x128xf32, #tpu.memory_space<vmem_shared>>
      %dma_wait3A_336 = tpu.memref_slice %arg13[%dma_wait3A_325] : memref<2x!tpu.dma_semaphore, #tpu.memory_space<semaphore_mem>> -> memref<1x!tpu.dma_semaphore, #tpu.memory_space<semaphore_mem>>
      %dma_wait3A_337 = tpu.memref_squeeze %dma_wait3A_336 : memref<1x!tpu.dma_semaphore, #tpu.memory_space<semaphore_mem>> -> memref<!tpu.dma_semaphore, #tpu.memory_space<semaphore_mem>>
      tpu.wait_indirect_dma semaphore(%dma_wait3A_337 : memref<!tpu.dma_semaphore, #tpu.memory_space<semaphore_mem>>) src(%dma_wait3A_329 : memref<128x128xf32, #tpu.memory_space<vmem>>) dst(%dma_wait3A_335 : memref<10112x128xf32, #tpu.memory_space<vmem_shared>>)
      %dma_start3A_338 = arith.constant 6 : i32
      %dma_start3A_339 = arith.constant 0 : i32
      %dma_start3A_340 = arith.constant 0 : i32
      %dma_start3A_341 = arith.constant 0 : i32
      %dma_start3A_342 = arith.constant 0 : i32
      %dma_start3A_343 = tpu.memref_slice %arg9[%dma_start3A_339, %dma_start3A_341, %dma_start3A_342] : memref<2x128x128xf32, #tpu.memory_space<vmem>> -> memref<1x128x128xf32, #tpu.memory_space<vmem>>
      %dma_start3A_344 = tpu.memref_squeeze %dma_start3A_343 : memref<1x128x128xf32, #tpu.memory_space<vmem>> -> memref<128x128xf32, #tpu.memory_space<vmem>>
      %dma_start3A_345 = arith.constant 0 : i32
      %dma_start3A_346 = tpu.memref_slice %arg7[%rem3A_30, %dma_start3A_338, %dma_start3A_345] : memref<2x16x128xi32, #tpu.memory_space<vmem>> -> memref<1x1x128xi32, #tpu.memory_space<vmem>>
      %dma_start3A_347 = tpu.memref_squeeze %dma_start3A_346 : memref<1x1x128xi32, #tpu.memory_space<vmem>> -> memref<128xi32, #tpu.memory_space<vmem>>
      %dma_start3A_348 = arith.constant 0 : i32
      %dma_start3A_349 = arith.constant 0 : i32
      %dma_start3A_350 = tpu.memref_slice %arg2[%dma_start3A_348, %dma_start3A_349] : memref<10000x128xf32, #tpu.memory_space<hbm>> -> memref<10000x128xf32, #tpu.memory_space<hbm>>
      %dma_start3A_351 = tpu.memref_slice %arg11[%dma_start3A_340] : memref<2x!tpu.dma_semaphore, #tpu.memory_space<semaphore_mem>> -> memref<1x!tpu.dma_semaphore, #tpu.memory_space<semaphore_mem>>
      %dma_start3A_352 = tpu.memref_squeeze %dma_start3A_351 : memref<1x!tpu.dma_semaphore, #tpu.memory_space<semaphore_mem>> -> memref<!tpu.dma_semaphore, #tpu.memory_space<semaphore_mem>>
      tpu.enqueue_indirect_dma source(%dma_start3A_350 : memref<10000x128xf32, #tpu.memory_space<hbm>>) target(%dma_start3A_344 : memref<128x128xf32, #tpu.memory_space<vmem>>) offsets(%dma_start3A_347 : memref<128xi32, #tpu.memory_space<vmem>>) semaphore(%dma_start3A_352 : memref<!tpu.dma_semaphore, #tpu.memory_space<semaphore_mem>>)
      %dma_wait3A_353 = arith.constant 5 : i32
      %dma_wait3A_354 = arith.constant 1 : i32
      %dma_wait3A_355 = arith.constant 1 : i32
      %dma_wait3A_356 = arith.constant 0 : i32
      %dma_wait3A_357 = arith.constant 0 : i32
      %dma_wait3A_358 = tpu.memref_slice %arg9[%dma_wait3A_354, %dma_wait3A_356, %dma_wait3A_357] : memref<2x128x128xf32, #tpu.memory_space<vmem>> -> memref<1x128x128xf32, #tpu.memory_space<vmem>>
      %dma_wait3A_359 = tpu.memref_squeeze %dma_wait3A_358 : memref<1x128x128xf32, #tpu.memory_space<vmem>> -> memref<128x128xf32, #tpu.memory_space<vmem>>
      %dma_wait3A_360 = arith.constant 0 : i32
      %dma_wait3A_361 = tpu.memref_slice %arg7[%rem3A_30, %dma_wait3A_353, %dma_wait3A_360] : memref<2x16x128xi32, #tpu.memory_space<vmem>> -> memref<1x1x128xi32, #tpu.memory_space<vmem>>
      %dma_wait3A_362 = tpu.memref_squeeze %dma_wait3A_361 : memref<1x1x128xi32, #tpu.memory_space<vmem>> -> memref<128xi32, #tpu.memory_space<vmem>>
      %dma_wait3A_363 = arith.constant 0 : i32
      %dma_wait3A_364 = arith.constant 0 : i32
      %dma_wait3A_365 = tpu.memref_slice %arg2[%dma_wait3A_363, %dma_wait3A_364] : memref<10000x128xf32, #tpu.memory_space<hbm>> -> memref<10000x128xf32, #tpu.memory_space<hbm>>
      %dma_wait3A_366 = tpu.memref_slice %arg11[%dma_wait3A_355] : memref<2x!tpu.dma_semaphore, #tpu.memory_space<semaphore_mem>> -> memref<1x!tpu.dma_semaphore, #tpu.memory_space<semaphore_mem>>
      %dma_wait3A_367 = tpu.memref_squeeze %dma_wait3A_366 : memref<1x!tpu.dma_semaphore, #tpu.memory_space<semaphore_mem>> -> memref<!tpu.dma_semaphore, #tpu.memory_space<semaphore_mem>>
      tpu.wait_indirect_dma semaphore(%dma_wait3A_367 : memref<!tpu.dma_semaphore, #tpu.memory_space<semaphore_mem>>) src(%dma_wait3A_365 : memref<10000x128xf32, #tpu.memory_space<hbm>>) dst(%dma_wait3A_359 : memref<128x128xf32, #tpu.memory_space<vmem>>)
      %dma_start3A_368 = arith.constant 1 : i32
      %dma_start3A_369 = arith.constant 5 : i32
      %dma_start3A_370 = arith.constant 1 : i32
      %dma_start3A_371 = arith.constant 0 : i32
      %dma_start3A_372 = arith.constant 0 : i32
      %dma_start3A_373 = tpu.memref_slice %arg9[%dma_start3A_368, %dma_start3A_371, %dma_start3A_372] : memref<2x128x128xf32, #tpu.memory_space<vmem>> -> memref<1x128x128xf32, #tpu.memory_space<vmem>>
      %dma_start3A_374 = tpu.memref_squeeze %dma_start3A_373 : memref<1x128x128xf32, #tpu.memory_space<vmem>> -> memref<128x128xf32, #tpu.memory_space<vmem>>
      %dma_start3A_375 = arith.constant 0 : i32
      %dma_start3A_376 = tpu.memref_slice %arg8[%rem3A_30, %dma_start3A_369, %dma_start3A_375] : memref<2x16x128xi32, #tpu.memory_space<vmem>> -> memref<1x1x128xi32, #tpu.memory_space<vmem>>
      %dma_start3A_377 = tpu.memref_squeeze %dma_start3A_376 : memref<1x1x128xi32, #tpu.memory_space<vmem>> -> memref<128xi32, #tpu.memory_space<vmem>>
      %dma_start3A_378 = arith.constant 0 : i32
      %dma_start3A_379 = arith.constant 0 : i32
      %dma_start3A_380 = tpu.memref_slice %arg10[%dma_start3A_378, %dma_start3A_379] : memref<10112x128xf32, #tpu.memory_space<vmem_shared>> -> memref<10112x128xf32, #tpu.memory_space<vmem_shared>>
      %dma_start3A_381 = tpu.memref_slice %arg13[%dma_start3A_370] : memref<2x!tpu.dma_semaphore, #tpu.memory_space<semaphore_mem>> -> memref<1x!tpu.dma_semaphore, #tpu.memory_space<semaphore_mem>>
      %dma_start3A_382 = tpu.memref_squeeze %dma_start3A_381 : memref<1x!tpu.dma_semaphore, #tpu.memory_space<semaphore_mem>> -> memref<!tpu.dma_semaphore, #tpu.memory_space<semaphore_mem>>
      tpu.enqueue_indirect_dma source(%dma_start3A_374 : memref<128x128xf32, #tpu.memory_space<vmem>>) target(%dma_start3A_380 : memref<10112x128xf32, #tpu.memory_space<vmem_shared>>) offsets(%dma_start3A_377 : memref<128xi32, #tpu.memory_space<vmem>>) semaphore(%dma_start3A_382 : memref<!tpu.dma_semaphore, #tpu.memory_space<semaphore_mem>>) {add = true}
      %dma_wait3A_383 = arith.constant 1 : i32
      %dma_wait3A_384 = arith.constant 5 : i32
      %dma_wait3A_385 = arith.constant 1 : i32
      %dma_wait3A_386 = arith.constant 0 : i32
      %dma_wait3A_387 = arith.constant 0 : i32
      %dma_wait3A_388 = tpu.memref_slice %arg9[%dma_wait3A_383, %dma_wait3A_386, %dma_wait3A_387] : memref<2x128x128xf32, #tpu.memory_space<vmem>> -> memref<1x128x128xf32, #tpu.memory_space<vmem>>
      %dma_wait3A_389 = tpu.memref_squeeze %dma_wait3A_388 : memref<1x128x128xf32, #tpu.memory_space<vmem>> -> memref<128x128xf32, #tpu.memory_space<vmem>>
      %dma_wait3A_390 = arith.constant 0 : i32
      %dma_wait3A_391 = tpu.memref_slice %arg8[%rem3A_30, %dma_wait3A_384, %dma_wait3A_390] : memref<2x16x128xi32, #tpu.memory_space<vmem>> -> memref<1x1x128xi32, #tpu.memory_space<vmem>>
      %dma_wait3A_392 = tpu.memref_squeeze %dma_wait3A_391 : memref<1x1x128xi32, #tpu.memory_space<vmem>> -> memref<128xi32, #tpu.memory_space<vmem>>
      %dma_wait3A_393 = arith.constant 0 : i32
      %dma_wait3A_394 = arith.constant 0 : i32
      %dma_wait3A_395 = tpu.memref_slice %arg10[%dma_wait3A_393, %dma_wait3A_394] : memref<10112x128xf32, #tpu.memory_space<vmem_shared>> -> memref<10112x128xf32, #tpu.memory_space<vmem_shared>>
      %dma_wait3A_396 = tpu.memref_slice %arg13[%dma_wait3A_385] : memref<2x!tpu.dma_semaphore, #tpu.memory_space<semaphore_mem>> -> memref<1x!tpu.dma_semaphore, #tpu.memory_space<semaphore_mem>>
      %dma_wait3A_397 = tpu.memref_squeeze %dma_wait3A_396 : memref<1x!tpu.dma_semaphore, #tpu.memory_space<semaphore_mem>> -> memref<!tpu.dma_semaphore, #tpu.memory_space<semaphore_mem>>
      tpu.wait_indirect_dma semaphore(%dma_wait3A_397 : memref<!tpu.dma_semaphore, #tpu.memory_space<semaphore_mem>>) src(%dma_wait3A_389 : memref<128x128xf32, #tpu.memory_space<vmem>>) dst(%dma_wait3A_395 : memref<10112x128xf32, #tpu.memory_space<vmem_shared>>)
      %dma_start3A_398 = arith.constant 7 : i32
      %dma_start3A_399 = arith.constant 1 : i32
      %dma_start3A_400 = arith.constant 1 : i32
      %dma_start3A_401 = arith.constant 0 : i32
      %dma_start3A_402 = arith.constant 0 : i32
      %dma_start3A_403 = tpu.memref_slice %arg9[%dma_start3A_399, %dma_start3A_401, %dma_start3A_402] : memref<2x128x128xf32, #tpu.memory_space<vmem>> -> memref<1x128x128xf32, #tpu.memory_space<vmem>>
      %dma_start3A_404 = tpu.memref_squeeze %dma_start3A_403 : memref<1x128x128xf32, #tpu.memory_space<vmem>> -> memref<128x128xf32, #tpu.memory_space<vmem>>
      %dma_start3A_405 = arith.constant 0 : i32
      %dma_start3A_406 = tpu.memref_slice %arg7[%rem3A_30, %dma_start3A_398, %dma_start3A_405] : memref<2x16x128xi32, #tpu.memory_space<vmem>> -> memref<1x1x128xi32, #tpu.memory_space<vmem>>
      %dma_start3A_407 = tpu.memref_squeeze %dma_start3A_406 : memref<1x1x128xi32, #tpu.memory_space<vmem>> -> memref<128xi32, #tpu.memory_space<vmem>>
      %dma_start3A_408 = arith.constant 0 : i32
      %dma_start3A_409 = arith.constant 0 : i32
      %dma_start3A_410 = tpu.memref_slice %arg2[%dma_start3A_408, %dma_start3A_409] : memref<10000x128xf32, #tpu.memory_space<hbm>> -> memref<10000x128xf32, #tpu.memory_space<hbm>>
      %dma_start3A_411 = tpu.memref_slice %arg11[%dma_start3A_400] : memref<2x!tpu.dma_semaphore, #tpu.memory_space<semaphore_mem>> -> memref<1x!tpu.dma_semaphore, #tpu.memory_space<semaphore_mem>>
      %dma_start3A_412 = tpu.memref_squeeze %dma_start3A_411 : memref<1x!tpu.dma_semaphore, #tpu.memory_space<semaphore_mem>> -> memref<!tpu.dma_semaphore, #tpu.memory_space<semaphore_mem>>
      tpu.enqueue_indirect_dma source(%dma_start3A_410 : memref<10000x128xf32, #tpu.memory_space<hbm>>) target(%dma_start3A_404 : memref<128x128xf32, #tpu.memory_space<vmem>>) offsets(%dma_start3A_407 : memref<128xi32, #tpu.memory_space<vmem>>) semaphore(%dma_start3A_412 : memref<!tpu.dma_semaphore, #tpu.memory_space<semaphore_mem>>)
      %dma_wait3A_413 = arith.constant 6 : i32
      %dma_wait3A_414 = arith.constant 0 : i32
      %dma_wait3A_415 = arith.constant 0 : i32
      %dma_wait3A_416 = arith.constant 0 : i32
      %dma_wait3A_417 = arith.constant 0 : i32
      %dma_wait3A_418 = tpu.memref_slice %arg9[%dma_wait3A_414, %dma_wait3A_416, %dma_wait3A_417] : memref<2x128x128xf32, #tpu.memory_space<vmem>> -> memref<1x128x128xf32, #tpu.memory_space<vmem>>
      %dma_wait3A_419 = tpu.memref_squeeze %dma_wait3A_418 : memref<1x128x128xf32, #tpu.memory_space<vmem>> -> memref<128x128xf32, #tpu.memory_space<vmem>>
      %dma_wait3A_420 = arith.constant 0 : i32
      %dma_wait3A_421 = tpu.memref_slice %arg7[%rem3A_30, %dma_wait3A_413, %dma_wait3A_420] : memref<2x16x128xi32, #tpu.memory_space<vmem>> -> memref<1x1x128xi32, #tpu.memory_space<vmem>>
      %dma_wait3A_422 = tpu.memref_squeeze %dma_wait3A_421 : memref<1x1x128xi32, #tpu.memory_space<vmem>> -> memref<128xi32, #tpu.memory_space<vmem>>
      %dma_wait3A_423 = arith.constant 0 : i32
      %dma_wait3A_424 = arith.constant 0 : i32
      %dma_wait3A_425 = tpu.memref_slice %arg2[%dma_wait3A_423, %dma_wait3A_424] : memref<10000x128xf32, #tpu.memory_space<hbm>> -> memref<10000x128xf32, #tpu.memory_space<hbm>>
      %dma_wait3A_426 = tpu.memref_slice %arg11[%dma_wait3A_415] : memref<2x!tpu.dma_semaphore, #tpu.memory_space<semaphore_mem>> -> memref<1x!tpu.dma_semaphore, #tpu.memory_space<semaphore_mem>>
      %dma_wait3A_427 = tpu.memref_squeeze %dma_wait3A_426 : memref<1x!tpu.dma_semaphore, #tpu.memory_space<semaphore_mem>> -> memref<!tpu.dma_semaphore, #tpu.memory_space<semaphore_mem>>
      tpu.wait_indirect_dma semaphore(%dma_wait3A_427 : memref<!tpu.dma_semaphore, #tpu.memory_space<semaphore_mem>>) src(%dma_wait3A_425 : memref<10000x128xf32, #tpu.memory_space<hbm>>) dst(%dma_wait3A_419 : memref<128x128xf32, #tpu.memory_space<vmem>>)
      %dma_start3A_428 = arith.constant 0 : i32
      %dma_start3A_429 = arith.constant 6 : i32
      %dma_start3A_430 = arith.constant 0 : i32
      %dma_start3A_431 = arith.constant 0 : i32
      %dma_start3A_432 = arith.constant 0 : i32
      %dma_start3A_433 = tpu.memref_slice %arg9[%dma_start3A_428, %dma_start3A_431, %dma_start3A_432] : memref<2x128x128xf32, #tpu.memory_space<vmem>> -> memref<1x128x128xf32, #tpu.memory_space<vmem>>
      %dma_start3A_434 = tpu.memref_squeeze %dma_start3A_433 : memref<1x128x128xf32, #tpu.memory_space<vmem>> -> memref<128x128xf32, #tpu.memory_space<vmem>>
      %dma_start3A_435 = arith.constant 0 : i32
      %dma_start3A_436 = tpu.memref_slice %arg8[%rem3A_30, %dma_start3A_429, %dma_start3A_435] : memref<2x16x128xi32, #tpu.memory_space<vmem>> -> memref<1x1x128xi32, #tpu.memory_space<vmem>>
      %dma_start3A_437 = tpu.memref_squeeze %dma_start3A_436 : memref<1x1x128xi32, #tpu.memory_space<vmem>> -> memref<128xi32, #tpu.memory_space<vmem>>
      %dma_start3A_438 = arith.constant 0 : i32
      %dma_start3A_439 = arith.constant 0 : i32
      %dma_start3A_440 = tpu.memref_slice %arg10[%dma_start3A_438, %dma_start3A_439] : memref<10112x128xf32, #tpu.memory_space<vmem_shared>> -> memref<10112x128xf32, #tpu.memory_space<vmem_shared>>
      %dma_start3A_441 = tpu.memref_slice %arg13[%dma_start3A_430] : memref<2x!tpu.dma_semaphore, #tpu.memory_space<semaphore_mem>> -> memref<1x!tpu.dma_semaphore, #tpu.memory_space<semaphore_mem>>
      %dma_start3A_442 = tpu.memref_squeeze %dma_start3A_441 : memref<1x!tpu.dma_semaphore, #tpu.memory_space<semaphore_mem>> -> memref<!tpu.dma_semaphore, #tpu.memory_space<semaphore_mem>>
      tpu.enqueue_indirect_dma source(%dma_start3A_434 : memref<128x128xf32, #tpu.memory_space<vmem>>) target(%dma_start3A_440 : memref<10112x128xf32, #tpu.memory_space<vmem_shared>>) offsets(%dma_start3A_437 : memref<128xi32, #tpu.memory_space<vmem>>) semaphore(%dma_start3A_442 : memref<!tpu.dma_semaphore, #tpu.memory_space<semaphore_mem>>) {add = true}
      %dma_wait3A_443 = arith.constant 0 : i32
      %dma_wait3A_444 = arith.constant 6 : i32
      %dma_wait3A_445 = arith.constant 0 : i32
      %dma_wait3A_446 = arith.constant 0 : i32
      %dma_wait3A_447 = arith.constant 0 : i32
      %dma_wait3A_448 = tpu.memref_slice %arg9[%dma_wait3A_443, %dma_wait3A_446, %dma_wait3A_447] : memref<2x128x128xf32, #tpu.memory_space<vmem>> -> memref<1x128x128xf32, #tpu.memory_space<vmem>>
      %dma_wait3A_449 = tpu.memref_squeeze %dma_wait3A_448 : memref<1x128x128xf32, #tpu.memory_space<vmem>> -> memref<128x128xf32, #tpu.memory_space<vmem>>
      %dma_wait3A_450 = arith.constant 0 : i32
      %dma_wait3A_451 = tpu.memref_slice %arg8[%rem3A_30, %dma_wait3A_444, %dma_wait3A_450] : memref<2x16x128xi32, #tpu.memory_space<vmem>> -> memref<1x1x128xi32, #tpu.memory_space<vmem>>
      %dma_wait3A_452 = tpu.memref_squeeze %dma_wait3A_451 : memref<1x1x128xi32, #tpu.memory_space<vmem>> -> memref<128xi32, #tpu.memory_space<vmem>>
      %dma_wait3A_453 = arith.constant 0 : i32
      %dma_wait3A_454 = arith.constant 0 : i32
      %dma_wait3A_455 = tpu.memref_slice %arg10[%dma_wait3A_453, %dma_wait3A_454] : memref<10112x128xf32, #tpu.memory_space<vmem_shared>> -> memref<10112x128xf32, #tpu.memory_space<vmem_shared>>
      %dma_wait3A_456 = tpu.memref_slice %arg13[%dma_wait3A_445] : memref<2x!tpu.dma_semaphore, #tpu.memory_space<semaphore_mem>> -> memref<1x!tpu.dma_semaphore, #tpu.memory_space<semaphore_mem>>
      %dma_wait3A_457 = tpu.memref_squeeze %dma_wait3A_456 : memref<1x!tpu.dma_semaphore, #tpu.memory_space<semaphore_mem>> -> memref<!tpu.dma_semaphore, #tpu.memory_space<semaphore_mem>>
      tpu.wait_indirect_dma semaphore(%dma_wait3A_457 : memref<!tpu.dma_semaphore, #tpu.memory_space<semaphore_mem>>) src(%dma_wait3A_449 : memref<128x128xf32, #tpu.memory_space<vmem>>) dst(%dma_wait3A_455 : memref<10112x128xf32, #tpu.memory_space<vmem_shared>>)
      %dma_start3A_458 = arith.constant 8 : i32
      %dma_start3A_459 = arith.constant 0 : i32
      %dma_start3A_460 = arith.constant 0 : i32
      %dma_start3A_461 = arith.constant 0 : i32
      %dma_start3A_462 = arith.constant 0 : i32
      %dma_start3A_463 = tpu.memref_slice %arg9[%dma_start3A_459, %dma_start3A_461, %dma_start3A_462] : memref<2x128x128xf32, #tpu.memory_space<vmem>> -> memref<1x128x128xf32, #tpu.memory_space<vmem>>
      %dma_start3A_464 = tpu.memref_squeeze %dma_start3A_463 : memref<1x128x128xf32, #tpu.memory_space<vmem>> -> memref<128x128xf32, #tpu.memory_space<vmem>>
      %dma_start3A_465 = arith.constant 0 : i32
      %dma_start3A_466 = tpu.memref_slice %arg7[%rem3A_30, %dma_start3A_458, %dma_start3A_465] : memref<2x16x128xi32, #tpu.memory_space<vmem>> -> memref<1x1x128xi32, #tpu.memory_space<vmem>>
      %dma_start3A_467 = tpu.memref_squeeze %dma_start3A_466 : memref<1x1x128xi32, #tpu.memory_space<vmem>> -> memref<128xi32, #tpu.memory_space<vmem>>
      %dma_start3A_468 = arith.constant 0 : i32
      %dma_start3A_469 = arith.constant 0 : i32
      %dma_start3A_470 = tpu.memref_slice %arg2[%dma_start3A_468, %dma_start3A_469] : memref<10000x128xf32, #tpu.memory_space<hbm>> -> memref<10000x128xf32, #tpu.memory_space<hbm>>
      %dma_start3A_471 = tpu.memref_slice %arg11[%dma_start3A_460] : memref<2x!tpu.dma_semaphore, #tpu.memory_space<semaphore_mem>> -> memref<1x!tpu.dma_semaphore, #tpu.memory_space<semaphore_mem>>
      %dma_start3A_472 = tpu.memref_squeeze %dma_start3A_471 : memref<1x!tpu.dma_semaphore, #tpu.memory_space<semaphore_mem>> -> memref<!tpu.dma_semaphore, #tpu.memory_space<semaphore_mem>>
      tpu.enqueue_indirect_dma source(%dma_start3A_470 : memref<10000x128xf32, #tpu.memory_space<hbm>>) target(%dma_start3A_464 : memref<128x128xf32, #tpu.memory_space<vmem>>) offsets(%dma_start3A_467 : memref<128xi32, #tpu.memory_space<vmem>>) semaphore(%dma_start3A_472 : memref<!tpu.dma_semaphore, #tpu.memory_space<semaphore_mem>>)
      %dma_wait3A_473 = arith.constant 7 : i32
      %dma_wait3A_474 = arith.constant 1 : i32
      %dma_wait3A_475 = arith.constant 1 : i32
      %dma_wait3A_476 = arith.constant 0 : i32
      %dma_wait3A_477 = arith.constant 0 : i32
      %dma_wait3A_478 = tpu.memref_slice %arg9[%dma_wait3A_474, %dma_wait3A_476, %dma_wait3A_477] : memref<2x128x128xf32, #tpu.memory_space<vmem>> -> memref<1x128x128xf32, #tpu.memory_space<vmem>>
      %dma_wait3A_479 = tpu.memref_squeeze %dma_wait3A_478 : memref<1x128x128xf32, #tpu.memory_space<vmem>> -> memref<128x128xf32, #tpu.memory_space<vmem>>
      %dma_wait3A_480 = arith.constant 0 : i32
      %dma_wait3A_481 = tpu.memref_slice %arg7[%rem3A_30, %dma_wait3A_473, %dma_wait3A_480] : memref<2x16x128xi32, #tpu.memory_space<vmem>> -> memref<1x1x128xi32, #tpu.memory_space<vmem>>
      %dma_wait3A_482 = tpu.memref_squeeze %dma_wait3A_481 : memref<1x1x128xi32, #tpu.memory_space<vmem>> -> memref<128xi32, #tpu.memory_space<vmem>>
      %dma_wait3A_483 = arith.constant 0 : i32
      %dma_wait3A_484 = arith.constant 0 : i32
      %dma_wait3A_485 = tpu.memref_slice %arg2[%dma_wait3A_483, %dma_wait3A_484] : memref<10000x128xf32, #tpu.memory_space<hbm>> -> memref<10000x128xf32, #tpu.memory_space<hbm>>
      %dma_wait3A_486 = tpu.memref_slice %arg11[%dma_wait3A_475] : memref<2x!tpu.dma_semaphore, #tpu.memory_space<semaphore_mem>> -> memref<1x!tpu.dma_semaphore, #tpu.memory_space<semaphore_mem>>
      %dma_wait3A_487 = tpu.memref_squeeze %dma_wait3A_486 : memref<1x!tpu.dma_semaphore, #tpu.memory_space<semaphore_mem>> -> memref<!tpu.dma_semaphore, #tpu.memory_space<semaphore_mem>>
      tpu.wait_indirect_dma semaphore(%dma_wait3A_487 : memref<!tpu.dma_semaphore, #tpu.memory_space<semaphore_mem>>) src(%dma_wait3A_485 : memref<10000x128xf32, #tpu.memory_space<hbm>>) dst(%dma_wait3A_479 : memref<128x128xf32, #tpu.memory_space<vmem>>)
      %dma_start3A_488 = arith.constant 1 : i32
      %dma_start3A_489 = arith.constant 7 : i32
      %dma_start3A_490 = arith.constant 1 : i32
      %dma_start3A_491 = arith.constant 0 : i32
      %dma_start3A_492 = arith.constant 0 : i32
      %dma_start3A_493 = tpu.memref_slice %arg9[%dma_start3A_488, %dma_start3A_491, %dma_start3A_492] : memref<2x128x128xf32, #tpu.memory_space<vmem>> -> memref<1x128x128xf32, #tpu.memory_space<vmem>>
      %dma_start3A_494 = tpu.memref_squeeze %dma_start3A_493 : memref<1x128x128xf32, #tpu.memory_space<vmem>> -> memref<128x128xf32, #tpu.memory_space<vmem>>
      %dma_start3A_495 = arith.constant 0 : i32
      %dma_start3A_496 = tpu.memref_slice %arg8[%rem3A_30, %dma_start3A_489, %dma_start3A_495] : memref<2x16x128xi32, #tpu.memory_space<vmem>> -> memref<1x1x128xi32, #tpu.memory_space<vmem>>
      %dma_start3A_497 = tpu.memref_squeeze %dma_start3A_496 : memref<1x1x128xi32, #tpu.memory_space<vmem>> -> memref<128xi32, #tpu.memory_space<vmem>>
      %dma_start3A_498 = arith.constant 0 : i32
      %dma_start3A_499 = arith.constant 0 : i32
      %dma_start3A_500 = tpu.memref_slice %arg10[%dma_start3A_498, %dma_start3A_499] : memref<10112x128xf32, #tpu.memory_space<vmem_shared>> -> memref<10112x128xf32, #tpu.memory_space<vmem_shared>>
      %dma_start3A_501 = tpu.memref_slice %arg13[%dma_start3A_490] : memref<2x!tpu.dma_semaphore, #tpu.memory_space<semaphore_mem>> -> memref<1x!tpu.dma_semaphore, #tpu.memory_space<semaphore_mem>>
      %dma_start3A_502 = tpu.memref_squeeze %dma_start3A_501 : memref<1x!tpu.dma_semaphore, #tpu.memory_space<semaphore_mem>> -> memref<!tpu.dma_semaphore, #tpu.memory_space<semaphore_mem>>
      tpu.enqueue_indirect_dma source(%dma_start3A_494 : memref<128x128xf32, #tpu.memory_space<vmem>>) target(%dma_start3A_500 : memref<10112x128xf32, #tpu.memory_space<vmem_shared>>) offsets(%dma_start3A_497 : memref<128xi32, #tpu.memory_space<vmem>>) semaphore(%dma_start3A_502 : memref<!tpu.dma_semaphore, #tpu.memory_space<semaphore_mem>>) {add = true}
      %dma_wait3A_503 = arith.constant 1 : i32
      %dma_wait3A_504 = arith.constant 7 : i32
      %dma_wait3A_505 = arith.constant 1 : i32
      %dma_wait3A_506 = arith.constant 0 : i32
      %dma_wait3A_507 = arith.constant 0 : i32
      %dma_wait3A_508 = tpu.memref_slice %arg9[%dma_wait3A_503, %dma_wait3A_506, %dma_wait3A_507] : memref<2x128x128xf32, #tpu.memory_space<vmem>> -> memref<1x128x128xf32, #tpu.memory_space<vmem>>
      %dma_wait3A_509 = tpu.memref_squeeze %dma_wait3A_508 : memref<1x128x128xf32, #tpu.memory_space<vmem>> -> memref<128x128xf32, #tpu.memory_space<vmem>>
      %dma_wait3A_510 = arith.constant 0 : i32
      %dma_wait3A_511 = tpu.memref_slice %arg8[%rem3A_30, %dma_wait3A_504, %dma_wait3A_510] : memref<2x16x128xi32, #tpu.memory_space<vmem>> -> memref<1x1x128xi32, #tpu.memory_space<vmem>>
      %dma_wait3A_512 = tpu.memref_squeeze %dma_wait3A_511 : memref<1x1x128xi32, #tpu.memory_space<vmem>> -> memref<128xi32, #tpu.memory_space<vmem>>
      %dma_wait3A_513 = arith.constant 0 : i32
      %dma_wait3A_514 = arith.constant 0 : i32
      %dma_wait3A_515 = tpu.memref_slice %arg10[%dma_wait3A_513, %dma_wait3A_514] : memref<10112x128xf32, #tpu.memory_space<vmem_shared>> -> memref<10112x128xf32, #tpu.memory_space<vmem_shared>>
      %dma_wait3A_516 = tpu.memref_slice %arg13[%dma_wait3A_505] : memref<2x!tpu.dma_semaphore, #tpu.memory_space<semaphore_mem>> -> memref<1x!tpu.dma_semaphore, #tpu.memory_space<semaphore_mem>>
      %dma_wait3A_517 = tpu.memref_squeeze %dma_wait3A_516 : memref<1x!tpu.dma_semaphore, #tpu.memory_space<semaphore_mem>> -> memref<!tpu.dma_semaphore, #tpu.memory_space<semaphore_mem>>
      tpu.wait_indirect_dma semaphore(%dma_wait3A_517 : memref<!tpu.dma_semaphore, #tpu.memory_space<semaphore_mem>>) src(%dma_wait3A_509 : memref<128x128xf32, #tpu.memory_space<vmem>>) dst(%dma_wait3A_515 : memref<10112x128xf32, #tpu.memory_space<vmem_shared>>)
      %dma_start3A_518 = arith.constant 9 : i32
      %dma_start3A_519 = arith.constant 1 : i32
      %dma_start3A_520 = arith.constant 1 : i32
      %dma_start3A_521 = arith.constant 0 : i32
      %dma_start3A_522 = arith.constant 0 : i32
      %dma_start3A_523 = tpu.memref_slice %arg9[%dma_start3A_519, %dma_start3A_521, %dma_start3A_522] : memref<2x128x128xf32, #tpu.memory_space<vmem>> -> memref<1x128x128xf32, #tpu.memory_space<vmem>>
      %dma_start3A_524 = tpu.memref_squeeze %dma_start3A_523 : memref<1x128x128xf32, #tpu.memory_space<vmem>> -> memref<128x128xf32, #tpu.memory_space<vmem>>
      %dma_start3A_525 = arith.constant 0 : i32
      %dma_start3A_526 = tpu.memref_slice %arg7[%rem3A_30, %dma_start3A_518, %dma_start3A_525] : memref<2x16x128xi32, #tpu.memory_space<vmem>> -> memref<1x1x128xi32, #tpu.memory_space<vmem>>
      %dma_start3A_527 = tpu.memref_squeeze %dma_start3A_526 : memref<1x1x128xi32, #tpu.memory_space<vmem>> -> memref<128xi32, #tpu.memory_space<vmem>>
      %dma_start3A_528 = arith.constant 0 : i32
      %dma_start3A_529 = arith.constant 0 : i32
      %dma_start3A_530 = tpu.memref_slice %arg2[%dma_start3A_528, %dma_start3A_529] : memref<10000x128xf32, #tpu.memory_space<hbm>> -> memref<10000x128xf32, #tpu.memory_space<hbm>>
      %dma_start3A_531 = tpu.memref_slice %arg11[%dma_start3A_520] : memref<2x!tpu.dma_semaphore, #tpu.memory_space<semaphore_mem>> -> memref<1x!tpu.dma_semaphore, #tpu.memory_space<semaphore_mem>>
      %dma_start3A_532 = tpu.memref_squeeze %dma_start3A_531 : memref<1x!tpu.dma_semaphore, #tpu.memory_space<semaphore_mem>> -> memref<!tpu.dma_semaphore, #tpu.memory_space<semaphore_mem>>
      tpu.enqueue_indirect_dma source(%dma_start3A_530 : memref<10000x128xf32, #tpu.memory_space<hbm>>) target(%dma_start3A_524 : memref<128x128xf32, #tpu.memory_space<vmem>>) offsets(%dma_start3A_527 : memref<128xi32, #tpu.memory_space<vmem>>) semaphore(%dma_start3A_532 : memref<!tpu.dma_semaphore, #tpu.memory_space<semaphore_mem>>)
      %dma_wait3A_533 = arith.constant 8 : i32
      %dma_wait3A_534 = arith.constant 0 : i32
      %dma_wait3A_535 = arith.constant 0 : i32
      %dma_wait3A_536 = arith.constant 0 : i32
      %dma_wait3A_537 = arith.constant 0 : i32
      %dma_wait3A_538 = tpu.memref_slice %arg9[%dma_wait3A_534, %dma_wait3A_536, %dma_wait3A_537] : memref<2x128x128xf32, #tpu.memory_space<vmem>> -> memref<1x128x128xf32, #tpu.memory_space<vmem>>
      %dma_wait3A_539 = tpu.memref_squeeze %dma_wait3A_538 : memref<1x128x128xf32, #tpu.memory_space<vmem>> -> memref<128x128xf32, #tpu.memory_space<vmem>>
      %dma_wait3A_540 = arith.constant 0 : i32
      %dma_wait3A_541 = tpu.memref_slice %arg7[%rem3A_30, %dma_wait3A_533, %dma_wait3A_540] : memref<2x16x128xi32, #tpu.memory_space<vmem>> -> memref<1x1x128xi32, #tpu.memory_space<vmem>>
      %dma_wait3A_542 = tpu.memref_squeeze %dma_wait3A_541 : memref<1x1x128xi32, #tpu.memory_space<vmem>> -> memref<128xi32, #tpu.memory_space<vmem>>
      %dma_wait3A_543 = arith.constant 0 : i32
      %dma_wait3A_544 = arith.constant 0 : i32
      %dma_wait3A_545 = tpu.memref_slice %arg2[%dma_wait3A_543, %dma_wait3A_544] : memref<10000x128xf32, #tpu.memory_space<hbm>> -> memref<10000x128xf32, #tpu.memory_space<hbm>>
      %dma_wait3A_546 = tpu.memref_slice %arg11[%dma_wait3A_535] : memref<2x!tpu.dma_semaphore, #tpu.memory_space<semaphore_mem>> -> memref<1x!tpu.dma_semaphore, #tpu.memory_space<semaphore_mem>>
      %dma_wait3A_547 = tpu.memref_squeeze %dma_wait3A_546 : memref<1x!tpu.dma_semaphore, #tpu.memory_space<semaphore_mem>> -> memref<!tpu.dma_semaphore, #tpu.memory_space<semaphore_mem>>
      tpu.wait_indirect_dma semaphore(%dma_wait3A_547 : memref<!tpu.dma_semaphore, #tpu.memory_space<semaphore_mem>>) src(%dma_wait3A_545 : memref<10000x128xf32, #tpu.memory_space<hbm>>) dst(%dma_wait3A_539 : memref<128x128xf32, #tpu.memory_space<vmem>>)
      %dma_start3A_548 = arith.constant 0 : i32
      %dma_start3A_549 = arith.constant 8 : i32
      %dma_start3A_550 = arith.constant 0 : i32
      %dma_start3A_551 = arith.constant 0 : i32
      %dma_start3A_552 = arith.constant 0 : i32
      %dma_start3A_553 = tpu.memref_slice %arg9[%dma_start3A_548, %dma_start3A_551, %dma_start3A_552] : memref<2x128x128xf32, #tpu.memory_space<vmem>> -> memref<1x128x128xf32, #tpu.memory_space<vmem>>
      %dma_start3A_554 = tpu.memref_squeeze %dma_start3A_553 : memref<1x128x128xf32, #tpu.memory_space<vmem>> -> memref<128x128xf32, #tpu.memory_space<vmem>>
      %dma_start3A_555 = arith.constant 0 : i32
      %dma_start3A_556 = tpu.memref_slice %arg8[%rem3A_30, %dma_start3A_549, %dma_start3A_555] : memref<2x16x128xi32, #tpu.memory_space<vmem>> -> memref<1x1x128xi32, #tpu.memory_space<vmem>>
      %dma_start3A_557 = tpu.memref_squeeze %dma_start3A_556 : memref<1x1x128xi32, #tpu.memory_space<vmem>> -> memref<128xi32, #tpu.memory_space<vmem>>
      %dma_start3A_558 = arith.constant 0 : i32
      %dma_start3A_559 = arith.constant 0 : i32
      %dma_start3A_560 = tpu.memref_slice %arg10[%dma_start3A_558, %dma_start3A_559] : memref<10112x128xf32, #tpu.memory_space<vmem_shared>> -> memref<10112x128xf32, #tpu.memory_space<vmem_shared>>
      %dma_start3A_561 = tpu.memref_slice %arg13[%dma_start3A_550] : memref<2x!tpu.dma_semaphore, #tpu.memory_space<semaphore_mem>> -> memref<1x!tpu.dma_semaphore, #tpu.memory_space<semaphore_mem>>
      %dma_start3A_562 = tpu.memref_squeeze %dma_start3A_561 : memref<1x!tpu.dma_semaphore, #tpu.memory_space<semaphore_mem>> -> memref<!tpu.dma_semaphore, #tpu.memory_space<semaphore_mem>>
      tpu.enqueue_indirect_dma source(%dma_start3A_554 : memref<128x128xf32, #tpu.memory_space<vmem>>) target(%dma_start3A_560 : memref<10112x128xf32, #tpu.memory_space<vmem_shared>>) offsets(%dma_start3A_557 : memref<128xi32, #tpu.memory_space<vmem>>) semaphore(%dma_start3A_562 : memref<!tpu.dma_semaphore, #tpu.memory_space<semaphore_mem>>) {add = true}
      %dma_wait3A_563 = arith.constant 0 : i32
      %dma_wait3A_564 = arith.constant 8 : i32
      %dma_wait3A_565 = arith.constant 0 : i32
      %dma_wait3A_566 = arith.constant 0 : i32
      %dma_wait3A_567 = arith.constant 0 : i32
      %dma_wait3A_568 = tpu.memref_slice %arg9[%dma_wait3A_563, %dma_wait3A_566, %dma_wait3A_567] : memref<2x128x128xf32, #tpu.memory_space<vmem>> -> memref<1x128x128xf32, #tpu.memory_space<vmem>>
      %dma_wait3A_569 = tpu.memref_squeeze %dma_wait3A_568 : memref<1x128x128xf32, #tpu.memory_space<vmem>> -> memref<128x128xf32, #tpu.memory_space<vmem>>
      %dma_wait3A_570 = arith.constant 0 : i32
      %dma_wait3A_571 = tpu.memref_slice %arg8[%rem3A_30, %dma_wait3A_564, %dma_wait3A_570] : memref<2x16x128xi32, #tpu.memory_space<vmem>> -> memref<1x1x128xi32, #tpu.memory_space<vmem>>
      %dma_wait3A_572 = tpu.memref_squeeze %dma_wait3A_571 : memref<1x1x128xi32, #tpu.memory_space<vmem>> -> memref<128xi32, #tpu.memory_space<vmem>>
      %dma_wait3A_573 = arith.constant 0 : i32
      %dma_wait3A_574 = arith.constant 0 : i32
      %dma_wait3A_575 = tpu.memref_slice %arg10[%dma_wait3A_573, %dma_wait3A_574] : memref<10112x128xf32, #tpu.memory_space<vmem_shared>> -> memref<10112x128xf32, #tpu.memory_space<vmem_shared>>
      %dma_wait3A_576 = tpu.memref_slice %arg13[%dma_wait3A_565] : memref<2x!tpu.dma_semaphore, #tpu.memory_space<semaphore_mem>> -> memref<1x!tpu.dma_semaphore, #tpu.memory_space<semaphore_mem>>
      %dma_wait3A_577 = tpu.memref_squeeze %dma_wait3A_576 : memref<1x!tpu.dma_semaphore, #tpu.memory_space<semaphore_mem>> -> memref<!tpu.dma_semaphore, #tpu.memory_space<semaphore_mem>>
      tpu.wait_indirect_dma semaphore(%dma_wait3A_577 : memref<!tpu.dma_semaphore, #tpu.memory_space<semaphore_mem>>) src(%dma_wait3A_569 : memref<128x128xf32, #tpu.memory_space<vmem>>) dst(%dma_wait3A_575 : memref<10112x128xf32, #tpu.memory_space<vmem_shared>>)
      %dma_start3A_578 = arith.constant 10 : i32
      %dma_start3A_579 = arith.constant 0 : i32
      %dma_start3A_580 = arith.constant 0 : i32
      %dma_start3A_581 = arith.constant 0 : i32
      %dma_start3A_582 = arith.constant 0 : i32
      %dma_start3A_583 = tpu.memref_slice %arg9[%dma_start3A_579, %dma_start3A_581, %dma_start3A_582] : memref<2x128x128xf32, #tpu.memory_space<vmem>> -> memref<1x128x128xf32, #tpu.memory_space<vmem>>
      %dma_start3A_584 = tpu.memref_squeeze %dma_start3A_583 : memref<1x128x128xf32, #tpu.memory_space<vmem>> -> memref<128x128xf32, #tpu.memory_space<vmem>>
      %dma_start3A_585 = arith.constant 0 : i32
      %dma_start3A_586 = tpu.memref_slice %arg7[%rem3A_30, %dma_start3A_578, %dma_start3A_585] : memref<2x16x128xi32, #tpu.memory_space<vmem>> -> memref<1x1x128xi32, #tpu.memory_space<vmem>>
      %dma_start3A_587 = tpu.memref_squeeze %dma_start3A_586 : memref<1x1x128xi32, #tpu.memory_space<vmem>> -> memref<128xi32, #tpu.memory_space<vmem>>
      %dma_start3A_588 = arith.constant 0 : i32
      %dma_start3A_589 = arith.constant 0 : i32
      %dma_start3A_590 = tpu.memref_slice %arg2[%dma_start3A_588, %dma_start3A_589] : memref<10000x128xf32, #tpu.memory_space<hbm>> -> memref<10000x128xf32, #tpu.memory_space<hbm>>
      %dma_start3A_591 = tpu.memref_slice %arg11[%dma_start3A_580] : memref<2x!tpu.dma_semaphore, #tpu.memory_space<semaphore_mem>> -> memref<1x!tpu.dma_semaphore, #tpu.memory_space<semaphore_mem>>
      %dma_start3A_592 = tpu.memref_squeeze %dma_start3A_591 : memref<1x!tpu.dma_semaphore, #tpu.memory_space<semaphore_mem>> -> memref<!tpu.dma_semaphore, #tpu.memory_space<semaphore_mem>>
      tpu.enqueue_indirect_dma source(%dma_start3A_590 : memref<10000x128xf32, #tpu.memory_space<hbm>>) target(%dma_start3A_584 : memref<128x128xf32, #tpu.memory_space<vmem>>) offsets(%dma_start3A_587 : memref<128xi32, #tpu.memory_space<vmem>>) semaphore(%dma_start3A_592 : memref<!tpu.dma_semaphore, #tpu.memory_space<semaphore_mem>>)
      %dma_wait3A_593 = arith.constant 9 : i32
      %dma_wait3A_594 = arith.constant 1 : i32
      %dma_wait3A_595 = arith.constant 1 : i32
      %dma_wait3A_596 = arith.constant 0 : i32
      %dma_wait3A_597 = arith.constant 0 : i32
      %dma_wait3A_598 = tpu.memref_slice %arg9[%dma_wait3A_594, %dma_wait3A_596, %dma_wait3A_597] : memref<2x128x128xf32, #tpu.memory_space<vmem>> -> memref<1x128x128xf32, #tpu.memory_space<vmem>>
      %dma_wait3A_599 = tpu.memref_squeeze %dma_wait3A_598 : memref<1x128x128xf32, #tpu.memory_space<vmem>> -> memref<128x128xf32, #tpu.memory_space<vmem>>
      %dma_wait3A_600 = arith.constant 0 : i32
      %dma_wait3A_601 = tpu.memref_slice %arg7[%rem3A_30, %dma_wait3A_593, %dma_wait3A_600] : memref<2x16x128xi32, #tpu.memory_space<vmem>> -> memref<1x1x128xi32, #tpu.memory_space<vmem>>
      %dma_wait3A_602 = tpu.memref_squeeze %dma_wait3A_601 : memref<1x1x128xi32, #tpu.memory_space<vmem>> -> memref<128xi32, #tpu.memory_space<vmem>>
      %dma_wait3A_603 = arith.constant 0 : i32
      %dma_wait3A_604 = arith.constant 0 : i32
      %dma_wait3A_605 = tpu.memref_slice %arg2[%dma_wait3A_603, %dma_wait3A_604] : memref<10000x128xf32, #tpu.memory_space<hbm>> -> memref<10000x128xf32, #tpu.memory_space<hbm>>
      %dma_wait3A_606 = tpu.memref_slice %arg11[%dma_wait3A_595] : memref<2x!tpu.dma_semaphore, #tpu.memory_space<semaphore_mem>> -> memref<1x!tpu.dma_semaphore, #tpu.memory_space<semaphore_mem>>
      %dma_wait3A_607 = tpu.memref_squeeze %dma_wait3A_606 : memref<1x!tpu.dma_semaphore, #tpu.memory_space<semaphore_mem>> -> memref<!tpu.dma_semaphore, #tpu.memory_space<semaphore_mem>>
      tpu.wait_indirect_dma semaphore(%dma_wait3A_607 : memref<!tpu.dma_semaphore, #tpu.memory_space<semaphore_mem>>) src(%dma_wait3A_605 : memref<10000x128xf32, #tpu.memory_space<hbm>>) dst(%dma_wait3A_599 : memref<128x128xf32, #tpu.memory_space<vmem>>)
      %dma_start3A_608 = arith.constant 1 : i32
      %dma_start3A_609 = arith.constant 9 : i32
      %dma_start3A_610 = arith.constant 1 : i32
      %dma_start3A_611 = arith.constant 0 : i32
      %dma_start3A_612 = arith.constant 0 : i32
      %dma_start3A_613 = tpu.memref_slice %arg9[%dma_start3A_608, %dma_start3A_611, %dma_start3A_612] : memref<2x128x128xf32, #tpu.memory_space<vmem>> -> memref<1x128x128xf32, #tpu.memory_space<vmem>>
      %dma_start3A_614 = tpu.memref_squeeze %dma_start3A_613 : memref<1x128x128xf32, #tpu.memory_space<vmem>> -> memref<128x128xf32, #tpu.memory_space<vmem>>
      %dma_start3A_615 = arith.constant 0 : i32
      %dma_start3A_616 = tpu.memref_slice %arg8[%rem3A_30, %dma_start3A_609, %dma_start3A_615] : memref<2x16x128xi32, #tpu.memory_space<vmem>> -> memref<1x1x128xi32, #tpu.memory_space<vmem>>
      %dma_start3A_617 = tpu.memref_squeeze %dma_start3A_616 : memref<1x1x128xi32, #tpu.memory_space<vmem>> -> memref<128xi32, #tpu.memory_space<vmem>>
      %dma_start3A_618 = arith.constant 0 : i32
      %dma_start3A_619 = arith.constant 0 : i32
      %dma_start3A_620 = tpu.memref_slice %arg10[%dma_start3A_618, %dma_start3A_619] : memref<10112x128xf32, #tpu.memory_space<vmem_shared>> -> memref<10112x128xf32, #tpu.memory_space<vmem_shared>>
      %dma_start3A_621 = tpu.memref_slice %arg13[%dma_start3A_610] : memref<2x!tpu.dma_semaphore, #tpu.memory_space<semaphore_mem>> -> memref<1x!tpu.dma_semaphore, #tpu.memory_space<semaphore_mem>>
      %dma_start3A_622 = tpu.memref_squeeze %dma_start3A_621 : memref<1x!tpu.dma_semaphore, #tpu.memory_space<semaphore_mem>> -> memref<!tpu.dma_semaphore, #tpu.memory_space<semaphore_mem>>
      tpu.enqueue_indirect_dma source(%dma_start3A_614 : memref<128x128xf32, #tpu.memory_space<vmem>>) target(%dma_start3A_620 : memref<10112x128xf32, #tpu.memory_space<vmem_shared>>) offsets(%dma_start3A_617 : memref<128xi32, #tpu.memory_space<vmem>>) semaphore(%dma_start3A_622 : memref<!tpu.dma_semaphore, #tpu.memory_space<semaphore_mem>>) {add = true}
      %dma_wait3A_623 = arith.constant 1 : i32
      %dma_wait3A_624 = arith.constant 9 : i32
      %dma_wait3A_625 = arith.constant 1 : i32
      %dma_wait3A_626 = arith.constant 0 : i32
      %dma_wait3A_627 = arith.constant 0 : i32
      %dma_wait3A_628 = tpu.memref_slice %arg9[%dma_wait3A_623, %dma_wait3A_626, %dma_wait3A_627] : memref<2x128x128xf32, #tpu.memory_space<vmem>> -> memref<1x128x128xf32, #tpu.memory_space<vmem>>
      %dma_wait3A_629 = tpu.memref_squeeze %dma_wait3A_628 : memref<1x128x128xf32, #tpu.memory_space<vmem>> -> memref<128x128xf32, #tpu.memory_space<vmem>>
      %dma_wait3A_630 = arith.constant 0 : i32
      %dma_wait3A_631 = tpu.memref_slice %arg8[%rem3A_30, %dma_wait3A_624, %dma_wait3A_630] : memref<2x16x128xi32, #tpu.memory_space<vmem>> -> memref<1x1x128xi32, #tpu.memory_space<vmem>>
      %dma_wait3A_632 = tpu.memref_squeeze %dma_wait3A_631 : memref<1x1x128xi32, #tpu.memory_space<vmem>> -> memref<128xi32, #tpu.memory_space<vmem>>
      %dma_wait3A_633 = arith.constant 0 : i32
      %dma_wait3A_634 = arith.constant 0 : i32
      %dma_wait3A_635 = tpu.memref_slice %arg10[%dma_wait3A_633, %dma_wait3A_634] : memref<10112x128xf32, #tpu.memory_space<vmem_shared>> -> memref<10112x128xf32, #tpu.memory_space<vmem_shared>>
      %dma_wait3A_636 = tpu.memref_slice %arg13[%dma_wait3A_625] : memref<2x!tpu.dma_semaphore, #tpu.memory_space<semaphore_mem>> -> memref<1x!tpu.dma_semaphore, #tpu.memory_space<semaphore_mem>>
      %dma_wait3A_637 = tpu.memref_squeeze %dma_wait3A_636 : memref<1x!tpu.dma_semaphore, #tpu.memory_space<semaphore_mem>> -> memref<!tpu.dma_semaphore, #tpu.memory_space<semaphore_mem>>
      tpu.wait_indirect_dma semaphore(%dma_wait3A_637 : memref<!tpu.dma_semaphore, #tpu.memory_space<semaphore_mem>>) src(%dma_wait3A_629 : memref<128x128xf32, #tpu.memory_space<vmem>>) dst(%dma_wait3A_635 : memref<10112x128xf32, #tpu.memory_space<vmem_shared>>)
      %dma_start3A_638 = arith.constant 11 : i32
      %dma_start3A_639 = arith.constant 1 : i32
      %dma_start3A_640 = arith.constant 1 : i32
      %dma_start3A_641 = arith.constant 0 : i32
      %dma_start3A_642 = arith.constant 0 : i32
      %dma_start3A_643 = tpu.memref_slice %arg9[%dma_start3A_639, %dma_start3A_641, %dma_start3A_642] : memref<2x128x128xf32, #tpu.memory_space<vmem>> -> memref<1x128x128xf32, #tpu.memory_space<vmem>>
      %dma_start3A_644 = tpu.memref_squeeze %dma_start3A_643 : memref<1x128x128xf32, #tpu.memory_space<vmem>> -> memref<128x128xf32, #tpu.memory_space<vmem>>
      %dma_start3A_645 = arith.constant 0 : i32
      %dma_start3A_646 = tpu.memref_slice %arg7[%rem3A_30, %dma_start3A_638, %dma_start3A_645] : memref<2x16x128xi32, #tpu.memory_space<vmem>> -> memref<1x1x128xi32, #tpu.memory_space<vmem>>
      %dma_start3A_647 = tpu.memref_squeeze %dma_start3A_646 : memref<1x1x128xi32, #tpu.memory_space<vmem>> -> memref<128xi32, #tpu.memory_space<vmem>>
      %dma_start3A_648 = arith.constant 0 : i32
      %dma_start3A_649 = arith.constant 0 : i32
      %dma_start3A_650 = tpu.memref_slice %arg2[%dma_start3A_648, %dma_start3A_649] : memref<10000x128xf32, #tpu.memory_space<hbm>> -> memref<10000x128xf32, #tpu.memory_space<hbm>>
      %dma_start3A_651 = tpu.memref_slice %arg11[%dma_start3A_640] : memref<2x!tpu.dma_semaphore, #tpu.memory_space<semaphore_mem>> -> memref<1x!tpu.dma_semaphore, #tpu.memory_space<semaphore_mem>>
      %dma_start3A_652 = tpu.memref_squeeze %dma_start3A_651 : memref<1x!tpu.dma_semaphore, #tpu.memory_space<semaphore_mem>> -> memref<!tpu.dma_semaphore, #tpu.memory_space<semaphore_mem>>
      tpu.enqueue_indirect_dma source(%dma_start3A_650 : memref<10000x128xf32, #tpu.memory_space<hbm>>) target(%dma_start3A_644 : memref<128x128xf32, #tpu.memory_space<vmem>>) offsets(%dma_start3A_647 : memref<128xi32, #tpu.memory_space<vmem>>) semaphore(%dma_start3A_652 : memref<!tpu.dma_semaphore, #tpu.memory_space<semaphore_mem>>)
      %dma_wait3A_653 = arith.constant 10 : i32
      %dma_wait3A_654 = arith.constant 0 : i32
      %dma_wait3A_655 = arith.constant 0 : i32
      %dma_wait3A_656 = arith.constant 0 : i32
      %dma_wait3A_657 = arith.constant 0 : i32
      %dma_wait3A_658 = tpu.memref_slice %arg9[%dma_wait3A_654, %dma_wait3A_656, %dma_wait3A_657] : memref<2x128x128xf32, #tpu.memory_space<vmem>> -> memref<1x128x128xf32, #tpu.memory_space<vmem>>
      %dma_wait3A_659 = tpu.memref_squeeze %dma_wait3A_658 : memref<1x128x128xf32, #tpu.memory_space<vmem>> -> memref<128x128xf32, #tpu.memory_space<vmem>>
      %dma_wait3A_660 = arith.constant 0 : i32
      %dma_wait3A_661 = tpu.memref_slice %arg7[%rem3A_30, %dma_wait3A_653, %dma_wait3A_660] : memref<2x16x128xi32, #tpu.memory_space<vmem>> -> memref<1x1x128xi32, #tpu.memory_space<vmem>>
      %dma_wait3A_662 = tpu.memref_squeeze %dma_wait3A_661 : memref<1x1x128xi32, #tpu.memory_space<vmem>> -> memref<128xi32, #tpu.memory_space<vmem>>
      %dma_wait3A_663 = arith.constant 0 : i32
      %dma_wait3A_664 = arith.constant 0 : i32
      %dma_wait3A_665 = tpu.memref_slice %arg2[%dma_wait3A_663, %dma_wait3A_664] : memref<10000x128xf32, #tpu.memory_space<hbm>> -> memref<10000x128xf32, #tpu.memory_space<hbm>>
      %dma_wait3A_666 = tpu.memref_slice %arg11[%dma_wait3A_655] : memref<2x!tpu.dma_semaphore, #tpu.memory_space<semaphore_mem>> -> memref<1x!tpu.dma_semaphore, #tpu.memory_space<semaphore_mem>>
      %dma_wait3A_667 = tpu.memref_squeeze %dma_wait3A_666 : memref<1x!tpu.dma_semaphore, #tpu.memory_space<semaphore_mem>> -> memref<!tpu.dma_semaphore, #tpu.memory_space<semaphore_mem>>
      tpu.wait_indirect_dma semaphore(%dma_wait3A_667 : memref<!tpu.dma_semaphore, #tpu.memory_space<semaphore_mem>>) src(%dma_wait3A_665 : memref<10000x128xf32, #tpu.memory_space<hbm>>) dst(%dma_wait3A_659 : memref<128x128xf32, #tpu.memory_space<vmem>>)
      %dma_start3A_668 = arith.constant 0 : i32
      %dma_start3A_669 = arith.constant 10 : i32
      %dma_start3A_670 = arith.constant 0 : i32
      %dma_start3A_671 = arith.constant 0 : i32
      %dma_start3A_672 = arith.constant 0 : i32
      %dma_start3A_673 = tpu.memref_slice %arg9[%dma_start3A_668, %dma_start3A_671, %dma_start3A_672] : memref<2x128x128xf32, #tpu.memory_space<vmem>> -> memref<1x128x128xf32, #tpu.memory_space<vmem>>
      %dma_start3A_674 = tpu.memref_squeeze %dma_start3A_673 : memref<1x128x128xf32, #tpu.memory_space<vmem>> -> memref<128x128xf32, #tpu.memory_space<vmem>>
      %dma_start3A_675 = arith.constant 0 : i32
      %dma_start3A_676 = tpu.memref_slice %arg8[%rem3A_30, %dma_start3A_669, %dma_start3A_675] : memref<2x16x128xi32, #tpu.memory_space<vmem>> -> memref<1x1x128xi32, #tpu.memory_space<vmem>>
      %dma_start3A_677 = tpu.memref_squeeze %dma_start3A_676 : memref<1x1x128xi32, #tpu.memory_space<vmem>> -> memref<128xi32, #tpu.memory_space<vmem>>
      %dma_start3A_678 = arith.constant 0 : i32
      %dma_start3A_679 = arith.constant 0 : i32
      %dma_start3A_680 = tpu.memref_slice %arg10[%dma_start3A_678, %dma_start3A_679] : memref<10112x128xf32, #tpu.memory_space<vmem_shared>> -> memref<10112x128xf32, #tpu.memory_space<vmem_shared>>
      %dma_start3A_681 = tpu.memref_slice %arg13[%dma_start3A_670] : memref<2x!tpu.dma_semaphore, #tpu.memory_space<semaphore_mem>> -> memref<1x!tpu.dma_semaphore, #tpu.memory_space<semaphore_mem>>
      %dma_start3A_682 = tpu.memref_squeeze %dma_start3A_681 : memref<1x!tpu.dma_semaphore, #tpu.memory_space<semaphore_mem>> -> memref<!tpu.dma_semaphore, #tpu.memory_space<semaphore_mem>>
      tpu.enqueue_indirect_dma source(%dma_start3A_674 : memref<128x128xf32, #tpu.memory_space<vmem>>) target(%dma_start3A_680 : memref<10112x128xf32, #tpu.memory_space<vmem_shared>>) offsets(%dma_start3A_677 : memref<128xi32, #tpu.memory_space<vmem>>) semaphore(%dma_start3A_682 : memref<!tpu.dma_semaphore, #tpu.memory_space<semaphore_mem>>) {add = true}
      %dma_wait3A_683 = arith.constant 0 : i32
      %dma_wait3A_684 = arith.constant 10 : i32
      %dma_wait3A_685 = arith.constant 0 : i32
      %dma_wait3A_686 = arith.constant 0 : i32
      %dma_wait3A_687 = arith.constant 0 : i32
      %dma_wait3A_688 = tpu.memref_slice %arg9[%dma_wait3A_683, %dma_wait3A_686, %dma_wait3A_687] : memref<2x128x128xf32, #tpu.memory_space<vmem>> -> memref<1x128x128xf32, #tpu.memory_space<vmem>>
      %dma_wait3A_689 = tpu.memref_squeeze %dma_wait3A_688 : memref<1x128x128xf32, #tpu.memory_space<vmem>> -> memref<128x128xf32, #tpu.memory_space<vmem>>
      %dma_wait3A_690 = arith.constant 0 : i32
      %dma_wait3A_691 = tpu.memref_slice %arg8[%rem3A_30, %dma_wait3A_684, %dma_wait3A_690] : memref<2x16x128xi32, #tpu.memory_space<vmem>> -> memref<1x1x128xi32, #tpu.memory_space<vmem>>
      %dma_wait3A_692 = tpu.memref_squeeze %dma_wait3A_691 : memref<1x1x128xi32, #tpu.memory_space<vmem>> -> memref<128xi32, #tpu.memory_space<vmem>>
      %dma_wait3A_693 = arith.constant 0 : i32
      %dma_wait3A_694 = arith.constant 0 : i32
      %dma_wait3A_695 = tpu.memref_slice %arg10[%dma_wait3A_693, %dma_wait3A_694] : memref<10112x128xf32, #tpu.memory_space<vmem_shared>> -> memref<10112x128xf32, #tpu.memory_space<vmem_shared>>
      %dma_wait3A_696 = tpu.memref_slice %arg13[%dma_wait3A_685] : memref<2x!tpu.dma_semaphore, #tpu.memory_space<semaphore_mem>> -> memref<1x!tpu.dma_semaphore, #tpu.memory_space<semaphore_mem>>
      %dma_wait3A_697 = tpu.memref_squeeze %dma_wait3A_696 : memref<1x!tpu.dma_semaphore, #tpu.memory_space<semaphore_mem>> -> memref<!tpu.dma_semaphore, #tpu.memory_space<semaphore_mem>>
      tpu.wait_indirect_dma semaphore(%dma_wait3A_697 : memref<!tpu.dma_semaphore, #tpu.memory_space<semaphore_mem>>) src(%dma_wait3A_689 : memref<128x128xf32, #tpu.memory_space<vmem>>) dst(%dma_wait3A_695 : memref<10112x128xf32, #tpu.memory_space<vmem_shared>>)
      %dma_start3A_698 = arith.constant 12 : i32
      %dma_start3A_699 = arith.constant 0 : i32
      %dma_start3A_700 = arith.constant 0 : i32
      %dma_start3A_701 = arith.constant 0 : i32
      %dma_start3A_702 = arith.constant 0 : i32
      %dma_start3A_703 = tpu.memref_slice %arg9[%dma_start3A_699, %dma_start3A_701, %dma_start3A_702] : memref<2x128x128xf32, #tpu.memory_space<vmem>> -> memref<1x128x128xf32, #tpu.memory_space<vmem>>
      %dma_start3A_704 = tpu.memref_squeeze %dma_start3A_703 : memref<1x128x128xf32, #tpu.memory_space<vmem>> -> memref<128x128xf32, #tpu.memory_space<vmem>>
      %dma_start3A_705 = arith.constant 0 : i32
      %dma_start3A_706 = tpu.memref_slice %arg7[%rem3A_30, %dma_start3A_698, %dma_start3A_705] : memref<2x16x128xi32, #tpu.memory_space<vmem>> -> memref<1x1x128xi32, #tpu.memory_space<vmem>>
      %dma_start3A_707 = tpu.memref_squeeze %dma_start3A_706 : memref<1x1x128xi32, #tpu.memory_space<vmem>> -> memref<128xi32, #tpu.memory_space<vmem>>
      %dma_start3A_708 = arith.constant 0 : i32
      %dma_start3A_709 = arith.constant 0 : i32
      %dma_start3A_710 = tpu.memref_slice %arg2[%dma_start3A_708, %dma_start3A_709] : memref<10000x128xf32, #tpu.memory_space<hbm>> -> memref<10000x128xf32, #tpu.memory_space<hbm>>
      %dma_start3A_711 = tpu.memref_slice %arg11[%dma_start3A_700] : memref<2x!tpu.dma_semaphore, #tpu.memory_space<semaphore_mem>> -> memref<1x!tpu.dma_semaphore, #tpu.memory_space<semaphore_mem>>
      %dma_start3A_712 = tpu.memref_squeeze %dma_start3A_711 : memref<1x!tpu.dma_semaphore, #tpu.memory_space<semaphore_mem>> -> memref<!tpu.dma_semaphore, #tpu.memory_space<semaphore_mem>>
      tpu.enqueue_indirect_dma source(%dma_start3A_710 : memref<10000x128xf32, #tpu.memory_space<hbm>>) target(%dma_start3A_704 : memref<128x128xf32, #tpu.memory_space<vmem>>) offsets(%dma_start3A_707 : memref<128xi32, #tpu.memory_space<vmem>>) semaphore(%dma_start3A_712 : memref<!tpu.dma_semaphore, #tpu.memory_space<semaphore_mem>>)
      %dma_wait3A_713 = arith.constant 11 : i32
      %dma_wait3A_714 = arith.constant 1 : i32
      %dma_wait3A_715 = arith.constant 1 : i32
      %dma_wait3A_716 = arith.constant 0 : i32
      %dma_wait3A_717 = arith.constant 0 : i32
      %dma_wait3A_718 = tpu.memref_slice %arg9[%dma_wait3A_714, %dma_wait3A_716, %dma_wait3A_717] : memref<2x128x128xf32, #tpu.memory_space<vmem>> -> memref<1x128x128xf32, #tpu.memory_space<vmem>>
      %dma_wait3A_719 = tpu.memref_squeeze %dma_wait3A_718 : memref<1x128x128xf32, #tpu.memory_space<vmem>> -> memref<128x128xf32, #tpu.memory_space<vmem>>
      %dma_wait3A_720 = arith.constant 0 : i32
      %dma_wait3A_721 = tpu.memref_slice %arg7[%rem3A_30, %dma_wait3A_713, %dma_wait3A_720] : memref<2x16x128xi32, #tpu.memory_space<vmem>> -> memref<1x1x128xi32, #tpu.memory_space<vmem>>
      %dma_wait3A_722 = tpu.memref_squeeze %dma_wait3A_721 : memref<1x1x128xi32, #tpu.memory_space<vmem>> -> memref<128xi32, #tpu.memory_space<vmem>>
      %dma_wait3A_723 = arith.constant 0 : i32
      %dma_wait3A_724 = arith.constant 0 : i32
      %dma_wait3A_725 = tpu.memref_slice %arg2[%dma_wait3A_723, %dma_wait3A_724] : memref<10000x128xf32, #tpu.memory_space<hbm>> -> memref<10000x128xf32, #tpu.memory_space<hbm>>
      %dma_wait3A_726 = tpu.memref_slice %arg11[%dma_wait3A_715] : memref<2x!tpu.dma_semaphore, #tpu.memory_space<semaphore_mem>> -> memref<1x!tpu.dma_semaphore, #tpu.memory_space<semaphore_mem>>
      %dma_wait3A_727 = tpu.memref_squeeze %dma_wait3A_726 : memref<1x!tpu.dma_semaphore, #tpu.memory_space<semaphore_mem>> -> memref<!tpu.dma_semaphore, #tpu.memory_space<semaphore_mem>>
      tpu.wait_indirect_dma semaphore(%dma_wait3A_727 : memref<!tpu.dma_semaphore, #tpu.memory_space<semaphore_mem>>) src(%dma_wait3A_725 : memref<10000x128xf32, #tpu.memory_space<hbm>>) dst(%dma_wait3A_719 : memref<128x128xf32, #tpu.memory_space<vmem>>)
      %dma_start3A_728 = arith.constant 1 : i32
      %dma_start3A_729 = arith.constant 11 : i32
      %dma_start3A_730 = arith.constant 1 : i32
      %dma_start3A_731 = arith.constant 0 : i32
      %dma_start3A_732 = arith.constant 0 : i32
      %dma_start3A_733 = tpu.memref_slice %arg9[%dma_start3A_728, %dma_start3A_731, %dma_start3A_732] : memref<2x128x128xf32, #tpu.memory_space<vmem>> -> memref<1x128x128xf32, #tpu.memory_space<vmem>>
      %dma_start3A_734 = tpu.memref_squeeze %dma_start3A_733 : memref<1x128x128xf32, #tpu.memory_space<vmem>> -> memref<128x128xf32, #tpu.memory_space<vmem>>
      %dma_start3A_735 = arith.constant 0 : i32
      %dma_start3A_736 = tpu.memref_slice %arg8[%rem3A_30, %dma_start3A_729, %dma_start3A_735] : memref<2x16x128xi32, #tpu.memory_space<vmem>> -> memref<1x1x128xi32, #tpu.memory_space<vmem>>
      %dma_start3A_737 = tpu.memref_squeeze %dma_start3A_736 : memref<1x1x128xi32, #tpu.memory_space<vmem>> -> memref<128xi32, #tpu.memory_space<vmem>>
      %dma_start3A_738 = arith.constant 0 : i32
      %dma_start3A_739 = arith.constant 0 : i32
      %dma_start3A_740 = tpu.memref_slice %arg10[%dma_start3A_738, %dma_start3A_739] : memref<10112x128xf32, #tpu.memory_space<vmem_shared>> -> memref<10112x128xf32, #tpu.memory_space<vmem_shared>>
      %dma_start3A_741 = tpu.memref_slice %arg13[%dma_start3A_730] : memref<2x!tpu.dma_semaphore, #tpu.memory_space<semaphore_mem>> -> memref<1x!tpu.dma_semaphore, #tpu.memory_space<semaphore_mem>>
      %dma_start3A_742 = tpu.memref_squeeze %dma_start3A_741 : memref<1x!tpu.dma_semaphore, #tpu.memory_space<semaphore_mem>> -> memref<!tpu.dma_semaphore, #tpu.memory_space<semaphore_mem>>
      tpu.enqueue_indirect_dma source(%dma_start3A_734 : memref<128x128xf32, #tpu.memory_space<vmem>>) target(%dma_start3A_740 : memref<10112x128xf32, #tpu.memory_space<vmem_shared>>) offsets(%dma_start3A_737 : memref<128xi32, #tpu.memory_space<vmem>>) semaphore(%dma_start3A_742 : memref<!tpu.dma_semaphore, #tpu.memory_space<semaphore_mem>>) {add = true}
      %dma_wait3A_743 = arith.constant 1 : i32
      %dma_wait3A_744 = arith.constant 11 : i32
      %dma_wait3A_745 = arith.constant 1 : i32
      %dma_wait3A_746 = arith.constant 0 : i32
      %dma_wait3A_747 = arith.constant 0 : i32
      %dma_wait3A_748 = tpu.memref_slice %arg9[%dma_wait3A_743, %dma_wait3A_746, %dma_wait3A_747] : memref<2x128x128xf32, #tpu.memory_space<vmem>> -> memref<1x128x128xf32, #tpu.memory_space<vmem>>
      %dma_wait3A_749 = tpu.memref_squeeze %dma_wait3A_748 : memref<1x128x128xf32, #tpu.memory_space<vmem>> -> memref<128x128xf32, #tpu.memory_space<vmem>>
      %dma_wait3A_750 = arith.constant 0 : i32
      %dma_wait3A_751 = tpu.memref_slice %arg8[%rem3A_30, %dma_wait3A_744, %dma_wait3A_750] : memref<2x16x128xi32, #tpu.memory_space<vmem>> -> memref<1x1x128xi32, #tpu.memory_space<vmem>>
      %dma_wait3A_752 = tpu.memref_squeeze %dma_wait3A_751 : memref<1x1x128xi32, #tpu.memory_space<vmem>> -> memref<128xi32, #tpu.memory_space<vmem>>
      %dma_wait3A_753 = arith.constant 0 : i32
      %dma_wait3A_754 = arith.constant 0 : i32
      %dma_wait3A_755 = tpu.memref_slice %arg10[%dma_wait3A_753, %dma_wait3A_754] : memref<10112x128xf32, #tpu.memory_space<vmem_shared>> -> memref<10112x128xf32, #tpu.memory_space<vmem_shared>>
      %dma_wait3A_756 = tpu.memref_slice %arg13[%dma_wait3A_745] : memref<2x!tpu.dma_semaphore, #tpu.memory_space<semaphore_mem>> -> memref<1x!tpu.dma_semaphore, #tpu.memory_space<semaphore_mem>>
      %dma_wait3A_757 = tpu.memref_squeeze %dma_wait3A_756 : memref<1x!tpu.dma_semaphore, #tpu.memory_space<semaphore_mem>> -> memref<!tpu.dma_semaphore, #tpu.memory_space<semaphore_mem>>
      tpu.wait_indirect_dma semaphore(%dma_wait3A_757 : memref<!tpu.dma_semaphore, #tpu.memory_space<semaphore_mem>>) src(%dma_wait3A_749 : memref<128x128xf32, #tpu.memory_space<vmem>>) dst(%dma_wait3A_755 : memref<10112x128xf32, #tpu.memory_space<vmem_shared>>)
      %dma_start3A_758 = arith.constant 13 : i32
      %dma_start3A_759 = arith.constant 1 : i32
      %dma_start3A_760 = arith.constant 1 : i32
      %dma_start3A_761 = arith.constant 0 : i32
      %dma_start3A_762 = arith.constant 0 : i32
      %dma_start3A_763 = tpu.memref_slice %arg9[%dma_start3A_759, %dma_start3A_761, %dma_start3A_762] : memref<2x128x128xf32, #tpu.memory_space<vmem>> -> memref<1x128x128xf32, #tpu.memory_space<vmem>>
      %dma_start3A_764 = tpu.memref_squeeze %dma_start3A_763 : memref<1x128x128xf32, #tpu.memory_space<vmem>> -> memref<128x128xf32, #tpu.memory_space<vmem>>
      %dma_start3A_765 = arith.constant 0 : i32
      %dma_start3A_766 = tpu.memref_slice %arg7[%rem3A_30, %dma_start3A_758, %dma_start3A_765] : memref<2x16x128xi32, #tpu.memory_space<vmem>> -> memref<1x1x128xi32, #tpu.memory_space<vmem>>
      %dma_start3A_767 = tpu.memref_squeeze %dma_start3A_766 : memref<1x1x128xi32, #tpu.memory_space<vmem>> -> memref<128xi32, #tpu.memory_space<vmem>>
      %dma_start3A_768 = arith.constant 0 : i32
      %dma_start3A_769 = arith.constant 0 : i32
      %dma_start3A_770 = tpu.memref_slice %arg2[%dma_start3A_768, %dma_start3A_769] : memref<10000x128xf32, #tpu.memory_space<hbm>> -> memref<10000x128xf32, #tpu.memory_space<hbm>>
      %dma_start3A_771 = tpu.memref_slice %arg11[%dma_start3A_760] : memref<2x!tpu.dma_semaphore, #tpu.memory_space<semaphore_mem>> -> memref<1x!tpu.dma_semaphore, #tpu.memory_space<semaphore_mem>>
      %dma_start3A_772 = tpu.memref_squeeze %dma_start3A_771 : memref<1x!tpu.dma_semaphore, #tpu.memory_space<semaphore_mem>> -> memref<!tpu.dma_semaphore, #tpu.memory_space<semaphore_mem>>
      tpu.enqueue_indirect_dma source(%dma_start3A_770 : memref<10000x128xf32, #tpu.memory_space<hbm>>) target(%dma_start3A_764 : memref<128x128xf32, #tpu.memory_space<vmem>>) offsets(%dma_start3A_767 : memref<128xi32, #tpu.memory_space<vmem>>) semaphore(%dma_start3A_772 : memref<!tpu.dma_semaphore, #tpu.memory_space<semaphore_mem>>)
      %dma_wait3A_773 = arith.constant 12 : i32
      %dma_wait3A_774 = arith.constant 0 : i32
      %dma_wait3A_775 = arith.constant 0 : i32
      %dma_wait3A_776 = arith.constant 0 : i32
      %dma_wait3A_777 = arith.constant 0 : i32
      %dma_wait3A_778 = tpu.memref_slice %arg9[%dma_wait3A_774, %dma_wait3A_776, %dma_wait3A_777] : memref<2x128x128xf32, #tpu.memory_space<vmem>> -> memref<1x128x128xf32, #tpu.memory_space<vmem>>
      %dma_wait3A_779 = tpu.memref_squeeze %dma_wait3A_778 : memref<1x128x128xf32, #tpu.memory_space<vmem>> -> memref<128x128xf32, #tpu.memory_space<vmem>>
      %dma_wait3A_780 = arith.constant 0 : i32
      %dma_wait3A_781 = tpu.memref_slice %arg7[%rem3A_30, %dma_wait3A_773, %dma_wait3A_780] : memref<2x16x128xi32, #tpu.memory_space<vmem>> -> memref<1x1x128xi32, #tpu.memory_space<vmem>>
      %dma_wait3A_782 = tpu.memref_squeeze %dma_wait3A_781 : memref<1x1x128xi32, #tpu.memory_space<vmem>> -> memref<128xi32, #tpu.memory_space<vmem>>
      %dma_wait3A_783 = arith.constant 0 : i32
      %dma_wait3A_784 = arith.constant 0 : i32
      %dma_wait3A_785 = tpu.memref_slice %arg2[%dma_wait3A_783, %dma_wait3A_784] : memref<10000x128xf32, #tpu.memory_space<hbm>> -> memref<10000x128xf32, #tpu.memory_space<hbm>>
      %dma_wait3A_786 = tpu.memref_slice %arg11[%dma_wait3A_775] : memref<2x!tpu.dma_semaphore, #tpu.memory_space<semaphore_mem>> -> memref<1x!tpu.dma_semaphore, #tpu.memory_space<semaphore_mem>>
      %dma_wait3A_787 = tpu.memref_squeeze %dma_wait3A_786 : memref<1x!tpu.dma_semaphore, #tpu.memory_space<semaphore_mem>> -> memref<!tpu.dma_semaphore, #tpu.memory_space<semaphore_mem>>
      tpu.wait_indirect_dma semaphore(%dma_wait3A_787 : memref<!tpu.dma_semaphore, #tpu.memory_space<semaphore_mem>>) src(%dma_wait3A_785 : memref<10000x128xf32, #tpu.memory_space<hbm>>) dst(%dma_wait3A_779 : memref<128x128xf32, #tpu.memory_space<vmem>>)
      %dma_start3A_788 = arith.constant 0 : i32
      %dma_start3A_789 = arith.constant 12 : i32
      %dma_start3A_790 = arith.constant 0 : i32
      %dma_start3A_791 = arith.constant 0 : i32
      %dma_start3A_792 = arith.constant 0 : i32
      %dma_start3A_793 = tpu.memref_slice %arg9[%dma_start3A_788, %dma_start3A_791, %dma_start3A_792] : memref<2x128x128xf32, #tpu.memory_space<vmem>> -> memref<1x128x128xf32, #tpu.memory_space<vmem>>
      %dma_start3A_794 = tpu.memref_squeeze %dma_start3A_793 : memref<1x128x128xf32, #tpu.memory_space<vmem>> -> memref<128x128xf32, #tpu.memory_space<vmem>>
      %dma_start3A_795 = arith.constant 0 : i32
      %dma_start3A_796 = tpu.memref_slice %arg8[%rem3A_30, %dma_start3A_789, %dma_start3A_795] : memref<2x16x128xi32, #tpu.memory_space<vmem>> -> memref<1x1x128xi32, #tpu.memory_space<vmem>>
      %dma_start3A_797 = tpu.memref_squeeze %dma_start3A_796 : memref<1x1x128xi32, #tpu.memory_space<vmem>> -> memref<128xi32, #tpu.memory_space<vmem>>
      %dma_start3A_798 = arith.constant 0 : i32
      %dma_start3A_799 = arith.constant 0 : i32
      %dma_start3A_800 = tpu.memref_slice %arg10[%dma_start3A_798, %dma_start3A_799] : memref<10112x128xf32, #tpu.memory_space<vmem_shared>> -> memref<10112x128xf32, #tpu.memory_space<vmem_shared>>
      %dma_start3A_801 = tpu.memref_slice %arg13[%dma_start3A_790] : memref<2x!tpu.dma_semaphore, #tpu.memory_space<semaphore_mem>> -> memref<1x!tpu.dma_semaphore, #tpu.memory_space<semaphore_mem>>
      %dma_start3A_802 = tpu.memref_squeeze %dma_start3A_801 : memref<1x!tpu.dma_semaphore, #tpu.memory_space<semaphore_mem>> -> memref<!tpu.dma_semaphore, #tpu.memory_space<semaphore_mem>>
      tpu.enqueue_indirect_dma source(%dma_start3A_794 : memref<128x128xf32, #tpu.memory_space<vmem>>) target(%dma_start3A_800 : memref<10112x128xf32, #tpu.memory_space<vmem_shared>>) offsets(%dma_start3A_797 : memref<128xi32, #tpu.memory_space<vmem>>) semaphore(%dma_start3A_802 : memref<!tpu.dma_semaphore, #tpu.memory_space<semaphore_mem>>) {add = true}
      %dma_wait3A_803 = arith.constant 0 : i32
      %dma_wait3A_804 = arith.constant 12 : i32
      %dma_wait3A_805 = arith.constant 0 : i32
      %dma_wait3A_806 = arith.constant 0 : i32
      %dma_wait3A_807 = arith.constant 0 : i32
      %dma_wait3A_808 = tpu.memref_slice %arg9[%dma_wait3A_803, %dma_wait3A_806, %dma_wait3A_807] : memref<2x128x128xf32, #tpu.memory_space<vmem>> -> memref<1x128x128xf32, #tpu.memory_space<vmem>>
      %dma_wait3A_809 = tpu.memref_squeeze %dma_wait3A_808 : memref<1x128x128xf32, #tpu.memory_space<vmem>> -> memref<128x128xf32, #tpu.memory_space<vmem>>
      %dma_wait3A_810 = arith.constant 0 : i32
      %dma_wait3A_811 = tpu.memref_slice %arg8[%rem3A_30, %dma_wait3A_804, %dma_wait3A_810] : memref<2x16x128xi32, #tpu.memory_space<vmem>> -> memref<1x1x128xi32, #tpu.memory_space<vmem>>
      %dma_wait3A_812 = tpu.memref_squeeze %dma_wait3A_811 : memref<1x1x128xi32, #tpu.memory_space<vmem>> -> memref<128xi32, #tpu.memory_space<vmem>>
      %dma_wait3A_813 = arith.constant 0 : i32
      %dma_wait3A_814 = arith.constant 0 : i32
      %dma_wait3A_815 = tpu.memref_slice %arg10[%dma_wait3A_813, %dma_wait3A_814] : memref<10112x128xf32, #tpu.memory_space<vmem_shared>> -> memref<10112x128xf32, #tpu.memory_space<vmem_shared>>
      %dma_wait3A_816 = tpu.memref_slice %arg13[%dma_wait3A_805] : memref<2x!tpu.dma_semaphore, #tpu.memory_space<semaphore_mem>> -> memref<1x!tpu.dma_semaphore, #tpu.memory_space<semaphore_mem>>
      %dma_wait3A_817 = tpu.memref_squeeze %dma_wait3A_816 : memref<1x!tpu.dma_semaphore, #tpu.memory_space<semaphore_mem>> -> memref<!tpu.dma_semaphore, #tpu.memory_space<semaphore_mem>>
      tpu.wait_indirect_dma semaphore(%dma_wait3A_817 : memref<!tpu.dma_semaphore, #tpu.memory_space<semaphore_mem>>) src(%dma_wait3A_809 : memref<128x128xf32, #tpu.memory_space<vmem>>) dst(%dma_wait3A_815 : memref<10112x128xf32, #tpu.memory_space<vmem_shared>>)
      %dma_start3A_818 = arith.constant 14 : i32
      %dma_start3A_819 = arith.constant 0 : i32
      %dma_start3A_820 = arith.constant 0 : i32
      %dma_start3A_821 = arith.constant 0 : i32
      %dma_start3A_822 = arith.constant 0 : i32
      %dma_start3A_823 = tpu.memref_slice %arg9[%dma_start3A_819, %dma_start3A_821, %dma_start3A_822] : memref<2x128x128xf32, #tpu.memory_space<vmem>> -> memref<1x128x128xf32, #tpu.memory_space<vmem>>
      %dma_start3A_824 = tpu.memref_squeeze %dma_start3A_823 : memref<1x128x128xf32, #tpu.memory_space<vmem>> -> memref<128x128xf32, #tpu.memory_space<vmem>>
      %dma_start3A_825 = arith.constant 0 : i32
      %dma_start3A_826 = tpu.memref_slice %arg7[%rem3A_30, %dma_start3A_818, %dma_start3A_825] : memref<2x16x128xi32, #tpu.memory_space<vmem>> -> memref<1x1x128xi32, #tpu.memory_space<vmem>>
      %dma_start3A_827 = tpu.memref_squeeze %dma_start3A_826 : memref<1x1x128xi32, #tpu.memory_space<vmem>> -> memref<128xi32, #tpu.memory_space<vmem>>
      %dma_start3A_828 = arith.constant 0 : i32
      %dma_start3A_829 = arith.constant 0 : i32
      %dma_start3A_830 = tpu.memref_slice %arg2[%dma_start3A_828, %dma_start3A_829] : memref<10000x128xf32, #tpu.memory_space<hbm>> -> memref<10000x128xf32, #tpu.memory_space<hbm>>
      %dma_start3A_831 = tpu.memref_slice %arg11[%dma_start3A_820] : memref<2x!tpu.dma_semaphore, #tpu.memory_space<semaphore_mem>> -> memref<1x!tpu.dma_semaphore, #tpu.memory_space<semaphore_mem>>
      %dma_start3A_832 = tpu.memref_squeeze %dma_start3A_831 : memref<1x!tpu.dma_semaphore, #tpu.memory_space<semaphore_mem>> -> memref<!tpu.dma_semaphore, #tpu.memory_space<semaphore_mem>>
      tpu.enqueue_indirect_dma source(%dma_start3A_830 : memref<10000x128xf32, #tpu.memory_space<hbm>>) target(%dma_start3A_824 : memref<128x128xf32, #tpu.memory_space<vmem>>) offsets(%dma_start3A_827 : memref<128xi32, #tpu.memory_space<vmem>>) semaphore(%dma_start3A_832 : memref<!tpu.dma_semaphore, #tpu.memory_space<semaphore_mem>>)
      %dma_wait3A_833 = arith.constant 13 : i32
      %dma_wait3A_834 = arith.constant 1 : i32
      %dma_wait3A_835 = arith.constant 1 : i32
      %dma_wait3A_836 = arith.constant 0 : i32
      %dma_wait3A_837 = arith.constant 0 : i32
      %dma_wait3A_838 = tpu.memref_slice %arg9[%dma_wait3A_834, %dma_wait3A_836, %dma_wait3A_837] : memref<2x128x128xf32, #tpu.memory_space<vmem>> -> memref<1x128x128xf32, #tpu.memory_space<vmem>>
      %dma_wait3A_839 = tpu.memref_squeeze %dma_wait3A_838 : memref<1x128x128xf32, #tpu.memory_space<vmem>> -> memref<128x128xf32, #tpu.memory_space<vmem>>
      %dma_wait3A_840 = arith.constant 0 : i32
      %dma_wait3A_841 = tpu.memref_slice %arg7[%rem3A_30, %dma_wait3A_833, %dma_wait3A_840] : memref<2x16x128xi32, #tpu.memory_space<vmem>> -> memref<1x1x128xi32, #tpu.memory_space<vmem>>
      %dma_wait3A_842 = tpu.memref_squeeze %dma_wait3A_841 : memref<1x1x128xi32, #tpu.memory_space<vmem>> -> memref<128xi32, #tpu.memory_space<vmem>>
      %dma_wait3A_843 = arith.constant 0 : i32
      %dma_wait3A_844 = arith.constant 0 : i32
      %dma_wait3A_845 = tpu.memref_slice %arg2[%dma_wait3A_843, %dma_wait3A_844] : memref<10000x128xf32, #tpu.memory_space<hbm>> -> memref<10000x128xf32, #tpu.memory_space<hbm>>
      %dma_wait3A_846 = tpu.memref_slice %arg11[%dma_wait3A_835] : memref<2x!tpu.dma_semaphore, #tpu.memory_space<semaphore_mem>> -> memref<1x!tpu.dma_semaphore, #tpu.memory_space<semaphore_mem>>
      %dma_wait3A_847 = tpu.memref_squeeze %dma_wait3A_846 : memref<1x!tpu.dma_semaphore, #tpu.memory_space<semaphore_mem>> -> memref<!tpu.dma_semaphore, #tpu.memory_space<semaphore_mem>>
      tpu.wait_indirect_dma semaphore(%dma_wait3A_847 : memref<!tpu.dma_semaphore, #tpu.memory_space<semaphore_mem>>) src(%dma_wait3A_845 : memref<10000x128xf32, #tpu.memory_space<hbm>>) dst(%dma_wait3A_839 : memref<128x128xf32, #tpu.memory_space<vmem>>)
      %dma_start3A_848 = arith.constant 1 : i32
      %dma_start3A_849 = arith.constant 13 : i32
      %dma_start3A_850 = arith.constant 1 : i32
      %dma_start3A_851 = arith.constant 0 : i32
      %dma_start3A_852 = arith.constant 0 : i32
      %dma_start3A_853 = tpu.memref_slice %arg9[%dma_start3A_848, %dma_start3A_851, %dma_start3A_852] : memref<2x128x128xf32, #tpu.memory_space<vmem>> -> memref<1x128x128xf32, #tpu.memory_space<vmem>>
      %dma_start3A_854 = tpu.memref_squeeze %dma_start3A_853 : memref<1x128x128xf32, #tpu.memory_space<vmem>> -> memref<128x128xf32, #tpu.memory_space<vmem>>
      %dma_start3A_855 = arith.constant 0 : i32
      %dma_start3A_856 = tpu.memref_slice %arg8[%rem3A_30, %dma_start3A_849, %dma_start3A_855] : memref<2x16x128xi32, #tpu.memory_space<vmem>> -> memref<1x1x128xi32, #tpu.memory_space<vmem>>
      %dma_start3A_857 = tpu.memref_squeeze %dma_start3A_856 : memref<1x1x128xi32, #tpu.memory_space<vmem>> -> memref<128xi32, #tpu.memory_space<vmem>>
      %dma_start3A_858 = arith.constant 0 : i32
      %dma_start3A_859 = arith.constant 0 : i32
      %dma_start3A_860 = tpu.memref_slice %arg10[%dma_start3A_858, %dma_start3A_859] : memref<10112x128xf32, #tpu.memory_space<vmem_shared>> -> memref<10112x128xf32, #tpu.memory_space<vmem_shared>>
      %dma_start3A_861 = tpu.memref_slice %arg13[%dma_start3A_850] : memref<2x!tpu.dma_semaphore, #tpu.memory_space<semaphore_mem>> -> memref<1x!tpu.dma_semaphore, #tpu.memory_space<semaphore_mem>>
      %dma_start3A_862 = tpu.memref_squeeze %dma_start3A_861 : memref<1x!tpu.dma_semaphore, #tpu.memory_space<semaphore_mem>> -> memref<!tpu.dma_semaphore, #tpu.memory_space<semaphore_mem>>
      tpu.enqueue_indirect_dma source(%dma_start3A_854 : memref<128x128xf32, #tpu.memory_space<vmem>>) target(%dma_start3A_860 : memref<10112x128xf32, #tpu.memory_space<vmem_shared>>) offsets(%dma_start3A_857 : memref<128xi32, #tpu.memory_space<vmem>>) semaphore(%dma_start3A_862 : memref<!tpu.dma_semaphore, #tpu.memory_space<semaphore_mem>>) {add = true}
      %dma_wait3A_863 = arith.constant 1 : i32
      %dma_wait3A_864 = arith.constant 13 : i32
      %dma_wait3A_865 = arith.constant 1 : i32
      %dma_wait3A_866 = arith.constant 0 : i32
      %dma_wait3A_867 = arith.constant 0 : i32
      %dma_wait3A_868 = tpu.memref_slice %arg9[%dma_wait3A_863, %dma_wait3A_866, %dma_wait3A_867] : memref<2x128x128xf32, #tpu.memory_space<vmem>> -> memref<1x128x128xf32, #tpu.memory_space<vmem>>
      %dma_wait3A_869 = tpu.memref_squeeze %dma_wait3A_868 : memref<1x128x128xf32, #tpu.memory_space<vmem>> -> memref<128x128xf32, #tpu.memory_space<vmem>>
      %dma_wait3A_870 = arith.constant 0 : i32
      %dma_wait3A_871 = tpu.memref_slice %arg8[%rem3A_30, %dma_wait3A_864, %dma_wait3A_870] : memref<2x16x128xi32, #tpu.memory_space<vmem>> -> memref<1x1x128xi32, #tpu.memory_space<vmem>>
      %dma_wait3A_872 = tpu.memref_squeeze %dma_wait3A_871 : memref<1x1x128xi32, #tpu.memory_space<vmem>> -> memref<128xi32, #tpu.memory_space<vmem>>
      %dma_wait3A_873 = arith.constant 0 : i32
      %dma_wait3A_874 = arith.constant 0 : i32
      %dma_wait3A_875 = tpu.memref_slice %arg10[%dma_wait3A_873, %dma_wait3A_874] : memref<10112x128xf32, #tpu.memory_space<vmem_shared>> -> memref<10112x128xf32, #tpu.memory_space<vmem_shared>>
      %dma_wait3A_876 = tpu.memref_slice %arg13[%dma_wait3A_865] : memref<2x!tpu.dma_semaphore, #tpu.memory_space<semaphore_mem>> -> memref<1x!tpu.dma_semaphore, #tpu.memory_space<semaphore_mem>>
      %dma_wait3A_877 = tpu.memref_squeeze %dma_wait3A_876 : memref<1x!tpu.dma_semaphore, #tpu.memory_space<semaphore_mem>> -> memref<!tpu.dma_semaphore, #tpu.memory_space<semaphore_mem>>
      tpu.wait_indirect_dma semaphore(%dma_wait3A_877 : memref<!tpu.dma_semaphore, #tpu.memory_space<semaphore_mem>>) src(%dma_wait3A_869 : memref<128x128xf32, #tpu.memory_space<vmem>>) dst(%dma_wait3A_875 : memref<10112x128xf32, #tpu.memory_space<vmem_shared>>)
      %dma_start3A_878 = arith.constant 15 : i32
      %dma_start3A_879 = arith.constant 1 : i32
      %dma_start3A_880 = arith.constant 1 : i32
      %dma_start3A_881 = arith.constant 0 : i32
      %dma_start3A_882 = arith.constant 0 : i32
      %dma_start3A_883 = tpu.memref_slice %arg9[%dma_start3A_879, %dma_start3A_881, %dma_start3A_882] : memref<2x128x128xf32, #tpu.memory_space<vmem>> -> memref<1x128x128xf32, #tpu.memory_space<vmem>>
      %dma_start3A_884 = tpu.memref_squeeze %dma_start3A_883 : memref<1x128x128xf32, #tpu.memory_space<vmem>> -> memref<128x128xf32, #tpu.memory_space<vmem>>
      %dma_start3A_885 = arith.constant 0 : i32
      %dma_start3A_886 = tpu.memref_slice %arg7[%rem3A_30, %dma_start3A_878, %dma_start3A_885] : memref<2x16x128xi32, #tpu.memory_space<vmem>> -> memref<1x1x128xi32, #tpu.memory_space<vmem>>
      %dma_start3A_887 = tpu.memref_squeeze %dma_start3A_886 : memref<1x1x128xi32, #tpu.memory_space<vmem>> -> memref<128xi32, #tpu.memory_space<vmem>>
      %dma_start3A_888 = arith.constant 0 : i32
      %dma_start3A_889 = arith.constant 0 : i32
      %dma_start3A_890 = tpu.memref_slice %arg2[%dma_start3A_888, %dma_start3A_889] : memref<10000x128xf32, #tpu.memory_space<hbm>> -> memref<10000x128xf32, #tpu.memory_space<hbm>>
      %dma_start3A_891 = tpu.memref_slice %arg11[%dma_start3A_880] : memref<2x!tpu.dma_semaphore, #tpu.memory_space<semaphore_mem>> -> memref<1x!tpu.dma_semaphore, #tpu.memory_space<semaphore_mem>>
      %dma_start3A_892 = tpu.memref_squeeze %dma_start3A_891 : memref<1x!tpu.dma_semaphore, #tpu.memory_space<semaphore_mem>> -> memref<!tpu.dma_semaphore, #tpu.memory_space<semaphore_mem>>
      tpu.enqueue_indirect_dma source(%dma_start3A_890 : memref<10000x128xf32, #tpu.memory_space<hbm>>) target(%dma_start3A_884 : memref<128x128xf32, #tpu.memory_space<vmem>>) offsets(%dma_start3A_887 : memref<128xi32, #tpu.memory_space<vmem>>) semaphore(%dma_start3A_892 : memref<!tpu.dma_semaphore, #tpu.memory_space<semaphore_mem>>)
      %dma_wait3A_893 = arith.constant 14 : i32
      %dma_wait3A_894 = arith.constant 0 : i32
      %dma_wait3A_895 = arith.constant 0 : i32
      %dma_wait3A_896 = arith.constant 0 : i32
      %dma_wait3A_897 = arith.constant 0 : i32
      %dma_wait3A_898 = tpu.memref_slice %arg9[%dma_wait3A_894, %dma_wait3A_896, %dma_wait3A_897] : memref<2x128x128xf32, #tpu.memory_space<vmem>> -> memref<1x128x128xf32, #tpu.memory_space<vmem>>
      %dma_wait3A_899 = tpu.memref_squeeze %dma_wait3A_898 : memref<1x128x128xf32, #tpu.memory_space<vmem>> -> memref<128x128xf32, #tpu.memory_space<vmem>>
      %dma_wait3A_900 = arith.constant 0 : i32
      %dma_wait3A_901 = tpu.memref_slice %arg7[%rem3A_30, %dma_wait3A_893, %dma_wait3A_900] : memref<2x16x128xi32, #tpu.memory_space<vmem>> -> memref<1x1x128xi32, #tpu.memory_space<vmem>>
      %dma_wait3A_902 = tpu.memref_squeeze %dma_wait3A_901 : memref<1x1x128xi32, #tpu.memory_space<vmem>> -> memref<128xi32, #tpu.memory_space<vmem>>
      %dma_wait3A_903 = arith.constant 0 : i32
      %dma_wait3A_904 = arith.constant 0 : i32
      %dma_wait3A_905 = tpu.memref_slice %arg2[%dma_wait3A_903, %dma_wait3A_904] : memref<10000x128xf32, #tpu.memory_space<hbm>> -> memref<10000x128xf32, #tpu.memory_space<hbm>>
      %dma_wait3A_906 = tpu.memref_slice %arg11[%dma_wait3A_895] : memref<2x!tpu.dma_semaphore, #tpu.memory_space<semaphore_mem>> -> memref<1x!tpu.dma_semaphore, #tpu.memory_space<semaphore_mem>>
      %dma_wait3A_907 = tpu.memref_squeeze %dma_wait3A_906 : memref<1x!tpu.dma_semaphore, #tpu.memory_space<semaphore_mem>> -> memref<!tpu.dma_semaphore, #tpu.memory_space<semaphore_mem>>
      tpu.wait_indirect_dma semaphore(%dma_wait3A_907 : memref<!tpu.dma_semaphore, #tpu.memory_space<semaphore_mem>>) src(%dma_wait3A_905 : memref<10000x128xf32, #tpu.memory_space<hbm>>) dst(%dma_wait3A_899 : memref<128x128xf32, #tpu.memory_space<vmem>>)
      %dma_start3A_908 = arith.constant 0 : i32
      %dma_start3A_909 = arith.constant 14 : i32
      %dma_start3A_910 = arith.constant 0 : i32
      %dma_start3A_911 = arith.constant 0 : i32
      %dma_start3A_912 = arith.constant 0 : i32
      %dma_start3A_913 = tpu.memref_slice %arg9[%dma_start3A_908, %dma_start3A_911, %dma_start3A_912] : memref<2x128x128xf32, #tpu.memory_space<vmem>> -> memref<1x128x128xf32, #tpu.memory_space<vmem>>
      %dma_start3A_914 = tpu.memref_squeeze %dma_start3A_913 : memref<1x128x128xf32, #tpu.memory_space<vmem>> -> memref<128x128xf32, #tpu.memory_space<vmem>>
      %dma_start3A_915 = arith.constant 0 : i32
      %dma_start3A_916 = tpu.memref_slice %arg8[%rem3A_30, %dma_start3A_909, %dma_start3A_915] : memref<2x16x128xi32, #tpu.memory_space<vmem>> -> memref<1x1x128xi32, #tpu.memory_space<vmem>>
      %dma_start3A_917 = tpu.memref_squeeze %dma_start3A_916 : memref<1x1x128xi32, #tpu.memory_space<vmem>> -> memref<128xi32, #tpu.memory_space<vmem>>
      %dma_start3A_918 = arith.constant 0 : i32
      %dma_start3A_919 = arith.constant 0 : i32
      %dma_start3A_920 = tpu.memref_slice %arg10[%dma_start3A_918, %dma_start3A_919] : memref<10112x128xf32, #tpu.memory_space<vmem_shared>> -> memref<10112x128xf32, #tpu.memory_space<vmem_shared>>
      %dma_start3A_921 = tpu.memref_slice %arg13[%dma_start3A_910] : memref<2x!tpu.dma_semaphore, #tpu.memory_space<semaphore_mem>> -> memref<1x!tpu.dma_semaphore, #tpu.memory_space<semaphore_mem>>
      %dma_start3A_922 = tpu.memref_squeeze %dma_start3A_921 : memref<1x!tpu.dma_semaphore, #tpu.memory_space<semaphore_mem>> -> memref<!tpu.dma_semaphore, #tpu.memory_space<semaphore_mem>>
      tpu.enqueue_indirect_dma source(%dma_start3A_914 : memref<128x128xf32, #tpu.memory_space<vmem>>) target(%dma_start3A_920 : memref<10112x128xf32, #tpu.memory_space<vmem_shared>>) offsets(%dma_start3A_917 : memref<128xi32, #tpu.memory_space<vmem>>) semaphore(%dma_start3A_922 : memref<!tpu.dma_semaphore, #tpu.memory_space<semaphore_mem>>) {add = true}
      %dma_wait3A_923 = arith.constant 0 : i32
      %dma_wait3A_924 = arith.constant 14 : i32
      %dma_wait3A_925 = arith.constant 0 : i32
      %dma_wait3A_926 = arith.constant 0 : i32
      %dma_wait3A_927 = arith.constant 0 : i32
      %dma_wait3A_928 = tpu.memref_slice %arg9[%dma_wait3A_923, %dma_wait3A_926, %dma_wait3A_927] : memref<2x128x128xf32, #tpu.memory_space<vmem>> -> memref<1x128x128xf32, #tpu.memory_space<vmem>>
      %dma_wait3A_929 = tpu.memref_squeeze %dma_wait3A_928 : memref<1x128x128xf32, #tpu.memory_space<vmem>> -> memref<128x128xf32, #tpu.memory_space<vmem>>
      %dma_wait3A_930 = arith.constant 0 : i32
      %dma_wait3A_931 = tpu.memref_slice %arg8[%rem3A_30, %dma_wait3A_924, %dma_wait3A_930] : memref<2x16x128xi32, #tpu.memory_space<vmem>> -> memref<1x1x128xi32, #tpu.memory_space<vmem>>
      %dma_wait3A_932 = tpu.memref_squeeze %dma_wait3A_931 : memref<1x1x128xi32, #tpu.memory_space<vmem>> -> memref<128xi32, #tpu.memory_space<vmem>>
      %dma_wait3A_933 = arith.constant 0 : i32
      %dma_wait3A_934 = arith.constant 0 : i32
      %dma_wait3A_935 = tpu.memref_slice %arg10[%dma_wait3A_933, %dma_wait3A_934] : memref<10112x128xf32, #tpu.memory_space<vmem_shared>> -> memref<10112x128xf32, #tpu.memory_space<vmem_shared>>
      %dma_wait3A_936 = tpu.memref_slice %arg13[%dma_wait3A_925] : memref<2x!tpu.dma_semaphore, #tpu.memory_space<semaphore_mem>> -> memref<1x!tpu.dma_semaphore, #tpu.memory_space<semaphore_mem>>
      %dma_wait3A_937 = tpu.memref_squeeze %dma_wait3A_936 : memref<1x!tpu.dma_semaphore, #tpu.memory_space<semaphore_mem>> -> memref<!tpu.dma_semaphore, #tpu.memory_space<semaphore_mem>>
      tpu.wait_indirect_dma semaphore(%dma_wait3A_937 : memref<!tpu.dma_semaphore, #tpu.memory_space<semaphore_mem>>) src(%dma_wait3A_929 : memref<128x128xf32, #tpu.memory_space<vmem>>) dst(%dma_wait3A_935 : memref<10112x128xf32, #tpu.memory_space<vmem_shared>>)
      %add3A_938 = arith.constant 1 : i32
      %add3A_939 = arith.addi %scan3A_29, %add3A_938 : i32
      %lt3A_940 = arith.constant 5 : i32
      %lt3A_941 = arith.cmpi slt, %add3A_939, %lt3A_940 : i32
      %convert_element_type3A_942 = arith.extui %lt3A_941 : i1 to i32
      %cond3A_943 = arith.constant 0 : i32
      %cond3A_944 = arith.cmpi ne, %convert_element_type3A_942, %cond3A_943 : i32
      scf.if %cond3A_944 {
        %add3A_990 = arith.constant 1 : i32
        %add3A_991 = arith.addi %scan3A_29, %add3A_990 : i32
        %mul3A_992 = arith.constant 16 : i32
        %mul3A_993 = arith.muli %add3A_991, %mul3A_992 : i32
        %dma_wait3A_994 = arith.constant 0 : i32
        %dma_wait3A_995 = arith.constant 0 : i32
        %dma_wait3A_996 = arith.constant 0 : i32
        %dma_wait3A_997 = tpu.memref_slice %arg7[%rem3A_34, %dma_wait3A_995, %dma_wait3A_996] : memref<2x16x128xi32, #tpu.memory_space<vmem>> -> memref<1x16x128xi32, #tpu.memory_space<vmem>>
        %dma_wait3A_998 = tpu.memref_squeeze %dma_wait3A_997 : memref<1x16x128xi32, #tpu.memory_space<vmem>> -> memref<16x128xi32, #tpu.memory_space<vmem>>
        %dma_wait3A_999 = arith.constant 0 : i32
        %dma_wait3A_1000 = tpu.memref_slice %arg3[%add3A, %mul3A_993, %dma_wait3A_999] : memref<32x80x128xi32, #tpu.memory_space<hbm>> -> memref<1x16x128xi32, #tpu.memory_space<hbm>>
        %dma_wait3A_1001 = tpu.memref_squeeze %dma_wait3A_1000 : memref<1x16x128xi32, #tpu.memory_space<hbm>> -> memref<16x128xi32, #tpu.memory_space<hbm>>
        %dma_wait3A_1002 = tpu.memref_slice %arg12[%dma_wait3A_994] : memref<2x!tpu.dma_semaphore, #tpu.memory_space<semaphore_mem>> -> memref<1x!tpu.dma_semaphore, #tpu.memory_space<semaphore_mem>>
        %dma_wait3A_1003 = tpu.memref_squeeze %dma_wait3A_1002 : memref<1x!tpu.dma_semaphore, #tpu.memory_space<semaphore_mem>> -> memref<!tpu.dma_semaphore, #tpu.memory_space<semaphore_mem>>
        %dma_wait3A_1004 = arith.constant 0 : i32
        %dma_wait3A_1005 = arith.constant 0 : i32
        %dma_wait3A_1006 = tpu.memref_slice %arg7[%rem3A_34, %dma_wait3A_1004, %dma_wait3A_1005] : memref<2x16x128xi32, #tpu.memory_space<vmem>> -> memref<1x16x128xi32, #tpu.memory_space<vmem>>
        %dma_wait3A_1007 = tpu.memref_squeeze %dma_wait3A_1006 : memref<1x16x128xi32, #tpu.memory_space<vmem>> -> memref<16x128xi32, #tpu.memory_space<vmem>>
        %dma_wait3A_1008 = arith.constant 0 : i32
        %dma_wait3A_1009 = tpu.memref_slice %arg3[%add3A, %mul3A_993, %dma_wait3A_1008] : memref<32x80x128xi32, #tpu.memory_space<hbm>> -> memref<1x16x128xi32, #tpu.memory_space<hbm>>
        %dma_wait3A_1010 = tpu.memref_squeeze %dma_wait3A_1009 : memref<1x16x128xi32, #tpu.memory_space<hbm>> -> memref<16x128xi32, #tpu.memory_space<hbm>>
        tpu.wait_dma2 semaphore(%dma_wait3A_1003 : memref<!tpu.dma_semaphore, #tpu.memory_space<semaphore_mem>>) src(%dma_wait3A_1010 : memref<16x128xi32, #tpu.memory_space<hbm>>) dst(%dma_wait3A_1007 : memref<16x128xi32, #tpu.memory_space<vmem>>)
        %add3A_1011 = arith.constant 1 : i32
        %add3A_1012 = arith.addi %scan3A_29, %add3A_1011 : i32
        %mul3A_1013 = arith.constant 16 : i32
        %mul3A_1014 = arith.muli %add3A_1012, %mul3A_1013 : i32
        %dma_wait3A_1015 = arith.constant 1 : i32
        %dma_wait3A_1016 = arith.constant 0 : i32
        %dma_wait3A_1017 = arith.constant 0 : i32
        %dma_wait3A_1018 = tpu.memref_slice %arg8[%rem3A_34, %dma_wait3A_1016, %dma_wait3A_1017] : memref<2x16x128xi32, #tpu.memory_space<vmem>> -> memref<1x16x128xi32, #tpu.memory_space<vmem>>
        %dma_wait3A_1019 = tpu.memref_squeeze %dma_wait3A_1018 : memref<1x16x128xi32, #tpu.memory_space<vmem>> -> memref<16x128xi32, #tpu.memory_space<vmem>>
        %dma_wait3A_1020 = arith.constant 0 : i32
        %dma_wait3A_1021 = tpu.memref_slice %arg4[%add3A, %mul3A_1014, %dma_wait3A_1020] : memref<32x80x128xi32, #tpu.memory_space<hbm>> -> memref<1x16x128xi32, #tpu.memory_space<hbm>>
        %dma_wait3A_1022 = tpu.memref_squeeze %dma_wait3A_1021 : memref<1x16x128xi32, #tpu.memory_space<hbm>> -> memref<16x128xi32, #tpu.memory_space<hbm>>
        %dma_wait3A_1023 = tpu.memref_slice %arg12[%dma_wait3A_1015] : memref<2x!tpu.dma_semaphore, #tpu.memory_space<semaphore_mem>> -> memref<1x!tpu.dma_semaphore, #tpu.memory_space<semaphore_mem>>
        %dma_wait3A_1024 = tpu.memref_squeeze %dma_wait3A_1023 : memref<1x!tpu.dma_semaphore, #tpu.memory_space<semaphore_mem>> -> memref<!tpu.dma_semaphore, #tpu.memory_space<semaphore_mem>>
        %dma_wait3A_1025 = arith.constant 0 : i32
        %dma_wait3A_1026 = arith.constant 0 : i32
        %dma_wait3A_1027 = tpu.memref_slice %arg8[%rem3A_34, %dma_wait3A_1025, %dma_wait3A_1026] : memref<2x16x128xi32, #tpu.memory_space<vmem>> -> memref<1x16x128xi32, #tpu.memory_space<vmem>>
        %dma_wait3A_1028 = tpu.memref_squeeze %dma_wait3A_1027 : memref<1x16x128xi32, #tpu.memory_space<vmem>> -> memref<16x128xi32, #tpu.memory_space<vmem>>
        %dma_wait3A_1029 = arith.constant 0 : i32
        %dma_wait3A_1030 = tpu.memref_slice %arg4[%add3A, %mul3A_1014, %dma_wait3A_1029] : memref<32x80x128xi32, #tpu.memory_space<hbm>> -> memref<1x16x128xi32, #tpu.memory_space<hbm>>
        %dma_wait3A_1031 = tpu.memref_squeeze %dma_wait3A_1030 : memref<1x16x128xi32, #tpu.memory_space<hbm>> -> memref<16x128xi32, #tpu.memory_space<hbm>>
        tpu.wait_dma2 semaphore(%dma_wait3A_1024 : memref<!tpu.dma_semaphore, #tpu.memory_space<semaphore_mem>>) src(%dma_wait3A_1031 : memref<16x128xi32, #tpu.memory_space<hbm>>) dst(%dma_wait3A_1028 : memref<16x128xi32, #tpu.memory_space<vmem>>)
        %dma_start3A_1032 = arith.constant 0 : i32
        %dma_start3A_1033 = arith.constant 0 : i32
        %dma_start3A_1034 = arith.constant 0 : i32
        %dma_start3A_1035 = arith.constant 0 : i32
        %dma_start3A_1036 = arith.constant 0 : i32
        %dma_start3A_1037 = tpu.memref_slice %arg9[%dma_start3A_1033, %dma_start3A_1035, %dma_start3A_1036] : memref<2x128x128xf32, #tpu.memory_space<vmem>> -> memref<1x128x128xf32, #tpu.memory_space<vmem>>
        %dma_start3A_1038 = tpu.memref_squeeze %dma_start3A_1037 : memref<1x128x128xf32, #tpu.memory_space<vmem>> -> memref<128x128xf32, #tpu.memory_space<vmem>>
        %dma_start3A_1039 = arith.constant 0 : i32
        %dma_start3A_1040 = tpu.memref_slice %arg7[%rem3A_34, %dma_start3A_1032, %dma_start3A_1039] : memref<2x16x128xi32, #tpu.memory_space<vmem>> -> memref<1x1x128xi32, #tpu.memory_space<vmem>>
        %dma_start3A_1041 = tpu.memref_squeeze %dma_start3A_1040 : memref<1x1x128xi32, #tpu.memory_space<vmem>> -> memref<128xi32, #tpu.memory_space<vmem>>
        %dma_start3A_1042 = arith.constant 0 : i32
        %dma_start3A_1043 = arith.constant 0 : i32
        %dma_start3A_1044 = tpu.memref_slice %arg2[%dma_start3A_1042, %dma_start3A_1043] : memref<10000x128xf32, #tpu.memory_space<hbm>> -> memref<10000x128xf32, #tpu.memory_space<hbm>>
        %dma_start3A_1045 = tpu.memref_slice %arg11[%dma_start3A_1034] : memref<2x!tpu.dma_semaphore, #tpu.memory_space<semaphore_mem>> -> memref<1x!tpu.dma_semaphore, #tpu.memory_space<semaphore_mem>>
        %dma_start3A_1046 = tpu.memref_squeeze %dma_start3A_1045 : memref<1x!tpu.dma_semaphore, #tpu.memory_space<semaphore_mem>> -> memref<!tpu.dma_semaphore, #tpu.memory_space<semaphore_mem>>
        tpu.enqueue_indirect_dma source(%dma_start3A_1044 : memref<10000x128xf32, #tpu.memory_space<hbm>>) target(%dma_start3A_1038 : memref<128x128xf32, #tpu.memory_space<vmem>>) offsets(%dma_start3A_1041 : memref<128xi32, #tpu.memory_space<vmem>>) semaphore(%dma_start3A_1046 : memref<!tpu.dma_semaphore, #tpu.memory_space<semaphore_mem>>)
      } else {
      }
      %dma_wait3A_945 = arith.constant 15 : i32
      %dma_wait3A_946 = arith.constant 1 : i32
      %dma_wait3A_947 = arith.constant 1 : i32
      %dma_wait3A_948 = arith.constant 0 : i32
      %dma_wait3A_949 = arith.constant 0 : i32
      %dma_wait3A_950 = tpu.memref_slice %arg9[%dma_wait3A_946, %dma_wait3A_948, %dma_wait3A_949] : memref<2x128x128xf32, #tpu.memory_space<vmem>> -> memref<1x128x128xf32, #tpu.memory_space<vmem>>
      %dma_wait3A_951 = tpu.memref_squeeze %dma_wait3A_950 : memref<1x128x128xf32, #tpu.memory_space<vmem>> -> memref<128x128xf32, #tpu.memory_space<vmem>>
      %dma_wait3A_952 = arith.constant 0 : i32
      %dma_wait3A_953 = tpu.memref_slice %arg7[%rem3A_30, %dma_wait3A_945, %dma_wait3A_952] : memref<2x16x128xi32, #tpu.memory_space<vmem>> -> memref<1x1x128xi32, #tpu.memory_space<vmem>>
      %dma_wait3A_954 = tpu.memref_squeeze %dma_wait3A_953 : memref<1x1x128xi32, #tpu.memory_space<vmem>> -> memref<128xi32, #tpu.memory_space<vmem>>
      %dma_wait3A_955 = arith.constant 0 : i32
      %dma_wait3A_956 = arith.constant 0 : i32
      %dma_wait3A_957 = tpu.memref_slice %arg2[%dma_wait3A_955, %dma_wait3A_956] : memref<10000x128xf32, #tpu.memory_space<hbm>> -> memref<10000x128xf32, #tpu.memory_space<hbm>>
      %dma_wait3A_958 = tpu.memref_slice %arg11[%dma_wait3A_947] : memref<2x!tpu.dma_semaphore, #tpu.memory_space<semaphore_mem>> -> memref<1x!tpu.dma_semaphore, #tpu.memory_space<semaphore_mem>>
      %dma_wait3A_959 = tpu.memref_squeeze %dma_wait3A_958 : memref<1x!tpu.dma_semaphore, #tpu.memory_space<semaphore_mem>> -> memref<!tpu.dma_semaphore, #tpu.memory_space<semaphore_mem>>
      tpu.wait_indirect_dma semaphore(%dma_wait3A_959 : memref<!tpu.dma_semaphore, #tpu.memory_space<semaphore_mem>>) src(%dma_wait3A_957 : memref<10000x128xf32, #tpu.memory_space<hbm>>) dst(%dma_wait3A_951 : memref<128x128xf32, #tpu.memory_space<vmem>>)
      %dma_start3A_960 = arith.constant 1 : i32
      %dma_start3A_961 = arith.constant 15 : i32
      %dma_start3A_962 = arith.constant 1 : i32
      %dma_start3A_963 = arith.constant 0 : i32
      %dma_start3A_964 = arith.constant 0 : i32
      %dma_start3A_965 = tpu.memref_slice %arg9[%dma_start3A_960, %dma_start3A_963, %dma_start3A_964] : memref<2x128x128xf32, #tpu.memory_space<vmem>> -> memref<1x128x128xf32, #tpu.memory_space<vmem>>
      %dma_start3A_966 = tpu.memref_squeeze %dma_start3A_965 : memref<1x128x128xf32, #tpu.memory_space<vmem>> -> memref<128x128xf32, #tpu.memory_space<vmem>>
      %dma_start3A_967 = arith.constant 0 : i32
      %dma_start3A_968 = tpu.memref_slice %arg8[%rem3A_30, %dma_start3A_961, %dma_start3A_967] : memref<2x16x128xi32, #tpu.memory_space<vmem>> -> memref<1x1x128xi32, #tpu.memory_space<vmem>>
      %dma_start3A_969 = tpu.memref_squeeze %dma_start3A_968 : memref<1x1x128xi32, #tpu.memory_space<vmem>> -> memref<128xi32, #tpu.memory_space<vmem>>
      %dma_start3A_970 = arith.constant 0 : i32
      %dma_start3A_971 = arith.constant 0 : i32
      %dma_start3A_972 = tpu.memref_slice %arg10[%dma_start3A_970, %dma_start3A_971] : memref<10112x128xf32, #tpu.memory_space<vmem_shared>> -> memref<10112x128xf32, #tpu.memory_space<vmem_shared>>
      %dma_start3A_973 = tpu.memref_slice %arg13[%dma_start3A_962] : memref<2x!tpu.dma_semaphore, #tpu.memory_space<semaphore_mem>> -> memref<1x!tpu.dma_semaphore, #tpu.memory_space<semaphore_mem>>
      %dma_start3A_974 = tpu.memref_squeeze %dma_start3A_973 : memref<1x!tpu.dma_semaphore, #tpu.memory_space<semaphore_mem>> -> memref<!tpu.dma_semaphore, #tpu.memory_space<semaphore_mem>>
      tpu.enqueue_indirect_dma source(%dma_start3A_966 : memref<128x128xf32, #tpu.memory_space<vmem>>) target(%dma_start3A_972 : memref<10112x128xf32, #tpu.memory_space<vmem_shared>>) offsets(%dma_start3A_969 : memref<128xi32, #tpu.memory_space<vmem>>) semaphore(%dma_start3A_974 : memref<!tpu.dma_semaphore, #tpu.memory_space<semaphore_mem>>) {add = true}
      %dma_wait3A_975 = arith.constant 1 : i32
      %dma_wait3A_976 = arith.constant 15 : i32
      %dma_wait3A_977 = arith.constant 1 : i32
      %dma_wait3A_978 = arith.constant 0 : i32
      %dma_wait3A_979 = arith.constant 0 : i32
      %dma_wait3A_980 = tpu.memref_slice %arg9[%dma_wait3A_975, %dma_wait3A_978, %dma_wait3A_979] : memref<2x128x128xf32, #tpu.memory_space<vmem>> -> memref<1x128x128xf32, #tpu.memory_space<vmem>>
      %dma_wait3A_981 = tpu.memref_squeeze %dma_wait3A_980 : memref<1x128x128xf32, #tpu.memory_space<vmem>> -> memref<128x128xf32, #tpu.memory_space<vmem>>
      %dma_wait3A_982 = arith.constant 0 : i32
      %dma_wait3A_983 = tpu.memref_slice %arg8[%rem3A_30, %dma_wait3A_976, %dma_wait3A_982] : memref<2x16x128xi32, #tpu.memory_space<vmem>> -> memref<1x1x128xi32, #tpu.memory_space<vmem>>
      %dma_wait3A_984 = tpu.memref_squeeze %dma_wait3A_983 : memref<1x1x128xi32, #tpu.memory_space<vmem>> -> memref<128xi32, #tpu.memory_space<vmem>>
      %dma_wait3A_985 = arith.constant 0 : i32
      %dma_wait3A_986 = arith.constant 0 : i32
      %dma_wait3A_987 = tpu.memref_slice %arg10[%dma_wait3A_985, %dma_wait3A_986] : memref<10112x128xf32, #tpu.memory_space<vmem_shared>> -> memref<10112x128xf32, #tpu.memory_space<vmem_shared>>
      %dma_wait3A_988 = tpu.memref_slice %arg13[%dma_wait3A_977] : memref<2x!tpu.dma_semaphore, #tpu.memory_space<semaphore_mem>> -> memref<1x!tpu.dma_semaphore, #tpu.memory_space<semaphore_mem>>
      %dma_wait3A_989 = tpu.memref_squeeze %dma_wait3A_988 : memref<1x!tpu.dma_semaphore, #tpu.memory_space<semaphore_mem>> -> memref<!tpu.dma_semaphore, #tpu.memory_space<semaphore_mem>>
      tpu.wait_indirect_dma semaphore(%dma_wait3A_989 : memref<!tpu.dma_semaphore, #tpu.memory_space<semaphore_mem>>) src(%dma_wait3A_981 : memref<128x128xf32, #tpu.memory_space<vmem>>) dst(%dma_wait3A_987 : memref<10112x128xf32, #tpu.memory_space<vmem_shared>>)
    }
    %scan3A_23 = arith.constant 5 : i32
    %barrier3A_24 = arith.constant 0 : index
    tpu.barrier barrier_id(%barrier3A_24)
    %mul3A_25 = arith.constant 632 : i32
    %mul3A_26 = arith.muli %arg1, %mul3A_25 : i32
    %mul3A_27 = arith.constant 632 : i32
    %mul3A_28 = arith.muli %arg1, %mul3A_27 : i32
    "tpu.region"() ({
      %run_scoped3A_29 = tpu.sem_alloc : memref<!tpu.dma_semaphore, #tpu.memory_space<semaphore_mem>>
      %dma_start3A_30 = arith.constant 0 : i32
      %dma_start3A_31 = tpu.memref_slice %arg6[%arg0, %mul3A_28, %dma_start3A_30] : memref<2x10112x128xf32, #tpu.memory_space<hbm>> -> memref<1x632x128xf32, #tpu.memory_space<hbm>>
      %dma_start3A_32 = tpu.memref_squeeze %dma_start3A_31 : memref<1x632x128xf32, #tpu.memory_space<hbm>> -> memref<632x128xf32, #tpu.memory_space<hbm>>
      %dma_start3A_33 = arith.constant 0 : i32
      %dma_start3A_34 = tpu.memref_slice %arg10[%mul3A_26, %dma_start3A_33] : memref<10112x128xf32, #tpu.memory_space<vmem_shared>> -> memref<632x128xf32, #tpu.memory_space<vmem_shared>>
      tpu.enqueue_dma source(%dma_start3A_34 : memref<632x128xf32, #tpu.memory_space<vmem_shared>>) target(%dma_start3A_32 : memref<632x128xf32, #tpu.memory_space<hbm>>) target_semaphore(%run_scoped3A_29 : memref<!tpu.dma_semaphore, #tpu.memory_space<semaphore_mem>>)
      %dma_wait3A = arith.constant 0 : i32
      %dma_wait3A_35 = tpu.memref_slice %arg6[%arg0, %mul3A_28, %dma_wait3A] : memref<2x10112x128xf32, #tpu.memory_space<hbm>> -> memref<1x632x128xf32, #tpu.memory_space<hbm>>
      %dma_wait3A_36 = tpu.memref_squeeze %dma_wait3A_35 : memref<1x632x128xf32, #tpu.memory_space<hbm>> -> memref<632x128xf32, #tpu.memory_space<hbm>>
      %dma_wait3A_37 = arith.constant 0 : i32
      %dma_wait3A_38 = tpu.memref_slice %arg10[%mul3A_26, %dma_wait3A_37] : memref<10112x128xf32, #tpu.memory_space<vmem_shared>> -> memref<632x128xf32, #tpu.memory_space<vmem_shared>>
      tpu.wait_dma2 semaphore(%run_scoped3A_29 : memref<!tpu.dma_semaphore, #tpu.memory_space<semaphore_mem>>) src(%dma_wait3A_38 : memref<632x128xf32, #tpu.memory_space<vmem_shared>>) dst(%dma_wait3A_36 : memref<632x128xf32, #tpu.memory_space<hbm>>)
      tpu.yield
    }) : () -> ()
    return
  }
}

module attributes {stable_mosaic.version = 14 : i64} {
  func.func @_tc1a_body(%arg0: memref<10000x128xf32, #tpu.memory_space<vmem>>, %arg1: memref<128x128xf32, #tpu.memory_space<vmem>>, %arg2: memref<10000x128xf32, #tpu.memory_space<vmem>>) attributes {dimension_semantics = [], scalar_prefetch = 0 : i64, scratch_operands = 0 : i64, tpu.core_type = #tpu.core_type<tc>} {
    %get3A = arith.constant 0 : index
    %get3A_0 = arith.constant 0 : index
    %get3A_1 = vector.load %arg0[%get3A, %get3A_0] : memref<10000x128xf32, #tpu.memory_space<vmem>>, vector<10000x128xf32>
    %get3A_2 = arith.constant 0 : index
    %get3A_3 = arith.constant 0 : index
    %get3A_4 = vector.load %arg1[%get3A_2, %get3A_3] : memref<128x128xf32, #tpu.memory_space<vmem>>, vector<128x128xf32>
    %dot_general3A = arith.constant dense<0.000000e+00> : vector<10000x128xf32>
    %dot_general3A_5 = tpu.matmul %get3A_1, %get3A_4, %dot_general3A {dimension_numbers = #tpu.dot_dimension_numbers<[1], [0], [0], [1], [0, 0, 1, 1], [], []>, transpose_lhs_hint = false} : vector<10000x128xf32>, vector<128x128xf32>, vector<10000x128xf32> -> vector<10000x128xf32>
    %swap3A = arith.constant 0 : index
    %swap3A_6 = arith.constant 0 : index
    %swap3A_7 = vector.load %arg2[%swap3A, %swap3A_6] : memref<10000x128xf32, #tpu.memory_space<vmem>>, vector<10000x128xf32>
    tpu.vector_store %arg2[%swap3A, %swap3A_6], %dot_general3A_5 {strides = array<i32>} : memref<10000x128xf32, #tpu.memory_space<vmem>>, vector<10000x128xf32>,
    return
  }
}

module attributes {stable_mosaic.version = 14 : i64} {
  func.func @_tc1b_body(%arg0: memref<2x10240x1xf32, #tpu.memory_space<vmem>>, %arg1: memref<10000x128xf32, #tpu.memory_space<vmem>>, %arg2: memref<10000x128xf32, #tpu.memory_space<vmem>>, %arg3: memref<10000x1xf32, #tpu.memory_space<vmem>>) attributes {dimension_semantics = [], scalar_prefetch = 0 : i64, scratch_operands = 0 : i64, tpu.core_type = #tpu.core_type<tc>} {
    %get3A = arith.constant 0 : index
    %get3A_0 = arith.constant 0 : index
    %get3A_1 = arith.constant 0 : index
    %get3A_2 = vector.load %arg0[%get3A, %get3A_0, %get3A_1] : memref<2x10240x1xf32, #tpu.memory_space<vmem>>, vector<1x10000x1xf32>
    %get3A_3 = vector.shape_cast %get3A_2 : vector<1x10000x1xf32> to vector<10000x1xf32>
    %get3A_4 = arith.constant 1 : index
    %get3A_5 = arith.constant 0 : index
    %get3A_6 = arith.constant 0 : index
    %get3A_7 = vector.load %arg0[%get3A_4, %get3A_5, %get3A_6] : memref<2x10240x1xf32, #tpu.memory_space<vmem>>, vector<1x10000x1xf32>
    %get3A_8 = vector.shape_cast %get3A_7 : vector<1x10000x1xf32> to vector<10000x1xf32>
    %add3A = arith.addf %get3A_3, %get3A_8 : vector<10000x1xf32>
    %add3A_9 = arith.constant 1.000000e+00 : f32
    %add3A_10 = vector.broadcast %add3A_9 : f32 to vector<10000x1xf32>
    %add3A_11 = arith.addf %add3A, %add3A_10 : vector<10000x1xf32>
    %rsqrt3A = math.rsqrt %add3A_11 : vector<10000x1xf32>
    %get3A_12 = arith.constant 0 : index
    %get3A_13 = arith.constant 0 : index
    %get3A_14 = vector.load %arg1[%get3A_12, %get3A_13] : memref<10000x128xf32, #tpu.memory_space<vmem>>, vector<10000x128xf32>
    %mul3A = vector.broadcast %rsqrt3A : vector<10000x1xf32> to vector<10000x128xf32>
    %mul3A_15 = arith.mulf %get3A_14, %mul3A : vector<10000x128xf32>
    %swap3A = arith.constant 0 : index
    %swap3A_16 = arith.constant 0 : index
    %swap3A_17 = vector.load %arg2[%swap3A, %swap3A_16] : memref<10000x128xf32, #tpu.memory_space<vmem>>, vector<10000x128xf32>
    tpu.vector_store %arg2[%swap3A, %swap3A_16], %mul3A_15 {strides = array<i32>} : memref<10000x128xf32, #tpu.memory_space<vmem>>, vector<10000x128xf32>,
    %swap3A_18 = arith.constant 0 : index
    %swap3A_19 = arith.constant 0 : index
    %swap3A_20 = vector.load %arg3[%swap3A_18, %swap3A_19] : memref<10000x1xf32, #tpu.memory_space<vmem>>, vector<10000x1xf32>
    tpu.vector_store %arg3[%swap3A_18, %swap3A_19], %rsqrt3A {strides = array<i32>} : memref<10000x1xf32, #tpu.memory_space<vmem>>, vector<10000x1xf32>,
    return
  }
}

module attributes {stable_mosaic.version = 14 : i64} {
  func.func @_tc2_body(%arg0: memref<2x10112x128xf32, #tpu.memory_space<vmem>>, %arg1: memref<10000x128xf32, #tpu.memory_space<vmem>>, %arg2: memref<10000x1xf32, #tpu.memory_space<vmem>>, %arg3: memref<1x128xf32, #tpu.memory_space<vmem>>, %arg4: memref<1x128xf32, #tpu.memory_space<vmem>>, %arg5: memref<1x128xf32, #tpu.memory_space<vmem>>, %arg6: memref<128x128xf32, #tpu.memory_space<vmem>>, %arg7: memref<10000x128xf32, #tpu.memory_space<vmem>>) attributes {dimension_semantics = [], scalar_prefetch = 0 : i64, scratch_operands = 0 : i64, tpu.core_type = #tpu.core_type<tc>} {
    %get3A = arith.constant 0 : index
    %get3A_0 = arith.constant 0 : index
    %get3A_1 = arith.constant 0 : index
    %get3A_2 = vector.load %arg0[%get3A, %get3A_0, %get3A_1] : memref<2x10112x128xf32, #tpu.memory_space<vmem>>, vector<1x10000x128xf32>
    %get3A_3 = vector.shape_cast %get3A_2 : vector<1x10000x128xf32> to vector<10000x128xf32>
    %get3A_4 = arith.constant 1 : index
    %get3A_5 = arith.constant 0 : index
    %get3A_6 = arith.constant 0 : index
    %get3A_7 = vector.load %arg0[%get3A_4, %get3A_5, %get3A_6] : memref<2x10112x128xf32, #tpu.memory_space<vmem>>, vector<1x10000x128xf32>
    %get3A_8 = vector.shape_cast %get3A_7 : vector<1x10000x128xf32> to vector<10000x128xf32>
    %add3A = arith.addf %get3A_3, %get3A_8 : vector<10000x128xf32>
    %get3A_9 = arith.constant 0 : index
    %get3A_10 = arith.constant 0 : index
    %get3A_11 = vector.load %arg1[%get3A_9, %get3A_10] : memref<10000x128xf32, #tpu.memory_space<vmem>>, vector<10000x128xf32>
    %add3A_12 = arith.addf %add3A, %get3A_11 : vector<10000x128xf32>
    %get3A_13 = arith.constant 0 : index
    %get3A_14 = arith.constant 0 : index
    %get3A_15 = vector.load %arg2[%get3A_13, %get3A_14] : memref<10000x1xf32, #tpu.memory_space<vmem>>, vector<10000x1xf32>
    %mul3A = vector.broadcast %get3A_15 : vector<10000x1xf32> to vector<10000x128xf32>
    %mul3A_16 = arith.mulf %add3A_12, %mul3A : vector<10000x128xf32>
    %get3A_17 = arith.constant 0 : index
    %get3A_18 = arith.constant 0 : index
    %get3A_19 = vector.load %arg5[%get3A_17, %get3A_18] : memref<1x128xf32, #tpu.memory_space<vmem>>, vector<1x128xf32>
    %add3A_20 = vector.broadcast %get3A_19 : vector<1x128xf32> to vector<10000x128xf32>
    %add3A_21 = arith.addf %mul3A_16, %add3A_20 : vector<10000x128xf32>
    %get3A_22 = arith.constant 0 : index
    %get3A_23 = arith.constant 0 : index
    %get3A_24 = vector.load %arg3[%get3A_22, %get3A_23] : memref<1x128xf32, #tpu.memory_space<vmem>>, vector<1x128xf32>
    %mul3A_25 = vector.broadcast %get3A_24 : vector<1x128xf32> to vector<10000x128xf32>
    %mul3A_26 = arith.mulf %mul3A_25, %add3A_21 : vector<10000x128xf32>
    %mul3A_27 = arith.constant 0.999994993 : f32
    %mul3A_28 = vector.broadcast %mul3A_27 : f32 to vector<10000x128xf32>
    %mul3A_29 = arith.mulf %mul3A_26, %mul3A_28 : vector<10000x128xf32>
    %get3A_30 = arith.constant 0 : index
    %get3A_31 = arith.constant 0 : index
    %get3A_32 = vector.load %arg4[%get3A_30, %get3A_31] : memref<1x128xf32, #tpu.memory_space<vmem>>, vector<1x128xf32>
    %add3A_33 = vector.broadcast %get3A_32 : vector<1x128xf32> to vector<10000x128xf32>
    %add3A_34 = arith.addf %mul3A_29, %add3A_33 : vector<10000x128xf32>
    %gt3A = arith.constant 0.000000e+00 : f32
    %gt3A_35 = vector.broadcast %gt3A : f32 to vector<10000x128xf32>
    %gt3A_36 = arith.cmpf ogt, %add3A_34, %gt3A_35 : vector<10000x128xf32>
    %exp3A = math.exp %add3A_34 : vector<10000x128xf32>
    %sub3A = arith.constant 1.000000e+00 : f32
    %sub3A_37 = vector.broadcast %sub3A : f32 to vector<10000x128xf32>
    %sub3A_38 = arith.subf %exp3A, %sub3A_37 : vector<10000x128xf32>
    %mul3A_39 = arith.constant 1.67326319 : f32
    %mul3A_40 = vector.broadcast %mul3A_39 : f32 to vector<10000x128xf32>
    %mul3A_41 = arith.mulf %mul3A_40, %sub3A_38 : vector<10000x128xf32>
    %select_n3A = arith.select %gt3A_36, %add3A_34, %mul3A_41 : vector<10000x128xi1>, vector<10000x128xf32>
    %mul3A_42 = arith.constant 1.05070102 : f32
    %mul3A_43 = vector.broadcast %mul3A_42 : f32 to vector<10000x128xf32>
    %mul3A_44 = arith.mulf %mul3A_43, %select_n3A : vector<10000x128xf32>
    %get3A_45 = arith.constant 0 : index
    %get3A_46 = arith.constant 0 : index
    %get3A_47 = vector.load %arg6[%get3A_45, %get3A_46] : memref<128x128xf32, #tpu.memory_space<vmem>>, vector<128x128xf32>
    %dot_general3A = arith.constant dense<0.000000e+00> : vector<10000x128xf32>
    %dot_general3A_48 = tpu.matmul %mul3A_44, %get3A_47, %dot_general3A {dimension_numbers = #tpu.dot_dimension_numbers<[1], [0], [0], [1], [0, 0, 1, 1], [], []>, transpose_lhs_hint = false} : vector<10000x128xf32>, vector<128x128xf32>, vector<10000x128xf32> -> vector<10000x128xf32>
    %get3A_49 = arith.constant 0 : index
    %get3A_50 = arith.constant 0 : index
    %get3A_51 = vector.load %arg2[%get3A_49, %get3A_50] : memref<10000x1xf32, #tpu.memory_space<vmem>>, vector<10000x1xf32>
    %mul3A_52 = vector.broadcast %get3A_51 : vector<10000x1xf32> to vector<10000x128xf32>
    %mul3A_53 = arith.mulf %dot_general3A_48, %mul3A_52 : vector<10000x128xf32>
    %swap3A = arith.constant 0 : index
    %swap3A_54 = arith.constant 0 : index
    %swap3A_55 = vector.load %arg7[%swap3A, %swap3A_54] : memref<10000x128xf32, #tpu.memory_space<vmem>>, vector<10000x128xf32>
    tpu.vector_store %arg7[%swap3A, %swap3A_54], %mul3A_53 {strides = array<i32>} : memref<10000x128xf32, #tpu.memory_space<vmem>>, vector<10000x128xf32>,
    return
  }
}

module attributes {stable_mosaic.version = 14 : i64} {
  func.func @_tc3_body(%arg0: memref<2x10112x128xf32, #tpu.memory_space<vmem>>, %arg1: memref<10000x128xf32, #tpu.memory_space<vmem>>, %arg2: memref<10000x1xf32, #tpu.memory_space<vmem>>, %arg3: memref<1x128xf32, #tpu.memory_space<vmem>>, %arg4: memref<10000x128xf32, #tpu.memory_space<vmem>>) attributes {dimension_semantics = [], scalar_prefetch = 0 : i64, scratch_operands = 0 : i64, tpu.core_type = #tpu.core_type<tc>} {
    %get3A = arith.constant 0 : index
    %get3A_0 = arith.constant 0 : index
    %get3A_1 = arith.constant 0 : index
    %get3A_2 = vector.load %arg0[%get3A, %get3A_0, %get3A_1] : memref<2x10112x128xf32, #tpu.memory_space<vmem>>, vector<1x10000x128xf32>
    %get3A_3 = vector.shape_cast %get3A_2 : vector<1x10000x128xf32> to vector<10000x128xf32>
    %get3A_4 = arith.constant 1 : index
    %get3A_5 = arith.constant 0 : index
    %get3A_6 = arith.constant 0 : index
    %get3A_7 = vector.load %arg0[%get3A_4, %get3A_5, %get3A_6] : memref<2x10112x128xf32, #tpu.memory_space<vmem>>, vector<1x10000x128xf32>
    %get3A_8 = vector.shape_cast %get3A_7 : vector<1x10000x128xf32> to vector<10000x128xf32>
    %add3A = arith.addf %get3A_3, %get3A_8 : vector<10000x128xf32>
    %get3A_9 = arith.constant 0 : index
    %get3A_10 = arith.constant 0 : index
    %get3A_11 = vector.load %arg1[%get3A_9, %get3A_10] : memref<10000x128xf32, #tpu.memory_space<vmem>>, vector<10000x128xf32>
    %add3A_12 = arith.addf %add3A, %get3A_11 : vector<10000x128xf32>
    %get3A_13 = arith.constant 0 : index
    %get3A_14 = arith.constant 0 : index
    %get3A_15 = vector.load %arg2[%get3A_13, %get3A_14] : memref<10000x1xf32, #tpu.memory_space<vmem>>, vector<10000x1xf32>
    %mul3A = vector.broadcast %get3A_15 : vector<10000x1xf32> to vector<10000x128xf32>
    %mul3A_16 = arith.mulf %add3A_12, %mul3A : vector<10000x128xf32>
    %get3A_17 = arith.constant 0 : index
    %get3A_18 = arith.constant 0 : index
    %get3A_19 = vector.load %arg3[%get3A_17, %get3A_18] : memref<1x128xf32, #tpu.memory_space<vmem>>, vector<1x128xf32>
    %add3A_20 = vector.broadcast %get3A_19 : vector<1x128xf32> to vector<10000x128xf32>
    %add3A_21 = arith.addf %mul3A_16, %add3A_20 : vector<10000x128xf32>
    %swap3A = arith.constant 0 : index
    %swap3A_22 = arith.constant 0 : index
    %swap3A_23 = vector.load %arg4[%swap3A, %swap3A_22] : memref<10000x128xf32, #tpu.memory_space<vmem>>, vector<10000x128xf32>
    tpu.vector_store %arg4[%swap3A, %swap3A_22], %add3A_21 {strides = array<i32>} : memref<10000x128xf32, #tpu.memory_space<vmem>>, vector<10000x128xf32>,
    return
  }
}

</mosaic_0001>

<sc_bundles>
// kernel: kernel.12.cloned.1.call-start
scs
__scs_entry_jumppad:
0x0: {  	(pc) =	sbr.rel $0x88, $3  }
0x1: {  	(tag) =	ssettag $0x0;
	lr =	simm.s32 $0x1  }
0x2: {  	[smem:$0x3F99] =	sst lr;
	_ =	strace $0xD0000000  }
0x3: {  	_ = 	snop  }
0x4: {  	_ = 	snop  }
0x5: {  	_ = 	snop  }
0x6: {  	_ = 	snop  }
0x7: {  	_ = 	snop  }
__scs_overlays_trampoline_lowered:
0x8: {  	[smem:$0x3FA8] =	sst s0  }
0x9: {  	[smem:$0x3FA9] =	sst s1  }
0xa: {  	[smem:$0x3FAA] =	sst s2  }
0xb: {  	[smem:$0x3FAB] =	sst s3  }
0xc: {  	[smem:$0x3FAC] =	sst s4  }
0xd: {  	[smem:$0x3FAD] =	sst s5  }
0xe: {  	[smem:$0x3FAE] =	sst s6  }
0xf: {  	[smem:$0x3FAF] =	sst s7  }
0x10: {  	[smem:$0x3FB0] =	sst s8  }
0x11: {  	[smem:$0x3FB1] =	sst s9;
	s0 =	simm.s32 @!p0 $0x0  }
0x12: {  	s1 =	sld [smem:$0x3F97];
	s0 =	simm.s32 @p0 $0x1  }
0x13: {  	[smem:$0x3FB2] =	sst s0;
	s0 =	simm.s32 @!p1 $0x0  }
0x14: {  	s2 =	sld [smem:$0x3F96];
	s0 =	simm.s32 @p1 $0x1  }
0x15: {  	[smem:$0x3FB3] =	sst s0;
	s0 =	simm.s32 @!p2 $0x0  }
0x16: {  	s3 =	sld [smem:$0x3FDB];
	s0 =	simm.s32 @p2 $0x1  }
0x17: {  	s4 =	simm.s32 $0x1BF5;
	[smem:$0x3FB5] =	sst s0  }
0x18: {  	s0 =	sld [smem:$0x3F98];
	_ =	swait.ge [sflag:s4], $0x0  }
0x19: {  	s7 =	sld [smem:$0x3F99]  }
0x1a: {  	s8 =	sadd.s32 $0xFFFFE003, lr  }
0x1b: {  	s9 =	sadd.s32 $0xFFFFFEF7, lr;
	s5 =	simm.s32 $0xFFFFFFFF;
	p2 =	slt.u32 s8, $0xFFFFF086  }
0x1c: {  	p1 =	slt.u32 s9, $0xF7A;
	s5 =	simm.s32 @!p2 $0x0  }
0x1d: {  	s5 =	simm.s32 @p1 $0x1;
	p0 =	seq.s32 s7, s2  }
0x1e: {  	s7 =	smul.u32 @!p0 $0xF7A, s2;
	p2 =	seq.s32 @!p0 s5, $0x0  }
0x1f: {  	s9 =	smul.u32 $0xF7A, s1;
	s8 =	simm.s32 @!p0 $0x1BF5;
	p2 =	por !p2, p0  }
0x20: {  	[sflag:s8] =	ssyncset.s32 @!p0 $0xFFFFF086;
	s6 =	sadd.s32 @!p0 s3, s7;
	s7 =	simm.s32 @!p0 $0x108  }
0x21: {  	s3 =	sadd.s32 s3, s9;
	s6 =	sadd.s32 @!p0 $0x88, s6;
	s7 =	simm.s32 @p2 $0x1082  }
0x22: {  	[simem:s7], [sflag:s8] =	dma.local @!p0 [hbm:s6], $0xF7A  }
0x23: {  	s9 =	sor.u32 $0xD0000000, s2;
	s6 =	simm.s32 $0x108;
	_ =	swait.ge @!p0 [sflag:s8], $0x0  }
0x24: {  	s3 =	sadd.s32 $0x88, s3;
	s6 =	simm.s32 @!p1 $0x1082;
	[sflag:s4] =	ssyncset.s32 $0xFFFFF086  }
0x25: {  	[simem:s6], [sflag:s4] =	dma.local [hbm:s3], $0xF7A  }
0x26: {  	[smem:$0x3F99] =	sst s1;
	(tag) =	ssettag s2;
	_ =	strace s9  }
0x27: {  	s1 =	sld [smem:$0x3FA9]  }
0x28: {  	s2 =	sld [smem:$0x3FAA]  }
0x29: {  	s4 =	sld [smem:$0x3FAC]  }
0x2a: {  	p0 =	seq.s32 s5, $0x0;
	s5 =	sld [smem:$0x3FAD]  }
0x2b: {  	s6 =	sld [smem:$0x3FAE]  }
0x2c: {  	s7 =	sld [smem:$0x3FAF]  }
0x2d: {  	s3 =	simm.s32 $0x108;
	s8 =	sld [smem:$0x3FB0]  }
0x2e: {  	s3 =	simm.s32 @!p0 $0x1082;
	s9 =	sld [smem:$0x3FB1]  }
0x2f: {  	lr =	sadd.s32 s0, s3;
	s0 =	sld [smem:$0x3FA8]  }
0x30: {  	s3 =	sld [smem:$0x3FAB]  }
0x31: {  	[smem:$0x3FB4] =	sst s10  }
0x32: {  	s10 =	sld [smem:$0x3FB2];
	_ =	sdelay $0x3  }
0x33: {  	p0 =	seq.s32 s10, $0x1;
	s10 =	sld [smem:$0x3FB4];
	_ =	sdelay $0x3  }
0x34: {  	[smem:$0x3FB4] =	sst s10  }
0x35: {  	s10 =	sld [smem:$0x3FB3];
	_ =	sdelay $0x3  }
0x36: {  	p1 =	seq.s32 s10, $0x1;
	s10 =	sld [smem:$0x3FB4];
	_ =	sdelay $0x3  }
0x37: {  	[smem:$0x3FB4] =	sst s10  }
0x38: {  	s10 =	sld [smem:$0x3FB5]  }
0x39: {  	_ = 	snop;
	(pc) =	sbr.ind lr, $3  }
0x3a: {  	_ = 	snop  }
0x3b: {  	_ = 	snop  }
0x3c: {  	p2 =	seq.s32 s10, $0x1;
	s10 =	sld [smem:$0x3FB4]  }
0x3d: {  	_ =	shalt  }
0x3e: {  	_ =	shalt  }
0x3f: {  	_ =	shalt  }
0x40: {  	_ =	shalt  }
0x41: {  	_ =	shalt  }
0x42: {  	_ =	shalt  }
0x43: {  	_ =	shalt  }
0x44: {  	_ =	shalt  }
0x45: {  	_ =	shalt  }
0x46: {  	_ =	shalt  }
0x47: {  	_ =	shalt  }
0x48: {  	_ =	shalt  }
0x49: {  	_ =	shalt  }
0x4a: {  	_ =	shalt  }
0x4b: {  	_ =	shalt  }
0x4c: {  	_ =	shalt  }
0x4d: {  	_ =	shalt  }
0x4e: {  	_ =	shalt  }
0x4f: {  	_ =	shalt  }
0x50: {  	_ =	shalt  }
0x51: {  	_ =	shalt  }
0x52: {  	_ =	shalt  }
0x53: {  	_ =	shalt  }
0x54: {  	_ =	shalt  }
0x55: {  	_ =	shalt  }
0x56: {  	_ =	shalt  }
0x57: {  	_ =	shalt  }
0x58: {  	_ =	shalt  }
0x59: {  	_ =	shalt  }
0x5a: {  	_ =	shalt  }
0x5b: {  	_ =	shalt  }
0x5c: {  	_ =	shalt  }
0x5d: {  	_ =	shalt  }
0x5e: {  	_ =	shalt  }
0x5f: {  	_ =	shalt  }
0x60: {  	_ =	shalt  }
0x61: {  	_ =	shalt  }
0x62: {  	_ =	shalt  }
0x63: {  	_ =	shalt  }
0x64: {  	_ =	shalt  }
0x65: {  	_ =	shalt  }
0x66: {  	_ =	shalt  }
0x67: {  	_ =	shalt  }
0x68: {  	_ =	shalt  }
0x69: {  	_ =	shalt  }
0x6a: {  	_ =	shalt  }
0x6b: {  	_ =	shalt  }
0x6c: {  	_ =	shalt  }
0x6d: {  	_ =	shalt  }
0x6e: {  	_ =	shalt  }
0x6f: {  	_ =	shalt  }
0x70: {  	_ =	shalt  }
0x71: {  	_ =	shalt  }
0x72: {  	_ =	shalt  }
0x73: {  	_ =	shalt  }
0x74: {  	_ =	shalt  }
0x75: {  	_ =	shalt  }
0x76: {  	_ =	shalt  }
0x77: {  	_ =	shalt  }
0x78: {  	_ =	shalt  }
0x79: {  	_ =	shalt  }
0x7a: {  	_ =	shalt  }
0x7b: {  	_ =	shalt  }
0x7c: {  	_ =	shalt  }
0x7d: {  	_ =	shalt  }
0x7e: {  	_ =	shalt  }
0x7f: {  	_ =	shalt  }
0x80: {  	_ =	shalt  }
0x81: {  	_ =	shalt  }
0x82: {  	_ =	shalt  }
0x83: {  	_ =	shalt  }
0x84: {  	_ =	shalt  }
0x85: {  	_ =	shalt  }
0x86: {  	_ =	shalt  }
0x87: {  	_ =	shalt  }
.Lfunc_end0:
.L_simem_size_0:
called_computation.1_lowered:
.L_overlay_start_0:
0x88: {  	s2 =	sld [smem:$0x3FD9]  }
0x89: {  	s3 =	sld [smem:$0x3FFE];
	_ =	sdelay $0x1  }
0x8a: {  	s1 =	srdreg.scid  }
0x8b: {  	s0 =	sand.u32 $0x1, s1  }
0x8c: {  	s17 =	sshll.u32 s0, $0xA;
	s2 =	sadd.s32 s3, s2  }
0x8d: {  	s2 =	sadd.s32 s2, s17  }
0x8e: {  	[smem:$0x3FC0] =	sst s2  }
0x8f: {  	_ = 	snop  }
0x90: {  	s2 =	sld [smem:$0x3FD0];
	(tm) =	ssettm $0x1  }
0x91: {  	s18 =	sld [smem:$0x3FFB];
	_ =	sdelay $0x3  }
0x92: {  	_ =	strace s18  }
0x93: {  	s3 =	sld [smem:$0x3FFC];
	_ =	sdelay $0x3  }
0x94: {  	_ =	strace s3  }
0x95: {  	s3 =	sld [smem:$0x3FFD];
	_ =	sdelay $0x3  }
0x96: {  	_ =	strace s3  }
0x97: {  	_ =	strace $0x8FFFFFFF  }
0x98: {  	s19 =	sld [smem:$0x3FDB];
	_ =	sdelay $0x1  }
0x99: {  	s4 =	simm.s32 $_scs_section_size  }
0x9a: {  	s5 =	simm.s32 $_size__tile_overlayer_lowered;
	s6 =	simm.s32 $_tile_overlayer_lowered  }
0x9b: {  	s22 =	simm.s32 $0x1BFF;
	s21 =	sshll.u32 s6, $0x1;
	s3 =	sadd.s32 s4, s19  }
0x9c: {  	s7 =	simm.s32 $0x0;
	s20 =	sshll.u32 s5, $0x1;
	s5 =	sadd.s32 s21, s3  }
0x9d: {  	[timem:s7], [sflag:s22] =	dma.local [hbm:s5], s20  }
0x9e: {  	_ =	swait.ge [sflag:s22], s20  }
0x9f: {  	s4 =	ssub.s32 $0x0, s20;
	[sflag:s22] =	ssyncset.done $0x0  }
0xa0: {  	[sflag:s22] =	ssyncadd.s32 s4;
	_ =	sdelay $0x1  }
0xa1: {  	s23 =	simm.s32 $0x1B8B  }
0xa2: {  	_ =	swait.ge [sflag:s23], $0x1  }
0xa3: {  	[sflag:s23] =	ssyncset.done $0x0  }
0xa4: {  	s25 =	simm.s32 $0x1B8E;
	s24 =	sld [smem:$0x3FFE];
	[sflag:s23] =	ssyncadd.s32 $0xFFFFFFFF  }
0xa5: {  	s26 =	simm.s32 $execute0_lowered;
	[smem:$0x3FD2] =	sst s25  }
0xa6: {  	s5 =	sshll.u32 s26, $0x1;
	_ =	strace $0x80000049;
	[dreg:$0x1] =	wrdreg $0xFFFFFFFF  }
0xa7: {  	s28 =	simm.s32 $_size_execute0_lowered;
	s3 =	sadd.s32 s3, s5;
	[dreg:$0x0] =	wrdreg $0x0  }
0xa8: {  	s5 =	sshll.u32 s28, $0x1;
	[dreg:$0x2] =	wrdreg s3  }
0xa9: {  	[dreg:$0x3] =	wrdreg s5  }
0xaa: {  	[dreg:$0x4] =	wrdreg $0xC0  }
0xab: {  	_ =	task [dreg:s7], $0x5FFFF  }
0xac: {  	[dreg:$0x1] =	wrdreg $0xFFFFFFFF  }
0xad: {  	[dreg:$0x0] =	wrdreg $0x60  }
0xae: {  	[dreg:$0x2] =	wrdreg s2  }
0xaf: {  	[dreg:$0x3] =	wrdreg s24  }
0xb0: {  	[dreg:$0x4] =	wrdreg $0xA0000  }
0xb1: {  	[dreg:$0x5] =	wrdreg $0x9  }
0xb2: {  	_ =	task.clear_ibuf [dreg:s7], $0x6FFFF;
	_ =	strace $0x90000049  }
0xb3: {  	s29 =	simm.s32 $0x9;
	_ =	strace $0x8000004B  }
0xb4: {  	_ =	swait.ge [sflag:s29], $0x1  }
0xb5: {  	[sflag:s29] =	ssyncadd.s32 $0xFFFFFFFF  }
0xb6: {  	_ =	strace $0x9000004B  }
0xb7: {  	_ =	sfence  }
0xb8: {  	s30 =	sld [smem:$0x0];
	_ =	sdelay $0x2  }
0xb9: {  	s31 =	sshll.u32 s1, $0xD;
	s1 =	sshrl.u32 s1, $0x2  }
0xba: {  	s3 =	sand.u32 $0x4000, s31;
	s1 =	sadd.s32 s1, s30  }
0xbb: {  	s0 =	sor.u32 s3, s0;
	s1 =	sshll.u32 s1, $0x11  }
0xbc: {  	s0 =	sor.u32 s1, s0  }
0xbd: {  	s0 =	sadd.s32 $0x8F2B, s0  }
0xbe: {  	[sflag:s0] =	ssyncadd.remote.s32 $0x1  }
0xbf: {  	_ =	sfence.sel $0xFFFF  }
0xc0: {  	[dreg:$0x0] =	wrdreg $0xFFFFFFFF;
	(pc) =	sbr.abs _section_cstart, $3  }
0xc1: {  	[dreg:$0x1] =	wrdreg $0xFFFFFFFF  }
0xc2: {  	_ =	task.clear_ibuf [dreg:s7], $0x2FFFF;
	_ =	strace $0x9FFFFFFF  }
0xc3: {  	(tm) =	ssettm $0x7FFFFFFF  }
tec
execute0_lowered:
.L_overlay_start_1:
0x0: {  	(tag) =	ssettag $0x1  }
0x1: {  	s1 =	rddreg [dreg:$0x0]  }
0x2: {  	s8 =	rddreg [dreg:$0x1]  }
0x3: {  	s2 =	rddreg [dreg:$0x2]  }
0x4: {  	s3 =	srdreg.scid;
	s0 =	rddreg [dreg:$0x3]  }
0x5: {  	s4 =	simm.s32 $0x0;
	s17 =	simm.s32 $0x2000;
	s18 =	simm.s32 $0x6000  }
0x6: {  	s19 =	simm.s32 $0x1;
	s20 =	simm.s32 $0x5;
	s21 =	simm.s32 $0x2  }
0x7: {  	s22 =	simm.s32 $0x6;
	s9 =	sand.u32 $0x1, s3;
	s3 =	stileid.u32  }
0x8: {  	s23 =	simm.s32 $0x0;
	[smem:$0x7FF] =	sst s4;
	s10 =	smul.u32 $0x13C000, s9  }
0x9: {  	s5 =	sadd.s32 $0xCC00, s8;
	s6 =	sadd.s32 $0x2C00, s8;
	s11 =	smul.u32 $0x13C00, s3  }
0xa: {  	s7 =	sadd.s32 $0x16C00, s8;
	_ =	strace $0x8000004A;
	s13 =	smul.u32 $0x4F000, s3  }
0xb: {  	s25 =	sshll.u32 s3, $0x1;
	s12 =	ssub.s32 $0x2, s9;
	s26 =	smul.u32 $0x5000, s3  }
0xc: {  	s29 =	sshll.u32 s3, $0x6;
	s30 =	smul.u32 $0x2800, s9;
	s14 =	sshrl.u32 s12, $0x1  }
0xd: {  	s10 =	sadd.s32 s11, s10;
	s11 =	sor.u32 s9, s25;
	s12 =	ssub.s32 s12, s14  }
0xe: {  	s28 =	sshrl.u32 s13, $0x2;
	s13 =	sadd.s32 s30, s26;
	s14 =	simm.s32 $0x7  }
0xf: {  	s10 =	sshrl.u32 s10, $0x3;
	s11 =	smul.u32 $0x2800, s11;
	s16 =	sadd.s32 s28, s2  }
0x10: {  	s12 =	smax.u32 s12, $0x1;
	s13 =	sadd.s32 $0x800, s13;
	s15 =	sadd.s32 s10, s8  }
0x11: {  	s8 =	sor.u32 $0x1C07, s29;
	[dreg:$0x4] =	wrdreg s13;
	s13 =	sshrl.u32 s16, $0x3  }
0x12: {  	s16 =	simm.s32 $0x80;
	s31 =	sshrl.u32 s11, $0x3;
	s11 =	sadd.s32 $0x19400, s15  }
0x13: {  	s15 =	simm.s32 $0x1000;
	s9 =	sadd.s32 s5, s31;
	s10 =	sadd.s32 s6, s31  }
.LBB2_1:
0x14: {  	[spmem:s13], [sflag:s8] =	dma.local [hbm:s7], $0x2780  }
0x15: {  	_ =	swait.ge [sflag:s14], $0x2780  }
0x16: {  	[sflag:s14] =	ssyncset.done $0x0  }
0x17: {  	[sflag:s14] =	ssyncadd.s32 $0xFFFFD880  }
0x18: {  	[bflag:$0x0] =	sbarrier.arrive $0xFFFF  }
0x19: {  	[tilespmem:s4], [sflag:$0x7] =	stream.linear.gather [hbm4b:s9+s4], $0x800, $0x38;
	[tilespmem:$0x1DC00] =	vst v63  }
0x1a: {  	_ =	swait.ge [sflag:s14], $0x800  }
0x1b: {  	[sflag:s14] =	ssyncset.done $0x0  }
0x1c: {  	[sflag:s14] =	ssyncadd.s32 $0xFFFFF800  }
0x1d: {  	[tilespmem:s15], [sflag:$0x7] =	stream.linear.gather [hbm4b:s10+s4], $0x800, $0x38;
	[tilespmem:$0x1DC00] =	vst v63  }
0x1e: {  	_ =	swait.ge [sflag:s14], $0x800  }
0x1f: {  	p0 =	por $0x0, $0x0;
	[sflag:s14] =	ssyncset.done $0x0;
	s24 =	rddreg [dreg:$0x4]  }
0x20: {  	[sflag:s14] =	ssyncadd.s32 $0xFFFFF800;
	s24 =	sadd.s32 @!p0 $0x0, s24  }
0x21: {  	[tilespmem:s17], [sflag:$0x1] =	stream.indirect.gather [hbm4b:s1+s16], $0x80, s4, s16, $0xb8;
	[tilespmem:$0x1DC00] =	vst v63  }
0x22: {  	s25 =	sand.u32 $0x1, s19;
	s26 =	sshrl.u32 @!p0 s24, $0x3  }
0x23: {  	s28 =	simm.s32 @!p0 $0x0;
	s24 =	sshll.u32 @!p0 s25, $0xB;
	s25 =	sadd.s32 @!p0 s5, s26  }
0x24: {  	[tilespmem:s24], [sflag:$0x3] =	stream.linear.gather @!p0 [hbm4b:s25+s28], $0x800, $0x38;
	[tilespmem:$0x1DC00] =	vst v63  }
0x25: {  	s26 =	sadd.s32 @!p0 s6, s26;
	s29 =	sor.u32 @!p0 $0x1000, s24;
	s25 =	sand.u32 $0x800, s4  }
0x26: {  	[tilespmem:s29], [sflag:$0x4] =	stream.linear.gather @!p0 [hbm4b:s26+s28], $0x800, $0x38;
	[tilespmem:$0x1DC00] =	vst v63  }
0x27: {  	s30 =	sor.u32 $0x80, s25  }
0x28: {  	[tilespmem:s18], [sflag:$0x2] =	stream.indirect.gather [hbm4b:s1+s16], $0x80, s30, s16, $0xb8;
	[tilespmem:$0x1DC00] =	vst v63  }
0x29: {  	_ =	swait.ge [sflag:s19], $0x4000  }
0x2a: {  	[sflag:s19] =	ssyncset.done $0x0  }
0x2b: {  	s31 =	sor.u32 $0x1000, s25;
	[sflag:s19] =	ssyncadd.s32 $0xFFFFC000  }
0x2c: {  	[spmem:s2] =	stream.indirect.scatter.add.f32 [tilespmem:s17], [sflag:$0x5], $0x80, s31, s16, $0xb8;
	[tilespmem:$0x1DC00] =	vst v63  }
0x2d: {  	_ =	swait.ge [sflag:s20], $0x4000  }
0x2e: {  	[sflag:s20] =	ssyncset.done $0x0  }
0x2f: {  	s28 =	sor.u32 $0x100, s25;
	[sflag:s20] =	ssyncadd.s32 $0xFFFFC000  }
0x30: {  	[tilespmem:s17], [sflag:$0x1] =	stream.indirect.gather [hbm4b:s1+s16], $0x80, s28, s16, $0xb8;
	[tilespmem:$0x1DC00] =	vst v63  }
0x31: {  	_ =	swait.ge [sflag:s21], $0x4000  }
0x32: {  	[sflag:s21] =	ssyncset.done $0x0  }
0x33: {  	s29 =	sor.u32 $0x1080, s25;
	[sflag:s21] =	ssyncadd.s32 $0xFFFFC000  }
0x34: {  	[spmem:s2] =	stream.indirect.scatter.add.f32 [tilespmem:s18], [sflag:$0x6], $0x80, s29, s16, $0xb8;
	[tilespmem:$0x1DC00] =	vst v63  }
0x35: {  	_ =	swait.ge [sflag:s22], $0x4000  }
0x36: {  	[sflag:s22] =	ssyncset.done $0x0  }
0x37: {  	s30 =	sor.u32 $0x180, s25;
	[sflag:s22] =	ssyncadd.s32 $0xFFFFC000  }
0x38: {  	[tilespmem:s18], [sflag:$0x2] =	stream.indirect.gather [hbm4b:s1+s16], $0x80, s30, s16, $0xb8;
	[tilespmem:$0x1DC00] =	vst v63  }
0x39: {  	_ =	swait.ge [sflag:s19], $0x4000  }
0x3a: {  	[sflag:s19] =	ssyncset.done $0x0  }
0x3b: {  	s31 =	sor.u32 $0x1100, s25;
	[sflag:s19] =	ssyncadd.s32 $0xFFFFC000  }
0x3c: {  	[spmem:s2] =	stream.indirect.scatter.add.f32 [tilespmem:s17], [sflag:$0x5], $0x80, s31, s16, $0xb8;
	[tilespmem:$0x1DC00] =	vst v63  }
0x3d: {  	_ =	swait.ge [sflag:s20], $0x4000  }
0x3e: {  	[sflag:s20] =	ssyncset.done $0x0  }
0x3f: {  	s28 =	sor.u32 $0x200, s25;
	[sflag:s20] =	ssyncadd.s32 $0xFFFFC000  }
0x40: {  	[tilespmem:s17], [sflag:$0x1] =	stream.indirect.gather [hbm4b:s1+s16], $0x80, s28, s16, $0xb8;
	[tilespmem:$0x1DC00] =	vst v63  }
0x41: {  	_ =	swait.ge [sflag:s21], $0x4000  }
0x42: {  	[sflag:s21] =	ssyncset.done $0x0  }
0x43: {  	s29 =	sor.u32 $0x1180, s25;
	[sflag:s21] =	ssyncadd.s32 $0xFFFFC000  }
0x44: {  	[spmem:s2] =	stream.indirect.scatter.add.f32 [tilespmem:s18], [sflag:$0x6], $0x80, s29, s16, $0xb8;
	[tilespmem:$0x1DC00] =	vst v63  }
0x45: {  	_ =	swait.ge [sflag:s22], $0x4000  }
0x46: {  	[sflag:s22] =	ssyncset.done $0x0  }
0x47: {  	s30 =	sor.u32 $0x280, s25;
	[sflag:s22] =	ssyncadd.s32 $0xFFFFC000  }
0x48: {  	[tilespmem:s18], [sflag:$0x2] =	stream.indirect.gather [hbm4b:s1+s16], $0x80, s30, s16, $0xb8;
	[tilespmem:$0x1DC00] =	vst v63  }
0x49: {  	_ =	swait.ge [sflag:s19], $0x4000  }
0x4a: {  	[sflag:s19] =	ssyncset.done $0x0  }
0x4b: {  	s31 =	sor.u32 $0x1200, s25;
	[sflag:s19] =	ssyncadd.s32 $0xFFFFC000  }
0x4c: {  	[spmem:s2] =	stream.indirect.scatter.add.f32 [tilespmem:s17], [sflag:$0x5], $0x80, s31, s16, $0xb8;
	[tilespmem:$0x1DC00] =	vst v63  }
0x4d: {  	_ =	swait.ge [sflag:s20], $0x4000  }
0x4e: {  	[sflag:s20] =	ssyncset.done $0x0  }
0x4f: {  	s28 =	sor.u32 $0x300, s25;
	[sflag:s20] =	ssyncadd.s32 $0xFFFFC000  }
0x50: {  	[tilespmem:s17], [sflag:$0x1] =	stream.indirect.gather [hbm4b:s1+s16], $0x80, s28, s16, $0xb8;
	[tilespmem:$0x1DC00] =	vst v63  }
0x51: {  	_ =	swait.ge [sflag:s21], $0x4000  }
0x52: {  	[sflag:s21] =	ssyncset.done $0x0  }
0x53: {  	s29 =	sor.u32 $0x1280, s25;
	[sflag:s21] =	ssyncadd.s32 $0xFFFFC000  }
0x54: {  	[spmem:s2] =	stream.indirect.scatter.add.f32 [tilespmem:s18], [sflag:$0x6], $0x80, s29, s16, $0xb8;
	[tilespmem:$0x1DC00] =	vst v63  }
0x55: {  	_ =	swait.ge [sflag:s22], $0x4000  }
0x56: {  	[sflag:s22] =	ssyncset.done $0x0  }
0x57: {  	s30 =	sor.u32 $0x380, s25;
	[sflag:s22] =	ssyncadd.s32 $0xFFFFC000  }
0x58: {  	[tilespmem:s18], [sflag:$0x2] =	stream.indirect.gather [hbm4b:s1+s16], $0x80, s30, s16, $0xb8;
	[tilespmem:$0x1DC00] =	vst v63  }
0x59: {  	_ =	swait.ge [sflag:s19], $0x4000  }
0x5a: {  	[sflag:s19] =	ssyncset.done $0x0  }
0x5b: {  	s31 =	sor.u32 $0x1300, s25;
	[sflag:s19] =	ssyncadd.s32 $0xFFFFC000  }
0x5c: {  	[spmem:s2] =	stream.indirect.scatter.add.f32 [tilespmem:s17], [sflag:$0x5], $0x80, s31, s16, $0xb8;
	[tilespmem:$0x1DC00] =	vst v63  }
0x5d: {  	_ =	swait.ge [sflag:s20], $0x4000  }
0x5e: {  	[sflag:s20] =	ssyncset.done $0x0  }
0x5f: {  	s28 =	sor.u32 $0x400, s25;
	[sflag:s20] =	ssyncadd.s32 $0xFFFFC000  }
0x60: {  	[tilespmem:s17], [sflag:$0x1] =	stream.indirect.gather [hbm4b:s1+s16], $0x80, s28, s16, $0xb8;
	[tilespmem:$0x1DC00] =	vst v63  }
0x61: {  	_ =	swait.ge [sflag:s21], $0x4000  }
0x62: {  	[sflag:s21] =	ssyncset.done $0x0  }
0x63: {  	s29 =	sor.u32 $0x1380, s25;
	[sflag:s21] =	ssyncadd.s32 $0xFFFFC000  }
0x64: {  	[spmem:s2] =	stream.indirect.scatter.add.f32 [tilespmem:s18], [sflag:$0x6], $0x80, s29, s16, $0xb8;
	[tilespmem:$0x1DC00] =	vst v63  }
0x65: {  	_ =	swait.ge [sflag:s22], $0x4000  }
0x66: {  	[sflag:s22] =	ssyncset.done $0x0  }
0x67: {  	s30 =	sor.u32 $0x480, s25;
	[sflag:s22] =	ssyncadd.s32 $0xFFFFC000  }
0x68: {  	[tilespmem:s18], [sflag:$0x2] =	stream.indirect.gather [hbm4b:s1+s16], $0x80, s30, s16, $0xb8;
	[tilespmem:$0x1DC00] =	vst v63  }
0x69: {  	_ =	swait.ge [sflag:s19], $0x4000  }
0x6a: {  	[sflag:s19] =	ssyncset.done $0x0  }
0x6b: {  	s31 =	sor.u32 $0x1400, s25;
	[sflag:s19] =	ssyncadd.s32 $0xFFFFC000  }
0x6c: {  	[spmem:s2] =	stream.indirect.scatter.add.f32 [tilespmem:s17], [sflag:$0x5], $0x80, s31, s16, $0xb8;
	[tilespmem:$0x1DC00] =	vst v63  }
0x6d: {  	_ =	swait.ge [sflag:s20], $0x4000  }
0x6e: {  	[sflag:s20] =	ssyncset.done $0x0  }
0x6f: {  	s28 =	sor.u32 $0x500, s25;
	[sflag:s20] =	ssyncadd.s32 $0xFFFFC000  }
0x70: {  	[tilespmem:s17], [sflag:$0x1] =	stream.indirect.gather [hbm4b:s1+s16], $0x80, s28, s16, $0xb8;
	[tilespmem:$0x1DC00] =	vst v63  }
0x71: {  	_ =	swait.ge [sflag:s21], $0x4000  }
0x72: {  	[sflag:s21] =	ssyncset.done $0x0  }
0x73: {  	s29 =	sor.u32 $0x1480, s25;
	[sflag:s21] =	ssyncadd.s32 $0xFFFFC000  }
0x74: {  	[spmem:s2] =	stream.indirect.scatter.add.f32 [tilespmem:s18], [sflag:$0x6], $0x80, s29, s16, $0xb8;
	[tilespmem:$0x1DC00] =	vst v63  }
0x75: {  	_ =	swait.ge [sflag:s22], $0x4000  }
0x76: {  	[sflag:s22] =	ssyncset.done $0x0  }
0x77: {  	s30 =	sor.u32 $0x580, s25;
	[sflag:s22] =	ssyncadd.s32 $0xFFFFC000  }
0x78: {  	[tilespmem:s18], [sflag:$0x2] =	stream.indirect.gather [hbm4b:s1+s16], $0x80, s30, s16, $0xb8;
	[tilespmem:$0x1DC00] =	vst v63  }
0x79: {  	_ =	swait.ge [sflag:s19], $0x4000  }
0x7a: {  	[sflag:s19] =	ssyncset.done $0x0  }
0x7b: {  	s31 =	sor.u32 $0x1500, s25;
	[sflag:s19] =	ssyncadd.s32 $0xFFFFC000  }
0x7c: {  	[spmem:s2] =	stream.indirect.scatter.add.f32 [tilespmem:s17], [sflag:$0x5], $0x80, s31, s16, $0xb8;
	[tilespmem:$0x1DC00] =	vst v63  }
0x7d: {  	_ =	swait.ge [sflag:s20], $0x4000  }
0x7e: {  	[sflag:s20] =	ssyncset.done $0x0  }
0x7f: {  	s28 =	sor.u32 $0x600, s25;
	[sflag:s20] =	ssyncadd.s32 $0xFFFFC000  }
0x80: {  	[tilespmem:s17], [sflag:$0x1] =	stream.indirect.gather [hbm4b:s1+s16], $0x80, s28, s16, $0xb8;
	[tilespmem:$0x1DC00] =	vst v63  }
0x81: {  	_ =	swait.ge [sflag:s21], $0x4000  }
0x82: {  	[sflag:s21] =	ssyncset.done $0x0  }
0x83: {  	s29 =	sor.u32 $0x1580, s25;
	[sflag:s21] =	ssyncadd.s32 $0xFFFFC000  }
0x84: {  	[spmem:s2] =	stream.indirect.scatter.add.f32 [tilespmem:s18], [sflag:$0x6], $0x80, s29, s16, $0xb8;
	[tilespmem:$0x1DC00] =	vst v63  }
0x85: {  	_ =	swait.ge [sflag:s22], $0x4000  }
0x86: {  	[sflag:s22] =	ssyncset.done $0x0  }
0x87: {  	s30 =	sor.u32 $0x680, s25;
	[sflag:s22] =	ssyncadd.s32 $0xFFFFC000  }
0x88: {  	[tilespmem:s18], [sflag:$0x2] =	stream.indirect.gather [hbm4b:s1+s16], $0x80, s30, s16, $0xb8;
	[tilespmem:$0x1DC00] =	vst v63  }
0x89: {  	_ =	swait.ge [sflag:s19], $0x4000  }
0x8a: {  	[sflag:s19] =	ssyncset.done $0x0  }
0x8b: {  	s31 =	sor.u32 $0x1600, s25;
	[sflag:s19] =	ssyncadd.s32 $0xFFFFC000  }
0x8c: {  	[spmem:s2] =	stream.indirect.scatter.add.f32 [tilespmem:s17], [sflag:$0x5], $0x80, s31, s16, $0xb8;
	[tilespmem:$0x1DC00] =	vst v63  }
0x8d: {  	_ =	swait.ge [sflag:s20], $0x4000  }
0x8e: {  	[sflag:s20] =	ssyncset.done $0x0  }
0x8f: {  	s28 =	sor.u32 $0x700, s25;
	[sflag:s20] =	ssyncadd.s32 $0xFFFFC000  }
0x90: {  	[tilespmem:s17], [sflag:$0x1] =	stream.indirect.gather [hbm4b:s1+s16], $0x80, s28, s16, $0xb8;
	[tilespmem:$0x1DC00] =	vst v63  }
0x91: {  	_ =	swait.ge [sflag:s21], $0x4000  }
0x92: {  	[sflag:s21] =	ssyncset.done $0x0  }
0x93: {  	s29 =	sor.u32 $0x1680, s25;
	[sflag:s21] =	ssyncadd.s32 $0xFFFFC000  }
0x94: {  	[spmem:s2] =	stream.indirect.scatter.add.f32 [tilespmem:s18], [sflag:$0x6], $0x80, s29, s16, $0xb8;
	[tilespmem:$0x1DC00] =	vst v63  }
0x95: {  	_ =	swait.ge [sflag:s22], $0x4000  }
0x96: {  	[sflag:s22] =	ssyncset.done $0x0  }
0x97: {  	s30 =	sor.u32 $0x780, s25;
	[sflag:s22] =	ssyncadd.s32 $0xFFFFC000  }
0x98: {  	[tilespmem:s18], [sflag:$0x2] =	stream.indirect.gather [hbm4b:s1+s16], $0x80, s30, s16, $0xb8;
	[tilespmem:$0x1DC00] =	vst v63  }
0x99: {  	_ =	swait.ge [sflag:s19], $0x4000  }
0x9a: {  	[sflag:s19] =	ssyncset.done $0x0  }
0x9b: {  	s25 =	sor.u32 $0x1700, s25;
	[sflag:s19] =	ssyncadd.s32 $0xFFFFC000  }
0x9c: {  	[spmem:s2] =	stream.indirect.scatter.add.f32 [tilespmem:s17], [sflag:$0x5], $0x80, s25, s16, $0xb8;
	[tilespmem:$0x1DC00] =	vst v63  }
0x9d: {  	_ =	swait.ge [sflag:s20], $0x4000  }
0x9e: {  	[sflag:s20] =	ssyncset.done $0x0  }
0x9f: {  	s25 =	simm.s32 @!p0 $0x3;
	[sflag:s20] =	ssyncadd.s32 $0xFFFFC000  }
0xa0: {  	_ =	swait.ge @!p0 [sflag:s25], $0x800  }
0xa1: {  	[sflag:s25] =	ssyncset.done @!p0 $0x0  }
0xa2: {  	[sflag:s25] =	ssyncadd.s32 @!p0 $0xFFFFF800;
	s25 =	simm.s32 @!p0 $0x4  }
0xa3: {  	_ =	swait.ge @!p0 [sflag:s25], $0x800  }
0xa4: {  	[sflag:s25] =	ssyncset.done @!p0 $0x0  }
0xa5: {  	s28 =	simm.s32 @!p0 $0x2000;
	[sflag:s25] =	ssyncadd.s32 @!p0 $0xFFFFF800;
	s25 =	simm.s32 @!p0 $0x80  }
0xa6: {  	[tilespmem:s28], [sflag:$0x1] =	stream.indirect.gather @!p0 [hbm4b:s1+s25], $0x80, s24, s25, $0xb8;
	[tilespmem:$0x1DC00] =	vst v63  }
0xa7: {  	_ =	swait.ge [sflag:s21], $0x4000  }
0xa8: {  	[sflag:s21] =	ssyncset.done $0x0  }
0xa9: {  	s31 =	sor.u32 $0x1000, s30;
	[sflag:s21] =	ssyncadd.s32 $0xFFFFC000  }
0xaa: {  	[spmem:s2] =	stream.indirect.scatter.add.f32 [tilespmem:s18], [sflag:$0x6], $0x80, s31, s16, $0xb8;
	[tilespmem:$0x1DC00] =	vst v63  }
0xab: {  	s24 =	simm.s32 $0x800;
	s25 =	simm.s32 $0x1;
	_ =	swait.ge [sflag:s22], $0x4000  }
.LBB2_2:
0xac: {  	s28 =	smov.u32 s24  }
0xad: {  	s26 =	rddreg [dreg:$0x4];
	p1 =	seq.s32 s28, $0x2000  }
0xae: {  	s25 =	sadd.s32 $0x1, s25;
	[sflag:s22] =	ssyncset.done $0x0;
	s26 =	sadd.s32 @!p1 s28, s26  }
0xaf: {  	s30 =	sand.u32 $0x1, s25;
	[sflag:s22] =	ssyncadd.s32 $0xFFFFC000;
	s31 =	sshrl.u32 @!p1 s26, $0x3  }
0xb0: {  	s29 =	simm.s32 @!p1 $0x0;
	s26 =	sshll.u32 @!p1 s30, $0xB;
	s30 =	sadd.s32 @!p1 s5, s31  }
0xb1: {  	[tilespmem:s26], [sflag:$0x3] =	stream.linear.gather @!p1 [hbm4b:s30+s29], $0x800, $0x38;
	[tilespmem:$0x1DC00] =	vst v63  }
0xb2: {  	s28 =	sand.u32 $0x800, s28;
	s31 =	sadd.s32 @!p1 s6, s31;
	s30 =	sor.u32 @!p1 $0x1000, s26  }
0xb3: {  	[tilespmem:s30], [sflag:$0x4] =	stream.linear.gather @!p1 [hbm4b:s31+s29], $0x800, $0x38;
	[tilespmem:$0x1DC00] =	vst v63  }
0xb4: {  	s31 =	sor.u32 $0x80, s28  }
0xb5: {  	[tilespmem:s18], [sflag:$0x2] =	stream.indirect.gather [hbm4b:s1+s16], $0x80, s31, s16, $0xb8;
	[tilespmem:$0x1DC00] =	vst v63  }
0xb6: {  	_ =	swait.ge [sflag:s19], $0x4000  }
0xb7: {  	[sflag:s19] =	ssyncset.done $0x0  }
0xb8: {  	s30 =	sor.u32 $0x1000, s28;
	[sflag:s19] =	ssyncadd.s32 $0xFFFFC000  }
0xb9: {  	[spmem:s2] =	stream.indirect.scatter.add.f32 [tilespmem:s17], [sflag:$0x5], $0x80, s30, s16, $0xb8;
	[tilespmem:$0x1DC00] =	vst v63  }
0xba: {  	_ =	swait.ge [sflag:s20], $0x4000  }
0xbb: {  	[sflag:s20] =	ssyncset.done $0x0  }
0xbc: {  	s31 =	sor.u32 $0x100, s28;
	[sflag:s20] =	ssyncadd.s32 $0xFFFFC000  }
0xbd: {  	[tilespmem:s17], [sflag:$0x1] =	stream.indirect.gather [hbm4b:s1+s16], $0x80, s31, s16, $0xb8;
	[tilespmem:$0x1DC00] =	vst v63  }
0xbe: {  	_ =	swait.ge [sflag:s21], $0x4000  }
0xbf: {  	[sflag:s21] =	ssyncset.done $0x0  }
0xc0: {  	s30 =	sor.u32 $0x1080, s28;
	[sflag:s21] =	ssyncadd.s32 $0xFFFFC000  }
0xc1: {  	[spmem:s2] =	stream.indirect.scatter.add.f32 [tilespmem:s18], [sflag:$0x6], $0x80, s30, s16, $0xb8;
	[tilespmem:$0x1DC00] =	vst v63  }
0xc2: {  	_ =	swait.ge [sflag:s22], $0x4000  }
0xc3: {  	[sflag:s22] =	ssyncset.done $0x0  }
0xc4: {  	s31 =	sor.u32 $0x180, s28;
	[sflag:s22] =	ssyncadd.s32 $0xFFFFC000  }
0xc5: {  	[tilespmem:s18], [sflag:$0x2] =	stream.indirect.gather [hbm4b:s1+s16], $0x80, s31, s16, $0xb8;
	[tilespmem:$0x1DC00] =	vst v63  }
0xc6: {  	_ =	swait.ge [sflag:s19], $0x4000  }
0xc7: {  	[sflag:s19] =	ssyncset.done $0x0  }
0xc8: {  	s30 =	sor.u32 $0x1100, s28;
	[sflag:s19] =	ssyncadd.s32 $0xFFFFC000  }
0xc9: {  	[spmem:s2] =	stream.indirect.scatter.add.f32 [tilespmem:s17], [sflag:$0x5], $0x80, s30, s16, $0xb8;
	[tilespmem:$0x1DC00] =	vst v63  }
0xca: {  	_ =	swait.ge [sflag:s20], $0x4000  }
0xcb: {  	[sflag:s20] =	ssyncset.done $0x0  }
0xcc: {  	s31 =	sor.u32 $0x200, s28;
	[sflag:s20] =	ssyncadd.s32 $0xFFFFC000  }
0xcd: {  	[tilespmem:s17], [sflag:$0x1] =	stream.indirect.gather [hbm4b:s1+s16], $0x80, s31, s16, $0xb8;
	[tilespmem:$0x1DC00] =	vst v63  }
0xce: {  	_ =	swait.ge [sflag:s21], $0x4000  }
0xcf: {  	[sflag:s21] =	ssyncset.done $0x0  }
0xd0: {  	s30 =	sor.u32 $0x1180, s28;
	[sflag:s21] =	ssyncadd.s32 $0xFFFFC000  }
0xd1: {  	[spmem:s2] =	stream.indirect.scatter.add.f32 [tilespmem:s18], [sflag:$0x6], $0x80, s30, s16, $0xb8;
	[tilespmem:$0x1DC00] =	vst v63  }
0xd2: {  	_ =	swait.ge [sflag:s22], $0x4000  }
0xd3: {  	[sflag:s22] =	ssyncset.done $0x0  }
0xd4: {  	s31 =	sor.u32 $0x280, s28;
	[sflag:s22] =	ssyncadd.s32 $0xFFFFC000  }
0xd5: {  	[tilespmem:s18], [sflag:$0x2] =	stream.indirect.gather [hbm4b:s1+s16], $0x80, s31, s16, $0xb8;
	[tilespmem:$0x1DC00] =	vst v63  }
0xd6: {  	_ =	swait.ge [sflag:s19], $0x4000  }
0xd7: {  	[sflag:s19] =	ssyncset.done $0x0  }
0xd8: {  	s30 =	sor.u32 $0x1200, s28;
	[sflag:s19] =	ssyncadd.s32 $0xFFFFC000  }
0xd9: {  	[spmem:s2] =	stream.indirect.scatter.add.f32 [tilespmem:s17], [sflag:$0x5], $0x80, s30, s16, $0xb8;
	[tilespmem:$0x1DC00] =	vst v63  }
0xda: {  	_ =	swait.ge [sflag:s20], $0x4000  }
0xdb: {  	[sflag:s20] =	ssyncset.done $0x0  }
0xdc: {  	s31 =	sor.u32 $0x300, s28;
	[sflag:s20] =	ssyncadd.s32 $0xFFFFC000  }
0xdd: {  	[tilespmem:s17], [sflag:$0x1] =	stream.indirect.gather [hbm4b:s1+s16], $0x80, s31, s16, $0xb8;
	[tilespmem:$0x1DC00] =	vst v63  }
0xde: {  	_ =	swait.ge [sflag:s21], $0x4000  }
0xdf: {  	[sflag:s21] =	ssyncset.done $0x0  }
0xe0: {  	s30 =	sor.u32 $0x1280, s28;
	[sflag:s21] =	ssyncadd.s32 $0xFFFFC000  }
0xe1: {  	[spmem:s2] =	stream.indirect.scatter.add.f32 [tilespmem:s18], [sflag:$0x6], $0x80, s30, s16, $0xb8;
	[tilespmem:$0x1DC00] =	vst v63  }
0xe2: {  	_ =	swait.ge [sflag:s22], $0x4000  }
0xe3: {  	[sflag:s22] =	ssyncset.done $0x0  }
0xe4: {  	s31 =	sor.u32 $0x380, s28;
	[sflag:s22] =	ssyncadd.s32 $0xFFFFC000  }
0xe5: {  	[tilespmem:s18], [sflag:$0x2] =	stream.indirect.gather [hbm4b:s1+s16], $0x80, s31, s16, $0xb8;
	[tilespmem:$0x1DC00] =	vst v63  }
0xe6: {  	_ =	swait.ge [sflag:s19], $0x4000  }
0xe7: {  	[sflag:s19] =	ssyncset.done $0x0  }
0xe8: {  	s30 =	sor.u32 $0x1300, s28;
	[sflag:s19] =	ssyncadd.s32 $0xFFFFC000  }
0xe9: {  	[spmem:s2] =	stream.indirect.scatter.add.f32 [tilespmem:s17], [sflag:$0x5], $0x80, s30, s16, $0xb8;
	[tilespmem:$0x1DC00] =	vst v63  }
0xea: {  	_ =	swait.ge [sflag:s20], $0x4000  }
0xeb: {  	[sflag:s20] =	ssyncset.done $0x0  }
0xec: {  	s31 =	sor.u32 $0x400, s28;
	[sflag:s20] =	ssyncadd.s32 $0xFFFFC000  }
0xed: {  	[tilespmem:s17], [sflag:$0x1] =	stream.indirect.gather [hbm4b:s1+s16], $0x80, s31, s16, $0xb8;
	[tilespmem:$0x1DC00] =	vst v63  }
0xee: {  	_ =	swait.ge [sflag:s21], $0x4000  }
0xef: {  	[sflag:s21] =	ssyncset.done $0x0  }
0xf0: {  	s30 =	sor.u32 $0x1380, s28;
	[sflag:s21] =	ssyncadd.s32 $0xFFFFC000  }
0xf1: {  	[spmem:s2] =	stream.indirect.scatter.add.f32 [tilespmem:s18], [sflag:$0x6], $0x80, s30, s16, $0xb8;
	[tilespmem:$0x1DC00] =	vst v63  }
0xf2: {  	_ =	swait.ge [sflag:s22], $0x4000  }
0xf3: {  	[sflag:s22] =	ssyncset.done $0x0  }
0xf4: {  	s31 =	sor.u32 $0x480, s28;
	[sflag:s22] =	ssyncadd.s32 $0xFFFFC000  }
0xf5: {  	[tilespmem:s18], [sflag:$0x2] =	stream.indirect.gather [hbm4b:s1+s16], $0x80, s31, s16, $0xb8;
	[tilespmem:$0x1DC00] =	vst v63  }
0xf6: {  	_ =	swait.ge [sflag:s19], $0x4000  }
0xf7: {  	[sflag:s19] =	ssyncset.done $0x0  }
0xf8: {  	s30 =	sor.u32 $0x1400, s28;
	[sflag:s19] =	ssyncadd.s32 $0xFFFFC000  }
0xf9: {  	[spmem:s2] =	stream.indirect.scatter.add.f32 [tilespmem:s17], [sflag:$0x5], $0x80, s30, s16, $0xb8;
	[tilespmem:$0x1DC00] =	vst v63  }
0xfa: {  	_ =	swait.ge [sflag:s20], $0x4000  }
0xfb: {  	[sflag:s20] =	ssyncset.done $0x0  }
0xfc: {  	s31 =	sor.u32 $0x500, s28;
	[sflag:s20] =	ssyncadd.s32 $0xFFFFC000  }
0xfd: {  	[tilespmem:s17], [sflag:$0x1] =	stream.indirect.gather [hbm4b:s1+s16], $0x80, s31, s16, $0xb8;
	[tilespmem:$0x1DC00] =	vst v63  }
0xfe: {  	_ =	swait.ge [sflag:s21], $0x4000  }
0xff: {  	[sflag:s21] =	ssyncset.done $0x0  }
0x100: {  	s30 =	sor.u32 $0x1480, s28;
	[sflag:s21] =	ssyncadd.s32 $0xFFFFC000  }
0x101: {  	[spmem:s2] =	stream.indirect.scatter.add.f32 [tilespmem:s18], [sflag:$0x6], $0x80, s30, s16, $0xb8;
	[tilespmem:$0x1DC00] =	vst v63  }
0x102: {  	_ =	swait.ge [sflag:s22], $0x4000  }
0x103: {  	[sflag:s22] =	ssyncset.done $0x0  }
0x104: {  	s31 =	sor.u32 $0x580, s28;
	[sflag:s22] =	ssyncadd.s32 $0xFFFFC000  }
0x105: {  	[tilespmem:s18], [sflag:$0x2] =	stream.indirect.gather [hbm4b:s1+s16], $0x80, s31, s16, $0xb8;
	[tilespmem:$0x1DC00] =	vst v63  }
0x106: {  	_ =	swait.ge [sflag:s19], $0x4000  }
0x107: {  	[sflag:s19] =	ssyncset.done $0x0  }
0x108: {  	s30 =	sor.u32 $0x1500, s28;
	[sflag:s19] =	ssyncadd.s32 $0xFFFFC000  }
0x109: {  	[spmem:s2] =	stream.indirect.scatter.add.f32 [tilespmem:s17], [sflag:$0x5], $0x80, s30, s16, $0xb8;
	[tilespmem:$0x1DC00] =	vst v63  }
0x10a: {  	_ =	swait.ge [sflag:s20], $0x4000  }
0x10b: {  	[sflag:s20] =	ssyncset.done $0x0  }
0x10c: {  	s31 =	sor.u32 $0x600, s28;
	[sflag:s20] =	ssyncadd.s32 $0xFFFFC000  }
0x10d: {  	[tilespmem:s17], [sflag:$0x1] =	stream.indirect.gather [hbm4b:s1+s16], $0x80, s31, s16, $0xb8;
	[tilespmem:$0x1DC00] =	vst v63  }
0x10e: {  	_ =	swait.ge [sflag:s21], $0x4000  }
0x10f: {  	[sflag:s21] =	ssyncset.done $0x0  }
0x110: {  	s30 =	sor.u32 $0x1580, s28;
	[sflag:s21] =	ssyncadd.s32 $0xFFFFC000  }
0x111: {  	[spmem:s2] =	stream.indirect.scatter.add.f32 [tilespmem:s18], [sflag:$0x6], $0x80, s30, s16, $0xb8;
	[tilespmem:$0x1DC00] =	vst v63  }
0x112: {  	_ =	swait.ge [sflag:s22], $0x4000  }
0x113: {  	[sflag:s22] =	ssyncset.done $0x0  }
0x114: {  	s31 =	sor.u32 $0x680, s28;
	[sflag:s22] =	ssyncadd.s32 $0xFFFFC000  }
0x115: {  	[tilespmem:s18], [sflag:$0x2] =	stream.indirect.gather [hbm4b:s1+s16], $0x80, s31, s16, $0xb8;
	[tilespmem:$0x1DC00] =	vst v63  }
0x116: {  	_ =	swait.ge [sflag:s19], $0x4000  }
0x117: {  	[sflag:s19] =	ssyncset.done $0x0  }
0x118: {  	s30 =	sor.u32 $0x1600, s28;
	[sflag:s19] =	ssyncadd.s32 $0xFFFFC000  }
0x119: {  	[spmem:s2] =	stream.indirect.scatter.add.f32 [tilespmem:s17], [sflag:$0x5], $0x80, s30, s16, $0xb8;
	[tilespmem:$0x1DC00] =	vst v63  }
0x11a: {  	_ =	swait.ge [sflag:s20], $0x4000  }
0x11b: {  	[sflag:s20] =	ssyncset.done $0x0  }
0x11c: {  	s31 =	sor.u32 $0x700, s28;
	[sflag:s20] =	ssyncadd.s32 $0xFFFFC000  }
0x11d: {  	[tilespmem:s17], [sflag:$0x1] =	stream.indirect.gather [hbm4b:s1+s16], $0x80, s31, s16, $0xb8;
	[tilespmem:$0x1DC00] =	vst v63  }
0x11e: {  	_ =	swait.ge [sflag:s21], $0x4000  }
0x11f: {  	[sflag:s21] =	ssyncset.done $0x0  }
0x120: {  	s30 =	sor.u32 $0x1680, s28;
	[sflag:s21] =	ssyncadd.s32 $0xFFFFC000  }
0x121: {  	[spmem:s2] =	stream.indirect.scatter.add.f32 [tilespmem:s18], [sflag:$0x6], $0x80, s30, s16, $0xb8;
	[tilespmem:$0x1DC00] =	vst v63  }
0x122: {  	_ =	swait.ge [sflag:s22], $0x4000  }
0x123: {  	[sflag:s22] =	ssyncset.done $0x0  }
0x124: {  	s31 =	sor.u32 $0x780, s28;
	[sflag:s22] =	ssyncadd.s32 $0xFFFFC000  }
0x125: {  	[tilespmem:s18], [sflag:$0x2] =	stream.indirect.gather [hbm4b:s1+s16], $0x80, s31, s16, $0xb8;
	[tilespmem:$0x1DC00] =	vst v63  }
0x126: {  	_ =	swait.ge [sflag:s19], $0x4000  }
0x127: {  	[sflag:s19] =	ssyncset.done $0x0  }
0x128: {  	s28 =	sor.u32 $0x1700, s28;
	[sflag:s19] =	ssyncadd.s32 $0xFFFFC000  }
0x129: {  	[spmem:s2] =	stream.indirect.scatter.add.f32 [tilespmem:s17], [sflag:$0x5], $0x80, s28, s16, $0xb8;
	[tilespmem:$0x1DC00] =	vst v63  }
0x12a: {  	_ =	swait.ge [sflag:s20], $0x4000  }
0x12b: {  	[sflag:s20] =	ssyncset.done $0x0  }
0x12c: {  	s28 =	simm.s32 @!p1 $0x3;
	[sflag:s20] =	ssyncadd.s32 $0xFFFFC000  }
0x12d: {  	_ =	swait.ge @!p1 [sflag:s28], $0x800  }
0x12e: {  	[sflag:s28] =	ssyncset.done @!p1 $0x0  }
0x12f: {  	[sflag:s28] =	ssyncadd.s32 @!p1 $0xFFFFF800;
	s28 =	simm.s32 @!p1 $0x4  }
0x130: {  	s24 =	sadd.s32 $0x800, s24;
	_ =	swait.ge @!p1 [sflag:s28], $0x800  }
0x131: {  	p0 =	sne.s32 s24, $0x2800;
	[sflag:s28] =	ssyncset.done @!p1 $0x0  }
0x132: {  	s30 =	simm.s32 @!p1 $0x2000;
	[sflag:s28] =	ssyncadd.s32 @!p1 $0xFFFFF800;
	s28 =	simm.s32 @!p1 $0x80  }
0x133: {  	[tilespmem:s30], [sflag:$0x1] =	stream.indirect.gather @!p1 [hbm4b:s1+s28], $0x80, s26, s28, $0xb8;
	[tilespmem:$0x1DC00] =	vst v63  }
.Ltmp0:
0x134: {  	_ =	swait.ge [sflag:s21], $0x4000;
	(pc) =	sbr.rel @p0 .LBB2_2-.Ltmp0, $4  }
0x135: {  	[sflag:s21] =	ssyncset.done $0x0  }
0x136: {  	s31 =	sor.u32 $0x1000, s31;
	[sflag:s21] =	ssyncadd.s32 $0xFFFFC000  }
0x137: {  	[spmem:s2] =	stream.indirect.scatter.add.f32 [tilespmem:s18], [sflag:$0x6], $0x80, s31, s16, $0xb8;
	[tilespmem:$0x1DC00] =	vst v63  }
0x138: {  	_ =	swait.ge [sflag:s22], $0x4000  }
0x139: {  	[sflag:s22] =	ssyncset.done $0x0;
	s23 =	sadd.s32 $0x1, s23  }
0x13a: {  	[sflag:s22] =	ssyncadd.s32 $0xFFFFC000;
	p0 =	sne.s32 s23, s12  }
.Ltmp1:
0x13b: {  	[bflag:$0x0] =	sbarrier.arrive $0xFFFF;
	(pc) =	sbr.rel @p0 .LBB2_1-.Ltmp1, $4  }
0x13c: {  	[hbm:s11], [sflag:s8] =	dma.local [spmem:s13], $0x2780  }
0x13d: {  	_ =	swait.ge [sflag:s14], $0x2780  }
0x13e: {  	[sflag:s14] =	ssyncset.done $0x0  }
0x13f: {  	[sflag:s14] =	ssyncadd.s32 $0xFFFFD880  }
0x140: {  	_ =	sfence.sel $0x180000  }
0x141: {  	[bflag:$0x0] =	sbarrier.arrive $0xFFFF  }
0x142: {  	p0 =	sne.s32 s3, $0x0;
	_ =	strace $0x9000004A  }
0x143: {  	s0 =	sadd.s32 @!p0 $0x100000, s0;
	[bflag:$0x2] =	sbarrier.arrive $0xFFFF  }
0x144: {  	[sflag:s0] =	ssyncadd.tile.s32 @!p0 $0x1;
	_ =	shalt  }
.Lfunc_end2:
_tile_overlayer_lowered:
.L_overlay_start_2:
0x145: {  	(tag) =	ssettag $0x2  }
0x146: {  	s0 =	rddreg [dreg:$0x0];
	s2 =	stileid.u32  }
0x147: {  	s1 =	rddreg [dreg:$0x1];
	p0 =	sne.s32 s2, $0x0  }
0x148: {  	s3 =	rddreg [dreg:$0x2];
	[bflag:$0x3] =	sbarrier.arrive $0xFFFF;
	s2 =	simm.s32 @!p0 $0x1C07  }
0x149: {  	[timem:s3], [sflag:s2] =	dma.local @!p0 [hbm:s0], s1  }
0x14a: {  	s0 =	simm.s32 @!p0 $0x7  }
0x14b: {  	_ =	swait.ge @!p0 [sflag:s0], s1  }
0x14c: {  	s1 =	ssub.s32 @!p0 $0x0, s1;
	[sflag:s0] =	ssyncset.done @!p0 $0x0  }
0x14d: {  	[sflag:s0] =	ssyncadd.s32 @!p0 s1  }
0x14e: {  	[bflag:$0x3] =	sbarrier.arrive $0xFFFF  }
0x14f: {  	_ =	shalt  }

// kernel: kernel.15.cloned.1.call-start
scs
__scs_entry_jumppad:
0x0: {  	(pc) =	sbr.rel $0x88, $3  }
0x1: {  	(tag) =	ssettag $0x0;
	lr =	simm.s32 $0x1  }
0x2: {  	[smem:$0x3F99] =	sst lr;
	_ =	strace $0xD0000000  }
0x3: {  	_ = 	snop  }
0x4: {  	_ = 	snop  }
0x5: {  	_ = 	snop  }
0x6: {  	_ = 	snop  }
0x7: {  	_ = 	snop  }
__scs_overlays_trampoline_lowered:
0x8: {  	[smem:$0x3FA8] =	sst s0  }
0x9: {  	[smem:$0x3FA9] =	sst s1  }
0xa: {  	[smem:$0x3FAA] =	sst s2  }
0xb: {  	[smem:$0x3FAB] =	sst s3  }
0xc: {  	[smem:$0x3FAC] =	sst s4  }
0xd: {  	[smem:$0x3FAD] =	sst s5  }
0xe: {  	[smem:$0x3FAE] =	sst s6  }
0xf: {  	[smem:$0x3FAF] =	sst s7  }
0x10: {  	[smem:$0x3FB0] =	sst s8  }
0x11: {  	[smem:$0x3FB1] =	sst s9;
	s0 =	simm.s32 @!p0 $0x0  }
0x12: {  	s1 =	sld [smem:$0x3F97];
	s0 =	simm.s32 @p0 $0x1  }
0x13: {  	[smem:$0x3FB2] =	sst s0;
	s0 =	simm.s32 @!p1 $0x0  }
0x14: {  	s2 =	sld [smem:$0x3F96];
	s0 =	simm.s32 @p1 $0x1  }
0x15: {  	[smem:$0x3FB3] =	sst s0;
	s0 =	simm.s32 @!p2 $0x0  }
0x16: {  	s3 =	sld [smem:$0x3FDB];
	s0 =	simm.s32 @p2 $0x1  }
0x17: {  	s4 =	simm.s32 $0x1BF5;
	[smem:$0x3FB5] =	sst s0  }
0x18: {  	s0 =	sld [smem:$0x3F98];
	_ =	swait.ge [sflag:s4], $0x0  }
0x19: {  	s7 =	sld [smem:$0x3F99]  }
0x1a: {  	s8 =	sadd.s32 $0xFFFFE003, lr  }
0x1b: {  	s9 =	sadd.s32 $0xFFFFFEF7, lr;
	s5 =	simm.s32 $0xFFFFFFFF;
	p2 =	slt.u32 s8, $0xFFFFF086  }
0x1c: {  	p1 =	slt.u32 s9, $0xF7A;
	s5 =	simm.s32 @!p2 $0x0  }
0x1d: {  	s5 =	simm.s32 @p1 $0x1;
	p0 =	seq.s32 s7, s2  }
0x1e: {  	s7 =	smul.u32 @!p0 $0xF7A, s2;
	p2 =	seq.s32 @!p0 s5, $0x0  }
0x1f: {  	s9 =	smul.u32 $0xF7A, s1;
	s8 =	simm.s32 @!p0 $0x1BF5;
	p2 =	por !p2, p0  }
0x20: {  	[sflag:s8] =	ssyncset.s32 @!p0 $0xFFFFF086;
	s6 =	sadd.s32 @!p0 s3, s7;
	s7 =	simm.s32 @!p0 $0x108  }
0x21: {  	s3 =	sadd.s32 s3, s9;
	s6 =	sadd.s32 @!p0 $0x88, s6;
	s7 =	simm.s32 @p2 $0x1082  }
0x22: {  	[simem:s7], [sflag:s8] =	dma.local @!p0 [hbm:s6], $0xF7A  }
0x23: {  	s9 =	sor.u32 $0xD0000000, s2;
	s6 =	simm.s32 $0x108;
	_ =	swait.ge @!p0 [sflag:s8], $0x0  }
0x24: {  	s3 =	sadd.s32 $0x88, s3;
	s6 =	simm.s32 @!p1 $0x1082;
	[sflag:s4] =	ssyncset.s32 $0xFFFFF086  }
0x25: {  	[simem:s6], [sflag:s4] =	dma.local [hbm:s3], $0xF7A  }
0x26: {  	[smem:$0x3F99] =	sst s1;
	(tag) =	ssettag s2;
	_ =	strace s9  }
0x27: {  	s1 =	sld [smem:$0x3FA9]  }
0x28: {  	s2 =	sld [smem:$0x3FAA]  }
0x29: {  	s4 =	sld [smem:$0x3FAC]  }
0x2a: {  	p0 =	seq.s32 s5, $0x0;
	s5 =	sld [smem:$0x3FAD]  }
0x2b: {  	s6 =	sld [smem:$0x3FAE]  }
0x2c: {  	s7 =	sld [smem:$0x3FAF]  }
0x2d: {  	s3 =	simm.s32 $0x108;
	s8 =	sld [smem:$0x3FB0]  }
0x2e: {  	s3 =	simm.s32 @!p0 $0x1082;
	s9 =	sld [smem:$0x3FB1]  }
0x2f: {  	lr =	sadd.s32 s0, s3;
	s0 =	sld [smem:$0x3FA8]  }
0x30: {  	s3 =	sld [smem:$0x3FAB]  }
0x31: {  	[smem:$0x3FB4] =	sst s10  }
0x32: {  	s10 =	sld [smem:$0x3FB2];
	_ =	sdelay $0x3  }
0x33: {  	p0 =	seq.s32 s10, $0x1;
	s10 =	sld [smem:$0x3FB4];
	_ =	sdelay $0x3  }
0x34: {  	[smem:$0x3FB4] =	sst s10  }
0x35: {  	s10 =	sld [smem:$0x3FB3];
	_ =	sdelay $0x3  }
0x36: {  	p1 =	seq.s32 s10, $0x1;
	s10 =	sld [smem:$0x3FB4];
	_ =	sdelay $0x3  }
0x37: {  	[smem:$0x3FB4] =	sst s10  }
0x38: {  	s10 =	sld [smem:$0x3FB5]  }
0x39: {  	_ = 	snop;
	(pc) =	sbr.ind lr, $3  }
0x3a: {  	_ = 	snop  }
0x3b: {  	_ = 	snop  }
0x3c: {  	p2 =	seq.s32 s10, $0x1;
	s10 =	sld [smem:$0x3FB4]  }
0x3d: {  	_ =	shalt  }
0x3e: {  	_ =	shalt  }
0x3f: {  	_ =	shalt  }
0x40: {  	_ =	shalt  }
0x41: {  	_ =	shalt  }
0x42: {  	_ =	shalt  }
0x43: {  	_ =	shalt  }
0x44: {  	_ =	shalt  }
0x45: {  	_ =	shalt  }
0x46: {  	_ =	shalt  }
0x47: {  	_ =	shalt  }
0x48: {  	_ =	shalt  }
0x49: {  	_ =	shalt  }
0x4a: {  	_ =	shalt  }
0x4b: {  	_ =	shalt  }
0x4c: {  	_ =	shalt  }
0x4d: {  	_ =	shalt  }
0x4e: {  	_ =	shalt  }
0x4f: {  	_ =	shalt  }
0x50: {  	_ =	shalt  }
0x51: {  	_ =	shalt  }
0x52: {  	_ =	shalt  }
0x53: {  	_ =	shalt  }
0x54: {  	_ =	shalt  }
0x55: {  	_ =	shalt  }
0x56: {  	_ =	shalt  }
0x57: {  	_ =	shalt  }
0x58: {  	_ =	shalt  }
0x59: {  	_ =	shalt  }
0x5a: {  	_ =	shalt  }
0x5b: {  	_ =	shalt  }
0x5c: {  	_ =	shalt  }
0x5d: {  	_ =	shalt  }
0x5e: {  	_ =	shalt  }
0x5f: {  	_ =	shalt  }
0x60: {  	_ =	shalt  }
0x61: {  	_ =	shalt  }
0x62: {  	_ =	shalt  }
0x63: {  	_ =	shalt  }
0x64: {  	_ =	shalt  }
0x65: {  	_ =	shalt  }
0x66: {  	_ =	shalt  }
0x67: {  	_ =	shalt  }
0x68: {  	_ =	shalt  }
0x69: {  	_ =	shalt  }
0x6a: {  	_ =	shalt  }
0x6b: {  	_ =	shalt  }
0x6c: {  	_ =	shalt  }
0x6d: {  	_ =	shalt  }
0x6e: {  	_ =	shalt  }
0x6f: {  	_ =	shalt  }
0x70: {  	_ =	shalt  }
0x71: {  	_ =	shalt  }
0x72: {  	_ =	shalt  }
0x73: {  	_ =	shalt  }
0x74: {  	_ =	shalt  }
0x75: {  	_ =	shalt  }
0x76: {  	_ =	shalt  }
0x77: {  	_ =	shalt  }
0x78: {  	_ =	shalt  }
0x79: {  	_ =	shalt  }
0x7a: {  	_ =	shalt  }
0x7b: {  	_ =	shalt  }
0x7c: {  	_ =	shalt  }
0x7d: {  	_ =	shalt  }
0x7e: {  	_ =	shalt  }
0x7f: {  	_ =	shalt  }
0x80: {  	_ =	shalt  }
0x81: {  	_ =	shalt  }
0x82: {  	_ =	shalt  }
0x83: {  	_ =	shalt  }
0x84: {  	_ =	shalt  }
0x85: {  	_ =	shalt  }
0x86: {  	_ =	shalt  }
0x87: {  	_ =	shalt  }
.Lfunc_end0:
.L_simem_size_0:
called_computation.2_lowered:
.L_overlay_start_0:
0x88: {  	s2 =	sld [smem:$0x3FD9]  }
0x89: {  	s3 =	sld [smem:$0x3FFE];
	_ =	sdelay $0x1  }
0x8a: {  	s1 =	srdreg.scid  }
0x8b: {  	s0 =	sand.u32 $0x1, s1  }
0x8c: {  	s17 =	sshll.u32 s0, $0xA;
	s2 =	sadd.s32 s3, s2  }
0x8d: {  	s2 =	sadd.s32 s2, s17  }
0x8e: {  	[smem:$0x3FC0] =	sst s2  }
0x8f: {  	_ = 	snop  }
0x90: {  	s2 =	sld [smem:$0x3FD0];
	(tm) =	ssettm $0x1  }
0x91: {  	s18 =	sld [smem:$0x3FFB];
	_ =	sdelay $0x3  }
0x92: {  	_ =	strace s18  }
0x93: {  	s3 =	sld [smem:$0x3FFC];
	_ =	sdelay $0x3  }
0x94: {  	_ =	strace s3  }
0x95: {  	s3 =	sld [smem:$0x3FFD];
	_ =	sdelay $0x3  }
0x96: {  	_ =	strace s3  }
0x97: {  	_ =	strace $0x8FFFFFFF  }
0x98: {  	s19 =	sld [smem:$0x3FDB];
	_ =	sdelay $0x1  }
0x99: {  	s4 =	simm.s32 $_scs_section_size  }
0x9a: {  	s5 =	simm.s32 $_size__tile_overlayer_lowered;
	s6 =	simm.s32 $_tile_overlayer_lowered  }
0x9b: {  	s22 =	simm.s32 $0x1BFF;
	s21 =	sshll.u32 s6, $0x1;
	s3 =	sadd.s32 s4, s19  }
0x9c: {  	s7 =	simm.s32 $0x0;
	s20 =	sshll.u32 s5, $0x1;
	s5 =	sadd.s32 s21, s3  }
0x9d: {  	[timem:s7], [sflag:s22] =	dma.local [hbm:s5], s20  }
0x9e: {  	_ =	swait.ge [sflag:s22], s20  }
0x9f: {  	s4 =	ssub.s32 $0x0, s20;
	[sflag:s22] =	ssyncset.done $0x0  }
0xa0: {  	[sflag:s22] =	ssyncadd.s32 s4;
	_ =	sdelay $0x1  }
0xa1: {  	s23 =	simm.s32 $0x1B8B  }
0xa2: {  	_ =	swait.ge [sflag:s23], $0x1  }
0xa3: {  	[sflag:s23] =	ssyncset.done $0x0  }
0xa4: {  	s25 =	simm.s32 $0x1B8E;
	s24 =	sld [smem:$0x3FFE];
	[sflag:s23] =	ssyncadd.s32 $0xFFFFFFFF  }
0xa5: {  	s26 =	simm.s32 $execute0_lowered;
	[smem:$0x3FD2] =	sst s25  }
0xa6: {  	s5 =	sshll.u32 s26, $0x1;
	_ =	strace $0x8000004C;
	[dreg:$0x1] =	wrdreg $0xFFFFFFFF  }
0xa7: {  	s28 =	simm.s32 $_size_execute0_lowered;
	s3 =	sadd.s32 s3, s5;
	[dreg:$0x0] =	wrdreg $0x0  }
0xa8: {  	s5 =	sshll.u32 s28, $0x1;
	[dreg:$0x2] =	wrdreg s3  }
0xa9: {  	[dreg:$0x3] =	wrdreg s5  }
0xaa: {  	[dreg:$0x4] =	wrdreg $0xC0  }
0xab: {  	_ =	task [dreg:s7], $0x5FFFF  }
0xac: {  	[dreg:$0x1] =	wrdreg $0xFFFFFFFF  }
0xad: {  	[dreg:$0x0] =	wrdreg $0x60  }
0xae: {  	[dreg:$0x2] =	wrdreg s2  }
0xaf: {  	[dreg:$0x3] =	wrdreg s24  }
0xb0: {  	[dreg:$0x4] =	wrdreg $0xA0000  }
0xb1: {  	[dreg:$0x5] =	wrdreg $0x9  }
0xb2: {  	_ =	task.clear_ibuf [dreg:s7], $0x6FFFF;
	_ =	strace $0x9000004C  }
0xb3: {  	s29 =	simm.s32 $0x9;
	_ =	strace $0x8000004E  }
0xb4: {  	_ =	swait.ge [sflag:s29], $0x1  }
0xb5: {  	[sflag:s29] =	ssyncadd.s32 $0xFFFFFFFF  }
0xb6: {  	_ =	strace $0x9000004E  }
0xb7: {  	_ =	sfence  }
0xb8: {  	s30 =	sld [smem:$0x0];
	_ =	sdelay $0x2  }
0xb9: {  	s31 =	sshll.u32 s1, $0xD;
	s1 =	sshrl.u32 s1, $0x2  }
0xba: {  	s3 =	sand.u32 $0x4000, s31;
	s1 =	sadd.s32 s1, s30  }
0xbb: {  	s0 =	sor.u32 s3, s0;
	s1 =	sshll.u32 s1, $0x11  }
0xbc: {  	s0 =	sor.u32 s1, s0  }
0xbd: {  	s0 =	sadd.s32 $0x8F2B, s0  }
0xbe: {  	[sflag:s0] =	ssyncadd.remote.s32 $0x1  }
0xbf: {  	_ =	sfence.sel $0xFFFF  }
0xc0: {  	[dreg:$0x0] =	wrdreg $0xFFFFFFFF;
	(pc) =	sbr.abs _section_cstart, $3  }
0xc1: {  	[dreg:$0x1] =	wrdreg $0xFFFFFFFF  }
0xc2: {  	_ =	task.clear_ibuf [dreg:s7], $0x2FFFF;
	_ =	strace $0x9FFFFFFF  }
0xc3: {  	(tm) =	ssettm $0x7FFFFFFF  }
tec
execute0_lowered:
.L_overlay_start_1:
0x0: {  	(tag) =	ssettag $0x1  }
0x1: {  	s1 =	rddreg [dreg:$0x0]  }
0x2: {  	s8 =	rddreg [dreg:$0x1]  }
0x3: {  	s2 =	rddreg [dreg:$0x2]  }
0x4: {  	s3 =	srdreg.scid;
	s0 =	rddreg [dreg:$0x3]  }
0x5: {  	s4 =	simm.s32 $0x0;
	s17 =	simm.s32 $0x2000;
	s18 =	simm.s32 $0x6000  }
0x6: {  	s19 =	simm.s32 $0x1;
	s20 =	simm.s32 $0x5;
	s21 =	simm.s32 $0x2  }
0x7: {  	s22 =	simm.s32 $0x6;
	s9 =	sand.u32 $0x1, s3;
	s3 =	stileid.u32  }
0x8: {  	s23 =	simm.s32 $0x0;
	[smem:$0x7FF] =	sst s4;
	s10 =	smul.u32 $0x13C000, s9  }
0x9: {  	s5 =	sadd.s32 $0xCC00, s8;
	s6 =	sadd.s32 $0x2C00, s8;
	s11 =	smul.u32 $0x13C00, s3  }
0xa: {  	s7 =	sadd.s32 $0x16C00, s8;
	_ =	strace $0x8000004D;
	s13 =	smul.u32 $0x4F000, s3  }
0xb: {  	s25 =	sshll.u32 s3, $0x1;
	s12 =	ssub.s32 $0x2, s9;
	s26 =	smul.u32 $0x5000, s3  }
0xc: {  	s29 =	sshll.u32 s3, $0x6;
	s30 =	smul.u32 $0x2800, s9;
	s14 =	sshrl.u32 s12, $0x1  }
0xd: {  	s10 =	sadd.s32 s11, s10;
	s11 =	sor.u32 s9, s25;
	s12 =	ssub.s32 s12, s14  }
0xe: {  	s28 =	sshrl.u32 s13, $0x2;
	s13 =	sadd.s32 s30, s26;
	s14 =	simm.s32 $0x7  }
0xf: {  	s10 =	sshrl.u32 s10, $0x3;
	s11 =	smul.u32 $0x2800, s11;
	s16 =	sadd.s32 s28, s2  }
0x10: {  	s12 =	smax.u32 s12, $0x1;
	s13 =	sadd.s32 $0x800, s13;
	s15 =	sadd.s32 s10, s8  }
0x11: {  	s8 =	sor.u32 $0x1C07, s29;
	[dreg:$0x4] =	wrdreg s13;
	s13 =	sshrl.u32 s16, $0x3  }
0x12: {  	s16 =	simm.s32 $0x80;
	s31 =	sshrl.u32 s11, $0x3;
	s11 =	sadd.s32 $0x19400, s15  }
0x13: {  	s15 =	simm.s32 $0x1000;
	s9 =	sadd.s32 s5, s31;
	s10 =	sadd.s32 s6, s31  }
.LBB2_1:
0x14: {  	[spmem:s13], [sflag:s8] =	dma.local [hbm:s7], $0x2780  }
0x15: {  	_ =	swait.ge [sflag:s14], $0x2780  }
0x16: {  	[sflag:s14] =	ssyncset.done $0x0  }
0x17: {  	[sflag:s14] =	ssyncadd.s32 $0xFFFFD880  }
0x18: {  	[bflag:$0x0] =	sbarrier.arrive $0xFFFF  }
0x19: {  	[tilespmem:s4], [sflag:$0x7] =	stream.linear.gather [hbm4b:s9+s4], $0x800, $0x38;
	[tilespmem:$0x1DC00] =	vst v63  }
0x1a: {  	_ =	swait.ge [sflag:s14], $0x800  }
0x1b: {  	[sflag:s14] =	ssyncset.done $0x0  }
0x1c: {  	[sflag:s14] =	ssyncadd.s32 $0xFFFFF800  }
0x1d: {  	[tilespmem:s15], [sflag:$0x7] =	stream.linear.gather [hbm4b:s10+s4], $0x800, $0x38;
	[tilespmem:$0x1DC00] =	vst v63  }
0x1e: {  	_ =	swait.ge [sflag:s14], $0x800  }
0x1f: {  	p0 =	por $0x0, $0x0;
	[sflag:s14] =	ssyncset.done $0x0;
	s24 =	rddreg [dreg:$0x4]  }
0x20: {  	[sflag:s14] =	ssyncadd.s32 $0xFFFFF800;
	s24 =	sadd.s32 @!p0 $0x0, s24  }
0x21: {  	[tilespmem:s17], [sflag:$0x1] =	stream.indirect.gather [hbm4b:s1+s16], $0x80, s4, s16, $0xb8;
	[tilespmem:$0x1DC00] =	vst v63  }
0x22: {  	s25 =	sand.u32 $0x1, s19;
	s26 =	sshrl.u32 @!p0 s24, $0x3  }
0x23: {  	s28 =	simm.s32 @!p0 $0x0;
	s24 =	sshll.u32 @!p0 s25, $0xB;
	s25 =	sadd.s32 @!p0 s5, s26  }
0x24: {  	[tilespmem:s24], [sflag:$0x3] =	stream.linear.gather @!p0 [hbm4b:s25+s28], $0x800, $0x38;
	[tilespmem:$0x1DC00] =	vst v63  }
0x25: {  	s26 =	sadd.s32 @!p0 s6, s26;
	s29 =	sor.u32 @!p0 $0x1000, s24;
	s25 =	sand.u32 $0x800, s4  }
0x26: {  	[tilespmem:s29], [sflag:$0x4] =	stream.linear.gather @!p0 [hbm4b:s26+s28], $0x800, $0x38;
	[tilespmem:$0x1DC00] =	vst v63  }
0x27: {  	s30 =	sor.u32 $0x80, s25  }
0x28: {  	[tilespmem:s18], [sflag:$0x2] =	stream.indirect.gather [hbm4b:s1+s16], $0x80, s30, s16, $0xb8;
	[tilespmem:$0x1DC00] =	vst v63  }
0x29: {  	_ =	swait.ge [sflag:s19], $0x4000  }
0x2a: {  	[sflag:s19] =	ssyncset.done $0x0  }
0x2b: {  	s31 =	sor.u32 $0x1000, s25;
	[sflag:s19] =	ssyncadd.s32 $0xFFFFC000  }
0x2c: {  	[spmem:s2] =	stream.indirect.scatter.add.f32 [tilespmem:s17], [sflag:$0x5], $0x80, s31, s16, $0xb8;
	[tilespmem:$0x1DC00] =	vst v63  }
0x2d: {  	_ =	swait.ge [sflag:s20], $0x4000  }
0x2e: {  	[sflag:s20] =	ssyncset.done $0x0  }
0x2f: {  	s28 =	sor.u32 $0x100, s25;
	[sflag:s20] =	ssyncadd.s32 $0xFFFFC000  }
0x30: {  	[tilespmem:s17], [sflag:$0x1] =	stream.indirect.gather [hbm4b:s1+s16], $0x80, s28, s16, $0xb8;
	[tilespmem:$0x1DC00] =	vst v63  }
0x31: {  	_ =	swait.ge [sflag:s21], $0x4000  }
0x32: {  	[sflag:s21] =	ssyncset.done $0x0  }
0x33: {  	s29 =	sor.u32 $0x1080, s25;
	[sflag:s21] =	ssyncadd.s32 $0xFFFFC000  }
0x34: {  	[spmem:s2] =	stream.indirect.scatter.add.f32 [tilespmem:s18], [sflag:$0x6], $0x80, s29, s16, $0xb8;
	[tilespmem:$0x1DC00] =	vst v63  }
0x35: {  	_ =	swait.ge [sflag:s22], $0x4000  }
0x36: {  	[sflag:s22] =	ssyncset.done $0x0  }
0x37: {  	s30 =	sor.u32 $0x180, s25;
	[sflag:s22] =	ssyncadd.s32 $0xFFFFC000  }
0x38: {  	[tilespmem:s18], [sflag:$0x2] =	stream.indirect.gather [hbm4b:s1+s16], $0x80, s30, s16, $0xb8;
	[tilespmem:$0x1DC00] =	vst v63  }
0x39: {  	_ =	swait.ge [sflag:s19], $0x4000  }
0x3a: {  	[sflag:s19] =	ssyncset.done $0x0  }
0x3b: {  	s31 =	sor.u32 $0x1100, s25;
	[sflag:s19] =	ssyncadd.s32 $0xFFFFC000  }
0x3c: {  	[spmem:s2] =	stream.indirect.scatter.add.f32 [tilespmem:s17], [sflag:$0x5], $0x80, s31, s16, $0xb8;
	[tilespmem:$0x1DC00] =	vst v63  }
0x3d: {  	_ =	swait.ge [sflag:s20], $0x4000  }
0x3e: {  	[sflag:s20] =	ssyncset.done $0x0  }
0x3f: {  	s28 =	sor.u32 $0x200, s25;
	[sflag:s20] =	ssyncadd.s32 $0xFFFFC000  }
0x40: {  	[tilespmem:s17], [sflag:$0x1] =	stream.indirect.gather [hbm4b:s1+s16], $0x80, s28, s16, $0xb8;
	[tilespmem:$0x1DC00] =	vst v63  }
0x41: {  	_ =	swait.ge [sflag:s21], $0x4000  }
0x42: {  	[sflag:s21] =	ssyncset.done $0x0  }
0x43: {  	s29 =	sor.u32 $0x1180, s25;
	[sflag:s21] =	ssyncadd.s32 $0xFFFFC000  }
0x44: {  	[spmem:s2] =	stream.indirect.scatter.add.f32 [tilespmem:s18], [sflag:$0x6], $0x80, s29, s16, $0xb8;
	[tilespmem:$0x1DC00] =	vst v63  }
0x45: {  	_ =	swait.ge [sflag:s22], $0x4000  }
0x46: {  	[sflag:s22] =	ssyncset.done $0x0  }
0x47: {  	s30 =	sor.u32 $0x280, s25;
	[sflag:s22] =	ssyncadd.s32 $0xFFFFC000  }
0x48: {  	[tilespmem:s18], [sflag:$0x2] =	stream.indirect.gather [hbm4b:s1+s16], $0x80, s30, s16, $0xb8;
	[tilespmem:$0x1DC00] =	vst v63  }
0x49: {  	_ =	swait.ge [sflag:s19], $0x4000  }
0x4a: {  	[sflag:s19] =	ssyncset.done $0x0  }
0x4b: {  	s31 =	sor.u32 $0x1200, s25;
	[sflag:s19] =	ssyncadd.s32 $0xFFFFC000  }
0x4c: {  	[spmem:s2] =	stream.indirect.scatter.add.f32 [tilespmem:s17], [sflag:$0x5], $0x80, s31, s16, $0xb8;
	[tilespmem:$0x1DC00] =	vst v63  }
0x4d: {  	_ =	swait.ge [sflag:s20], $0x4000  }
0x4e: {  	[sflag:s20] =	ssyncset.done $0x0  }
0x4f: {  	s28 =	sor.u32 $0x300, s25;
	[sflag:s20] =	ssyncadd.s32 $0xFFFFC000  }
0x50: {  	[tilespmem:s17], [sflag:$0x1] =	stream.indirect.gather [hbm4b:s1+s16], $0x80, s28, s16, $0xb8;
	[tilespmem:$0x1DC00] =	vst v63  }
0x51: {  	_ =	swait.ge [sflag:s21], $0x4000  }
0x52: {  	[sflag:s21] =	ssyncset.done $0x0  }
0x53: {  	s29 =	sor.u32 $0x1280, s25;
	[sflag:s21] =	ssyncadd.s32 $0xFFFFC000  }
0x54: {  	[spmem:s2] =	stream.indirect.scatter.add.f32 [tilespmem:s18], [sflag:$0x6], $0x80, s29, s16, $0xb8;
	[tilespmem:$0x1DC00] =	vst v63  }
0x55: {  	_ =	swait.ge [sflag:s22], $0x4000  }
0x56: {  	[sflag:s22] =	ssyncset.done $0x0  }
0x57: {  	s30 =	sor.u32 $0x380, s25;
	[sflag:s22] =	ssyncadd.s32 $0xFFFFC000  }
0x58: {  	[tilespmem:s18], [sflag:$0x2] =	stream.indirect.gather [hbm4b:s1+s16], $0x80, s30, s16, $0xb8;
	[tilespmem:$0x1DC00] =	vst v63  }
0x59: {  	_ =	swait.ge [sflag:s19], $0x4000  }
0x5a: {  	[sflag:s19] =	ssyncset.done $0x0  }
0x5b: {  	s31 =	sor.u32 $0x1300, s25;
	[sflag:s19] =	ssyncadd.s32 $0xFFFFC000  }
0x5c: {  	[spmem:s2] =	stream.indirect.scatter.add.f32 [tilespmem:s17], [sflag:$0x5], $0x80, s31, s16, $0xb8;
	[tilespmem:$0x1DC00] =	vst v63  }
0x5d: {  	_ =	swait.ge [sflag:s20], $0x4000  }
0x5e: {  	[sflag:s20] =	ssyncset.done $0x0  }
0x5f: {  	s28 =	sor.u32 $0x400, s25;
	[sflag:s20] =	ssyncadd.s32 $0xFFFFC000  }
0x60: {  	[tilespmem:s17], [sflag:$0x1] =	stream.indirect.gather [hbm4b:s1+s16], $0x80, s28, s16, $0xb8;
	[tilespmem:$0x1DC00] =	vst v63  }
0x61: {  	_ =	swait.ge [sflag:s21], $0x4000  }
0x62: {  	[sflag:s21] =	ssyncset.done $0x0  }
0x63: {  	s29 =	sor.u32 $0x1380, s25;
	[sflag:s21] =	ssyncadd.s32 $0xFFFFC000  }
0x64: {  	[spmem:s2] =	stream.indirect.scatter.add.f32 [tilespmem:s18], [sflag:$0x6], $0x80, s29, s16, $0xb8;
	[tilespmem:$0x1DC00] =	vst v63  }
0x65: {  	_ =	swait.ge [sflag:s22], $0x4000  }
0x66: {  	[sflag:s22] =	ssyncset.done $0x0  }
0x67: {  	s30 =	sor.u32 $0x480, s25;
	[sflag:s22] =	ssyncadd.s32 $0xFFFFC000  }
0x68: {  	[tilespmem:s18], [sflag:$0x2] =	stream.indirect.gather [hbm4b:s1+s16], $0x80, s30, s16, $0xb8;
	[tilespmem:$0x1DC00] =	vst v63  }
0x69: {  	_ =	swait.ge [sflag:s19], $0x4000  }
0x6a: {  	[sflag:s19] =	ssyncset.done $0x0  }
0x6b: {  	s31 =	sor.u32 $0x1400, s25;
	[sflag:s19] =	ssyncadd.s32 $0xFFFFC000  }
0x6c: {  	[spmem:s2] =	stream.indirect.scatter.add.f32 [tilespmem:s17], [sflag:$0x5], $0x80, s31, s16, $0xb8;
	[tilespmem:$0x1DC00] =	vst v63  }
0x6d: {  	_ =	swait.ge [sflag:s20], $0x4000  }
0x6e: {  	[sflag:s20] =	ssyncset.done $0x0  }
0x6f: {  	s28 =	sor.u32 $0x500, s25;
	[sflag:s20] =	ssyncadd.s32 $0xFFFFC000  }
0x70: {  	[tilespmem:s17], [sflag:$0x1] =	stream.indirect.gather [hbm4b:s1+s16], $0x80, s28, s16, $0xb8;
	[tilespmem:$0x1DC00] =	vst v63  }
0x71: {  	_ =	swait.ge [sflag:s21], $0x4000  }
0x72: {  	[sflag:s21] =	ssyncset.done $0x0  }
0x73: {  	s29 =	sor.u32 $0x1480, s25;
	[sflag:s21] =	ssyncadd.s32 $0xFFFFC000  }
0x74: {  	[spmem:s2] =	stream.indirect.scatter.add.f32 [tilespmem:s18], [sflag:$0x6], $0x80, s29, s16, $0xb8;
	[tilespmem:$0x1DC00] =	vst v63  }
0x75: {  	_ =	swait.ge [sflag:s22], $0x4000  }
0x76: {  	[sflag:s22] =	ssyncset.done $0x0  }
0x77: {  	s30 =	sor.u32 $0x580, s25;
	[sflag:s22] =	ssyncadd.s32 $0xFFFFC000  }
0x78: {  	[tilespmem:s18], [sflag:$0x2] =	stream.indirect.gather [hbm4b:s1+s16], $0x80, s30, s16, $0xb8;
	[tilespmem:$0x1DC00] =	vst v63  }
0x79: {  	_ =	swait.ge [sflag:s19], $0x4000  }
0x7a: {  	[sflag:s19] =	ssyncset.done $0x0  }
0x7b: {  	s31 =	sor.u32 $0x1500, s25;
	[sflag:s19] =	ssyncadd.s32 $0xFFFFC000  }
0x7c: {  	[spmem:s2] =	stream.indirect.scatter.add.f32 [tilespmem:s17], [sflag:$0x5], $0x80, s31, s16, $0xb8;
	[tilespmem:$0x1DC00] =	vst v63  }
0x7d: {  	_ =	swait.ge [sflag:s20], $0x4000  }
0x7e: {  	[sflag:s20] =	ssyncset.done $0x0  }
0x7f: {  	s28 =	sor.u32 $0x600, s25;
	[sflag:s20] =	ssyncadd.s32 $0xFFFFC000  }
0x80: {  	[tilespmem:s17], [sflag:$0x1] =	stream.indirect.gather [hbm4b:s1+s16], $0x80, s28, s16, $0xb8;
	[tilespmem:$0x1DC00] =	vst v63  }
0x81: {  	_ =	swait.ge [sflag:s21], $0x4000  }
0x82: {  	[sflag:s21] =	ssyncset.done $0x0  }
0x83: {  	s29 =	sor.u32 $0x1580, s25;
	[sflag:s21] =	ssyncadd.s32 $0xFFFFC000  }
0x84: {  	[spmem:s2] =	stream.indirect.scatter.add.f32 [tilespmem:s18], [sflag:$0x6], $0x80, s29, s16, $0xb8;
	[tilespmem:$0x1DC00] =	vst v63  }
0x85: {  	_ =	swait.ge [sflag:s22], $0x4000  }
0x86: {  	[sflag:s22] =	ssyncset.done $0x0  }
0x87: {  	s30 =	sor.u32 $0x680, s25;
	[sflag:s22] =	ssyncadd.s32 $0xFFFFC000  }
0x88: {  	[tilespmem:s18], [sflag:$0x2] =	stream.indirect.gather [hbm4b:s1+s16], $0x80, s30, s16, $0xb8;
	[tilespmem:$0x1DC00] =	vst v63  }
0x89: {  	_ =	swait.ge [sflag:s19], $0x4000  }
0x8a: {  	[sflag:s19] =	ssyncset.done $0x0  }
0x8b: {  	s31 =	sor.u32 $0x1600, s25;
	[sflag:s19] =	ssyncadd.s32 $0xFFFFC000  }
0x8c: {  	[spmem:s2] =	stream.indirect.scatter.add.f32 [tilespmem:s17], [sflag:$0x5], $0x80, s31, s16, $0xb8;
	[tilespmem:$0x1DC00] =	vst v63  }
0x8d: {  	_ =	swait.ge [sflag:s20], $0x4000  }
0x8e: {  	[sflag:s20] =	ssyncset.done $0x0  }
0x8f: {  	s28 =	sor.u32 $0x700, s25;
	[sflag:s20] =	ssyncadd.s32 $0xFFFFC000  }
0x90: {  	[tilespmem:s17], [sflag:$0x1] =	stream.indirect.gather [hbm4b:s1+s16], $0x80, s28, s16, $0xb8;
	[tilespmem:$0x1DC00] =	vst v63  }
0x91: {  	_ =	swait.ge [sflag:s21], $0x4000  }
0x92: {  	[sflag:s21] =	ssyncset.done $0x0  }
0x93: {  	s29 =	sor.u32 $0x1680, s25;
	[sflag:s21] =	ssyncadd.s32 $0xFFFFC000  }
0x94: {  	[spmem:s2] =	stream.indirect.scatter.add.f32 [tilespmem:s18], [sflag:$0x6], $0x80, s29, s16, $0xb8;
	[tilespmem:$0x1DC00] =	vst v63  }
0x95: {  	_ =	swait.ge [sflag:s22], $0x4000  }
0x96: {  	[sflag:s22] =	ssyncset.done $0x0  }
0x97: {  	s30 =	sor.u32 $0x780, s25;
	[sflag:s22] =	ssyncadd.s32 $0xFFFFC000  }
0x98: {  	[tilespmem:s18], [sflag:$0x2] =	stream.indirect.gather [hbm4b:s1+s16], $0x80, s30, s16, $0xb8;
	[tilespmem:$0x1DC00] =	vst v63  }
0x99: {  	_ =	swait.ge [sflag:s19], $0x4000  }
0x9a: {  	[sflag:s19] =	ssyncset.done $0x0  }
0x9b: {  	s25 =	sor.u32 $0x1700, s25;
	[sflag:s19] =	ssyncadd.s32 $0xFFFFC000  }
0x9c: {  	[spmem:s2] =	stream.indirect.scatter.add.f32 [tilespmem:s17], [sflag:$0x5], $0x80, s25, s16, $0xb8;
	[tilespmem:$0x1DC00] =	vst v63  }
0x9d: {  	_ =	swait.ge [sflag:s20], $0x4000  }
0x9e: {  	[sflag:s20] =	ssyncset.done $0x0  }
0x9f: {  	s25 =	simm.s32 @!p0 $0x3;
	[sflag:s20] =	ssyncadd.s32 $0xFFFFC000  }
0xa0: {  	_ =	swait.ge @!p0 [sflag:s25], $0x800  }
0xa1: {  	[sflag:s25] =	ssyncset.done @!p0 $0x0  }
0xa2: {  	[sflag:s25] =	ssyncadd.s32 @!p0 $0xFFFFF800;
	s25 =	simm.s32 @!p0 $0x4  }
0xa3: {  	_ =	swait.ge @!p0 [sflag:s25], $0x800  }
0xa4: {  	[sflag:s25] =	ssyncset.done @!p0 $0x0  }
0xa5: {  	s28 =	simm.s32 @!p0 $0x2000;
	[sflag:s25] =	ssyncadd.s32 @!p0 $0xFFFFF800;
	s25 =	simm.s32 @!p0 $0x80  }
0xa6: {  	[tilespmem:s28], [sflag:$0x1] =	stream.indirect.gather @!p0 [hbm4b:s1+s25], $0x80, s24, s25, $0xb8;
	[tilespmem:$0x1DC00] =	vst v63  }
0xa7: {  	_ =	swait.ge [sflag:s21], $0x4000  }
0xa8: {  	[sflag:s21] =	ssyncset.done $0x0  }
0xa9: {  	s31 =	sor.u32 $0x1000, s30;
	[sflag:s21] =	ssyncadd.s32 $0xFFFFC000  }
0xaa: {  	[spmem:s2] =	stream.indirect.scatter.add.f32 [tilespmem:s18], [sflag:$0x6], $0x80, s31, s16, $0xb8;
	[tilespmem:$0x1DC00] =	vst v63  }
0xab: {  	s24 =	simm.s32 $0x800;
	s25 =	simm.s32 $0x1;
	_ =	swait.ge [sflag:s22], $0x4000  }
.LBB2_2:
0xac: {  	s28 =	smov.u32 s24  }
0xad: {  	s26 =	rddreg [dreg:$0x4];
	p1 =	seq.s32 s28, $0x2000  }
0xae: {  	s25 =	sadd.s32 $0x1, s25;
	[sflag:s22] =	ssyncset.done $0x0;
	s26 =	sadd.s32 @!p1 s28, s26  }
0xaf: {  	s30 =	sand.u32 $0x1, s25;
	[sflag:s22] =	ssyncadd.s32 $0xFFFFC000;
	s31 =	sshrl.u32 @!p1 s26, $0x3  }
0xb0: {  	s29 =	simm.s32 @!p1 $0x0;
	s26 =	sshll.u32 @!p1 s30, $0xB;
	s30 =	sadd.s32 @!p1 s5, s31  }
0xb1: {  	[tilespmem:s26], [sflag:$0x3] =	stream.linear.gather @!p1 [hbm4b:s30+s29], $0x800, $0x38;
	[tilespmem:$0x1DC00] =	vst v63  }
0xb2: {  	s28 =	sand.u32 $0x800, s28;
	s31 =	sadd.s32 @!p1 s6, s31;
	s30 =	sor.u32 @!p1 $0x1000, s26  }
0xb3: {  	[tilespmem:s30], [sflag:$0x4] =	stream.linear.gather @!p1 [hbm4b:s31+s29], $0x800, $0x38;
	[tilespmem:$0x1DC00] =	vst v63  }
0xb4: {  	s31 =	sor.u32 $0x80, s28  }
0xb5: {  	[tilespmem:s18], [sflag:$0x2] =	stream.indirect.gather [hbm4b:s1+s16], $0x80, s31, s16, $0xb8;
	[tilespmem:$0x1DC00] =	vst v63  }
0xb6: {  	_ =	swait.ge [sflag:s19], $0x4000  }
0xb7: {  	[sflag:s19] =	ssyncset.done $0x0  }
0xb8: {  	s30 =	sor.u32 $0x1000, s28;
	[sflag:s19] =	ssyncadd.s32 $0xFFFFC000  }
0xb9: {  	[spmem:s2] =	stream.indirect.scatter.add.f32 [tilespmem:s17], [sflag:$0x5], $0x80, s30, s16, $0xb8;
	[tilespmem:$0x1DC00] =	vst v63  }
0xba: {  	_ =	swait.ge [sflag:s20], $0x4000  }
0xbb: {  	[sflag:s20] =	ssyncset.done $0x0  }
0xbc: {  	s31 =	sor.u32 $0x100, s28;
	[sflag:s20] =	ssyncadd.s32 $0xFFFFC000  }
0xbd: {  	[tilespmem:s17], [sflag:$0x1] =	stream.indirect.gather [hbm4b:s1+s16], $0x80, s31, s16, $0xb8;
	[tilespmem:$0x1DC00] =	vst v63  }
0xbe: {  	_ =	swait.ge [sflag:s21], $0x4000  }
0xbf: {  	[sflag:s21] =	ssyncset.done $0x0  }
0xc0: {  	s30 =	sor.u32 $0x1080, s28;
	[sflag:s21] =	ssyncadd.s32 $0xFFFFC000  }
0xc1: {  	[spmem:s2] =	stream.indirect.scatter.add.f32 [tilespmem:s18], [sflag:$0x6], $0x80, s30, s16, $0xb8;
	[tilespmem:$0x1DC00] =	vst v63  }
0xc2: {  	_ =	swait.ge [sflag:s22], $0x4000  }
0xc3: {  	[sflag:s22] =	ssyncset.done $0x0  }
0xc4: {  	s31 =	sor.u32 $0x180, s28;
	[sflag:s22] =	ssyncadd.s32 $0xFFFFC000  }
0xc5: {  	[tilespmem:s18], [sflag:$0x2] =	stream.indirect.gather [hbm4b:s1+s16], $0x80, s31, s16, $0xb8;
	[tilespmem:$0x1DC00] =	vst v63  }
0xc6: {  	_ =	swait.ge [sflag:s19], $0x4000  }
0xc7: {  	[sflag:s19] =	ssyncset.done $0x0  }
0xc8: {  	s30 =	sor.u32 $0x1100, s28;
	[sflag:s19] =	ssyncadd.s32 $0xFFFFC000  }
0xc9: {  	[spmem:s2] =	stream.indirect.scatter.add.f32 [tilespmem:s17], [sflag:$0x5], $0x80, s30, s16, $0xb8;
	[tilespmem:$0x1DC00] =	vst v63  }
0xca: {  	_ =	swait.ge [sflag:s20], $0x4000  }
0xcb: {  	[sflag:s20] =	ssyncset.done $0x0  }
0xcc: {  	s31 =	sor.u32 $0x200, s28;
	[sflag:s20] =	ssyncadd.s32 $0xFFFFC000  }
0xcd: {  	[tilespmem:s17], [sflag:$0x1] =	stream.indirect.gather [hbm4b:s1+s16], $0x80, s31, s16, $0xb8;
	[tilespmem:$0x1DC00] =	vst v63  }
0xce: {  	_ =	swait.ge [sflag:s21], $0x4000  }
0xcf: {  	[sflag:s21] =	ssyncset.done $0x0  }
0xd0: {  	s30 =	sor.u32 $0x1180, s28;
	[sflag:s21] =	ssyncadd.s32 $0xFFFFC000  }
0xd1: {  	[spmem:s2] =	stream.indirect.scatter.add.f32 [tilespmem:s18], [sflag:$0x6], $0x80, s30, s16, $0xb8;
	[tilespmem:$0x1DC00] =	vst v63  }
0xd2: {  	_ =	swait.ge [sflag:s22], $0x4000  }
0xd3: {  	[sflag:s22] =	ssyncset.done $0x0  }
0xd4: {  	s31 =	sor.u32 $0x280, s28;
	[sflag:s22] =	ssyncadd.s32 $0xFFFFC000  }
0xd5: {  	[tilespmem:s18], [sflag:$0x2] =	stream.indirect.gather [hbm4b:s1+s16], $0x80, s31, s16, $0xb8;
	[tilespmem:$0x1DC00] =	vst v63  }
0xd6: {  	_ =	swait.ge [sflag:s19], $0x4000  }
0xd7: {  	[sflag:s19] =	ssyncset.done $0x0  }
0xd8: {  	s30 =	sor.u32 $0x1200, s28;
	[sflag:s19] =	ssyncadd.s32 $0xFFFFC000  }
0xd9: {  	[spmem:s2] =	stream.indirect.scatter.add.f32 [tilespmem:s17], [sflag:$0x5], $0x80, s30, s16, $0xb8;
	[tilespmem:$0x1DC00] =	vst v63  }
0xda: {  	_ =	swait.ge [sflag:s20], $0x4000  }
0xdb: {  	[sflag:s20] =	ssyncset.done $0x0  }
0xdc: {  	s31 =	sor.u32 $0x300, s28;
	[sflag:s20] =	ssyncadd.s32 $0xFFFFC000  }
0xdd: {  	[tilespmem:s17], [sflag:$0x1] =	stream.indirect.gather [hbm4b:s1+s16], $0x80, s31, s16, $0xb8;
	[tilespmem:$0x1DC00] =	vst v63  }
0xde: {  	_ =	swait.ge [sflag:s21], $0x4000  }
0xdf: {  	[sflag:s21] =	ssyncset.done $0x0  }
0xe0: {  	s30 =	sor.u32 $0x1280, s28;
	[sflag:s21] =	ssyncadd.s32 $0xFFFFC000  }
0xe1: {  	[spmem:s2] =	stream.indirect.scatter.add.f32 [tilespmem:s18], [sflag:$0x6], $0x80, s30, s16, $0xb8;
	[tilespmem:$0x1DC00] =	vst v63  }
0xe2: {  	_ =	swait.ge [sflag:s22], $0x4000  }
0xe3: {  	[sflag:s22] =	ssyncset.done $0x0  }
0xe4: {  	s31 =	sor.u32 $0x380, s28;
	[sflag:s22] =	ssyncadd.s32 $0xFFFFC000  }
0xe5: {  	[tilespmem:s18], [sflag:$0x2] =	stream.indirect.gather [hbm4b:s1+s16], $0x80, s31, s16, $0xb8;
	[tilespmem:$0x1DC00] =	vst v63  }
0xe6: {  	_ =	swait.ge [sflag:s19], $0x4000  }
0xe7: {  	[sflag:s19] =	ssyncset.done $0x0  }
0xe8: {  	s30 =	sor.u32 $0x1300, s28;
	[sflag:s19] =	ssyncadd.s32 $0xFFFFC000  }
0xe9: {  	[spmem:s2] =	stream.indirect.scatter.add.f32 [tilespmem:s17], [sflag:$0x5], $0x80, s30, s16, $0xb8;
	[tilespmem:$0x1DC00] =	vst v63  }
0xea: {  	_ =	swait.ge [sflag:s20], $0x4000  }
0xeb: {  	[sflag:s20] =	ssyncset.done $0x0  }
0xec: {  	s31 =	sor.u32 $0x400, s28;
	[sflag:s20] =	ssyncadd.s32 $0xFFFFC000  }
0xed: {  	[tilespmem:s17], [sflag:$0x1] =	stream.indirect.gather [hbm4b:s1+s16], $0x80, s31, s16, $0xb8;
	[tilespmem:$0x1DC00] =	vst v63  }
0xee: {  	_ =	swait.ge [sflag:s21], $0x4000  }
0xef: {  	[sflag:s21] =	ssyncset.done $0x0  }
0xf0: {  	s30 =	sor.u32 $0x1380, s28;
	[sflag:s21] =	ssyncadd.s32 $0xFFFFC000  }
0xf1: {  	[spmem:s2] =	stream.indirect.scatter.add.f32 [tilespmem:s18], [sflag:$0x6], $0x80, s30, s16, $0xb8;
	[tilespmem:$0x1DC00] =	vst v63  }
0xf2: {  	_ =	swait.ge [sflag:s22], $0x4000  }
0xf3: {  	[sflag:s22] =	ssyncset.done $0x0  }
0xf4: {  	s31 =	sor.u32 $0x480, s28;
	[sflag:s22] =	ssyncadd.s32 $0xFFFFC000  }
0xf5: {  	[tilespmem:s18], [sflag:$0x2] =	stream.indirect.gather [hbm4b:s1+s16], $0x80, s31, s16, $0xb8;
	[tilespmem:$0x1DC00] =	vst v63  }
0xf6: {  	_ =	swait.ge [sflag:s19], $0x4000  }
0xf7: {  	[sflag:s19] =	ssyncset.done $0x0  }
0xf8: {  	s30 =	sor.u32 $0x1400, s28;
	[sflag:s19] =	ssyncadd.s32 $0xFFFFC000  }
0xf9: {  	[spmem:s2] =	stream.indirect.scatter.add.f32 [tilespmem:s17], [sflag:$0x5], $0x80, s30, s16, $0xb8;
	[tilespmem:$0x1DC00] =	vst v63  }
0xfa: {  	_ =	swait.ge [sflag:s20], $0x4000  }
0xfb: {  	[sflag:s20] =	ssyncset.done $0x0  }
0xfc: {  	s31 =	sor.u32 $0x500, s28;
	[sflag:s20] =	ssyncadd.s32 $0xFFFFC000  }
0xfd: {  	[tilespmem:s17], [sflag:$0x1] =	stream.indirect.gather [hbm4b:s1+s16], $0x80, s31, s16, $0xb8;
	[tilespmem:$0x1DC00] =	vst v63  }
0xfe: {  	_ =	swait.ge [sflag:s21], $0x4000  }
0xff: {  	[sflag:s21] =	ssyncset.done $0x0  }
0x100: {  	s30 =	sor.u32 $0x1480, s28;
	[sflag:s21] =	ssyncadd.s32 $0xFFFFC000  }
0x101: {  	[spmem:s2] =	stream.indirect.scatter.add.f32 [tilespmem:s18], [sflag:$0x6], $0x80, s30, s16, $0xb8;
	[tilespmem:$0x1DC00] =	vst v63  }
0x102: {  	_ =	swait.ge [sflag:s22], $0x4000  }
0x103: {  	[sflag:s22] =	ssyncset.done $0x0  }
0x104: {  	s31 =	sor.u32 $0x580, s28;
	[sflag:s22] =	ssyncadd.s32 $0xFFFFC000  }
0x105: {  	[tilespmem:s18], [sflag:$0x2] =	stream.indirect.gather [hbm4b:s1+s16], $0x80, s31, s16, $0xb8;
	[tilespmem:$0x1DC00] =	vst v63  }
0x106: {  	_ =	swait.ge [sflag:s19], $0x4000  }
0x107: {  	[sflag:s19] =	ssyncset.done $0x0  }
0x108: {  	s30 =	sor.u32 $0x1500, s28;
	[sflag:s19] =	ssyncadd.s32 $0xFFFFC000  }
0x109: {  	[spmem:s2] =	stream.indirect.scatter.add.f32 [tilespmem:s17], [sflag:$0x5], $0x80, s30, s16, $0xb8;
	[tilespmem:$0x1DC00] =	vst v63  }
0x10a: {  	_ =	swait.ge [sflag:s20], $0x4000  }
0x10b: {  	[sflag:s20] =	ssyncset.done $0x0  }
0x10c: {  	s31 =	sor.u32 $0x600, s28;
	[sflag:s20] =	ssyncadd.s32 $0xFFFFC000  }
0x10d: {  	[tilespmem:s17], [sflag:$0x1] =	stream.indirect.gather [hbm4b:s1+s16], $0x80, s31, s16, $0xb8;
	[tilespmem:$0x1DC00] =	vst v63  }
0x10e: {  	_ =	swait.ge [sflag:s21], $0x4000  }
0x10f: {  	[sflag:s21] =	ssyncset.done $0x0  }
0x110: {  	s30 =	sor.u32 $0x1580, s28;
	[sflag:s21] =	ssyncadd.s32 $0xFFFFC000  }
0x111: {  	[spmem:s2] =	stream.indirect.scatter.add.f32 [tilespmem:s18], [sflag:$0x6], $0x80, s30, s16, $0xb8;
	[tilespmem:$0x1DC00] =	vst v63  }
0x112: {  	_ =	swait.ge [sflag:s22], $0x4000  }
0x113: {  	[sflag:s22] =	ssyncset.done $0x0  }
0x114: {  	s31 =	sor.u32 $0x680, s28;
	[sflag:s22] =	ssyncadd.s32 $0xFFFFC000  }
0x115: {  	[tilespmem:s18], [sflag:$0x2] =	stream.indirect.gather [hbm4b:s1+s16], $0x80, s31, s16, $0xb8;
	[tilespmem:$0x1DC00] =	vst v63  }
0x116: {  	_ =	swait.ge [sflag:s19], $0x4000  }
0x117: {  	[sflag:s19] =	ssyncset.done $0x0  }
0x118: {  	s30 =	sor.u32 $0x1600, s28;
	[sflag:s19] =	ssyncadd.s32 $0xFFFFC000  }
0x119: {  	[spmem:s2] =	stream.indirect.scatter.add.f32 [tilespmem:s17], [sflag:$0x5], $0x80, s30, s16, $0xb8;
	[tilespmem:$0x1DC00] =	vst v63  }
0x11a: {  	_ =	swait.ge [sflag:s20], $0x4000  }
0x11b: {  	[sflag:s20] =	ssyncset.done $0x0  }
0x11c: {  	s31 =	sor.u32 $0x700, s28;
	[sflag:s20] =	ssyncadd.s32 $0xFFFFC000  }
0x11d: {  	[tilespmem:s17], [sflag:$0x1] =	stream.indirect.gather [hbm4b:s1+s16], $0x80, s31, s16, $0xb8;
	[tilespmem:$0x1DC00] =	vst v63  }
0x11e: {  	_ =	swait.ge [sflag:s21], $0x4000  }
0x11f: {  	[sflag:s21] =	ssyncset.done $0x0  }
0x120: {  	s30 =	sor.u32 $0x1680, s28;
	[sflag:s21] =	ssyncadd.s32 $0xFFFFC000  }
0x121: {  	[spmem:s2] =	stream.indirect.scatter.add.f32 [tilespmem:s18], [sflag:$0x6], $0x80, s30, s16, $0xb8;
	[tilespmem:$0x1DC00] =	vst v63  }
0x122: {  	_ =	swait.ge [sflag:s22], $0x4000  }
0x123: {  	[sflag:s22] =	ssyncset.done $0x0  }
0x124: {  	s31 =	sor.u32 $0x780, s28;
	[sflag:s22] =	ssyncadd.s32 $0xFFFFC000  }
0x125: {  	[tilespmem:s18], [sflag:$0x2] =	stream.indirect.gather [hbm4b:s1+s16], $0x80, s31, s16, $0xb8;
	[tilespmem:$0x1DC00] =	vst v63  }
0x126: {  	_ =	swait.ge [sflag:s19], $0x4000  }
0x127: {  	[sflag:s19] =	ssyncset.done $0x0  }
0x128: {  	s28 =	sor.u32 $0x1700, s28;
	[sflag:s19] =	ssyncadd.s32 $0xFFFFC000  }
0x129: {  	[spmem:s2] =	stream.indirect.scatter.add.f32 [tilespmem:s17], [sflag:$0x5], $0x80, s28, s16, $0xb8;
	[tilespmem:$0x1DC00] =	vst v63  }
0x12a: {  	_ =	swait.ge [sflag:s20], $0x4000  }
0x12b: {  	[sflag:s20] =	ssyncset.done $0x0  }
0x12c: {  	s28 =	simm.s32 @!p1 $0x3;
	[sflag:s20] =	ssyncadd.s32 $0xFFFFC000  }
0x12d: {  	_ =	swait.ge @!p1 [sflag:s28], $0x800  }
0x12e: {  	[sflag:s28] =	ssyncset.done @!p1 $0x0  }
0x12f: {  	[sflag:s28] =	ssyncadd.s32 @!p1 $0xFFFFF800;
	s28 =	simm.s32 @!p1 $0x4  }
0x130: {  	s24 =	sadd.s32 $0x800, s24;
	_ =	swait.ge @!p1 [sflag:s28], $0x800  }
0x131: {  	p0 =	sne.s32 s24, $0x2800;
	[sflag:s28] =	ssyncset.done @!p1 $0x0  }
0x132: {  	s30 =	simm.s32 @!p1 $0x2000;
	[sflag:s28] =	ssyncadd.s32 @!p1 $0xFFFFF800;
	s28 =	simm.s32 @!p1 $0x80  }
0x133: {  	[tilespmem:s30], [sflag:$0x1] =	stream.indirect.gather @!p1 [hbm4b:s1+s28], $0x80, s26, s28, $0xb8;
	[tilespmem:$0x1DC00] =	vst v63  }
.Ltmp0:
0x134: {  	_ =	swait.ge [sflag:s21], $0x4000;
	(pc) =	sbr.rel @p0 .LBB2_2-.Ltmp0, $4  }
0x135: {  	[sflag:s21] =	ssyncset.done $0x0  }
0x136: {  	s31 =	sor.u32 $0x1000, s31;
	[sflag:s21] =	ssyncadd.s32 $0xFFFFC000  }
0x137: {  	[spmem:s2] =	stream.indirect.scatter.add.f32 [tilespmem:s18], [sflag:$0x6], $0x80, s31, s16, $0xb8;
	[tilespmem:$0x1DC00] =	vst v63  }
0x138: {  	_ =	swait.ge [sflag:s22], $0x4000  }
0x139: {  	[sflag:s22] =	ssyncset.done $0x0;
	s23 =	sadd.s32 $0x1, s23  }
0x13a: {  	[sflag:s22] =	ssyncadd.s32 $0xFFFFC000;
	p0 =	sne.s32 s23, s12  }
.Ltmp1:
0x13b: {  	[bflag:$0x0] =	sbarrier.arrive $0xFFFF;
	(pc) =	sbr.rel @p0 .LBB2_1-.Ltmp1, $4  }
0x13c: {  	[hbm:s11], [sflag:s8] =	dma.local [spmem:s13], $0x2780  }
0x13d: {  	_ =	swait.ge [sflag:s14], $0x2780  }
0x13e: {  	[sflag:s14] =	ssyncset.done $0x0  }
0x13f: {  	[sflag:s14] =	ssyncadd.s32 $0xFFFFD880  }
0x140: {  	_ =	sfence.sel $0x180000  }
0x141: {  	[bflag:$0x0] =	sbarrier.arrive $0xFFFF  }
0x142: {  	p0 =	sne.s32 s3, $0x0;
	_ =	strace $0x9000004D  }
0x143: {  	s0 =	sadd.s32 @!p0 $0x100000, s0;
	[bflag:$0x2] =	sbarrier.arrive $0xFFFF  }
0x144: {  	[sflag:s0] =	ssyncadd.tile.s32 @!p0 $0x1;
	_ =	shalt  }
.Lfunc_end2:
_tile_overlayer_lowered:
.L_overlay_start_2:
0x145: {  	(tag) =	ssettag $0x2  }
0x146: {  	s0 =	rddreg [dreg:$0x0];
	s2 =	stileid.u32  }
0x147: {  	s1 =	rddreg [dreg:$0x1];
	p0 =	sne.s32 s2, $0x0  }
0x148: {  	s3 =	rddreg [dreg:$0x2];
	[bflag:$0x3] =	sbarrier.arrive $0xFFFF;
	s2 =	simm.s32 @!p0 $0x1C07  }
0x149: {  	[timem:s3], [sflag:s2] =	dma.local @!p0 [hbm:s0], s1  }
0x14a: {  	s0 =	simm.s32 @!p0 $0x7  }
0x14b: {  	_ =	swait.ge @!p0 [sflag:s0], s1  }
0x14c: {  	s1 =	ssub.s32 @!p0 $0x0, s1;
	[sflag:s0] =	ssyncset.done @!p0 $0x0  }
0x14d: {  	[sflag:s0] =	ssyncadd.s32 @!p0 s1  }
0x14e: {  	[bflag:$0x3] =	sbarrier.arrive $0xFFFF  }
0x14f: {  	_ =	shalt  }

// kernel: kernel.9.cloned.1.call-start
scs
__scs_entry_jumppad:
0x0: {  	(pc) =	sbr.rel $0x88, $3  }
0x1: {  	(tag) =	ssettag $0x0;
	lr =	simm.s32 $0x1  }
0x2: {  	[smem:$0x3F99] =	sst lr;
	_ =	strace $0xD0000000  }
0x3: {  	_ = 	snop  }
0x4: {  	_ = 	snop  }
0x5: {  	_ = 	snop  }
0x6: {  	_ = 	snop  }
0x7: {  	_ = 	snop  }
__scs_overlays_trampoline_lowered:
0x8: {  	[smem:$0x3FA8] =	sst s0  }
0x9: {  	[smem:$0x3FA9] =	sst s1  }
0xa: {  	[smem:$0x3FAA] =	sst s2  }
0xb: {  	[smem:$0x3FAB] =	sst s3  }
0xc: {  	[smem:$0x3FAC] =	sst s4  }
0xd: {  	[smem:$0x3FAD] =	sst s5  }
0xe: {  	[smem:$0x3FAE] =	sst s6  }
0xf: {  	[smem:$0x3FAF] =	sst s7  }
0x10: {  	[smem:$0x3FB0] =	sst s8  }
0x11: {  	[smem:$0x3FB1] =	sst s9;
	s0 =	simm.s32 @!p0 $0x0  }
0x12: {  	s1 =	sld [smem:$0x3F97];
	s0 =	simm.s32 @p0 $0x1  }
0x13: {  	[smem:$0x3FB2] =	sst s0;
	s0 =	simm.s32 @!p1 $0x0  }
0x14: {  	s2 =	sld [smem:$0x3F96];
	s0 =	simm.s32 @p1 $0x1  }
0x15: {  	[smem:$0x3FB3] =	sst s0;
	s0 =	simm.s32 @!p2 $0x0  }
0x16: {  	s3 =	sld [smem:$0x3FDB];
	s0 =	simm.s32 @p2 $0x1  }
0x17: {  	s4 =	simm.s32 $0x1BF5;
	[smem:$0x3FB5] =	sst s0  }
0x18: {  	s0 =	sld [smem:$0x3F98];
	_ =	swait.ge [sflag:s4], $0x0  }
0x19: {  	s7 =	sld [smem:$0x3F99]  }
0x1a: {  	s8 =	sadd.s32 $0xFFFFE003, lr  }
0x1b: {  	s9 =	sadd.s32 $0xFFFFFEF7, lr;
	s5 =	simm.s32 $0xFFFFFFFF;
	p2 =	slt.u32 s8, $0xFFFFF086  }
0x1c: {  	p1 =	slt.u32 s9, $0xF7A;
	s5 =	simm.s32 @!p2 $0x0  }
0x1d: {  	s5 =	simm.s32 @p1 $0x1;
	p0 =	seq.s32 s7, s2  }
0x1e: {  	s7 =	smul.u32 @!p0 $0xF7A, s2;
	p2 =	seq.s32 @!p0 s5, $0x0  }
0x1f: {  	s9 =	smul.u32 $0xF7A, s1;
	s8 =	simm.s32 @!p0 $0x1BF5;
	p2 =	por !p2, p0  }
0x20: {  	[sflag:s8] =	ssyncset.s32 @!p0 $0xFFFFF086;
	s6 =	sadd.s32 @!p0 s3, s7;
	s7 =	simm.s32 @!p0 $0x108  }
0x21: {  	s3 =	sadd.s32 s3, s9;
	s6 =	sadd.s32 @!p0 $0x88, s6;
	s7 =	simm.s32 @p2 $0x1082  }
0x22: {  	[simem:s7], [sflag:s8] =	dma.local @!p0 [hbm:s6], $0xF7A  }
0x23: {  	s9 =	sor.u32 $0xD0000000, s2;
	s6 =	simm.s32 $0x108;
	_ =	swait.ge @!p0 [sflag:s8], $0x0  }
0x24: {  	s3 =	sadd.s32 $0x88, s3;
	s6 =	simm.s32 @!p1 $0x1082;
	[sflag:s4] =	ssyncset.s32 $0xFFFFF086  }
0x25: {  	[simem:s6], [sflag:s4] =	dma.local [hbm:s3], $0xF7A  }
0x26: {  	[smem:$0x3F99] =	sst s1;
	(tag) =	ssettag s2;
	_ =	strace s9  }
0x27: {  	s1 =	sld [smem:$0x3FA9]  }
0x28: {  	s2 =	sld [smem:$0x3FAA]  }
0x29: {  	s4 =	sld [smem:$0x3FAC]  }
0x2a: {  	p0 =	seq.s32 s5, $0x0;
	s5 =	sld [smem:$0x3FAD]  }
0x2b: {  	s6 =	sld [smem:$0x3FAE]  }
0x2c: {  	s7 =	sld [smem:$0x3FAF]  }
0x2d: {  	s3 =	simm.s32 $0x108;
	s8 =	sld [smem:$0x3FB0]  }
0x2e: {  	s3 =	simm.s32 @!p0 $0x1082;
	s9 =	sld [smem:$0x3FB1]  }
0x2f: {  	lr =	sadd.s32 s0, s3;
	s0 =	sld [smem:$0x3FA8]  }
0x30: {  	s3 =	sld [smem:$0x3FAB]  }
0x31: {  	[smem:$0x3FB4] =	sst s10  }
0x32: {  	s10 =	sld [smem:$0x3FB2];
	_ =	sdelay $0x3  }
0x33: {  	p0 =	seq.s32 s10, $0x1;
	s10 =	sld [smem:$0x3FB4];
	_ =	sdelay $0x3  }
0x34: {  	[smem:$0x3FB4] =	sst s10  }
0x35: {  	s10 =	sld [smem:$0x3FB3];
	_ =	sdelay $0x3  }
0x36: {  	p1 =	seq.s32 s10, $0x1;
	s10 =	sld [smem:$0x3FB4];
	_ =	sdelay $0x3  }
0x37: {  	[smem:$0x3FB4] =	sst s10  }
0x38: {  	s10 =	sld [smem:$0x3FB5]  }
0x39: {  	_ = 	snop;
	(pc) =	sbr.ind lr, $3  }
0x3a: {  	_ = 	snop  }
0x3b: {  	_ = 	snop  }
0x3c: {  	p2 =	seq.s32 s10, $0x1;
	s10 =	sld [smem:$0x3FB4]  }
0x3d: {  	_ =	shalt  }
0x3e: {  	_ =	shalt  }
0x3f: {  	_ =	shalt  }
0x40: {  	_ =	shalt  }
0x41: {  	_ =	shalt  }
0x42: {  	_ =	shalt  }
0x43: {  	_ =	shalt  }
0x44: {  	_ =	shalt  }
0x45: {  	_ =	shalt  }
0x46: {  	_ =	shalt  }
0x47: {  	_ =	shalt  }
0x48: {  	_ =	shalt  }
0x49: {  	_ =	shalt  }
0x4a: {  	_ =	shalt  }
0x4b: {  	_ =	shalt  }
0x4c: {  	_ =	shalt  }
0x4d: {  	_ =	shalt  }
0x4e: {  	_ =	shalt  }
0x4f: {  	_ =	shalt  }
0x50: {  	_ =	shalt  }
0x51: {  	_ =	shalt  }
0x52: {  	_ =	shalt  }
0x53: {  	_ =	shalt  }
0x54: {  	_ =	shalt  }
0x55: {  	_ =	shalt  }
0x56: {  	_ =	shalt  }
0x57: {  	_ =	shalt  }
0x58: {  	_ =	shalt  }
0x59: {  	_ =	shalt  }
0x5a: {  	_ =	shalt  }
0x5b: {  	_ =	shalt  }
0x5c: {  	_ =	shalt  }
0x5d: {  	_ =	shalt  }
0x5e: {  	_ =	shalt  }
0x5f: {  	_ =	shalt  }
0x60: {  	_ =	shalt  }
0x61: {  	_ =	shalt  }
0x62: {  	_ =	shalt  }
0x63: {  	_ =	shalt  }
0x64: {  	_ =	shalt  }
0x65: {  	_ =	shalt  }
0x66: {  	_ =	shalt  }
0x67: {  	_ =	shalt  }
0x68: {  	_ =	shalt  }
0x69: {  	_ =	shalt  }
0x6a: {  	_ =	shalt  }
0x6b: {  	_ =	shalt  }
0x6c: {  	_ =	shalt  }
0x6d: {  	_ =	shalt  }
0x6e: {  	_ =	shalt  }
0x6f: {  	_ =	shalt  }
0x70: {  	_ =	shalt  }
0x71: {  	_ =	shalt  }
0x72: {  	_ =	shalt  }
0x73: {  	_ =	shalt  }
0x74: {  	_ =	shalt  }
0x75: {  	_ =	shalt  }
0x76: {  	_ =	shalt  }
0x77: {  	_ =	shalt  }
0x78: {  	_ =	shalt  }
0x79: {  	_ =	shalt  }
0x7a: {  	_ =	shalt  }
0x7b: {  	_ =	shalt  }
0x7c: {  	_ =	shalt  }
0x7d: {  	_ =	shalt  }
0x7e: {  	_ =	shalt  }
0x7f: {  	_ =	shalt  }
0x80: {  	_ =	shalt  }
0x81: {  	_ =	shalt  }
0x82: {  	_ =	shalt  }
0x83: {  	_ =	shalt  }
0x84: {  	_ =	shalt  }
0x85: {  	_ =	shalt  }
0x86: {  	_ =	shalt  }
0x87: {  	_ =	shalt  }
.Lfunc_end0:
.L_simem_size_0:
called_computation_lowered:
.L_overlay_start_0:
0x88: {  	s2 =	sld [smem:$0x3FD9]  }
0x89: {  	s3 =	sld [smem:$0x3FFE];
	_ =	sdelay $0x1  }
0x8a: {  	s1 =	srdreg.scid  }
0x8b: {  	s0 =	sand.u32 $0x1, s1  }
0x8c: {  	s17 =	sshll.u32 s0, $0xA;
	s2 =	sadd.s32 s3, s2  }
0x8d: {  	s2 =	sadd.s32 s2, s17  }
0x8e: {  	[smem:$0x3FC0] =	sst s2  }
0x8f: {  	_ = 	snop  }
0x90: {  	s2 =	sld [smem:$0x3FD0];
	(tm) =	ssettm $0x1  }
0x91: {  	s18 =	sld [smem:$0x3FFB];
	_ =	sdelay $0x3  }
0x92: {  	_ =	strace s18  }
0x93: {  	s3 =	sld [smem:$0x3FFC];
	_ =	sdelay $0x3  }
0x94: {  	_ =	strace s3  }
0x95: {  	s3 =	sld [smem:$0x3FFD];
	_ =	sdelay $0x3  }
0x96: {  	_ =	strace s3  }
0x97: {  	_ =	strace $0x8FFFFFFF  }
0x98: {  	s19 =	sld [smem:$0x3FDB];
	_ =	sdelay $0x1  }
0x99: {  	s4 =	simm.s32 $_scs_section_size  }
0x9a: {  	s5 =	simm.s32 $_size__tile_overlayer_lowered;
	s6 =	simm.s32 $_tile_overlayer_lowered  }
0x9b: {  	s22 =	simm.s32 $0x1BFF;
	s21 =	sshll.u32 s6, $0x1;
	s3 =	sadd.s32 s4, s19  }
0x9c: {  	s7 =	simm.s32 $0x0;
	s20 =	sshll.u32 s5, $0x1;
	s5 =	sadd.s32 s21, s3  }
0x9d: {  	[timem:s7], [sflag:s22] =	dma.local [hbm:s5], s20  }
0x9e: {  	_ =	swait.ge [sflag:s22], s20  }
0x9f: {  	s4 =	ssub.s32 $0x0, s20;
	[sflag:s22] =	ssyncset.done $0x0  }
0xa0: {  	[sflag:s22] =	ssyncadd.s32 s4;
	_ =	sdelay $0x1  }
0xa1: {  	s23 =	simm.s32 $0x1B8B  }
0xa2: {  	_ =	swait.ge [sflag:s23], $0x1  }
0xa3: {  	[sflag:s23] =	ssyncset.done $0x0  }
0xa4: {  	s25 =	simm.s32 $0x1B8E;
	s24 =	sld [smem:$0x3FFE];
	[sflag:s23] =	ssyncadd.s32 $0xFFFFFFFF  }
0xa5: {  	s26 =	simm.s32 $execute0_lowered;
	[smem:$0x3FD2] =	sst s25  }
0xa6: {  	s5 =	sshll.u32 s26, $0x1;
	_ =	strace $0x80000046;
	[dreg:$0x1] =	wrdreg $0xFFFFFFFF  }
0xa7: {  	s28 =	simm.s32 $_size_execute0_lowered;
	s3 =	sadd.s32 s3, s5;
	[dreg:$0x0] =	wrdreg $0x0  }
0xa8: {  	s5 =	sshll.u32 s28, $0x1;
	[dreg:$0x2] =	wrdreg s3  }
0xa9: {  	[dreg:$0x3] =	wrdreg s5  }
0xaa: {  	[dreg:$0x4] =	wrdreg $0xC0  }
0xab: {  	_ =	task [dreg:s7], $0x5FFFF  }
0xac: {  	[dreg:$0x1] =	wrdreg $0xFFFFFFFF  }
0xad: {  	[dreg:$0x0] =	wrdreg $0x60  }
0xae: {  	[dreg:$0x2] =	wrdreg s24  }
0xaf: {  	[dreg:$0x3] =	wrdreg s2  }
0xb0: {  	[dreg:$0x4] =	wrdreg $0x2B000  }
0xb1: {  	[dreg:$0x5] =	wrdreg $0x9  }
0xb2: {  	_ =	task.clear_ibuf [dreg:s7], $0x6FFFF;
	_ =	strace $0x90000046  }
0xb3: {  	s29 =	simm.s32 $0x9;
	_ =	strace $0x80000048  }
0xb4: {  	_ =	swait.ge [sflag:s29], $0x1  }
0xb5: {  	[sflag:s29] =	ssyncadd.s32 $0xFFFFFFFF  }
0xb6: {  	_ =	strace $0x90000048  }
0xb7: {  	_ =	sfence  }
0xb8: {  	s30 =	sld [smem:$0x0];
	_ =	sdelay $0x2  }
0xb9: {  	s31 =	sshll.u32 s1, $0xD;
	s1 =	sshrl.u32 s1, $0x2  }
0xba: {  	s3 =	sand.u32 $0x4000, s31;
	s1 =	sadd.s32 s1, s30  }
0xbb: {  	s0 =	sor.u32 s3, s0;
	s1 =	sshll.u32 s1, $0x11  }
0xbc: {  	s0 =	sor.u32 s1, s0  }
0xbd: {  	s0 =	sadd.s32 $0x8F2B, s0  }
0xbe: {  	[sflag:s0] =	ssyncadd.remote.s32 $0x1  }
0xbf: {  	_ =	sfence.sel $0xFFFF  }
0xc0: {  	[dreg:$0x0] =	wrdreg $0xFFFFFFFF;
	(pc) =	sbr.abs _section_cstart, $3  }
0xc1: {  	[dreg:$0x1] =	wrdreg $0xFFFFFFFF  }
0xc2: {  	_ =	task.clear_ibuf [dreg:s7], $0x2FFFF;
	_ =	strace $0x9FFFFFFF  }
0xc3: {  	(tm) =	ssettm $0x7FFFFFFF  }
tec
execute0_lowered:
.L_overlay_start_1:
0x0: {  	(tag) =	ssettag $0x1  }
0x1: {  	s4 =	rddreg [dreg:$0x0]  }
0x2: {  	s6 =	rddreg [dreg:$0x1];
	s1 =	srdreg.scid  }
0x3: {  	s0 =	stileid.u32;
	s2 =	rddreg [dreg:$0x2]  }
0x4: {  	s3 =	simm.s32 $0x0;
	s11 =	simm.s32 $0x2800;
	s12 =	simm.s32 $0x1  }
0x5: {  	s15 =	simm.s32 $0x20;
	s16 =	simm.s32 $0x10;
	s17 =	simm.s32 $0x0  }
0x6: {  	s5 =	sand.u32 $0x1, s1;
	s1 =	rddreg [dreg:$0x3];
	s8 =	smul.u32 $0x500, s0  }
0x7: {  	s7 =	sshll.u32 s0, $0x1;
	[smem:$0x7FF] =	sst s3;
	s10 =	smul.u32 $0xA00, s0  }
0x8: {  	s13 =	sshll.u32 s0, $0x6;
	s7 =	sor.u32 s5, s7;
	_ =	strace $0x80000047  }
0x9: {  	s9 =	ssub.s32 $0x2, s5;
	s5 =	sshll.u32 s5, $0x7;
	s13 =	sor.u32 $0x1C02, s13  }
0xa: {  	s7 =	smul.u32 $0x500, s7;
	s29 =	sshrl.u32 s9, $0x1;
	s5 =	sor.u32 s5, s8  }
0xb: {  	s30 =	sshrl.u32 s10, $0x2;
	s8 =	simm.s32 $0x2;
	s10 =	simm.s32 $0x80  }
0xc: {  	s31 =	sshrl.u32 s5, $0x3;
	s5 =	sadd.s32 s30, s2;
	s4 =	sadd.s32 s7, s4  }
0xd: {  	s7 =	ssub.s32 s9, s29;
	s6 =	sadd.s32 s6, s31;
	s9 =	simm.s32 $0x2880  }
0xe: {  	v0 =	vimm.f32 $1.000000000e+00;
	v1 =	vimm.f32 $0.0e+00;
	s14 =	sshrl.u32 s5, $0x3;
	s4 =	sadd.s32 $0x2C00, s4;
	s7 =	smax.u32 s7, $0x1  }
.LBB2_1:
0xf: {  	[tilespmem:s3], [sflag:$0x2] =	stream.linear.gather [hbm4b:s4+s3], $0x2800, $0x38;
	[tilespmem:$0x2D80] =	vst v63  }
0x10: {  	_ =	swait.ge [sflag:s8], $0x2800  }
0x11: {  	[sflag:s8] =	ssyncset.done $0x0  }
0x12: {  	[sflag:s8] =	ssyncadd.s32 $0xFFFFD800  }
0x13: {  	[tilespmem:$0x2800] =	vst v0  }
0x14: {  	[tilespmem:$0x2810] =	vst v0  }
0x15: {  	[tilespmem:$0x2820] =	vst v0  }
0x16: {  	[tilespmem:$0x2830] =	vst v0  }
0x17: {  	[tilespmem:$0x2840] =	vst v0  }
0x18: {  	[tilespmem:$0x2850] =	vst v0  }
0x19: {  	[tilespmem:$0x2860] =	vst v0  }
0x1a: {  	[tilespmem:$0x2870] =	vst v0  }
0x1b: {  	[tilespmem:$0x2880] =	vst v1  }
0x1c: {  	[tilespmem:$0x2890] =	vst v1  }
0x1d: {  	[tilespmem:$0x28A0] =	vst v1  }
0x1e: {  	[tilespmem:$0x28B0] =	vst v1  }
0x1f: {  	[tilespmem:$0x28C0] =	vst v1  }
0x20: {  	[tilespmem:$0x28D0] =	vst v1  }
0x21: {  	[tilespmem:$0x28E0] =	vst v1  }
0x22: {  	[tilespmem:$0x28F0] =	vst v1  }
0x23: {  	[tilespmem:$0x2900] =	vst v1  }
0x24: {  	[tilespmem:$0x2910] =	vst v1  }
0x25: {  	[tilespmem:$0x2920] =	vst v1  }
0x26: {  	[tilespmem:$0x2930] =	vst v1  }
0x27: {  	[tilespmem:$0x2940] =	vst v1  }
0x28: {  	[tilespmem:$0x2950] =	vst v1  }
0x29: {  	[tilespmem:$0x2960] =	vst v1  }
0x2a: {  	[tilespmem:$0x2970] =	vst v1  }
0x2b: {  	[tilespmem:$0x2980] =	vst v1  }
0x2c: {  	[tilespmem:$0x2990] =	vst v1  }
0x2d: {  	[tilespmem:$0x29A0] =	vst v1  }
0x2e: {  	[tilespmem:$0x29B0] =	vst v1  }
0x2f: {  	[tilespmem:$0x29C0] =	vst v1  }
0x30: {  	[tilespmem:$0x29D0] =	vst v1  }
0x31: {  	[tilespmem:$0x29E0] =	vst v1  }
0x32: {  	[tilespmem:$0x29F0] =	vst v1  }
0x33: {  	[tilespmem:$0x2A00] =	vst v1  }
0x34: {  	[tilespmem:$0x2A10] =	vst v1  }
0x35: {  	[tilespmem:$0x2A20] =	vst v1  }
0x36: {  	[tilespmem:$0x2A30] =	vst v1  }
0x37: {  	[tilespmem:$0x2A40] =	vst v1  }
0x38: {  	[tilespmem:$0x2A50] =	vst v1  }
0x39: {  	[tilespmem:$0x2A60] =	vst v1  }
0x3a: {  	[tilespmem:$0x2A70] =	vst v1  }
0x3b: {  	[tilespmem:$0x2A80] =	vst v1  }
0x3c: {  	[tilespmem:$0x2A90] =	vst v1  }
0x3d: {  	[tilespmem:$0x2AA0] =	vst v1  }
0x3e: {  	[tilespmem:$0x2AB0] =	vst v1  }
0x3f: {  	[tilespmem:$0x2AC0] =	vst v1  }
0x40: {  	[tilespmem:$0x2AD0] =	vst v1  }
0x41: {  	[tilespmem:$0x2AE0] =	vst v1  }
0x42: {  	[tilespmem:$0x2AF0] =	vst v1  }
0x43: {  	[spmem:s5] =	stream.linear.scatter [tilespmem:s9], [sflag:$0x2], $0x280, $0x38;
	[tilespmem:$0x2D80] =	vst v63  }
0x44: {  	_ =	swait.ge [sflag:s8], $0x280  }
0x45: {  	[sflag:s8] =	ssyncset.done $0x0  }
0x46: {  	[sflag:s8] =	ssyncadd.s32 $0xFFFFFD80  }
0x47: {  	s18 =	simm.s32 $0x0;
	[bflag:$0x0] =	sbarrier.arrive $0xFFFF  }
.LBB2_2:
0x48: {  	p0 =	sne.s32 s18, $0x9E00  }
.Ltmp0:
0x49: {  	_ = 	snop;
	(pc) =	sbr.rel @p0 .LBB2_2-.Ltmp0, $3  }
0x4a: {  	_ =	sdelay $0x1  }
0x4b: {  	s19 =	sshra.s32 s18, $0x2;
	s18 =	sadd.s32 $0x200, s18  }
0x4c: {  	[spmem:s2] =	stream.indirect.scatter.add.f32 [tilespmem:s11], [sflag:$0x1], $0x1, s19, s10, $0xb8;
	[tilespmem:$0x2D80] =	vst v63  }
0x4d: {  	_ =	swait.ge [sflag:s12], $0x80  }
0x4e: {  	s18 =	simm.s32 $0x4F;
	[sflag:s12] =	ssyncset.done $0x0  }
.LBB2_4:
0x4f: {  	p0 =	sne.s32 s18, $0x1;
	s18 =	sadd.s32 $0xFFFFFFFF, s18;
	[sflag:s12] =	ssyncadd.s32 $0xFFFFFF80  }
.Ltmp1:
0x50: {  	(pc) =	sbr.rel @p0 .LBB2_4-.Ltmp1, $3  }
0x51: {  	_ =	sdelay $0x1  }
0x52: {  	_ =	swait.ge [sflag:s12], $0x80  }
0x53: {  	[sflag:s12] =	ssyncset.done $0x0  }
0x54: {  	s17 =	sadd.s32 $0x1, s17  }
0x55: {  	[sflag:s12] =	ssyncadd.s32 $0xFFFFFF80;
	p0 =	sne.s32 s17, s7  }
.Ltmp2:
0x56: {  	[bflag:$0x0] =	sbarrier.arrive $0xFFFF;
	(pc) =	sbr.rel @p0 .LBB2_1-.Ltmp2, $4  }
0x57: {  	[hbm:s6@s15], [sflag:s13] =	dma.strided [spmem:s14@s16], $0x50, s12, $0x10   }
0x58: {  	_ =	swait.ge [sflag:s8], $0x50  }
0x59: {  	[sflag:s8] =	ssyncset.done $0x0  }
0x5a: {  	[sflag:s8] =	ssyncadd.s32 $0xFFFFFFB0  }
0x5b: {  	_ =	sfence.sel $0x180000  }
0x5c: {  	[bflag:$0x0] =	sbarrier.arrive $0xFFFF  }
0x5d: {  	p0 =	sne.s32 s0, $0x0;
	_ =	strace $0x90000047  }
0x5e: {  	s0 =	sadd.s32 @!p0 $0x100000, s1;
	[bflag:$0x2] =	sbarrier.arrive $0xFFFF  }
0x5f: {  	[sflag:s0] =	ssyncadd.tile.s32 @!p0 $0x1;
	_ =	shalt  }
.Lfunc_end2:
_tile_overlayer_lowered:
.L_overlay_start_2:
0x60: {  	(tag) =	ssettag $0x2  }
0x61: {  	s0 =	rddreg [dreg:$0x0];
	s2 =	stileid.u32  }
0x62: {  	s1 =	rddreg [dreg:$0x1];
	p0 =	sne.s32 s2, $0x0  }
0x63: {  	s3 =	rddreg [dreg:$0x2];
	[bflag:$0x3] =	sbarrier.arrive $0xFFFF;
	s2 =	simm.s32 @!p0 $0x1C02  }
0x64: {  	[timem:s3], [sflag:s2] =	dma.local @!p0 [hbm:s0], s1  }
0x65: {  	s0 =	simm.s32 @!p0 $0x2  }
0x66: {  	_ =	swait.ge @!p0 [sflag:s0], s1  }
0x67: {  	s1 =	ssub.s32 @!p0 $0x0, s1;
	[sflag:s0] =	ssyncset.done @!p0 $0x0  }
0x68: {  	[sflag:s0] =	ssyncadd.s32 @!p0 s1  }
0x69: {  	[bflag:$0x3] =	sbarrier.arrive $0xFFFF  }
0x6a: {  	_ =	shalt  }

</sc_bundles>
